<compile_context>
chip_gen: v7x
topology: tpu7x:2x2x1
jax: 0.10.2.dev20260603
libtpu: 0.0.44.dev20260713+nightly
codegen_flags: <defaults>
</compile_context>

<pallas_src>
import dataclasses
import functools

import jax
import jax.numpy as jnp
from jax import lax
from jax.experimental import pallas as pl
from jax.experimental.pallas import tpu as pltpu
from jax.experimental.pallas import tpu_sc as plsc

E = 8
AUX_W = 0.01
Z_W = 0.001
N = 4096
D = 1024
C = 640
LANES = 128
H = 2816
HT = 256
NH = H // HT
EC = E * C

NW = 32
TPW = N // NW
NCHUNK = TPW // 16
DISP_ROWS = EC + NW

_sc_mesh = plsc.VectorSubcoreMesh(core_axis_name="c", subcore_axis_name="s")

_sc_params = pltpu.CompilerParams()
if "needs_layout_passes" in pltpu.CompilerParams.__dataclass_fields__:
    _sc_params = dataclasses.replace(_sc_params, needs_layout_passes=False)


BT = 1024
NTB = N // BT


def _router_body(x_ref, gw_ref, idx_ref, cnt_ref, aux_ref, ps_ref, cn_ref, zq_ref):
    t = pl.program_id(0)
    x = x_ref[...]
    gw = gw_ref[...]
    logits = lax.dot_general(
        x.astype(jnp.bfloat16), gw.astype(jnp.bfloat16), (((1,), (1,)), ((), ())),
        preferred_element_type=jnp.float32,
    )
    lane = lax.broadcasted_iota(jnp.int32, (BT, LANES), 1)
    valid = lane < E
    lm = jnp.where(valid, logits, -1e30)
    m = jnp.max(lm, axis=1, keepdims=True)
    top = jnp.min(jnp.where(lm == m, lane, LANES), axis=1, keepdims=True)
    ex = jnp.where(valid, jnp.exp(lm - m), 0.0)
    denom = jnp.sum(ex, axis=1, keepdims=True)
    z = m + jnp.log(denom)
    zsq = jnp.sum(z * z)
    probs_sum = jnp.sum(ex / denom, axis=0, keepdims=True)
    one_hot = (lane == top).astype(jnp.float32)
    counts = jnp.sum(one_hot, axis=0, keepdims=True)
    idx_ref[...] = top
    grp = [jnp.sum(one_hot[g * TPW:(g + 1) * TPW], axis=0, keepdims=True)
           for g in range(BT // TPW)]
    cnt_ref[...] = jnp.concatenate(grp, axis=0).astype(jnp.int32)

    @pl.when(t == 0)
    def _():
        ps_ref[...] = jnp.zeros((1, LANES), jnp.float32)
        cn_ref[...] = jnp.zeros((1, LANES), jnp.float32)
        zq_ref[0] = 0.0

    ps_ref[...] += probs_sum
    cn_ref[...] += counts
    zq_ref[0] += zsq

    @pl.when(t == NTB - 1)
    def _():
        balance = jnp.sum(ps_ref[...] * cn_ref[...]) * (AUX_W * E / (N * N))
        aux_ref[0, 0] = balance + zq_ref[0] * (Z_W / N)


def _router(x_flat, gw_pad):
    return pl.pallas_call(
        _router_body,
        grid=(NTB,),
        in_specs=[
            pl.BlockSpec((BT, D), lambda t: (t, 0)),
            pl.BlockSpec((LANES, D), lambda t: (0, 0)),
        ],
        out_specs=(
            pl.BlockSpec((BT, 1), lambda t: (t, 0)),
            pl.BlockSpec((BT // TPW, LANES), lambda t: (t, 0)),
            pl.BlockSpec(memory_space=pltpu.SMEM),
        ),
        out_shape=(
            jax.ShapeDtypeStruct((N, 1), jnp.int32),
            jax.ShapeDtypeStruct((NW, LANES), jnp.int32),
            jax.ShapeDtypeStruct((1, 1), jnp.float32),
        ),
        scratch_shapes=[
            pltpu.VMEM((1, LANES), jnp.float32),
            pltpu.VMEM((1, LANES), jnp.float32),
            pltpu.SMEM((1,), jnp.float32),
        ],
    )(x_flat, gw_pad)


def _worker_id():
    return lax.axis_index("c") * 16 + lax.axis_index("s")


@functools.partial(
    pl.kernel,
    out_type=(
        jax.ShapeDtypeStruct((DISP_ROWS, D), jnp.float32),
        jax.ShapeDtypeStruct((N,), jnp.int32),
        jax.ShapeDtypeStruct((N,), jnp.int32),
    ),
    mesh=_sc_mesh,
    compiler_params=_sc_params,
    scratch_types=[
        pltpu.VMEM((NW, LANES), jnp.int32),
        pltpu.VMEM((16,), jnp.int32),
        pltpu.VMEM((TPW,), jnp.int32),
        pltpu.VMEM((TPW,), jnp.int32),
        pltpu.VMEM((TPW,), jnp.int32),
        pltpu.VMEM((64,), jnp.int32),
        pltpu.VMEM((64,), jnp.int32),
        pltpu.VMEM((64, D), jnp.float32),
        pltpu.SemaphoreType.DMA,
    ],
)
def _sc_dispatch(x_hbm, top_hbm, cnt_hbm,
                 disp_hbm, slot_hbm, keep_hbm,
                 ctb_v, cnt_v, idx_v, slot_v, keep_v,
                 sidx0_v, sidx1_v, xbuf_v, sem):
    wid = _worker_id()
    base = wid * TPW
    pltpu.sync_copy(top_hbm.at[pl.ds(base, TPW)], idx_v)
    pltpu.sync_copy(cnt_hbm, ctb_v)
    lanes16 = lax.iota(jnp.int32, 16)
    off = jnp.zeros((16,), jnp.int32)
    for t in range(NW):
        row = ctb_v[t, pl.ds(0, 16)]
        off = off + jnp.where(t < wid, row, 0)
    cnt_v[...] = off
    for c in range(NCHUNK):
        idx = idx_v[pl.ds(c * 16, 16)]
        occ = jnp.zeros((16,), jnp.int32)
        hist = jnp.zeros((16,), jnp.int32)
        for e in range(E):
            mi = (idx == e).astype(jnp.int32)
            ce = plsc.cumsum(mi)
            occ = occ + (ce - 1) * mi
            hist = hist + jnp.where(lanes16 == e, jnp.max(ce), 0)
        rank = plsc.load_gather(cnt_v, [idx]) + occ
        cnt_v[...] = cnt_v[...] + hist
        keep = (rank < C).astype(jnp.int32)
        slot = idx * C + jnp.minimum(rank, C - 1)
        slot_v[pl.ds(c * 16, 16)] = slot
        keep_v[pl.ds(c * 16, 16)] = keep
        sidx = jnp.where(keep == 1, slot, EC + wid)
        half = c // (NCHUNK // 2)
        part = c % (NCHUNK // 2)
        if half == 0:
            sidx0_v[pl.ds(part * 16, 16)] = sidx
        else:
            sidx1_v[pl.ds(part * 16, 16)] = sidx
    pltpu.sync_copy(slot_v, slot_hbm.at[pl.ds(base, TPW)])
    pltpu.sync_copy(keep_v, keep_hbm.at[pl.ds(base, TPW)])
    pltpu.sync_copy(x_hbm.at[pl.ds(base, 64)], xbuf_v)
    pltpu.async_copy(xbuf_v, disp_hbm.at[sidx0_v], sem).wait()
    pltpu.sync_copy(x_hbm.at[pl.ds(base + 64, 64)], xbuf_v)
    pltpu.async_copy(xbuf_v, disp_hbm.at[sidx1_v], sem).wait()


@functools.partial(
    pl.kernel,
    out_type=jax.ShapeDtypeStruct((N, D), jnp.float32),
    mesh=_sc_mesh,
    compiler_params=_sc_params,
    scratch_types=[
        pltpu.VMEM((TPW,), jnp.int32),
        pltpu.VMEM((64,), jnp.int32),
        pltpu.VMEM((64, D), jnp.float32),
        pltpu.SemaphoreType.DMA,
    ],
)
def _sc_combine(oute_hbm, slot_hbm, keep_hbm, y_hbm, keep_v, sidx_v, ybuf_v, sem):
    wid = _worker_id()
    base = wid * TPW
    pltpu.sync_copy(keep_hbm.at[pl.ds(base, TPW)], keep_v)
    lanes16 = lax.iota(jnp.int32, 16)
    zeros16 = jnp.zeros((16,), jnp.float32)
    for half in range(2):
        pltpu.sync_copy(slot_hbm.at[pl.ds(base + half * 64, 64)], sidx_v)
        pltpu.async_copy(oute_hbm.at[sidx_v], ybuf_v, sem).wait()
        kmin = keep_v[pl.ds(half * 64, 16)]
        for c in range(1, 4):
            kmin = jnp.minimum(kmin, keep_v[pl.ds(half * 64 + c * 16, 16)])
        anyd = jnp.min(kmin)

        @pl.when(anyd == 0)
        def _(half=half):
            def row_body(r, carry):
                kc = keep_v[pl.ds(half * 64 + (r // 16) * 16, 16)]
                kr = jnp.max(jnp.where(lanes16 == (r % 16), kc, 0))

                @pl.when(kr == 0)
                def _():
                    def k_body(k, c2):
                        ybuf_v[r, pl.ds(k * 16, 16)] = zeros16
                        return c2
                    lax.fori_loop(0, D // 16, k_body, 0)

                return carry
            lax.fori_loop(0, 64, row_body, 0)

        pltpu.sync_copy(ybuf_v, y_hbm.at[pl.ds(base + half * 64, 64)])


def _ffn_body(disp_ref, w13_ref, w2_ref, out_ref, dbf_ref):
    h = pl.program_id(1)

    @pl.when(h == 0)
    def _():
        dbf_ref[...] = disp_ref[...].astype(jnp.bfloat16)

    db = dbf_ref[...]
    wg = w13_ref[0, 0].astype(jnp.bfloat16)
    wu = w13_ref[0, 1].astype(jnp.bfloat16)
    g = lax.dot_general(db, wg, (((1,), (1,)), ((), ())),
                        preferred_element_type=jnp.float32)
    u = lax.dot_general(db, wu, (((1,), (1,)), ((), ())),
                        preferred_element_type=jnp.float32)
    swi = (g * jax.nn.sigmoid(g) * u).astype(jnp.bfloat16)
    w2b = w2_ref[0].astype(jnp.bfloat16)
    part = lax.dot_general(swi, w2b, (((1,), (1,)), ((), ())),
                           preferred_element_type=jnp.float32)

    @pl.when(h == 0)
    def _():
        out_ref[...] = part

    @pl.when(h != 0)
    def _():
        out_ref[...] += part


def _ffn(disp, w13r, w2):
    return pl.pallas_call(
        _ffn_body,
        grid=(E, NH),
        in_specs=[
            pl.BlockSpec((C, D), lambda e, h: (e, 0)),
            pl.BlockSpec((1, 2, HT, D), lambda e, h: (e, 0, h, 0)),
            pl.BlockSpec((1, D, HT), lambda e, h: (e, 0, h)),
        ],
        out_specs=pl.BlockSpec((C, D), lambda e, h: (e, 0)),
        out_shape=jax.ShapeDtypeStruct((EC, D), jnp.float32),
        scratch_shapes=[pltpu.VMEM((C, D), jnp.bfloat16)],
    )(disp, w13r, w2)


def kernel(x, gate_w, w13, w2):
    B_, T_, D_ = x.shape
    x_flat = x.reshape(N, D_)
    gw_pad = jnp.zeros((LANES, D), jnp.float32).at[:E].set(gate_w)
    top_col, cnt, aux = _router(x_flat, gw_pad)
    top_flat = top_col.reshape(N)
    disp, slot, keepi = _sc_dispatch(x_flat, top_flat, cnt)
    w13r = w13.reshape(E, 2, H, D)
    out_e = _ffn(disp, w13r, w2)
    y = _sc_combine(out_e, slot, keepi)
    output = y.reshape(B_, T_, D_)
    return (output, aux.reshape(()), top_flat.reshape(B_, T_),
            (keepi != 0).reshape(B_, T_))

# --- scband reference (transcript-rebuilt; emitter-appended) ---
"""Pipeline reference for scband-lunaris-codex-12601434047135 (READ-ONLY COPY).

The authoritative reference and input builder live on the scoring server;
editing this copy changes nothing except your own understanding.
"""

import jax, jax.numpy as jnp
import numpy as np

B, T, D = 2, 2048, 1024
E = 8
H = 2816  # int(2*(4.0*1024)/3)=2730 rounded up to multiple of 256
CAP_F = 1.25
AUX_W = 0.01
Z_W = 0.001


def setup_inputs(seed: int = 0) -> dict:
    key = jax.random.key(seed)
    k1, k2, k3, k4 = jax.random.split(key, 4)
    x = jax.random.normal(k1, (B, T, D), dtype=jnp.float32)
    gate_w = jax.random.normal(k2, (E, D), dtype=jnp.float32) * 0.02
    w13 = jax.random.normal(k3, (E, 2 * H, D), dtype=jnp.float32) * 0.02  # stacked nn.Linear weights [out,in]
    w2 = jax.random.normal(k4, (E, D, H), dtype=jnp.float32) * 0.02
    return {"x": x, "gate_w": gate_w, "w13": w13, "w2": w2}


def reference(x, gate_w, w13, w2):
    B_, T_, D_ = x.shape
    N = B_ * T_
    x_flat = x.reshape(N, D_)
    # Router in fp32
    router_logits = x_flat.astype(jnp.float32) @ gate_w.astype(jnp.float32).T  # [N, E]
    router_probs = jax.nn.softmax(router_logits, axis=-1)
    top_expert_indices = jnp.argmax(router_logits, axis=-1)  # [N]
    # Aux losses
    prob_mass = router_probs.mean(axis=0)
    one_hot = jax.nn.one_hot(top_expert_indices, E, dtype=jnp.float32)  # [N, E]
    fraction_tokens = one_hot.mean(axis=0)
    balance_loss = jnp.sum(prob_mass * fraction_tokens) * AUX_W * E
    z = jax.nn.logsumexp(router_logits, axis=-1)
    z_loss = jnp.mean(z ** 2) * Z_W
    aux_loss = balance_loss + z_loss
    # Capacity-aware dispatch (equivalent to sort + keep first C per expert in token order)
    C = int(np.ceil(N / E * CAP_F))
    pos = jnp.cumsum(one_hot, axis=0) - 1.0  # rank within assigned expert, token order
    rank = jnp.sum(pos * one_hot, axis=-1).astype(jnp.int32)  # [N]
    keep = rank < C  # [N] bool
    rank_c = jnp.minimum(rank, C - 1)
    keep_f = keep.astype(x.dtype)[:, None]
    dispatch = jnp.zeros((E, C, D_), dtype=x.dtype).at[top_expert_indices, rank_c].add(x_flat * keep_f)
    # Expert SwiGLU FFN, batched over experts
    gu = jnp.einsum('ecd,ehd->ech', dispatch, w13)  # [E, C, 2H]
    g, u = jnp.split(gu, 2, axis=-1)
    swi = jax.nn.silu(g) * u
    out_e = jnp.einsum('ech,edh->ecd', swi, w2)  # [E, C, D]
    # Combine: dropped tokens produce zeros (output_flat initialized to zeros in torch)
    y = out_e[top_expert_indices, rank_c] * keep_f  # [N, D]
    output = y.reshape(B_, T_, D_)
    return (output, aux_loss, top_expert_indices.reshape(B_, T_), keep.reshape(B_, T_))

if __name__ == "__main__":
    import jax
    _d = setup_inputs()
    print(jax.jit(kernel)(*tuple(_d.values())))

</pallas_src>

<mosaic_0001>
#map = affine_map<(d0, d1) -> (0, 0)>
#map1 = affine_map<(d0, d1) -> (0)>
module attributes {stable_mosaic.version = 14 : i64} {
  func.func @_sc_dispatch(%arg0: i32, %arg1: i32, %arg2: memref<4096x1024xf32, #tpu.memory_space<hbm>>, %arg3: memref<4096xi32, #tpu.memory_space<hbm>>, %arg4: memref<32x128xi32, #tpu.memory_space<hbm>>, %arg5: memref<5152x1024xf32, #tpu.memory_space<hbm>>, %arg6: memref<4096xi32, #tpu.memory_space<hbm>>, %arg7: memref<4096xi32, #tpu.memory_space<hbm>>, %arg8: memref<32x128xi32, #tpu.memory_space<vmem>>, %arg9: memref<16xi32, #tpu.memory_space<vmem>>, %arg10: memref<128xi32, #tpu.memory_space<vmem>>, %arg11: memref<128xi32, #tpu.memory_space<vmem>>, %arg12: memref<128xi32, #tpu.memory_space<vmem>>, %arg13: memref<64xi32, #tpu.memory_space<vmem>>, %arg14: memref<64xi32, #tpu.memory_space<vmem>>, %arg15: memref<64x1024xf32, #tpu.memory_space<vmem>>, %arg16: memref<!tpu.dma_semaphore, #tpu.memory_space<semaphore_mem>>) attributes {dimension_semantics = [#tpu.dimension_semantics<core_parallel>, #tpu.dimension_semantics<subcore_parallel>], iteration_bounds = array<i64: 2, 16>, scalar_prefetch = 0 : i64, scratch_operands = 9 : i64, tpu.core_type = #tpu.core_type<sc_vector_subcore>, window_params = [{transform_indices = #map}, {transform_indices = #map1}, {transform_indices = #map}, {transform_indices = #map}, {transform_indices = #map1}, {transform_indices = #map1}]} {
    %mul3A = arith.constant 16 : i32
    %mul3A_0 = arith.muli %arg0, %mul3A : i32
    %add3A = arith.addi %mul3A_0, %arg1 : i32
    %mul3A_1 = arith.constant 128 : i32
    %mul3A_2 = arith.muli %add3A, %mul3A_1 : i32
    "tpu.region"() ({
      %run_scoped3A = tpu.sem_alloc : memref<!tpu.dma_semaphore, #tpu.memory_space<semaphore_mem>>
      %dma_start3A_2413 = tpu.memref_slice %arg3[%mul3A_2] : memref<4096xi32, #tpu.memory_space<hbm>> -> memref<128xi32, #tpu.memory_space<hbm>>
      %dma_start3A_2414 = tpu.memref_slice %arg3[%mul3A_2] : memref<4096xi32, #tpu.memory_space<hbm>> -> memref<128xi32, #tpu.memory_space<hbm>>
      tpu.enqueue_dma source(%dma_start3A_2414 : memref<128xi32, #tpu.memory_space<hbm>>) target(%arg10 : memref<128xi32, #tpu.memory_space<vmem>>) target_semaphore(%run_scoped3A : memref<!tpu.dma_semaphore, #tpu.memory_space<semaphore_mem>>)
      %dma_wait3A_2415 = tpu.memref_slice %arg3[%mul3A_2] : memref<4096xi32, #tpu.memory_space<hbm>> -> memref<128xi32, #tpu.memory_space<hbm>>
      %dma_wait3A_2416 = tpu.memref_slice %arg3[%mul3A_2] : memref<4096xi32, #tpu.memory_space<hbm>> -> memref<128xi32, #tpu.memory_space<hbm>>
      tpu.wait_dma2 semaphore(%run_scoped3A : memref<!tpu.dma_semaphore, #tpu.memory_space<semaphore_mem>>) src(%dma_wait3A_2416 : memref<128xi32, #tpu.memory_space<hbm>>) dst(%arg10 : memref<128xi32, #tpu.memory_space<vmem>>)
      tpu.yield
    }) : () -> ()
    "tpu.region"() ({
      %run_scoped3A = tpu.sem_alloc : memref<!tpu.dma_semaphore, #tpu.memory_space<semaphore_mem>>
      tpu.enqueue_dma source(%arg4 : memref<32x128xi32, #tpu.memory_space<hbm>>) target(%arg8 : memref<32x128xi32, #tpu.memory_space<vmem>>) target_semaphore(%run_scoped3A : memref<!tpu.dma_semaphore, #tpu.memory_space<semaphore_mem>>)
      tpu.wait_dma2 semaphore(%run_scoped3A : memref<!tpu.dma_semaphore, #tpu.memory_space<semaphore_mem>>) src(%arg4 : memref<32x128xi32, #tpu.memory_space<hbm>>) dst(%arg8 : memref<32x128xi32, #tpu.memory_space<vmem>>)
      tpu.yield
    }) : () -> ()
    %iota3A = tpu.iota {dimensions = array<i32: 0>} : vector<16xi32>
    %broadcast_in_dim3A = arith.constant 0 : i32
    %broadcast_in_dim3A_3 = vector.broadcast %broadcast_in_dim3A : i32 to vector<16xi32>
    %get3A = arith.constant 0 : i32
    %get3A_4 = arith.index_cast %get3A : i32 to index
    %get3A_5 = arith.constant 0 : index
    %get3A_6 = tpu.vector_load %arg8[%get3A_4, %get3A_5] {strides = array<i32>} : memref<32x128xi32, #tpu.memory_space<vmem>>, vector<16xi32>,
    %gt3A = arith.constant 0 : i32
    %gt3A_7 = arith.cmpi sgt, %add3A, %gt3A : i32
    %jit3A = arith.constant 0 : i32
    %broadcast_in_dim3A_8 = vector.broadcast %jit3A : i32 to vector<16xi32>
    %select_n3A = arith.select %gt3A_7, %get3A_6, %broadcast_in_dim3A_8 : vector<16xi32>
    %add3A_9 = arith.addi %broadcast_in_dim3A_3, %select_n3A : vector<16xi32>
    %get3A_10 = arith.constant 1 : i32
    %get3A_11 = arith.index_cast %get3A_10 : i32 to index
    %get3A_12 = arith.constant 0 : index
    %get3A_13 = tpu.vector_load %arg8[%get3A_11, %get3A_12] {strides = array<i32>} : memref<32x128xi32, #tpu.memory_space<vmem>>, vector<16xi32>,
    %gt3A_14 = arith.constant 1 : i32
    %gt3A_15 = arith.cmpi sgt, %add3A, %gt3A_14 : i32
    %jit3A_16 = arith.constant 0 : i32
    %broadcast_in_dim3A_17 = vector.broadcast %jit3A_16 : i32 to vector<16xi32>
    %select_n3A_18 = arith.select %gt3A_15, %get3A_13, %broadcast_in_dim3A_17 : vector<16xi32>
    %add3A_19 = arith.addi %add3A_9, %select_n3A_18 : vector<16xi32>
    %get3A_20 = arith.constant 2 : i32
    %get3A_21 = arith.index_cast %get3A_20 : i32 to index
    %get3A_22 = arith.constant 0 : index
    %get3A_23 = tpu.vector_load %arg8[%get3A_21, %get3A_22] {strides = array<i32>} : memref<32x128xi32, #tpu.memory_space<vmem>>, vector<16xi32>,
    %gt3A_24 = arith.constant 2 : i32
    %gt3A_25 = arith.cmpi sgt, %add3A, %gt3A_24 : i32
    %jit3A_26 = arith.constant 0 : i32
    %broadcast_in_dim3A_27 = vector.broadcast %jit3A_26 : i32 to vector<16xi32>
    %select_n3A_28 = arith.select %gt3A_25, %get3A_23, %broadcast_in_dim3A_27 : vector<16xi32>
    %add3A_29 = arith.addi %add3A_19, %select_n3A_28 : vector<16xi32>
    %get3A_30 = arith.constant 3 : i32
    %get3A_31 = arith.index_cast %get3A_30 : i32 to index
    %get3A_32 = arith.constant 0 : index
    %get3A_33 = tpu.vector_load %arg8[%get3A_31, %get3A_32] {strides = array<i32>} : memref<32x128xi32, #tpu.memory_space<vmem>>, vector<16xi32>,
    %gt3A_34 = arith.constant 3 : i32
    %gt3A_35 = arith.cmpi sgt, %add3A, %gt3A_34 : i32
    %jit3A_36 = arith.constant 0 : i32
    %broadcast_in_dim3A_37 = vector.broadcast %jit3A_36 : i32 to vector<16xi32>
    %select_n3A_38 = arith.select %gt3A_35, %get3A_33, %broadcast_in_dim3A_37 : vector<16xi32>
    %add3A_39 = arith.addi %add3A_29, %select_n3A_38 : vector<16xi32>
    %get3A_40 = arith.constant 4 : i32
    %get3A_41 = arith.index_cast %get3A_40 : i32 to index
    %get3A_42 = arith.constant 0 : index
    %get3A_43 = tpu.vector_load %arg8[%get3A_41, %get3A_42] {strides = array<i32>} : memref<32x128xi32, #tpu.memory_space<vmem>>, vector<16xi32>,
    %gt3A_44 = arith.constant 4 : i32
    %gt3A_45 = arith.cmpi sgt, %add3A, %gt3A_44 : i32
    %jit3A_46 = arith.constant 0 : i32
    %broadcast_in_dim3A_47 = vector.broadcast %jit3A_46 : i32 to vector<16xi32>
    %select_n3A_48 = arith.select %gt3A_45, %get3A_43, %broadcast_in_dim3A_47 : vector<16xi32>
    %add3A_49 = arith.addi %add3A_39, %select_n3A_48 : vector<16xi32>
    %get3A_50 = arith.constant 5 : i32
    %get3A_51 = arith.index_cast %get3A_50 : i32 to index
    %get3A_52 = arith.constant 0 : index
    %get3A_53 = tpu.vector_load %arg8[%get3A_51, %get3A_52] {strides = array<i32>} : memref<32x128xi32, #tpu.memory_space<vmem>>, vector<16xi32>,
    %gt3A_54 = arith.constant 5 : i32
    %gt3A_55 = arith.cmpi sgt, %add3A, %gt3A_54 : i32
    %jit3A_56 = arith.constant 0 : i32
    %broadcast_in_dim3A_57 = vector.broadcast %jit3A_56 : i32 to vector<16xi32>
    %select_n3A_58 = arith.select %gt3A_55, %get3A_53, %broadcast_in_dim3A_57 : vector<16xi32>
    %add3A_59 = arith.addi %add3A_49, %select_n3A_58 : vector<16xi32>
    %get3A_60 = arith.constant 6 : i32
    %get3A_61 = arith.index_cast %get3A_60 : i32 to index
    %get3A_62 = arith.constant 0 : index
    %get3A_63 = tpu.vector_load %arg8[%get3A_61, %get3A_62] {strides = array<i32>} : memref<32x128xi32, #tpu.memory_space<vmem>>, vector<16xi32>,
    %gt3A_64 = arith.constant 6 : i32
    %gt3A_65 = arith.cmpi sgt, %add3A, %gt3A_64 : i32
    %jit3A_66 = arith.constant 0 : i32
    %broadcast_in_dim3A_67 = vector.broadcast %jit3A_66 : i32 to vector<16xi32>
    %select_n3A_68 = arith.select %gt3A_65, %get3A_63, %broadcast_in_dim3A_67 : vector<16xi32>
    %add3A_69 = arith.addi %add3A_59, %select_n3A_68 : vector<16xi32>
    %get3A_70 = arith.constant 7 : i32
    %get3A_71 = arith.index_cast %get3A_70 : i32 to index
    %get3A_72 = arith.constant 0 : index
    %get3A_73 = tpu.vector_load %arg8[%get3A_71, %get3A_72] {strides = array<i32>} : memref<32x128xi32, #tpu.memory_space<vmem>>, vector<16xi32>,
    %gt3A_74 = arith.constant 7 : i32
    %gt3A_75 = arith.cmpi sgt, %add3A, %gt3A_74 : i32
    %jit3A_76 = arith.constant 0 : i32
    %broadcast_in_dim3A_77 = vector.broadcast %jit3A_76 : i32 to vector<16xi32>
    %select_n3A_78 = arith.select %gt3A_75, %get3A_73, %broadcast_in_dim3A_77 : vector<16xi32>
    %add3A_79 = arith.addi %add3A_69, %select_n3A_78 : vector<16xi32>
    %get3A_80 = arith.constant 8 : i32
    %get3A_81 = arith.index_cast %get3A_80 : i32 to index
    %get3A_82 = arith.constant 0 : index
    %get3A_83 = tpu.vector_load %arg8[%get3A_81, %get3A_82] {strides = array<i32>} : memref<32x128xi32, #tpu.memory_space<vmem>>, vector<16xi32>,
    %gt3A_84 = arith.constant 8 : i32
    %gt3A_85 = arith.cmpi sgt, %add3A, %gt3A_84 : i32
    %jit3A_86 = arith.constant 0 : i32
    %broadcast_in_dim3A_87 = vector.broadcast %jit3A_86 : i32 to vector<16xi32>
    %select_n3A_88 = arith.select %gt3A_85, %get3A_83, %broadcast_in_dim3A_87 : vector<16xi32>
    %add3A_89 = arith.addi %add3A_79, %select_n3A_88 : vector<16xi32>
    %get3A_90 = arith.constant 9 : i32
    %get3A_91 = arith.index_cast %get3A_90 : i32 to index
    %get3A_92 = arith.constant 0 : index
    %get3A_93 = tpu.vector_load %arg8[%get3A_91, %get3A_92] {strides = array<i32>} : memref<32x128xi32, #tpu.memory_space<vmem>>, vector<16xi32>,
    %gt3A_94 = arith.constant 9 : i32
    %gt3A_95 = arith.cmpi sgt, %add3A, %gt3A_94 : i32
    %jit3A_96 = arith.constant 0 : i32
    %broadcast_in_dim3A_97 = vector.broadcast %jit3A_96 : i32 to vector<16xi32>
    %select_n3A_98 = arith.select %gt3A_95, %get3A_93, %broadcast_in_dim3A_97 : vector<16xi32>
    %add3A_99 = arith.addi %add3A_89, %select_n3A_98 : vector<16xi32>
    %get3A_100 = arith.constant 10 : i32
    %get3A_101 = arith.index_cast %get3A_100 : i32 to index
    %get3A_102 = arith.constant 0 : index
    %get3A_103 = tpu.vector_load %arg8[%get3A_101, %get3A_102] {strides = array<i32>} : memref<32x128xi32, #tpu.memory_space<vmem>>, vector<16xi32>,
    %gt3A_104 = arith.constant 10 : i32
    %gt3A_105 = arith.cmpi sgt, %add3A, %gt3A_104 : i32
    %jit3A_106 = arith.constant 0 : i32
    %broadcast_in_dim3A_107 = vector.broadcast %jit3A_106 : i32 to vector<16xi32>
    %select_n3A_108 = arith.select %gt3A_105, %get3A_103, %broadcast_in_dim3A_107 : vector<16xi32>
    %add3A_109 = arith.addi %add3A_99, %select_n3A_108 : vector<16xi32>
    %get3A_110 = arith.constant 11 : i32
    %get3A_111 = arith.index_cast %get3A_110 : i32 to index
    %get3A_112 = arith.constant 0 : index
    %get3A_113 = tpu.vector_load %arg8[%get3A_111, %get3A_112] {strides = array<i32>} : memref<32x128xi32, #tpu.memory_space<vmem>>, vector<16xi32>,
    %gt3A_114 = arith.constant 11 : i32
    %gt3A_115 = arith.cmpi sgt, %add3A, %gt3A_114 : i32
    %jit3A_116 = arith.constant 0 : i32
    %broadcast_in_dim3A_117 = vector.broadcast %jit3A_116 : i32 to vector<16xi32>
    %select_n3A_118 = arith.select %gt3A_115, %get3A_113, %broadcast_in_dim3A_117 : vector<16xi32>
    %add3A_119 = arith.addi %add3A_109, %select_n3A_118 : vector<16xi32>
    %get3A_120 = arith.constant 12 : i32
    %get3A_121 = arith.index_cast %get3A_120 : i32 to index
    %get3A_122 = arith.constant 0 : index
    %get3A_123 = tpu.vector_load %arg8[%get3A_121, %get3A_122] {strides = array<i32>} : memref<32x128xi32, #tpu.memory_space<vmem>>, vector<16xi32>,
    %gt3A_124 = arith.constant 12 : i32
    %gt3A_125 = arith.cmpi sgt, %add3A, %gt3A_124 : i32
    %jit3A_126 = arith.constant 0 : i32
    %broadcast_in_dim3A_127 = vector.broadcast %jit3A_126 : i32 to vector<16xi32>
    %select_n3A_128 = arith.select %gt3A_125, %get3A_123, %broadcast_in_dim3A_127 : vector<16xi32>
    %add3A_129 = arith.addi %add3A_119, %select_n3A_128 : vector<16xi32>
    %get3A_130 = arith.constant 13 : i32
    %get3A_131 = arith.index_cast %get3A_130 : i32 to index
    %get3A_132 = arith.constant 0 : index
    %get3A_133 = tpu.vector_load %arg8[%get3A_131, %get3A_132] {strides = array<i32>} : memref<32x128xi32, #tpu.memory_space<vmem>>, vector<16xi32>,
    %gt3A_134 = arith.constant 13 : i32
    %gt3A_135 = arith.cmpi sgt, %add3A, %gt3A_134 : i32
    %jit3A_136 = arith.constant 0 : i32
    %broadcast_in_dim3A_137 = vector.broadcast %jit3A_136 : i32 to vector<16xi32>
    %select_n3A_138 = arith.select %gt3A_135, %get3A_133, %broadcast_in_dim3A_137 : vector<16xi32>
    %add3A_139 = arith.addi %add3A_129, %select_n3A_138 : vector<16xi32>
    %get3A_140 = arith.constant 14 : i32
    %get3A_141 = arith.index_cast %get3A_140 : i32 to index
    %get3A_142 = arith.constant 0 : index
    %get3A_143 = tpu.vector_load %arg8[%get3A_141, %get3A_142] {strides = array<i32>} : memref<32x128xi32, #tpu.memory_space<vmem>>, vector<16xi32>,
    %gt3A_144 = arith.constant 14 : i32
    %gt3A_145 = arith.cmpi sgt, %add3A, %gt3A_144 : i32
    %jit3A_146 = arith.constant 0 : i32
    %broadcast_in_dim3A_147 = vector.broadcast %jit3A_146 : i32 to vector<16xi32>
    %select_n3A_148 = arith.select %gt3A_145, %get3A_143, %broadcast_in_dim3A_147 : vector<16xi32>
    %add3A_149 = arith.addi %add3A_139, %select_n3A_148 : vector<16xi32>
    %get3A_150 = arith.constant 15 : i32
    %get3A_151 = arith.index_cast %get3A_150 : i32 to index
    %get3A_152 = arith.constant 0 : index
    %get3A_153 = tpu.vector_load %arg8[%get3A_151, %get3A_152] {strides = array<i32>} : memref<32x128xi32, #tpu.memory_space<vmem>>, vector<16xi32>,
    %gt3A_154 = arith.constant 15 : i32
    %gt3A_155 = arith.cmpi sgt, %add3A, %gt3A_154 : i32
    %jit3A_156 = arith.constant 0 : i32
    %broadcast_in_dim3A_157 = vector.broadcast %jit3A_156 : i32 to vector<16xi32>
    %select_n3A_158 = arith.select %gt3A_155, %get3A_153, %broadcast_in_dim3A_157 : vector<16xi32>
    %add3A_159 = arith.addi %add3A_149, %select_n3A_158 : vector<16xi32>
    %get3A_160 = arith.constant 16 : i32
    %get3A_161 = arith.index_cast %get3A_160 : i32 to index
    %get3A_162 = arith.constant 0 : index
    %get3A_163 = tpu.vector_load %arg8[%get3A_161, %get3A_162] {strides = array<i32>} : memref<32x128xi32, #tpu.memory_space<vmem>>, vector<16xi32>,
    %gt3A_164 = arith.constant 16 : i32
    %gt3A_165 = arith.cmpi sgt, %add3A, %gt3A_164 : i32
    %jit3A_166 = arith.constant 0 : i32
    %broadcast_in_dim3A_167 = vector.broadcast %jit3A_166 : i32 to vector<16xi32>
    %select_n3A_168 = arith.select %gt3A_165, %get3A_163, %broadcast_in_dim3A_167 : vector<16xi32>
    %add3A_169 = arith.addi %add3A_159, %select_n3A_168 : vector<16xi32>
    %get3A_170 = arith.constant 17 : i32
    %get3A_171 = arith.index_cast %get3A_170 : i32 to index
    %get3A_172 = arith.constant 0 : index
    %get3A_173 = tpu.vector_load %arg8[%get3A_171, %get3A_172] {strides = array<i32>} : memref<32x128xi32, #tpu.memory_space<vmem>>, vector<16xi32>,
    %gt3A_174 = arith.constant 17 : i32
    %gt3A_175 = arith.cmpi sgt, %add3A, %gt3A_174 : i32
    %jit3A_176 = arith.constant 0 : i32
    %broadcast_in_dim3A_177 = vector.broadcast %jit3A_176 : i32 to vector<16xi32>
    %select_n3A_178 = arith.select %gt3A_175, %get3A_173, %broadcast_in_dim3A_177 : vector<16xi32>
    %add3A_179 = arith.addi %add3A_169, %select_n3A_178 : vector<16xi32>
    %get3A_180 = arith.constant 18 : i32
    %get3A_181 = arith.index_cast %get3A_180 : i32 to index
    %get3A_182 = arith.constant 0 : index
    %get3A_183 = tpu.vector_load %arg8[%get3A_181, %get3A_182] {strides = array<i32>} : memref<32x128xi32, #tpu.memory_space<vmem>>, vector<16xi32>,
    %gt3A_184 = arith.constant 18 : i32
    %gt3A_185 = arith.cmpi sgt, %add3A, %gt3A_184 : i32
    %jit3A_186 = arith.constant 0 : i32
    %broadcast_in_dim3A_187 = vector.broadcast %jit3A_186 : i32 to vector<16xi32>
    %select_n3A_188 = arith.select %gt3A_185, %get3A_183, %broadcast_in_dim3A_187 : vector<16xi32>
    %add3A_189 = arith.addi %add3A_179, %select_n3A_188 : vector<16xi32>
    %get3A_190 = arith.constant 19 : i32
    %get3A_191 = arith.index_cast %get3A_190 : i32 to index
    %get3A_192 = arith.constant 0 : index
    %get3A_193 = tpu.vector_load %arg8[%get3A_191, %get3A_192] {strides = array<i32>} : memref<32x128xi32, #tpu.memory_space<vmem>>, vector<16xi32>,
    %gt3A_194 = arith.constant 19 : i32
    %gt3A_195 = arith.cmpi sgt, %add3A, %gt3A_194 : i32
    %jit3A_196 = arith.constant 0 : i32
    %broadcast_in_dim3A_197 = vector.broadcast %jit3A_196 : i32 to vector<16xi32>
    %select_n3A_198 = arith.select %gt3A_195, %get3A_193, %broadcast_in_dim3A_197 : vector<16xi32>
    %add3A_199 = arith.addi %add3A_189, %select_n3A_198 : vector<16xi32>
    %get3A_200 = arith.constant 20 : i32
    %get3A_201 = arith.index_cast %get3A_200 : i32 to index
    %get3A_202 = arith.constant 0 : index
    %get3A_203 = tpu.vector_load %arg8[%get3A_201, %get3A_202] {strides = array<i32>} : memref<32x128xi32, #tpu.memory_space<vmem>>, vector<16xi32>,
    %gt3A_204 = arith.constant 20 : i32
    %gt3A_205 = arith.cmpi sgt, %add3A, %gt3A_204 : i32
    %jit3A_206 = arith.constant 0 : i32
    %broadcast_in_dim3A_207 = vector.broadcast %jit3A_206 : i32 to vector<16xi32>
    %select_n3A_208 = arith.select %gt3A_205, %get3A_203, %broadcast_in_dim3A_207 : vector<16xi32>
    %add3A_209 = arith.addi %add3A_199, %select_n3A_208 : vector<16xi32>
    %get3A_210 = arith.constant 21 : i32
    %get3A_211 = arith.index_cast %get3A_210 : i32 to index
    %get3A_212 = arith.constant 0 : index
    %get3A_213 = tpu.vector_load %arg8[%get3A_211, %get3A_212] {strides = array<i32>} : memref<32x128xi32, #tpu.memory_space<vmem>>, vector<16xi32>,
    %gt3A_214 = arith.constant 21 : i32
    %gt3A_215 = arith.cmpi sgt, %add3A, %gt3A_214 : i32
    %jit3A_216 = arith.constant 0 : i32
    %broadcast_in_dim3A_217 = vector.broadcast %jit3A_216 : i32 to vector<16xi32>
    %select_n3A_218 = arith.select %gt3A_215, %get3A_213, %broadcast_in_dim3A_217 : vector<16xi32>
    %add3A_219 = arith.addi %add3A_209, %select_n3A_218 : vector<16xi32>
    %get3A_220 = arith.constant 22 : i32
    %get3A_221 = arith.index_cast %get3A_220 : i32 to index
    %get3A_222 = arith.constant 0 : index
    %get3A_223 = tpu.vector_load %arg8[%get3A_221, %get3A_222] {strides = array<i32>} : memref<32x128xi32, #tpu.memory_space<vmem>>, vector<16xi32>,
    %gt3A_224 = arith.constant 22 : i32
    %gt3A_225 = arith.cmpi sgt, %add3A, %gt3A_224 : i32
    %jit3A_226 = arith.constant 0 : i32
    %broadcast_in_dim3A_227 = vector.broadcast %jit3A_226 : i32 to vector<16xi32>
    %select_n3A_228 = arith.select %gt3A_225, %get3A_223, %broadcast_in_dim3A_227 : vector<16xi32>
    %add3A_229 = arith.addi %add3A_219, %select_n3A_228 : vector<16xi32>
    %get3A_230 = arith.constant 23 : i32
    %get3A_231 = arith.index_cast %get3A_230 : i32 to index
    %get3A_232 = arith.constant 0 : index
    %get3A_233 = tpu.vector_load %arg8[%get3A_231, %get3A_232] {strides = array<i32>} : memref<32x128xi32, #tpu.memory_space<vmem>>, vector<16xi32>,
    %gt3A_234 = arith.constant 23 : i32
    %gt3A_235 = arith.cmpi sgt, %add3A, %gt3A_234 : i32
    %jit3A_236 = arith.constant 0 : i32
    %broadcast_in_dim3A_237 = vector.broadcast %jit3A_236 : i32 to vector<16xi32>
    %select_n3A_238 = arith.select %gt3A_235, %get3A_233, %broadcast_in_dim3A_237 : vector<16xi32>
    %add3A_239 = arith.addi %add3A_229, %select_n3A_238 : vector<16xi32>
    %get3A_240 = arith.constant 24 : i32
    %get3A_241 = arith.index_cast %get3A_240 : i32 to index
    %get3A_242 = arith.constant 0 : index
    %get3A_243 = tpu.vector_load %arg8[%get3A_241, %get3A_242] {strides = array<i32>} : memref<32x128xi32, #tpu.memory_space<vmem>>, vector<16xi32>,
    %gt3A_244 = arith.constant 24 : i32
    %gt3A_245 = arith.cmpi sgt, %add3A, %gt3A_244 : i32
    %jit3A_246 = arith.constant 0 : i32
    %broadcast_in_dim3A_247 = vector.broadcast %jit3A_246 : i32 to vector<16xi32>
    %select_n3A_248 = arith.select %gt3A_245, %get3A_243, %broadcast_in_dim3A_247 : vector<16xi32>
    %add3A_249 = arith.addi %add3A_239, %select_n3A_248 : vector<16xi32>
    %get3A_250 = arith.constant 25 : i32
    %get3A_251 = arith.index_cast %get3A_250 : i32 to index
    %get3A_252 = arith.constant 0 : index
    %get3A_253 = tpu.vector_load %arg8[%get3A_251, %get3A_252] {strides = array<i32>} : memref<32x128xi32, #tpu.memory_space<vmem>>, vector<16xi32>,
    %gt3A_254 = arith.constant 25 : i32
    %gt3A_255 = arith.cmpi sgt, %add3A, %gt3A_254 : i32
    %jit3A_256 = arith.constant 0 : i32
    %broadcast_in_dim3A_257 = vector.broadcast %jit3A_256 : i32 to vector<16xi32>
    %select_n3A_258 = arith.select %gt3A_255, %get3A_253, %broadcast_in_dim3A_257 : vector<16xi32>
    %add3A_259 = arith.addi %add3A_249, %select_n3A_258 : vector<16xi32>
    %get3A_260 = arith.constant 26 : i32
    %get3A_261 = arith.index_cast %get3A_260 : i32 to index
    %get3A_262 = arith.constant 0 : index
    %get3A_263 = tpu.vector_load %arg8[%get3A_261, %get3A_262] {strides = array<i32>} : memref<32x128xi32, #tpu.memory_space<vmem>>, vector<16xi32>,
    %gt3A_264 = arith.constant 26 : i32
    %gt3A_265 = arith.cmpi sgt, %add3A, %gt3A_264 : i32
    %jit3A_266 = arith.constant 0 : i32
    %broadcast_in_dim3A_267 = vector.broadcast %jit3A_266 : i32 to vector<16xi32>
    %select_n3A_268 = arith.select %gt3A_265, %get3A_263, %broadcast_in_dim3A_267 : vector<16xi32>
    %add3A_269 = arith.addi %add3A_259, %select_n3A_268 : vector<16xi32>
    %get3A_270 = arith.constant 27 : i32
    %get3A_271 = arith.index_cast %get3A_270 : i32 to index
    %get3A_272 = arith.constant 0 : index
    %get3A_273 = tpu.vector_load %arg8[%get3A_271, %get3A_272] {strides = array<i32>} : memref<32x128xi32, #tpu.memory_space<vmem>>, vector<16xi32>,
    %gt3A_274 = arith.constant 27 : i32
    %gt3A_275 = arith.cmpi sgt, %add3A, %gt3A_274 : i32
    %jit3A_276 = arith.constant 0 : i32
    %broadcast_in_dim3A_277 = vector.broadcast %jit3A_276 : i32 to vector<16xi32>
    %select_n3A_278 = arith.select %gt3A_275, %get3A_273, %broadcast_in_dim3A_277 : vector<16xi32>
    %add3A_279 = arith.addi %add3A_269, %select_n3A_278 : vector<16xi32>
    %get3A_280 = arith.constant 28 : i32
    %get3A_281 = arith.index_cast %get3A_280 : i32 to index
    %get3A_282 = arith.constant 0 : index
    %get3A_283 = tpu.vector_load %arg8[%get3A_281, %get3A_282] {strides = array<i32>} : memref<32x128xi32, #tpu.memory_space<vmem>>, vector<16xi32>,
    %gt3A_284 = arith.constant 28 : i32
    %gt3A_285 = arith.cmpi sgt, %add3A, %gt3A_284 : i32
    %jit3A_286 = arith.constant 0 : i32
    %broadcast_in_dim3A_287 = vector.broadcast %jit3A_286 : i32 to vector<16xi32>
    %select_n3A_288 = arith.select %gt3A_285, %get3A_283, %broadcast_in_dim3A_287 : vector<16xi32>
    %add3A_289 = arith.addi %add3A_279, %select_n3A_288 : vector<16xi32>
    %get3A_290 = arith.constant 29 : i32
    %get3A_291 = arith.index_cast %get3A_290 : i32 to index
    %get3A_292 = arith.constant 0 : index
    %get3A_293 = tpu.vector_load %arg8[%get3A_291, %get3A_292] {strides = array<i32>} : memref<32x128xi32, #tpu.memory_space<vmem>>, vector<16xi32>,
    %gt3A_294 = arith.constant 29 : i32
    %gt3A_295 = arith.cmpi sgt, %add3A, %gt3A_294 : i32
    %jit3A_296 = arith.constant 0 : i32
    %broadcast_in_dim3A_297 = vector.broadcast %jit3A_296 : i32 to vector<16xi32>
    %select_n3A_298 = arith.select %gt3A_295, %get3A_293, %broadcast_in_dim3A_297 : vector<16xi32>
    %add3A_299 = arith.addi %add3A_289, %select_n3A_298 : vector<16xi32>
    %get3A_300 = arith.constant 30 : i32
    %get3A_301 = arith.index_cast %get3A_300 : i32 to index
    %get3A_302 = arith.constant 0 : index
    %get3A_303 = tpu.vector_load %arg8[%get3A_301, %get3A_302] {strides = array<i32>} : memref<32x128xi32, #tpu.memory_space<vmem>>, vector<16xi32>,
    %gt3A_304 = arith.constant 30 : i32
    %gt3A_305 = arith.cmpi sgt, %add3A, %gt3A_304 : i32
    %jit3A_306 = arith.constant 0 : i32
    %broadcast_in_dim3A_307 = vector.broadcast %jit3A_306 : i32 to vector<16xi32>
    %select_n3A_308 = arith.select %gt3A_305, %get3A_303, %broadcast_in_dim3A_307 : vector<16xi32>
    %add3A_309 = arith.addi %add3A_299, %select_n3A_308 : vector<16xi32>
    %get3A_310 = arith.constant 31 : i32
    %get3A_311 = arith.index_cast %get3A_310 : i32 to index
    %get3A_312 = arith.constant 0 : index
    %get3A_313 = tpu.vector_load %arg8[%get3A_311, %get3A_312] {strides = array<i32>} : memref<32x128xi32, #tpu.memory_space<vmem>>, vector<16xi32>,
    %gt3A_314 = arith.constant 31 : i32
    %gt3A_315 = arith.cmpi sgt, %add3A, %gt3A_314 : i32
    %jit3A_316 = arith.constant 0 : i32
    %broadcast_in_dim3A_317 = vector.broadcast %jit3A_316 : i32 to vector<16xi32>
    %select_n3A_318 = arith.select %gt3A_315, %get3A_313, %broadcast_in_dim3A_317 : vector<16xi32>
    %add3A_319 = arith.addi %add3A_309, %select_n3A_318 : vector<16xi32>
    %swap3A = arith.constant 0 : index
    %swap3A_320 = tpu.vector_load %arg9[%swap3A] {strides = array<i32>} : memref<16xi32, #tpu.memory_space<vmem>>, vector<16xi32>,
    tpu.vector_store %arg9[%swap3A], %add3A_319 {strides = array<i32>} : memref<16xi32, #tpu.memory_space<vmem>>, vector<16xi32>,
    %get3A_321 = arith.constant 0 : index
    %get3A_322 = tpu.vector_load %arg10[%get3A_321] {strides = array<i32>} : memref<128xi32, #tpu.memory_space<vmem>>, vector<16xi32>,
    %broadcast_in_dim3A_323 = arith.constant 0 : i32
    %broadcast_in_dim3A_324 = vector.broadcast %broadcast_in_dim3A_323 : i32 to vector<16xi32>
    %broadcast_in_dim3A_325 = arith.constant 0 : i32
    %broadcast_in_dim3A_326 = vector.broadcast %broadcast_in_dim3A_325 : i32 to vector<16xi32>
    %eq3A = arith.constant 0 : i32
    %eq3A_327 = vector.broadcast %eq3A : i32 to vector<16xi32>
    %eq3A_328 = arith.cmpi eq, %get3A_322, %eq3A_327 : vector<16xi32>
    %convert_element_type3A = arith.extui %eq3A_328 : vector<16xi1> to vector<16xi32>
    %broadcast_in_dim3A_329 = arith.constant true
    %broadcast_in_dim3A_330 = vector.broadcast %broadcast_in_dim3A_329 : i1 to vector<16xi1>
    %masked_cumsum3A = tpu.scan <sum>, %convert_element_type3A masked %broadcast_in_dim3A_330 : vector<16xi32>, vector<16xi1> -> vector<16xi32>
    %sub3A = arith.constant 1 : i32
    %sub3A_331 = vector.broadcast %sub3A : i32 to vector<16xi32>
    %sub3A_332 = arith.subi %masked_cumsum3A, %sub3A_331 : vector<16xi32>
    %mul3A_333 = arith.muli %sub3A_332, %convert_element_type3A : vector<16xi32>
    %add3A_334 = arith.addi %broadcast_in_dim3A_324, %mul3A_333 : vector<16xi32>
    %eq3A_335 = arith.constant 0 : i32
    %eq3A_336 = vector.broadcast %eq3A_335 : i32 to vector<16xi32>
    %eq3A_337 = arith.cmpi eq, %iota3A, %eq3A_336 : vector<16xi32>
    %reduce_max3A = arith.constant true
    %reduce_max3A_338 = vector.broadcast %reduce_max3A : i1 to vector<16xi1>
    %reduce_max3A_339 = arith.constant -2147483648 : i32
    %reduce_max3A_340 = vector.broadcast %reduce_max3A_339 : i32 to vector<16xi32>
    %reduce_max3A_341 = arith.xori %masked_cumsum3A, %reduce_max3A_340 : vector<16xi32>
    %reduce_max3A_342 = tpu.scan <max>, %reduce_max3A_341 masked %reduce_max3A_338 : vector<16xi32>, vector<16xi1> -> vector<16xi32>
    %reduce_max3A_343 = arith.xori %reduce_max3A_342, %reduce_max3A_340 : vector<16xi32>
    %reduce_max3A_344 = vector.extract %reduce_max3A_343[15] : i32 from vector<16xi32>
    %jit3A_345 = arith.constant 0 : i32
    %broadcast_in_dim3A_346 = vector.broadcast %reduce_max3A_344 : i32 to vector<16xi32>
    %broadcast_in_dim3A_347 = vector.broadcast %jit3A_345 : i32 to vector<16xi32>
    %select_n3A_348 = arith.select %eq3A_337, %broadcast_in_dim3A_346, %broadcast_in_dim3A_347 : vector<16xi1>, vector<16xi32>
    %add3A_349 = arith.addi %broadcast_in_dim3A_326, %select_n3A_348 : vector<16xi32>
    %eq3A_350 = arith.constant 1 : i32
    %eq3A_351 = vector.broadcast %eq3A_350 : i32 to vector<16xi32>
    %eq3A_352 = arith.cmpi eq, %get3A_322, %eq3A_351 : vector<16xi32>
    %convert_element_type3A_353 = arith.extui %eq3A_352 : vector<16xi1> to vector<16xi32>
    %broadcast_in_dim3A_354 = arith.constant true
    %broadcast_in_dim3A_355 = vector.broadcast %broadcast_in_dim3A_354 : i1 to vector<16xi1>
    %masked_cumsum3A_356 = tpu.scan <sum>, %convert_element_type3A_353 masked %broadcast_in_dim3A_355 : vector<16xi32>, vector<16xi1> -> vector<16xi32>
    %sub3A_357 = arith.constant 1 : i32
    %sub3A_358 = vector.broadcast %sub3A_357 : i32 to vector<16xi32>
    %sub3A_359 = arith.subi %masked_cumsum3A_356, %sub3A_358 : vector<16xi32>
    %mul3A_360 = arith.muli %sub3A_359, %convert_element_type3A_353 : vector<16xi32>
    %add3A_361 = arith.addi %add3A_334, %mul3A_360 : vector<16xi32>
    %eq3A_362 = arith.constant 1 : i32
    %eq3A_363 = vector.broadcast %eq3A_362 : i32 to vector<16xi32>
    %eq3A_364 = arith.cmpi eq, %iota3A, %eq3A_363 : vector<16xi32>
    %reduce_max3A_365 = arith.constant true
    %reduce_max3A_366 = vector.broadcast %reduce_max3A_365 : i1 to vector<16xi1>
    %reduce_max3A_367 = arith.constant -2147483648 : i32
    %reduce_max3A_368 = vector.broadcast %reduce_max3A_367 : i32 to vector<16xi32>
    %reduce_max3A_369 = arith.xori %masked_cumsum3A_356, %reduce_max3A_368 : vector<16xi32>
    %reduce_max3A_370 = tpu.scan <max>, %reduce_max3A_369 masked %reduce_max3A_366 : vector<16xi32>, vector<16xi1> -> vector<16xi32>
    %reduce_max3A_371 = arith.xori %reduce_max3A_370, %reduce_max3A_368 : vector<16xi32>
    %reduce_max3A_372 = vector.extract %reduce_max3A_371[15] : i32 from vector<16xi32>
    %jit3A_373 = arith.constant 0 : i32
    %broadcast_in_dim3A_374 = vector.broadcast %reduce_max3A_372 : i32 to vector<16xi32>
    %broadcast_in_dim3A_375 = vector.broadcast %jit3A_373 : i32 to vector<16xi32>
    %select_n3A_376 = arith.select %eq3A_364, %broadcast_in_dim3A_374, %broadcast_in_dim3A_375 : vector<16xi1>, vector<16xi32>
    %add3A_377 = arith.addi %add3A_349, %select_n3A_376 : vector<16xi32>
    %eq3A_378 = arith.constant 2 : i32
    %eq3A_379 = vector.broadcast %eq3A_378 : i32 to vector<16xi32>
    %eq3A_380 = arith.cmpi eq, %get3A_322, %eq3A_379 : vector<16xi32>
    %convert_element_type3A_381 = arith.extui %eq3A_380 : vector<16xi1> to vector<16xi32>
    %broadcast_in_dim3A_382 = arith.constant true
    %broadcast_in_dim3A_383 = vector.broadcast %broadcast_in_dim3A_382 : i1 to vector<16xi1>
    %masked_cumsum3A_384 = tpu.scan <sum>, %convert_element_type3A_381 masked %broadcast_in_dim3A_383 : vector<16xi32>, vector<16xi1> -> vector<16xi32>
    %sub3A_385 = arith.constant 1 : i32
    %sub3A_386 = vector.broadcast %sub3A_385 : i32 to vector<16xi32>
    %sub3A_387 = arith.subi %masked_cumsum3A_384, %sub3A_386 : vector<16xi32>
    %mul3A_388 = arith.muli %sub3A_387, %convert_element_type3A_381 : vector<16xi32>
    %add3A_389 = arith.addi %add3A_361, %mul3A_388 : vector<16xi32>
    %eq3A_390 = arith.constant 2 : i32
    %eq3A_391 = vector.broadcast %eq3A_390 : i32 to vector<16xi32>
    %eq3A_392 = arith.cmpi eq, %iota3A, %eq3A_391 : vector<16xi32>
    %reduce_max3A_393 = arith.constant true
    %reduce_max3A_394 = vector.broadcast %reduce_max3A_393 : i1 to vector<16xi1>
    %reduce_max3A_395 = arith.constant -2147483648 : i32
    %reduce_max3A_396 = vector.broadcast %reduce_max3A_395 : i32 to vector<16xi32>
    %reduce_max3A_397 = arith.xori %masked_cumsum3A_384, %reduce_max3A_396 : vector<16xi32>
    %reduce_max3A_398 = tpu.scan <max>, %reduce_max3A_397 masked %reduce_max3A_394 : vector<16xi32>, vector<16xi1> -> vector<16xi32>
    %reduce_max3A_399 = arith.xori %reduce_max3A_398, %reduce_max3A_396 : vector<16xi32>
    %reduce_max3A_400 = vector.extract %reduce_max3A_399[15] : i32 from vector<16xi32>
    %jit3A_401 = arith.constant 0 : i32
    %broadcast_in_dim3A_402 = vector.broadcast %reduce_max3A_400 : i32 to vector<16xi32>
    %broadcast_in_dim3A_403 = vector.broadcast %jit3A_401 : i32 to vector<16xi32>
    %select_n3A_404 = arith.select %eq3A_392, %broadcast_in_dim3A_402, %broadcast_in_dim3A_403 : vector<16xi1>, vector<16xi32>
    %add3A_405 = arith.addi %add3A_377, %select_n3A_404 : vector<16xi32>
    %eq3A_406 = arith.constant 3 : i32
    %eq3A_407 = vector.broadcast %eq3A_406 : i32 to vector<16xi32>
    %eq3A_408 = arith.cmpi eq, %get3A_322, %eq3A_407 : vector<16xi32>
    %convert_element_type3A_409 = arith.extui %eq3A_408 : vector<16xi1> to vector<16xi32>
    %broadcast_in_dim3A_410 = arith.constant true
    %broadcast_in_dim3A_411 = vector.broadcast %broadcast_in_dim3A_410 : i1 to vector<16xi1>
    %masked_cumsum3A_412 = tpu.scan <sum>, %convert_element_type3A_409 masked %broadcast_in_dim3A_411 : vector<16xi32>, vector<16xi1> -> vector<16xi32>
    %sub3A_413 = arith.constant 1 : i32
    %sub3A_414 = vector.broadcast %sub3A_413 : i32 to vector<16xi32>
    %sub3A_415 = arith.subi %masked_cumsum3A_412, %sub3A_414 : vector<16xi32>
    %mul3A_416 = arith.muli %sub3A_415, %convert_element_type3A_409 : vector<16xi32>
    %add3A_417 = arith.addi %add3A_389, %mul3A_416 : vector<16xi32>
    %eq3A_418 = arith.constant 3 : i32
    %eq3A_419 = vector.broadcast %eq3A_418 : i32 to vector<16xi32>
    %eq3A_420 = arith.cmpi eq, %iota3A, %eq3A_419 : vector<16xi32>
    %reduce_max3A_421 = arith.constant true
    %reduce_max3A_422 = vector.broadcast %reduce_max3A_421 : i1 to vector<16xi1>
    %reduce_max3A_423 = arith.constant -2147483648 : i32
    %reduce_max3A_424 = vector.broadcast %reduce_max3A_423 : i32 to vector<16xi32>
    %reduce_max3A_425 = arith.xori %masked_cumsum3A_412, %reduce_max3A_424 : vector<16xi32>
    %reduce_max3A_426 = tpu.scan <max>, %reduce_max3A_425 masked %reduce_max3A_422 : vector<16xi32>, vector<16xi1> -> vector<16xi32>
    %reduce_max3A_427 = arith.xori %reduce_max3A_426, %reduce_max3A_424 : vector<16xi32>
    %reduce_max3A_428 = vector.extract %reduce_max3A_427[15] : i32 from vector<16xi32>
    %jit3A_429 = arith.constant 0 : i32
    %broadcast_in_dim3A_430 = vector.broadcast %reduce_max3A_428 : i32 to vector<16xi32>
    %broadcast_in_dim3A_431 = vector.broadcast %jit3A_429 : i32 to vector<16xi32>
    %select_n3A_432 = arith.select %eq3A_420, %broadcast_in_dim3A_430, %broadcast_in_dim3A_431 : vector<16xi1>, vector<16xi32>
    %add3A_433 = arith.addi %add3A_405, %select_n3A_432 : vector<16xi32>
    %eq3A_434 = arith.constant 4 : i32
    %eq3A_435 = vector.broadcast %eq3A_434 : i32 to vector<16xi32>
    %eq3A_436 = arith.cmpi eq, %get3A_322, %eq3A_435 : vector<16xi32>
    %convert_element_type3A_437 = arith.extui %eq3A_436 : vector<16xi1> to vector<16xi32>
    %broadcast_in_dim3A_438 = arith.constant true
    %broadcast_in_dim3A_439 = vector.broadcast %broadcast_in_dim3A_438 : i1 to vector<16xi1>
    %masked_cumsum3A_440 = tpu.scan <sum>, %convert_element_type3A_437 masked %broadcast_in_dim3A_439 : vector<16xi32>, vector<16xi1> -> vector<16xi32>
    %sub3A_441 = arith.constant 1 : i32
    %sub3A_442 = vector.broadcast %sub3A_441 : i32 to vector<16xi32>
    %sub3A_443 = arith.subi %masked_cumsum3A_440, %sub3A_442 : vector<16xi32>
    %mul3A_444 = arith.muli %sub3A_443, %convert_element_type3A_437 : vector<16xi32>
    %add3A_445 = arith.addi %add3A_417, %mul3A_444 : vector<16xi32>
    %eq3A_446 = arith.constant 4 : i32
    %eq3A_447 = vector.broadcast %eq3A_446 : i32 to vector<16xi32>
    %eq3A_448 = arith.cmpi eq, %iota3A, %eq3A_447 : vector<16xi32>
    %reduce_max3A_449 = arith.constant true
    %reduce_max3A_450 = vector.broadcast %reduce_max3A_449 : i1 to vector<16xi1>
    %reduce_max3A_451 = arith.constant -2147483648 : i32
    %reduce_max3A_452 = vector.broadcast %reduce_max3A_451 : i32 to vector<16xi32>
    %reduce_max3A_453 = arith.xori %masked_cumsum3A_440, %reduce_max3A_452 : vector<16xi32>
    %reduce_max3A_454 = tpu.scan <max>, %reduce_max3A_453 masked %reduce_max3A_450 : vector<16xi32>, vector<16xi1> -> vector<16xi32>
    %reduce_max3A_455 = arith.xori %reduce_max3A_454, %reduce_max3A_452 : vector<16xi32>
    %reduce_max3A_456 = vector.extract %reduce_max3A_455[15] : i32 from vector<16xi32>
    %jit3A_457 = arith.constant 0 : i32
    %broadcast_in_dim3A_458 = vector.broadcast %reduce_max3A_456 : i32 to vector<16xi32>
    %broadcast_in_dim3A_459 = vector.broadcast %jit3A_457 : i32 to vector<16xi32>
    %select_n3A_460 = arith.select %eq3A_448, %broadcast_in_dim3A_458, %broadcast_in_dim3A_459 : vector<16xi1>, vector<16xi32>
    %add3A_461 = arith.addi %add3A_433, %select_n3A_460 : vector<16xi32>
    %eq3A_462 = arith.constant 5 : i32
    %eq3A_463 = vector.broadcast %eq3A_462 : i32 to vector<16xi32>
    %eq3A_464 = arith.cmpi eq, %get3A_322, %eq3A_463 : vector<16xi32>
    %convert_element_type3A_465 = arith.extui %eq3A_464 : vector<16xi1> to vector<16xi32>
    %broadcast_in_dim3A_466 = arith.constant true
    %broadcast_in_dim3A_467 = vector.broadcast %broadcast_in_dim3A_466 : i1 to vector<16xi1>
    %masked_cumsum3A_468 = tpu.scan <sum>, %convert_element_type3A_465 masked %broadcast_in_dim3A_467 : vector<16xi32>, vector<16xi1> -> vector<16xi32>
    %sub3A_469 = arith.constant 1 : i32
    %sub3A_470 = vector.broadcast %sub3A_469 : i32 to vector<16xi32>
    %sub3A_471 = arith.subi %masked_cumsum3A_468, %sub3A_470 : vector<16xi32>
    %mul3A_472 = arith.muli %sub3A_471, %convert_element_type3A_465 : vector<16xi32>
    %add3A_473 = arith.addi %add3A_445, %mul3A_472 : vector<16xi32>
    %eq3A_474 = arith.constant 5 : i32
    %eq3A_475 = vector.broadcast %eq3A_474 : i32 to vector<16xi32>
    %eq3A_476 = arith.cmpi eq, %iota3A, %eq3A_475 : vector<16xi32>
    %reduce_max3A_477 = arith.constant true
    %reduce_max3A_478 = vector.broadcast %reduce_max3A_477 : i1 to vector<16xi1>
    %reduce_max3A_479 = arith.constant -2147483648 : i32
    %reduce_max3A_480 = vector.broadcast %reduce_max3A_479 : i32 to vector<16xi32>
    %reduce_max3A_481 = arith.xori %masked_cumsum3A_468, %reduce_max3A_480 : vector<16xi32>
    %reduce_max3A_482 = tpu.scan <max>, %reduce_max3A_481 masked %reduce_max3A_478 : vector<16xi32>, vector<16xi1> -> vector<16xi32>
    %reduce_max3A_483 = arith.xori %reduce_max3A_482, %reduce_max3A_480 : vector<16xi32>
    %reduce_max3A_484 = vector.extract %reduce_max3A_483[15] : i32 from vector<16xi32>
    %jit3A_485 = arith.constant 0 : i32
    %broadcast_in_dim3A_486 = vector.broadcast %reduce_max3A_484 : i32 to vector<16xi32>
    %broadcast_in_dim3A_487 = vector.broadcast %jit3A_485 : i32 to vector<16xi32>
    %select_n3A_488 = arith.select %eq3A_476, %broadcast_in_dim3A_486, %broadcast_in_dim3A_487 : vector<16xi1>, vector<16xi32>
    %add3A_489 = arith.addi %add3A_461, %select_n3A_488 : vector<16xi32>
    %eq3A_490 = arith.constant 6 : i32
    %eq3A_491 = vector.broadcast %eq3A_490 : i32 to vector<16xi32>
    %eq3A_492 = arith.cmpi eq, %get3A_322, %eq3A_491 : vector<16xi32>
    %convert_element_type3A_493 = arith.extui %eq3A_492 : vector<16xi1> to vector<16xi32>
    %broadcast_in_dim3A_494 = arith.constant true
    %broadcast_in_dim3A_495 = vector.broadcast %broadcast_in_dim3A_494 : i1 to vector<16xi1>
    %masked_cumsum3A_496 = tpu.scan <sum>, %convert_element_type3A_493 masked %broadcast_in_dim3A_495 : vector<16xi32>, vector<16xi1> -> vector<16xi32>
    %sub3A_497 = arith.constant 1 : i32
    %sub3A_498 = vector.broadcast %sub3A_497 : i32 to vector<16xi32>
    %sub3A_499 = arith.subi %masked_cumsum3A_496, %sub3A_498 : vector<16xi32>
    %mul3A_500 = arith.muli %sub3A_499, %convert_element_type3A_493 : vector<16xi32>
    %add3A_501 = arith.addi %add3A_473, %mul3A_500 : vector<16xi32>
    %eq3A_502 = arith.constant 6 : i32
    %eq3A_503 = vector.broadcast %eq3A_502 : i32 to vector<16xi32>
    %eq3A_504 = arith.cmpi eq, %iota3A, %eq3A_503 : vector<16xi32>
    %reduce_max3A_505 = arith.constant true
    %reduce_max3A_506 = vector.broadcast %reduce_max3A_505 : i1 to vector<16xi1>
    %reduce_max3A_507 = arith.constant -2147483648 : i32
    %reduce_max3A_508 = vector.broadcast %reduce_max3A_507 : i32 to vector<16xi32>
    %reduce_max3A_509 = arith.xori %masked_cumsum3A_496, %reduce_max3A_508 : vector<16xi32>
    %reduce_max3A_510 = tpu.scan <max>, %reduce_max3A_509 masked %reduce_max3A_506 : vector<16xi32>, vector<16xi1> -> vector<16xi32>
    %reduce_max3A_511 = arith.xori %reduce_max3A_510, %reduce_max3A_508 : vector<16xi32>
    %reduce_max3A_512 = vector.extract %reduce_max3A_511[15] : i32 from vector<16xi32>
    %jit3A_513 = arith.constant 0 : i32
    %broadcast_in_dim3A_514 = vector.broadcast %reduce_max3A_512 : i32 to vector<16xi32>
    %broadcast_in_dim3A_515 = vector.broadcast %jit3A_513 : i32 to vector<16xi32>
    %select_n3A_516 = arith.select %eq3A_504, %broadcast_in_dim3A_514, %broadcast_in_dim3A_515 : vector<16xi1>, vector<16xi32>
    %add3A_517 = arith.addi %add3A_489, %select_n3A_516 : vector<16xi32>
    %eq3A_518 = arith.constant 7 : i32
    %eq3A_519 = vector.broadcast %eq3A_518 : i32 to vector<16xi32>
    %eq3A_520 = arith.cmpi eq, %get3A_322, %eq3A_519 : vector<16xi32>
    %convert_element_type3A_521 = arith.extui %eq3A_520 : vector<16xi1> to vector<16xi32>
    %broadcast_in_dim3A_522 = arith.constant true
    %broadcast_in_dim3A_523 = vector.broadcast %broadcast_in_dim3A_522 : i1 to vector<16xi1>
    %masked_cumsum3A_524 = tpu.scan <sum>, %convert_element_type3A_521 masked %broadcast_in_dim3A_523 : vector<16xi32>, vector<16xi1> -> vector<16xi32>
    %sub3A_525 = arith.constant 1 : i32
    %sub3A_526 = vector.broadcast %sub3A_525 : i32 to vector<16xi32>
    %sub3A_527 = arith.subi %masked_cumsum3A_524, %sub3A_526 : vector<16xi32>
    %mul3A_528 = arith.muli %sub3A_527, %convert_element_type3A_521 : vector<16xi32>
    %add3A_529 = arith.addi %add3A_501, %mul3A_528 : vector<16xi32>
    %eq3A_530 = arith.constant 7 : i32
    %eq3A_531 = vector.broadcast %eq3A_530 : i32 to vector<16xi32>
    %eq3A_532 = arith.cmpi eq, %iota3A, %eq3A_531 : vector<16xi32>
    %reduce_max3A_533 = arith.constant true
    %reduce_max3A_534 = vector.broadcast %reduce_max3A_533 : i1 to vector<16xi1>
    %reduce_max3A_535 = arith.constant -2147483648 : i32
    %reduce_max3A_536 = vector.broadcast %reduce_max3A_535 : i32 to vector<16xi32>
    %reduce_max3A_537 = arith.xori %masked_cumsum3A_524, %reduce_max3A_536 : vector<16xi32>
    %reduce_max3A_538 = tpu.scan <max>, %reduce_max3A_537 masked %reduce_max3A_534 : vector<16xi32>, vector<16xi1> -> vector<16xi32>
    %reduce_max3A_539 = arith.xori %reduce_max3A_538, %reduce_max3A_536 : vector<16xi32>
    %reduce_max3A_540 = vector.extract %reduce_max3A_539[15] : i32 from vector<16xi32>
    %jit3A_541 = arith.constant 0 : i32
    %broadcast_in_dim3A_542 = vector.broadcast %reduce_max3A_540 : i32 to vector<16xi32>
    %broadcast_in_dim3A_543 = vector.broadcast %jit3A_541 : i32 to vector<16xi32>
    %select_n3A_544 = arith.select %eq3A_532, %broadcast_in_dim3A_542, %broadcast_in_dim3A_543 : vector<16xi1>, vector<16xi32>
    %add3A_545 = arith.addi %add3A_517, %select_n3A_544 : vector<16xi32>
    %gather3A = tpu.vector_load_idx %arg9[%get3A_322] : memref<16xi32, #tpu.memory_space<vmem>>[vector<16xi32>], vector<16xi32>,
    %add3A_546 = arith.addi %gather3A, %add3A_529 : vector<16xi32>
    %get3A_547 = arith.constant 0 : index
    %get3A_548 = tpu.vector_load %arg9[%get3A_547] {strides = array<i32>} : memref<16xi32, #tpu.memory_space<vmem>>, vector<16xi32>,
    %add3A_549 = arith.addi %get3A_548, %add3A_545 : vector<16xi32>
    %swap3A_550 = arith.constant 0 : index
    %swap3A_551 = tpu.vector_load %arg9[%swap3A_550] {strides = array<i32>} : memref<16xi32, #tpu.memory_space<vmem>>, vector<16xi32>,
    tpu.vector_store %arg9[%swap3A_550], %add3A_549 {strides = array<i32>} : memref<16xi32, #tpu.memory_space<vmem>>, vector<16xi32>,
    %lt3A = arith.constant 640 : i32
    %lt3A_552 = vector.broadcast %lt3A : i32 to vector<16xi32>
    %lt3A_553 = arith.cmpi slt, %add3A_546, %lt3A_552 : vector<16xi32>
    %convert_element_type3A_554 = arith.extui %lt3A_553 : vector<16xi1> to vector<16xi32>
    %mul3A_555 = arith.constant 640 : i32
    %mul3A_556 = vector.broadcast %mul3A_555 : i32 to vector<16xi32>
    %mul3A_557 = arith.muli %get3A_322, %mul3A_556 : vector<16xi32>
    %min3A = arith.constant 639 : i32
    %min3A_558 = vector.broadcast %min3A : i32 to vector<16xi32>
    %min3A_559 = arith.minsi %add3A_546, %min3A_558 : vector<16xi32>
    %add3A_560 = arith.addi %mul3A_557, %min3A_559 : vector<16xi32>
    %swap3A_561 = arith.constant 0 : index
    %swap3A_562 = tpu.vector_load %arg11[%swap3A_561] {strides = array<i32>} : memref<128xi32, #tpu.memory_space<vmem>>, vector<16xi32>,
    tpu.vector_store %arg11[%swap3A_561], %add3A_560 {strides = array<i32>} : memref<128xi32, #tpu.memory_space<vmem>>, vector<16xi32>,
    %swap3A_563 = arith.constant 0 : index
    %swap3A_564 = tpu.vector_load %arg12[%swap3A_563] {strides = array<i32>} : memref<128xi32, #tpu.memory_space<vmem>>, vector<16xi32>,
    tpu.vector_store %arg12[%swap3A_563], %convert_element_type3A_554 {strides = array<i32>} : memref<128xi32, #tpu.memory_space<vmem>>, vector<16xi32>,
    %eq3A_565 = arith.constant 1 : i32
    %eq3A_566 = vector.broadcast %eq3A_565 : i32 to vector<16xi32>
    %eq3A_567 = arith.cmpi eq, %convert_element_type3A_554, %eq3A_566 : vector<16xi32>
    %add3A_568 = arith.constant 5120 : i32
    %add3A_569 = arith.addi %add3A_568, %add3A : i32
    %broadcast_in_dim3A_570 = vector.broadcast %add3A_569 : i32 to vector<16xi32>
    %select_n3A_571 = arith.select %eq3A_567, %add3A_560, %broadcast_in_dim3A_570 : vector<16xi1>, vector<16xi32>
    %swap3A_572 = arith.constant 0 : index
    %swap3A_573 = tpu.vector_load %arg13[%swap3A_572] {strides = array<i32>} : memref<64xi32, #tpu.memory_space<vmem>>, vector<16xi32>,
    tpu.vector_store %arg13[%swap3A_572], %select_n3A_571 {strides = array<i32>} : memref<64xi32, #tpu.memory_space<vmem>>, vector<16xi32>,
    %get3A_574 = arith.constant 16 : index
    %get3A_575 = tpu.vector_load %arg10[%get3A_574] {strides = array<i32>} : memref<128xi32, #tpu.memory_space<vmem>>, vector<16xi32>,
    %broadcast_in_dim3A_576 = arith.constant 0 : i32
    %broadcast_in_dim3A_577 = vector.broadcast %broadcast_in_dim3A_576 : i32 to vector<16xi32>
    %broadcast_in_dim3A_578 = arith.constant 0 : i32
    %broadcast_in_dim3A_579 = vector.broadcast %broadcast_in_dim3A_578 : i32 to vector<16xi32>
    %eq3A_580 = arith.constant 0 : i32
    %eq3A_581 = vector.broadcast %eq3A_580 : i32 to vector<16xi32>
    %eq3A_582 = arith.cmpi eq, %get3A_575, %eq3A_581 : vector<16xi32>
    %convert_element_type3A_583 = arith.extui %eq3A_582 : vector<16xi1> to vector<16xi32>
    %broadcast_in_dim3A_584 = arith.constant true
    %broadcast_in_dim3A_585 = vector.broadcast %broadcast_in_dim3A_584 : i1 to vector<16xi1>
    %masked_cumsum3A_586 = tpu.scan <sum>, %convert_element_type3A_583 masked %broadcast_in_dim3A_585 : vector<16xi32>, vector<16xi1> -> vector<16xi32>
    %sub3A_587 = arith.constant 1 : i32
    %sub3A_588 = vector.broadcast %sub3A_587 : i32 to vector<16xi32>
    %sub3A_589 = arith.subi %masked_cumsum3A_586, %sub3A_588 : vector<16xi32>
    %mul3A_590 = arith.muli %sub3A_589, %convert_element_type3A_583 : vector<16xi32>
    %add3A_591 = arith.addi %broadcast_in_dim3A_577, %mul3A_590 : vector<16xi32>
    %eq3A_592 = arith.constant 0 : i32
    %eq3A_593 = vector.broadcast %eq3A_592 : i32 to vector<16xi32>
    %eq3A_594 = arith.cmpi eq, %iota3A, %eq3A_593 : vector<16xi32>
    %reduce_max3A_595 = arith.constant true
    %reduce_max3A_596 = vector.broadcast %reduce_max3A_595 : i1 to vector<16xi1>
    %reduce_max3A_597 = arith.constant -2147483648 : i32
    %reduce_max3A_598 = vector.broadcast %reduce_max3A_597 : i32 to vector<16xi32>
    %reduce_max3A_599 = arith.xori %masked_cumsum3A_586, %reduce_max3A_598 : vector<16xi32>
    %reduce_max3A_600 = tpu.scan <max>, %reduce_max3A_599 masked %reduce_max3A_596 : vector<16xi32>, vector<16xi1> -> vector<16xi32>
    %reduce_max3A_601 = arith.xori %reduce_max3A_600, %reduce_max3A_598 : vector<16xi32>
    %reduce_max3A_602 = vector.extract %reduce_max3A_601[15] : i32 from vector<16xi32>
    %jit3A_603 = arith.constant 0 : i32
    %broadcast_in_dim3A_604 = vector.broadcast %reduce_max3A_602 : i32 to vector<16xi32>
    %broadcast_in_dim3A_605 = vector.broadcast %jit3A_603 : i32 to vector<16xi32>
    %select_n3A_606 = arith.select %eq3A_594, %broadcast_in_dim3A_604, %broadcast_in_dim3A_605 : vector<16xi1>, vector<16xi32>
    %add3A_607 = arith.addi %broadcast_in_dim3A_579, %select_n3A_606 : vector<16xi32>
    %eq3A_608 = arith.constant 1 : i32
    %eq3A_609 = vector.broadcast %eq3A_608 : i32 to vector<16xi32>
    %eq3A_610 = arith.cmpi eq, %get3A_575, %eq3A_609 : vector<16xi32>
    %convert_element_type3A_611 = arith.extui %eq3A_610 : vector<16xi1> to vector<16xi32>
    %broadcast_in_dim3A_612 = arith.constant true
    %broadcast_in_dim3A_613 = vector.broadcast %broadcast_in_dim3A_612 : i1 to vector<16xi1>
    %masked_cumsum3A_614 = tpu.scan <sum>, %convert_element_type3A_611 masked %broadcast_in_dim3A_613 : vector<16xi32>, vector<16xi1> -> vector<16xi32>
    %sub3A_615 = arith.constant 1 : i32
    %sub3A_616 = vector.broadcast %sub3A_615 : i32 to vector<16xi32>
    %sub3A_617 = arith.subi %masked_cumsum3A_614, %sub3A_616 : vector<16xi32>
    %mul3A_618 = arith.muli %sub3A_617, %convert_element_type3A_611 : vector<16xi32>
    %add3A_619 = arith.addi %add3A_591, %mul3A_618 : vector<16xi32>
    %eq3A_620 = arith.constant 1 : i32
    %eq3A_621 = vector.broadcast %eq3A_620 : i32 to vector<16xi32>
    %eq3A_622 = arith.cmpi eq, %iota3A, %eq3A_621 : vector<16xi32>
    %reduce_max3A_623 = arith.constant true
    %reduce_max3A_624 = vector.broadcast %reduce_max3A_623 : i1 to vector<16xi1>
    %reduce_max3A_625 = arith.constant -2147483648 : i32
    %reduce_max3A_626 = vector.broadcast %reduce_max3A_625 : i32 to vector<16xi32>
    %reduce_max3A_627 = arith.xori %masked_cumsum3A_614, %reduce_max3A_626 : vector<16xi32>
    %reduce_max3A_628 = tpu.scan <max>, %reduce_max3A_627 masked %reduce_max3A_624 : vector<16xi32>, vector<16xi1> -> vector<16xi32>
    %reduce_max3A_629 = arith.xori %reduce_max3A_628, %reduce_max3A_626 : vector<16xi32>
    %reduce_max3A_630 = vector.extract %reduce_max3A_629[15] : i32 from vector<16xi32>
    %jit3A_631 = arith.constant 0 : i32
    %broadcast_in_dim3A_632 = vector.broadcast %reduce_max3A_630 : i32 to vector<16xi32>
    %broadcast_in_dim3A_633 = vector.broadcast %jit3A_631 : i32 to vector<16xi32>
    %select_n3A_634 = arith.select %eq3A_622, %broadcast_in_dim3A_632, %broadcast_in_dim3A_633 : vector<16xi1>, vector<16xi32>
    %add3A_635 = arith.addi %add3A_607, %select_n3A_634 : vector<16xi32>
    %eq3A_636 = arith.constant 2 : i32
    %eq3A_637 = vector.broadcast %eq3A_636 : i32 to vector<16xi32>
    %eq3A_638 = arith.cmpi eq, %get3A_575, %eq3A_637 : vector<16xi32>
    %convert_element_type3A_639 = arith.extui %eq3A_638 : vector<16xi1> to vector<16xi32>
    %broadcast_in_dim3A_640 = arith.constant true
    %broadcast_in_dim3A_641 = vector.broadcast %broadcast_in_dim3A_640 : i1 to vector<16xi1>
    %masked_cumsum3A_642 = tpu.scan <sum>, %convert_element_type3A_639 masked %broadcast_in_dim3A_641 : vector<16xi32>, vector<16xi1> -> vector<16xi32>
    %sub3A_643 = arith.constant 1 : i32
    %sub3A_644 = vector.broadcast %sub3A_643 : i32 to vector<16xi32>
    %sub3A_645 = arith.subi %masked_cumsum3A_642, %sub3A_644 : vector<16xi32>
    %mul3A_646 = arith.muli %sub3A_645, %convert_element_type3A_639 : vector<16xi32>
    %add3A_647 = arith.addi %add3A_619, %mul3A_646 : vector<16xi32>
    %eq3A_648 = arith.constant 2 : i32
    %eq3A_649 = vector.broadcast %eq3A_648 : i32 to vector<16xi32>
    %eq3A_650 = arith.cmpi eq, %iota3A, %eq3A_649 : vector<16xi32>
    %reduce_max3A_651 = arith.constant true
    %reduce_max3A_652 = vector.broadcast %reduce_max3A_651 : i1 to vector<16xi1>
    %reduce_max3A_653 = arith.constant -2147483648 : i32
    %reduce_max3A_654 = vector.broadcast %reduce_max3A_653 : i32 to vector<16xi32>
    %reduce_max3A_655 = arith.xori %masked_cumsum3A_642, %reduce_max3A_654 : vector<16xi32>
    %reduce_max3A_656 = tpu.scan <max>, %reduce_max3A_655 masked %reduce_max3A_652 : vector<16xi32>, vector<16xi1> -> vector<16xi32>
    %reduce_max3A_657 = arith.xori %reduce_max3A_656, %reduce_max3A_654 : vector<16xi32>
    %reduce_max3A_658 = vector.extract %reduce_max3A_657[15] : i32 from vector<16xi32>
    %jit3A_659 = arith.constant 0 : i32
    %broadcast_in_dim3A_660 = vector.broadcast %reduce_max3A_658 : i32 to vector<16xi32>
    %broadcast_in_dim3A_661 = vector.broadcast %jit3A_659 : i32 to vector<16xi32>
    %select_n3A_662 = arith.select %eq3A_650, %broadcast_in_dim3A_660, %broadcast_in_dim3A_661 : vector<16xi1>, vector<16xi32>
    %add3A_663 = arith.addi %add3A_635, %select_n3A_662 : vector<16xi32>
    %eq3A_664 = arith.constant 3 : i32
    %eq3A_665 = vector.broadcast %eq3A_664 : i32 to vector<16xi32>
    %eq3A_666 = arith.cmpi eq, %get3A_575, %eq3A_665 : vector<16xi32>
    %convert_element_type3A_667 = arith.extui %eq3A_666 : vector<16xi1> to vector<16xi32>
    %broadcast_in_dim3A_668 = arith.constant true
    %broadcast_in_dim3A_669 = vector.broadcast %broadcast_in_dim3A_668 : i1 to vector<16xi1>
    %masked_cumsum3A_670 = tpu.scan <sum>, %convert_element_type3A_667 masked %broadcast_in_dim3A_669 : vector<16xi32>, vector<16xi1> -> vector<16xi32>
    %sub3A_671 = arith.constant 1 : i32
    %sub3A_672 = vector.broadcast %sub3A_671 : i32 to vector<16xi32>
    %sub3A_673 = arith.subi %masked_cumsum3A_670, %sub3A_672 : vector<16xi32>
    %mul3A_674 = arith.muli %sub3A_673, %convert_element_type3A_667 : vector<16xi32>
    %add3A_675 = arith.addi %add3A_647, %mul3A_674 : vector<16xi32>
    %eq3A_676 = arith.constant 3 : i32
    %eq3A_677 = vector.broadcast %eq3A_676 : i32 to vector<16xi32>
    %eq3A_678 = arith.cmpi eq, %iota3A, %eq3A_677 : vector<16xi32>
    %reduce_max3A_679 = arith.constant true
    %reduce_max3A_680 = vector.broadcast %reduce_max3A_679 : i1 to vector<16xi1>
    %reduce_max3A_681 = arith.constant -2147483648 : i32
    %reduce_max3A_682 = vector.broadcast %reduce_max3A_681 : i32 to vector<16xi32>
    %reduce_max3A_683 = arith.xori %masked_cumsum3A_670, %reduce_max3A_682 : vector<16xi32>
    %reduce_max3A_684 = tpu.scan <max>, %reduce_max3A_683 masked %reduce_max3A_680 : vector<16xi32>, vector<16xi1> -> vector<16xi32>
    %reduce_max3A_685 = arith.xori %reduce_max3A_684, %reduce_max3A_682 : vector<16xi32>
    %reduce_max3A_686 = vector.extract %reduce_max3A_685[15] : i32 from vector<16xi32>
    %jit3A_687 = arith.constant 0 : i32
    %broadcast_in_dim3A_688 = vector.broadcast %reduce_max3A_686 : i32 to vector<16xi32>
    %broadcast_in_dim3A_689 = vector.broadcast %jit3A_687 : i32 to vector<16xi32>
    %select_n3A_690 = arith.select %eq3A_678, %broadcast_in_dim3A_688, %broadcast_in_dim3A_689 : vector<16xi1>, vector<16xi32>
    %add3A_691 = arith.addi %add3A_663, %select_n3A_690 : vector<16xi32>
    %eq3A_692 = arith.constant 4 : i32
    %eq3A_693 = vector.broadcast %eq3A_692 : i32 to vector<16xi32>
    %eq3A_694 = arith.cmpi eq, %get3A_575, %eq3A_693 : vector<16xi32>
    %convert_element_type3A_695 = arith.extui %eq3A_694 : vector<16xi1> to vector<16xi32>
    %broadcast_in_dim3A_696 = arith.constant true
    %broadcast_in_dim3A_697 = vector.broadcast %broadcast_in_dim3A_696 : i1 to vector<16xi1>
    %masked_cumsum3A_698 = tpu.scan <sum>, %convert_element_type3A_695 masked %broadcast_in_dim3A_697 : vector<16xi32>, vector<16xi1> -> vector<16xi32>
    %sub3A_699 = arith.constant 1 : i32
    %sub3A_700 = vector.broadcast %sub3A_699 : i32 to vector<16xi32>
    %sub3A_701 = arith.subi %masked_cumsum3A_698, %sub3A_700 : vector<16xi32>
    %mul3A_702 = arith.muli %sub3A_701, %convert_element_type3A_695 : vector<16xi32>
    %add3A_703 = arith.addi %add3A_675, %mul3A_702 : vector<16xi32>
    %eq3A_704 = arith.constant 4 : i32
    %eq3A_705 = vector.broadcast %eq3A_704 : i32 to vector<16xi32>
    %eq3A_706 = arith.cmpi eq, %iota3A, %eq3A_705 : vector<16xi32>
    %reduce_max3A_707 = arith.constant true
    %reduce_max3A_708 = vector.broadcast %reduce_max3A_707 : i1 to vector<16xi1>
    %reduce_max3A_709 = arith.constant -2147483648 : i32
    %reduce_max3A_710 = vector.broadcast %reduce_max3A_709 : i32 to vector<16xi32>
    %reduce_max3A_711 = arith.xori %masked_cumsum3A_698, %reduce_max3A_710 : vector<16xi32>
    %reduce_max3A_712 = tpu.scan <max>, %reduce_max3A_711 masked %reduce_max3A_708 : vector<16xi32>, vector<16xi1> -> vector<16xi32>
    %reduce_max3A_713 = arith.xori %reduce_max3A_712, %reduce_max3A_710 : vector<16xi32>
    %reduce_max3A_714 = vector.extract %reduce_max3A_713[15] : i32 from vector<16xi32>
    %jit3A_715 = arith.constant 0 : i32
    %broadcast_in_dim3A_716 = vector.broadcast %reduce_max3A_714 : i32 to vector<16xi32>
    %broadcast_in_dim3A_717 = vector.broadcast %jit3A_715 : i32 to vector<16xi32>
    %select_n3A_718 = arith.select %eq3A_706, %broadcast_in_dim3A_716, %broadcast_in_dim3A_717 : vector<16xi1>, vector<16xi32>
    %add3A_719 = arith.addi %add3A_691, %select_n3A_718 : vector<16xi32>
    %eq3A_720 = arith.constant 5 : i32
    %eq3A_721 = vector.broadcast %eq3A_720 : i32 to vector<16xi32>
    %eq3A_722 = arith.cmpi eq, %get3A_575, %eq3A_721 : vector<16xi32>
    %convert_element_type3A_723 = arith.extui %eq3A_722 : vector<16xi1> to vector<16xi32>
    %broadcast_in_dim3A_724 = arith.constant true
    %broadcast_in_dim3A_725 = vector.broadcast %broadcast_in_dim3A_724 : i1 to vector<16xi1>
    %masked_cumsum3A_726 = tpu.scan <sum>, %convert_element_type3A_723 masked %broadcast_in_dim3A_725 : vector<16xi32>, vector<16xi1> -> vector<16xi32>
    %sub3A_727 = arith.constant 1 : i32
    %sub3A_728 = vector.broadcast %sub3A_727 : i32 to vector<16xi32>
    %sub3A_729 = arith.subi %masked_cumsum3A_726, %sub3A_728 : vector<16xi32>
    %mul3A_730 = arith.muli %sub3A_729, %convert_element_type3A_723 : vector<16xi32>
    %add3A_731 = arith.addi %add3A_703, %mul3A_730 : vector<16xi32>
    %eq3A_732 = arith.constant 5 : i32
    %eq3A_733 = vector.broadcast %eq3A_732 : i32 to vector<16xi32>
    %eq3A_734 = arith.cmpi eq, %iota3A, %eq3A_733 : vector<16xi32>
    %reduce_max3A_735 = arith.constant true
    %reduce_max3A_736 = vector.broadcast %reduce_max3A_735 : i1 to vector<16xi1>
    %reduce_max3A_737 = arith.constant -2147483648 : i32
    %reduce_max3A_738 = vector.broadcast %reduce_max3A_737 : i32 to vector<16xi32>
    %reduce_max3A_739 = arith.xori %masked_cumsum3A_726, %reduce_max3A_738 : vector<16xi32>
    %reduce_max3A_740 = tpu.scan <max>, %reduce_max3A_739 masked %reduce_max3A_736 : vector<16xi32>, vector<16xi1> -> vector<16xi32>
    %reduce_max3A_741 = arith.xori %reduce_max3A_740, %reduce_max3A_738 : vector<16xi32>
    %reduce_max3A_742 = vector.extract %reduce_max3A_741[15] : i32 from vector<16xi32>
    %jit3A_743 = arith.constant 0 : i32
    %broadcast_in_dim3A_744 = vector.broadcast %reduce_max3A_742 : i32 to vector<16xi32>
    %broadcast_in_dim3A_745 = vector.broadcast %jit3A_743 : i32 to vector<16xi32>
    %select_n3A_746 = arith.select %eq3A_734, %broadcast_in_dim3A_744, %broadcast_in_dim3A_745 : vector<16xi1>, vector<16xi32>
    %add3A_747 = arith.addi %add3A_719, %select_n3A_746 : vector<16xi32>
    %eq3A_748 = arith.constant 6 : i32
    %eq3A_749 = vector.broadcast %eq3A_748 : i32 to vector<16xi32>
    %eq3A_750 = arith.cmpi eq, %get3A_575, %eq3A_749 : vector<16xi32>
    %convert_element_type3A_751 = arith.extui %eq3A_750 : vector<16xi1> to vector<16xi32>
    %broadcast_in_dim3A_752 = arith.constant true
    %broadcast_in_dim3A_753 = vector.broadcast %broadcast_in_dim3A_752 : i1 to vector<16xi1>
    %masked_cumsum3A_754 = tpu.scan <sum>, %convert_element_type3A_751 masked %broadcast_in_dim3A_753 : vector<16xi32>, vector<16xi1> -> vector<16xi32>
    %sub3A_755 = arith.constant 1 : i32
    %sub3A_756 = vector.broadcast %sub3A_755 : i32 to vector<16xi32>
    %sub3A_757 = arith.subi %masked_cumsum3A_754, %sub3A_756 : vector<16xi32>
    %mul3A_758 = arith.muli %sub3A_757, %convert_element_type3A_751 : vector<16xi32>
    %add3A_759 = arith.addi %add3A_731, %mul3A_758 : vector<16xi32>
    %eq3A_760 = arith.constant 6 : i32
    %eq3A_761 = vector.broadcast %eq3A_760 : i32 to vector<16xi32>
    %eq3A_762 = arith.cmpi eq, %iota3A, %eq3A_761 : vector<16xi32>
    %reduce_max3A_763 = arith.constant true
    %reduce_max3A_764 = vector.broadcast %reduce_max3A_763 : i1 to vector<16xi1>
    %reduce_max3A_765 = arith.constant -2147483648 : i32
    %reduce_max3A_766 = vector.broadcast %reduce_max3A_765 : i32 to vector<16xi32>
    %reduce_max3A_767 = arith.xori %masked_cumsum3A_754, %reduce_max3A_766 : vector<16xi32>
    %reduce_max3A_768 = tpu.scan <max>, %reduce_max3A_767 masked %reduce_max3A_764 : vector<16xi32>, vector<16xi1> -> vector<16xi32>
    %reduce_max3A_769 = arith.xori %reduce_max3A_768, %reduce_max3A_766 : vector<16xi32>
    %reduce_max3A_770 = vector.extract %reduce_max3A_769[15] : i32 from vector<16xi32>
    %jit3A_771 = arith.constant 0 : i32
    %broadcast_in_dim3A_772 = vector.broadcast %reduce_max3A_770 : i32 to vector<16xi32>
    %broadcast_in_dim3A_773 = vector.broadcast %jit3A_771 : i32 to vector<16xi32>
    %select_n3A_774 = arith.select %eq3A_762, %broadcast_in_dim3A_772, %broadcast_in_dim3A_773 : vector<16xi1>, vector<16xi32>
    %add3A_775 = arith.addi %add3A_747, %select_n3A_774 : vector<16xi32>
    %eq3A_776 = arith.constant 7 : i32
    %eq3A_777 = vector.broadcast %eq3A_776 : i32 to vector<16xi32>
    %eq3A_778 = arith.cmpi eq, %get3A_575, %eq3A_777 : vector<16xi32>
    %convert_element_type3A_779 = arith.extui %eq3A_778 : vector<16xi1> to vector<16xi32>
    %broadcast_in_dim3A_780 = arith.constant true
    %broadcast_in_dim3A_781 = vector.broadcast %broadcast_in_dim3A_780 : i1 to vector<16xi1>
    %masked_cumsum3A_782 = tpu.scan <sum>, %convert_element_type3A_779 masked %broadcast_in_dim3A_781 : vector<16xi32>, vector<16xi1> -> vector<16xi32>
    %sub3A_783 = arith.constant 1 : i32
    %sub3A_784 = vector.broadcast %sub3A_783 : i32 to vector<16xi32>
    %sub3A_785 = arith.subi %masked_cumsum3A_782, %sub3A_784 : vector<16xi32>
    %mul3A_786 = arith.muli %sub3A_785, %convert_element_type3A_779 : vector<16xi32>
    %add3A_787 = arith.addi %add3A_759, %mul3A_786 : vector<16xi32>
    %eq3A_788 = arith.constant 7 : i32
    %eq3A_789 = vector.broadcast %eq3A_788 : i32 to vector<16xi32>
    %eq3A_790 = arith.cmpi eq, %iota3A, %eq3A_789 : vector<16xi32>
    %reduce_max3A_791 = arith.constant true
    %reduce_max3A_792 = vector.broadcast %reduce_max3A_791 : i1 to vector<16xi1>
    %reduce_max3A_793 = arith.constant -2147483648 : i32
    %reduce_max3A_794 = vector.broadcast %reduce_max3A_793 : i32 to vector<16xi32>
    %reduce_max3A_795 = arith.xori %masked_cumsum3A_782, %reduce_max3A_794 : vector<16xi32>
    %reduce_max3A_796 = tpu.scan <max>, %reduce_max3A_795 masked %reduce_max3A_792 : vector<16xi32>, vector<16xi1> -> vector<16xi32>
    %reduce_max3A_797 = arith.xori %reduce_max3A_796, %reduce_max3A_794 : vector<16xi32>
    %reduce_max3A_798 = vector.extract %reduce_max3A_797[15] : i32 from vector<16xi32>
    %jit3A_799 = arith.constant 0 : i32
    %broadcast_in_dim3A_800 = vector.broadcast %reduce_max3A_798 : i32 to vector<16xi32>
    %broadcast_in_dim3A_801 = vector.broadcast %jit3A_799 : i32 to vector<16xi32>
    %select_n3A_802 = arith.select %eq3A_790, %broadcast_in_dim3A_800, %broadcast_in_dim3A_801 : vector<16xi1>, vector<16xi32>
    %add3A_803 = arith.addi %add3A_775, %select_n3A_802 : vector<16xi32>
    %gather3A_804 = tpu.vector_load_idx %arg9[%get3A_575] : memref<16xi32, #tpu.memory_space<vmem>>[vector<16xi32>], vector<16xi32>,
    %add3A_805 = arith.addi %gather3A_804, %add3A_787 : vector<16xi32>
    %get3A_806 = arith.constant 0 : index
    %get3A_807 = tpu.vector_load %arg9[%get3A_806] {strides = array<i32>} : memref<16xi32, #tpu.memory_space<vmem>>, vector<16xi32>,
    %add3A_808 = arith.addi %get3A_807, %add3A_803 : vector<16xi32>
    %swap3A_809 = arith.constant 0 : index
    %swap3A_810 = tpu.vector_load %arg9[%swap3A_809] {strides = array<i32>} : memref<16xi32, #tpu.memory_space<vmem>>, vector<16xi32>,
    tpu.vector_store %arg9[%swap3A_809], %add3A_808 {strides = array<i32>} : memref<16xi32, #tpu.memory_space<vmem>>, vector<16xi32>,
    %lt3A_811 = arith.constant 640 : i32
    %lt3A_812 = vector.broadcast %lt3A_811 : i32 to vector<16xi32>
    %lt3A_813 = arith.cmpi slt, %add3A_805, %lt3A_812 : vector<16xi32>
    %convert_element_type3A_814 = arith.extui %lt3A_813 : vector<16xi1> to vector<16xi32>
    %mul3A_815 = arith.constant 640 : i32
    %mul3A_816 = vector.broadcast %mul3A_815 : i32 to vector<16xi32>
    %mul3A_817 = arith.muli %get3A_575, %mul3A_816 : vector<16xi32>
    %min3A_818 = arith.constant 639 : i32
    %min3A_819 = vector.broadcast %min3A_818 : i32 to vector<16xi32>
    %min3A_820 = arith.minsi %add3A_805, %min3A_819 : vector<16xi32>
    %add3A_821 = arith.addi %mul3A_817, %min3A_820 : vector<16xi32>
    %swap3A_822 = arith.constant 16 : index
    %swap3A_823 = tpu.vector_load %arg11[%swap3A_822] {strides = array<i32>} : memref<128xi32, #tpu.memory_space<vmem>>, vector<16xi32>,
    tpu.vector_store %arg11[%swap3A_822], %add3A_821 {strides = array<i32>} : memref<128xi32, #tpu.memory_space<vmem>>, vector<16xi32>,
    %swap3A_824 = arith.constant 16 : index
    %swap3A_825 = tpu.vector_load %arg12[%swap3A_824] {strides = array<i32>} : memref<128xi32, #tpu.memory_space<vmem>>, vector<16xi32>,
    tpu.vector_store %arg12[%swap3A_824], %convert_element_type3A_814 {strides = array<i32>} : memref<128xi32, #tpu.memory_space<vmem>>, vector<16xi32>,
    %eq3A_826 = arith.constant 1 : i32
    %eq3A_827 = vector.broadcast %eq3A_826 : i32 to vector<16xi32>
    %eq3A_828 = arith.cmpi eq, %convert_element_type3A_814, %eq3A_827 : vector<16xi32>
    %add3A_829 = arith.constant 5120 : i32
    %add3A_830 = arith.addi %add3A_829, %add3A : i32
    %broadcast_in_dim3A_831 = vector.broadcast %add3A_830 : i32 to vector<16xi32>
    %select_n3A_832 = arith.select %eq3A_828, %add3A_821, %broadcast_in_dim3A_831 : vector<16xi1>, vector<16xi32>
    %swap3A_833 = arith.constant 16 : index
    %swap3A_834 = tpu.vector_load %arg13[%swap3A_833] {strides = array<i32>} : memref<64xi32, #tpu.memory_space<vmem>>, vector<16xi32>,
    tpu.vector_store %arg13[%swap3A_833], %select_n3A_832 {strides = array<i32>} : memref<64xi32, #tpu.memory_space<vmem>>, vector<16xi32>,
    %get3A_835 = arith.constant 32 : index
    %get3A_836 = tpu.vector_load %arg10[%get3A_835] {strides = array<i32>} : memref<128xi32, #tpu.memory_space<vmem>>, vector<16xi32>,
    %broadcast_in_dim3A_837 = arith.constant 0 : i32
    %broadcast_in_dim3A_838 = vector.broadcast %broadcast_in_dim3A_837 : i32 to vector<16xi32>
    %broadcast_in_dim3A_839 = arith.constant 0 : i32
    %broadcast_in_dim3A_840 = vector.broadcast %broadcast_in_dim3A_839 : i32 to vector<16xi32>
    %eq3A_841 = arith.constant 0 : i32
    %eq3A_842 = vector.broadcast %eq3A_841 : i32 to vector<16xi32>
    %eq3A_843 = arith.cmpi eq, %get3A_836, %eq3A_842 : vector<16xi32>
    %convert_element_type3A_844 = arith.extui %eq3A_843 : vector<16xi1> to vector<16xi32>
    %broadcast_in_dim3A_845 = arith.constant true
    %broadcast_in_dim3A_846 = vector.broadcast %broadcast_in_dim3A_845 : i1 to vector<16xi1>
    %masked_cumsum3A_847 = tpu.scan <sum>, %convert_element_type3A_844 masked %broadcast_in_dim3A_846 : vector<16xi32>, vector<16xi1> -> vector<16xi32>
    %sub3A_848 = arith.constant 1 : i32
    %sub3A_849 = vector.broadcast %sub3A_848 : i32 to vector<16xi32>
    %sub3A_850 = arith.subi %masked_cumsum3A_847, %sub3A_849 : vector<16xi32>
    %mul3A_851 = arith.muli %sub3A_850, %convert_element_type3A_844 : vector<16xi32>
    %add3A_852 = arith.addi %broadcast_in_dim3A_838, %mul3A_851 : vector<16xi32>
    %eq3A_853 = arith.constant 0 : i32
    %eq3A_854 = vector.broadcast %eq3A_853 : i32 to vector<16xi32>
    %eq3A_855 = arith.cmpi eq, %iota3A, %eq3A_854 : vector<16xi32>
    %reduce_max3A_856 = arith.constant true
    %reduce_max3A_857 = vector.broadcast %reduce_max3A_856 : i1 to vector<16xi1>
    %reduce_max3A_858 = arith.constant -2147483648 : i32
    %reduce_max3A_859 = vector.broadcast %reduce_max3A_858 : i32 to vector<16xi32>
    %reduce_max3A_860 = arith.xori %masked_cumsum3A_847, %reduce_max3A_859 : vector<16xi32>
    %reduce_max3A_861 = tpu.scan <max>, %reduce_max3A_860 masked %reduce_max3A_857 : vector<16xi32>, vector<16xi1> -> vector<16xi32>
    %reduce_max3A_862 = arith.xori %reduce_max3A_861, %reduce_max3A_859 : vector<16xi32>
    %reduce_max3A_863 = vector.extract %reduce_max3A_862[15] : i32 from vector<16xi32>
    %jit3A_864 = arith.constant 0 : i32
    %broadcast_in_dim3A_865 = vector.broadcast %reduce_max3A_863 : i32 to vector<16xi32>
    %broadcast_in_dim3A_866 = vector.broadcast %jit3A_864 : i32 to vector<16xi32>
    %select_n3A_867 = arith.select %eq3A_855, %broadcast_in_dim3A_865, %broadcast_in_dim3A_866 : vector<16xi1>, vector<16xi32>
    %add3A_868 = arith.addi %broadcast_in_dim3A_840, %select_n3A_867 : vector<16xi32>
    %eq3A_869 = arith.constant 1 : i32
    %eq3A_870 = vector.broadcast %eq3A_869 : i32 to vector<16xi32>
    %eq3A_871 = arith.cmpi eq, %get3A_836, %eq3A_870 : vector<16xi32>
    %convert_element_type3A_872 = arith.extui %eq3A_871 : vector<16xi1> to vector<16xi32>
    %broadcast_in_dim3A_873 = arith.constant true
    %broadcast_in_dim3A_874 = vector.broadcast %broadcast_in_dim3A_873 : i1 to vector<16xi1>
    %masked_cumsum3A_875 = tpu.scan <sum>, %convert_element_type3A_872 masked %broadcast_in_dim3A_874 : vector<16xi32>, vector<16xi1> -> vector<16xi32>
    %sub3A_876 = arith.constant 1 : i32
    %sub3A_877 = vector.broadcast %sub3A_876 : i32 to vector<16xi32>
    %sub3A_878 = arith.subi %masked_cumsum3A_875, %sub3A_877 : vector<16xi32>
    %mul3A_879 = arith.muli %sub3A_878, %convert_element_type3A_872 : vector<16xi32>
    %add3A_880 = arith.addi %add3A_852, %mul3A_879 : vector<16xi32>
    %eq3A_881 = arith.constant 1 : i32
    %eq3A_882 = vector.broadcast %eq3A_881 : i32 to vector<16xi32>
    %eq3A_883 = arith.cmpi eq, %iota3A, %eq3A_882 : vector<16xi32>
    %reduce_max3A_884 = arith.constant true
    %reduce_max3A_885 = vector.broadcast %reduce_max3A_884 : i1 to vector<16xi1>
    %reduce_max3A_886 = arith.constant -2147483648 : i32
    %reduce_max3A_887 = vector.broadcast %reduce_max3A_886 : i32 to vector<16xi32>
    %reduce_max3A_888 = arith.xori %masked_cumsum3A_875, %reduce_max3A_887 : vector<16xi32>
    %reduce_max3A_889 = tpu.scan <max>, %reduce_max3A_888 masked %reduce_max3A_885 : vector<16xi32>, vector<16xi1> -> vector<16xi32>
    %reduce_max3A_890 = arith.xori %reduce_max3A_889, %reduce_max3A_887 : vector<16xi32>
    %reduce_max3A_891 = vector.extract %reduce_max3A_890[15] : i32 from vector<16xi32>
    %jit3A_892 = arith.constant 0 : i32
    %broadcast_in_dim3A_893 = vector.broadcast %reduce_max3A_891 : i32 to vector<16xi32>
    %broadcast_in_dim3A_894 = vector.broadcast %jit3A_892 : i32 to vector<16xi32>
    %select_n3A_895 = arith.select %eq3A_883, %broadcast_in_dim3A_893, %broadcast_in_dim3A_894 : vector<16xi1>, vector<16xi32>
    %add3A_896 = arith.addi %add3A_868, %select_n3A_895 : vector<16xi32>
    %eq3A_897 = arith.constant 2 : i32
    %eq3A_898 = vector.broadcast %eq3A_897 : i32 to vector<16xi32>
    %eq3A_899 = arith.cmpi eq, %get3A_836, %eq3A_898 : vector<16xi32>
    %convert_element_type3A_900 = arith.extui %eq3A_899 : vector<16xi1> to vector<16xi32>
    %broadcast_in_dim3A_901 = arith.constant true
    %broadcast_in_dim3A_902 = vector.broadcast %broadcast_in_dim3A_901 : i1 to vector<16xi1>
    %masked_cumsum3A_903 = tpu.scan <sum>, %convert_element_type3A_900 masked %broadcast_in_dim3A_902 : vector<16xi32>, vector<16xi1> -> vector<16xi32>
    %sub3A_904 = arith.constant 1 : i32
    %sub3A_905 = vector.broadcast %sub3A_904 : i32 to vector<16xi32>
    %sub3A_906 = arith.subi %masked_cumsum3A_903, %sub3A_905 : vector<16xi32>
    %mul3A_907 = arith.muli %sub3A_906, %convert_element_type3A_900 : vector<16xi32>
    %add3A_908 = arith.addi %add3A_880, %mul3A_907 : vector<16xi32>
    %eq3A_909 = arith.constant 2 : i32
    %eq3A_910 = vector.broadcast %eq3A_909 : i32 to vector<16xi32>
    %eq3A_911 = arith.cmpi eq, %iota3A, %eq3A_910 : vector<16xi32>
    %reduce_max3A_912 = arith.constant true
    %reduce_max3A_913 = vector.broadcast %reduce_max3A_912 : i1 to vector<16xi1>
    %reduce_max3A_914 = arith.constant -2147483648 : i32
    %reduce_max3A_915 = vector.broadcast %reduce_max3A_914 : i32 to vector<16xi32>
    %reduce_max3A_916 = arith.xori %masked_cumsum3A_903, %reduce_max3A_915 : vector<16xi32>
    %reduce_max3A_917 = tpu.scan <max>, %reduce_max3A_916 masked %reduce_max3A_913 : vector<16xi32>, vector<16xi1> -> vector<16xi32>
    %reduce_max3A_918 = arith.xori %reduce_max3A_917, %reduce_max3A_915 : vector<16xi32>
    %reduce_max3A_919 = vector.extract %reduce_max3A_918[15] : i32 from vector<16xi32>
    %jit3A_920 = arith.constant 0 : i32
    %broadcast_in_dim3A_921 = vector.broadcast %reduce_max3A_919 : i32 to vector<16xi32>
    %broadcast_in_dim3A_922 = vector.broadcast %jit3A_920 : i32 to vector<16xi32>
    %select_n3A_923 = arith.select %eq3A_911, %broadcast_in_dim3A_921, %broadcast_in_dim3A_922 : vector<16xi1>, vector<16xi32>
    %add3A_924 = arith.addi %add3A_896, %select_n3A_923 : vector<16xi32>
    %eq3A_925 = arith.constant 3 : i32
    %eq3A_926 = vector.broadcast %eq3A_925 : i32 to vector<16xi32>
    %eq3A_927 = arith.cmpi eq, %get3A_836, %eq3A_926 : vector<16xi32>
    %convert_element_type3A_928 = arith.extui %eq3A_927 : vector<16xi1> to vector<16xi32>
    %broadcast_in_dim3A_929 = arith.constant true
    %broadcast_in_dim3A_930 = vector.broadcast %broadcast_in_dim3A_929 : i1 to vector<16xi1>
    %masked_cumsum3A_931 = tpu.scan <sum>, %convert_element_type3A_928 masked %broadcast_in_dim3A_930 : vector<16xi32>, vector<16xi1> -> vector<16xi32>
    %sub3A_932 = arith.constant 1 : i32
    %sub3A_933 = vector.broadcast %sub3A_932 : i32 to vector<16xi32>
    %sub3A_934 = arith.subi %masked_cumsum3A_931, %sub3A_933 : vector<16xi32>
    %mul3A_935 = arith.muli %sub3A_934, %convert_element_type3A_928 : vector<16xi32>
    %add3A_936 = arith.addi %add3A_908, %mul3A_935 : vector<16xi32>
    %eq3A_937 = arith.constant 3 : i32
    %eq3A_938 = vector.broadcast %eq3A_937 : i32 to vector<16xi32>
    %eq3A_939 = arith.cmpi eq, %iota3A, %eq3A_938 : vector<16xi32>
    %reduce_max3A_940 = arith.constant true
    %reduce_max3A_941 = vector.broadcast %reduce_max3A_940 : i1 to vector<16xi1>
    %reduce_max3A_942 = arith.constant -2147483648 : i32
    %reduce_max3A_943 = vector.broadcast %reduce_max3A_942 : i32 to vector<16xi32>
    %reduce_max3A_944 = arith.xori %masked_cumsum3A_931, %reduce_max3A_943 : vector<16xi32>
    %reduce_max3A_945 = tpu.scan <max>, %reduce_max3A_944 masked %reduce_max3A_941 : vector<16xi32>, vector<16xi1> -> vector<16xi32>
    %reduce_max3A_946 = arith.xori %reduce_max3A_945, %reduce_max3A_943 : vector<16xi32>
    %reduce_max3A_947 = vector.extract %reduce_max3A_946[15] : i32 from vector<16xi32>
    %jit3A_948 = arith.constant 0 : i32
    %broadcast_in_dim3A_949 = vector.broadcast %reduce_max3A_947 : i32 to vector<16xi32>
    %broadcast_in_dim3A_950 = vector.broadcast %jit3A_948 : i32 to vector<16xi32>
    %select_n3A_951 = arith.select %eq3A_939, %broadcast_in_dim3A_949, %broadcast_in_dim3A_950 : vector<16xi1>, vector<16xi32>
    %add3A_952 = arith.addi %add3A_924, %select_n3A_951 : vector<16xi32>
    %eq3A_953 = arith.constant 4 : i32
    %eq3A_954 = vector.broadcast %eq3A_953 : i32 to vector<16xi32>
    %eq3A_955 = arith.cmpi eq, %get3A_836, %eq3A_954 : vector<16xi32>
    %convert_element_type3A_956 = arith.extui %eq3A_955 : vector<16xi1> to vector<16xi32>
    %broadcast_in_dim3A_957 = arith.constant true
    %broadcast_in_dim3A_958 = vector.broadcast %broadcast_in_dim3A_957 : i1 to vector<16xi1>
    %masked_cumsum3A_959 = tpu.scan <sum>, %convert_element_type3A_956 masked %broadcast_in_dim3A_958 : vector<16xi32>, vector<16xi1> -> vector<16xi32>
    %sub3A_960 = arith.constant 1 : i32
    %sub3A_961 = vector.broadcast %sub3A_960 : i32 to vector<16xi32>
    %sub3A_962 = arith.subi %masked_cumsum3A_959, %sub3A_961 : vector<16xi32>
    %mul3A_963 = arith.muli %sub3A_962, %convert_element_type3A_956 : vector<16xi32>
    %add3A_964 = arith.addi %add3A_936, %mul3A_963 : vector<16xi32>
    %eq3A_965 = arith.constant 4 : i32
    %eq3A_966 = vector.broadcast %eq3A_965 : i32 to vector<16xi32>
    %eq3A_967 = arith.cmpi eq, %iota3A, %eq3A_966 : vector<16xi32>
    %reduce_max3A_968 = arith.constant true
    %reduce_max3A_969 = vector.broadcast %reduce_max3A_968 : i1 to vector<16xi1>
    %reduce_max3A_970 = arith.constant -2147483648 : i32
    %reduce_max3A_971 = vector.broadcast %reduce_max3A_970 : i32 to vector<16xi32>
    %reduce_max3A_972 = arith.xori %masked_cumsum3A_959, %reduce_max3A_971 : vector<16xi32>
    %reduce_max3A_973 = tpu.scan <max>, %reduce_max3A_972 masked %reduce_max3A_969 : vector<16xi32>, vector<16xi1> -> vector<16xi32>
    %reduce_max3A_974 = arith.xori %reduce_max3A_973, %reduce_max3A_971 : vector<16xi32>
    %reduce_max3A_975 = vector.extract %reduce_max3A_974[15] : i32 from vector<16xi32>
    %jit3A_976 = arith.constant 0 : i32
    %broadcast_in_dim3A_977 = vector.broadcast %reduce_max3A_975 : i32 to vector<16xi32>
    %broadcast_in_dim3A_978 = vector.broadcast %jit3A_976 : i32 to vector<16xi32>
    %select_n3A_979 = arith.select %eq3A_967, %broadcast_in_dim3A_977, %broadcast_in_dim3A_978 : vector<16xi1>, vector<16xi32>
    %add3A_980 = arith.addi %add3A_952, %select_n3A_979 : vector<16xi32>
    %eq3A_981 = arith.constant 5 : i32
    %eq3A_982 = vector.broadcast %eq3A_981 : i32 to vector<16xi32>
    %eq3A_983 = arith.cmpi eq, %get3A_836, %eq3A_982 : vector<16xi32>
    %convert_element_type3A_984 = arith.extui %eq3A_983 : vector<16xi1> to vector<16xi32>
    %broadcast_in_dim3A_985 = arith.constant true
    %broadcast_in_dim3A_986 = vector.broadcast %broadcast_in_dim3A_985 : i1 to vector<16xi1>
    %masked_cumsum3A_987 = tpu.scan <sum>, %convert_element_type3A_984 masked %broadcast_in_dim3A_986 : vector<16xi32>, vector<16xi1> -> vector<16xi32>
    %sub3A_988 = arith.constant 1 : i32
    %sub3A_989 = vector.broadcast %sub3A_988 : i32 to vector<16xi32>
    %sub3A_990 = arith.subi %masked_cumsum3A_987, %sub3A_989 : vector<16xi32>
    %mul3A_991 = arith.muli %sub3A_990, %convert_element_type3A_984 : vector<16xi32>
    %add3A_992 = arith.addi %add3A_964, %mul3A_991 : vector<16xi32>
    %eq3A_993 = arith.constant 5 : i32
    %eq3A_994 = vector.broadcast %eq3A_993 : i32 to vector<16xi32>
    %eq3A_995 = arith.cmpi eq, %iota3A, %eq3A_994 : vector<16xi32>
    %reduce_max3A_996 = arith.constant true
    %reduce_max3A_997 = vector.broadcast %reduce_max3A_996 : i1 to vector<16xi1>
    %reduce_max3A_998 = arith.constant -2147483648 : i32
    %reduce_max3A_999 = vector.broadcast %reduce_max3A_998 : i32 to vector<16xi32>
    %reduce_max3A_1000 = arith.xori %masked_cumsum3A_987, %reduce_max3A_999 : vector<16xi32>
    %reduce_max3A_1001 = tpu.scan <max>, %reduce_max3A_1000 masked %reduce_max3A_997 : vector<16xi32>, vector<16xi1> -> vector<16xi32>
    %reduce_max3A_1002 = arith.xori %reduce_max3A_1001, %reduce_max3A_999 : vector<16xi32>
    %reduce_max3A_1003 = vector.extract %reduce_max3A_1002[15] : i32 from vector<16xi32>
    %jit3A_1004 = arith.constant 0 : i32
    %broadcast_in_dim3A_1005 = vector.broadcast %reduce_max3A_1003 : i32 to vector<16xi32>
    %broadcast_in_dim3A_1006 = vector.broadcast %jit3A_1004 : i32 to vector<16xi32>
    %select_n3A_1007 = arith.select %eq3A_995, %broadcast_in_dim3A_1005, %broadcast_in_dim3A_1006 : vector<16xi1>, vector<16xi32>
    %add3A_1008 = arith.addi %add3A_980, %select_n3A_1007 : vector<16xi32>
    %eq3A_1009 = arith.constant 6 : i32
    %eq3A_1010 = vector.broadcast %eq3A_1009 : i32 to vector<16xi32>
    %eq3A_1011 = arith.cmpi eq, %get3A_836, %eq3A_1010 : vector<16xi32>
    %convert_element_type3A_1012 = arith.extui %eq3A_1011 : vector<16xi1> to vector<16xi32>
    %broadcast_in_dim3A_1013 = arith.constant true
    %broadcast_in_dim3A_1014 = vector.broadcast %broadcast_in_dim3A_1013 : i1 to vector<16xi1>
    %masked_cumsum3A_1015 = tpu.scan <sum>, %convert_element_type3A_1012 masked %broadcast_in_dim3A_1014 : vector<16xi32>, vector<16xi1> -> vector<16xi32>
    %sub3A_1016 = arith.constant 1 : i32
    %sub3A_1017 = vector.broadcast %sub3A_1016 : i32 to vector<16xi32>
    %sub3A_1018 = arith.subi %masked_cumsum3A_1015, %sub3A_1017 : vector<16xi32>
    %mul3A_1019 = arith.muli %sub3A_1018, %convert_element_type3A_1012 : vector<16xi32>
    %add3A_1020 = arith.addi %add3A_992, %mul3A_1019 : vector<16xi32>
    %eq3A_1021 = arith.constant 6 : i32
    %eq3A_1022 = vector.broadcast %eq3A_1021 : i32 to vector<16xi32>
    %eq3A_1023 = arith.cmpi eq, %iota3A, %eq3A_1022 : vector<16xi32>
    %reduce_max3A_1024 = arith.constant true
    %reduce_max3A_1025 = vector.broadcast %reduce_max3A_1024 : i1 to vector<16xi1>
    %reduce_max3A_1026 = arith.constant -2147483648 : i32
    %reduce_max3A_1027 = vector.broadcast %reduce_max3A_1026 : i32 to vector<16xi32>
    %reduce_max3A_1028 = arith.xori %masked_cumsum3A_1015, %reduce_max3A_1027 : vector<16xi32>
    %reduce_max3A_1029 = tpu.scan <max>, %reduce_max3A_1028 masked %reduce_max3A_1025 : vector<16xi32>, vector<16xi1> -> vector<16xi32>
    %reduce_max3A_1030 = arith.xori %reduce_max3A_1029, %reduce_max3A_1027 : vector<16xi32>
    %reduce_max3A_1031 = vector.extract %reduce_max3A_1030[15] : i32 from vector<16xi32>
    %jit3A_1032 = arith.constant 0 : i32
    %broadcast_in_dim3A_1033 = vector.broadcast %reduce_max3A_1031 : i32 to vector<16xi32>
    %broadcast_in_dim3A_1034 = vector.broadcast %jit3A_1032 : i32 to vector<16xi32>
    %select_n3A_1035 = arith.select %eq3A_1023, %broadcast_in_dim3A_1033, %broadcast_in_dim3A_1034 : vector<16xi1>, vector<16xi32>
    %add3A_1036 = arith.addi %add3A_1008, %select_n3A_1035 : vector<16xi32>
    %eq3A_1037 = arith.constant 7 : i32
    %eq3A_1038 = vector.broadcast %eq3A_1037 : i32 to vector<16xi32>
    %eq3A_1039 = arith.cmpi eq, %get3A_836, %eq3A_1038 : vector<16xi32>
    %convert_element_type3A_1040 = arith.extui %eq3A_1039 : vector<16xi1> to vector<16xi32>
    %broadcast_in_dim3A_1041 = arith.constant true
    %broadcast_in_dim3A_1042 = vector.broadcast %broadcast_in_dim3A_1041 : i1 to vector<16xi1>
    %masked_cumsum3A_1043 = tpu.scan <sum>, %convert_element_type3A_1040 masked %broadcast_in_dim3A_1042 : vector<16xi32>, vector<16xi1> -> vector<16xi32>
    %sub3A_1044 = arith.constant 1 : i32
    %sub3A_1045 = vector.broadcast %sub3A_1044 : i32 to vector<16xi32>
    %sub3A_1046 = arith.subi %masked_cumsum3A_1043, %sub3A_1045 : vector<16xi32>
    %mul3A_1047 = arith.muli %sub3A_1046, %convert_element_type3A_1040 : vector<16xi32>
    %add3A_1048 = arith.addi %add3A_1020, %mul3A_1047 : vector<16xi32>
    %eq3A_1049 = arith.constant 7 : i32
    %eq3A_1050 = vector.broadcast %eq3A_1049 : i32 to vector<16xi32>
    %eq3A_1051 = arith.cmpi eq, %iota3A, %eq3A_1050 : vector<16xi32>
    %reduce_max3A_1052 = arith.constant true
    %reduce_max3A_1053 = vector.broadcast %reduce_max3A_1052 : i1 to vector<16xi1>
    %reduce_max3A_1054 = arith.constant -2147483648 : i32
    %reduce_max3A_1055 = vector.broadcast %reduce_max3A_1054 : i32 to vector<16xi32>
    %reduce_max3A_1056 = arith.xori %masked_cumsum3A_1043, %reduce_max3A_1055 : vector<16xi32>
    %reduce_max3A_1057 = tpu.scan <max>, %reduce_max3A_1056 masked %reduce_max3A_1053 : vector<16xi32>, vector<16xi1> -> vector<16xi32>
    %reduce_max3A_1058 = arith.xori %reduce_max3A_1057, %reduce_max3A_1055 : vector<16xi32>
    %reduce_max3A_1059 = vector.extract %reduce_max3A_1058[15] : i32 from vector<16xi32>
    %jit3A_1060 = arith.constant 0 : i32
    %broadcast_in_dim3A_1061 = vector.broadcast %reduce_max3A_1059 : i32 to vector<16xi32>
    %broadcast_in_dim3A_1062 = vector.broadcast %jit3A_1060 : i32 to vector<16xi32>
    %select_n3A_1063 = arith.select %eq3A_1051, %broadcast_in_dim3A_1061, %broadcast_in_dim3A_1062 : vector<16xi1>, vector<16xi32>
    %add3A_1064 = arith.addi %add3A_1036, %select_n3A_1063 : vector<16xi32>
    %gather3A_1065 = tpu.vector_load_idx %arg9[%get3A_836] : memref<16xi32, #tpu.memory_space<vmem>>[vector<16xi32>], vector<16xi32>,
    %add3A_1066 = arith.addi %gather3A_1065, %add3A_1048 : vector<16xi32>
    %get3A_1067 = arith.constant 0 : index
    %get3A_1068 = tpu.vector_load %arg9[%get3A_1067] {strides = array<i32>} : memref<16xi32, #tpu.memory_space<vmem>>, vector<16xi32>,
    %add3A_1069 = arith.addi %get3A_1068, %add3A_1064 : vector<16xi32>
    %swap3A_1070 = arith.constant 0 : index
    %swap3A_1071 = tpu.vector_load %arg9[%swap3A_1070] {strides = array<i32>} : memref<16xi32, #tpu.memory_space<vmem>>, vector<16xi32>,
    tpu.vector_store %arg9[%swap3A_1070], %add3A_1069 {strides = array<i32>} : memref<16xi32, #tpu.memory_space<vmem>>, vector<16xi32>,
    %lt3A_1072 = arith.constant 640 : i32
    %lt3A_1073 = vector.broadcast %lt3A_1072 : i32 to vector<16xi32>
    %lt3A_1074 = arith.cmpi slt, %add3A_1066, %lt3A_1073 : vector<16xi32>
    %convert_element_type3A_1075 = arith.extui %lt3A_1074 : vector<16xi1> to vector<16xi32>
    %mul3A_1076 = arith.constant 640 : i32
    %mul3A_1077 = vector.broadcast %mul3A_1076 : i32 to vector<16xi32>
    %mul3A_1078 = arith.muli %get3A_836, %mul3A_1077 : vector<16xi32>
    %min3A_1079 = arith.constant 639 : i32
    %min3A_1080 = vector.broadcast %min3A_1079 : i32 to vector<16xi32>
    %min3A_1081 = arith.minsi %add3A_1066, %min3A_1080 : vector<16xi32>
    %add3A_1082 = arith.addi %mul3A_1078, %min3A_1081 : vector<16xi32>
    %swap3A_1083 = arith.constant 32 : index
    %swap3A_1084 = tpu.vector_load %arg11[%swap3A_1083] {strides = array<i32>} : memref<128xi32, #tpu.memory_space<vmem>>, vector<16xi32>,
    tpu.vector_store %arg11[%swap3A_1083], %add3A_1082 {strides = array<i32>} : memref<128xi32, #tpu.memory_space<vmem>>, vector<16xi32>,
    %swap3A_1085 = arith.constant 32 : index
    %swap3A_1086 = tpu.vector_load %arg12[%swap3A_1085] {strides = array<i32>} : memref<128xi32, #tpu.memory_space<vmem>>, vector<16xi32>,
    tpu.vector_store %arg12[%swap3A_1085], %convert_element_type3A_1075 {strides = array<i32>} : memref<128xi32, #tpu.memory_space<vmem>>, vector<16xi32>,
    %eq3A_1087 = arith.constant 1 : i32
    %eq3A_1088 = vector.broadcast %eq3A_1087 : i32 to vector<16xi32>
    %eq3A_1089 = arith.cmpi eq, %convert_element_type3A_1075, %eq3A_1088 : vector<16xi32>
    %add3A_1090 = arith.constant 5120 : i32
    %add3A_1091 = arith.addi %add3A_1090, %add3A : i32
    %broadcast_in_dim3A_1092 = vector.broadcast %add3A_1091 : i32 to vector<16xi32>
    %select_n3A_1093 = arith.select %eq3A_1089, %add3A_1082, %broadcast_in_dim3A_1092 : vector<16xi1>, vector<16xi32>
    %swap3A_1094 = arith.constant 32 : index
    %swap3A_1095 = tpu.vector_load %arg13[%swap3A_1094] {strides = array<i32>} : memref<64xi32, #tpu.memory_space<vmem>>, vector<16xi32>,
    tpu.vector_store %arg13[%swap3A_1094], %select_n3A_1093 {strides = array<i32>} : memref<64xi32, #tpu.memory_space<vmem>>, vector<16xi32>,
    %get3A_1096 = arith.constant 48 : index
    %get3A_1097 = tpu.vector_load %arg10[%get3A_1096] {strides = array<i32>} : memref<128xi32, #tpu.memory_space<vmem>>, vector<16xi32>,
    %broadcast_in_dim3A_1098 = arith.constant 0 : i32
    %broadcast_in_dim3A_1099 = vector.broadcast %broadcast_in_dim3A_1098 : i32 to vector<16xi32>
    %broadcast_in_dim3A_1100 = arith.constant 0 : i32
    %broadcast_in_dim3A_1101 = vector.broadcast %broadcast_in_dim3A_1100 : i32 to vector<16xi32>
    %eq3A_1102 = arith.constant 0 : i32
    %eq3A_1103 = vector.broadcast %eq3A_1102 : i32 to vector<16xi32>
    %eq3A_1104 = arith.cmpi eq, %get3A_1097, %eq3A_1103 : vector<16xi32>
    %convert_element_type3A_1105 = arith.extui %eq3A_1104 : vector<16xi1> to vector<16xi32>
    %broadcast_in_dim3A_1106 = arith.constant true
    %broadcast_in_dim3A_1107 = vector.broadcast %broadcast_in_dim3A_1106 : i1 to vector<16xi1>
    %masked_cumsum3A_1108 = tpu.scan <sum>, %convert_element_type3A_1105 masked %broadcast_in_dim3A_1107 : vector<16xi32>, vector<16xi1> -> vector<16xi32>
    %sub3A_1109 = arith.constant 1 : i32
    %sub3A_1110 = vector.broadcast %sub3A_1109 : i32 to vector<16xi32>
    %sub3A_1111 = arith.subi %masked_cumsum3A_1108, %sub3A_1110 : vector<16xi32>
    %mul3A_1112 = arith.muli %sub3A_1111, %convert_element_type3A_1105 : vector<16xi32>
    %add3A_1113 = arith.addi %broadcast_in_dim3A_1099, %mul3A_1112 : vector<16xi32>
    %eq3A_1114 = arith.constant 0 : i32
    %eq3A_1115 = vector.broadcast %eq3A_1114 : i32 to vector<16xi32>
    %eq3A_1116 = arith.cmpi eq, %iota3A, %eq3A_1115 : vector<16xi32>
    %reduce_max3A_1117 = arith.constant true
    %reduce_max3A_1118 = vector.broadcast %reduce_max3A_1117 : i1 to vector<16xi1>
    %reduce_max3A_1119 = arith.constant -2147483648 : i32
    %reduce_max3A_1120 = vector.broadcast %reduce_max3A_1119 : i32 to vector<16xi32>
    %reduce_max3A_1121 = arith.xori %masked_cumsum3A_1108, %reduce_max3A_1120 : vector<16xi32>
    %reduce_max3A_1122 = tpu.scan <max>, %reduce_max3A_1121 masked %reduce_max3A_1118 : vector<16xi32>, vector<16xi1> -> vector<16xi32>
    %reduce_max3A_1123 = arith.xori %reduce_max3A_1122, %reduce_max3A_1120 : vector<16xi32>
    %reduce_max3A_1124 = vector.extract %reduce_max3A_1123[15] : i32 from vector<16xi32>
    %jit3A_1125 = arith.constant 0 : i32
    %broadcast_in_dim3A_1126 = vector.broadcast %reduce_max3A_1124 : i32 to vector<16xi32>
    %broadcast_in_dim3A_1127 = vector.broadcast %jit3A_1125 : i32 to vector<16xi32>
    %select_n3A_1128 = arith.select %eq3A_1116, %broadcast_in_dim3A_1126, %broadcast_in_dim3A_1127 : vector<16xi1>, vector<16xi32>
    %add3A_1129 = arith.addi %broadcast_in_dim3A_1101, %select_n3A_1128 : vector<16xi32>
    %eq3A_1130 = arith.constant 1 : i32
    %eq3A_1131 = vector.broadcast %eq3A_1130 : i32 to vector<16xi32>
    %eq3A_1132 = arith.cmpi eq, %get3A_1097, %eq3A_1131 : vector<16xi32>
    %convert_element_type3A_1133 = arith.extui %eq3A_1132 : vector<16xi1> to vector<16xi32>
    %broadcast_in_dim3A_1134 = arith.constant true
    %broadcast_in_dim3A_1135 = vector.broadcast %broadcast_in_dim3A_1134 : i1 to vector<16xi1>
    %masked_cumsum3A_1136 = tpu.scan <sum>, %convert_element_type3A_1133 masked %broadcast_in_dim3A_1135 : vector<16xi32>, vector<16xi1> -> vector<16xi32>
    %sub3A_1137 = arith.constant 1 : i32
    %sub3A_1138 = vector.broadcast %sub3A_1137 : i32 to vector<16xi32>
    %sub3A_1139 = arith.subi %masked_cumsum3A_1136, %sub3A_1138 : vector<16xi32>
    %mul3A_1140 = arith.muli %sub3A_1139, %convert_element_type3A_1133 : vector<16xi32>
    %add3A_1141 = arith.addi %add3A_1113, %mul3A_1140 : vector<16xi32>
    %eq3A_1142 = arith.constant 1 : i32
    %eq3A_1143 = vector.broadcast %eq3A_1142 : i32 to vector<16xi32>
    %eq3A_1144 = arith.cmpi eq, %iota3A, %eq3A_1143 : vector<16xi32>
    %reduce_max3A_1145 = arith.constant true
    %reduce_max3A_1146 = vector.broadcast %reduce_max3A_1145 : i1 to vector<16xi1>
    %reduce_max3A_1147 = arith.constant -2147483648 : i32
    %reduce_max3A_1148 = vector.broadcast %reduce_max3A_1147 : i32 to vector<16xi32>
    %reduce_max3A_1149 = arith.xori %masked_cumsum3A_1136, %reduce_max3A_1148 : vector<16xi32>
    %reduce_max3A_1150 = tpu.scan <max>, %reduce_max3A_1149 masked %reduce_max3A_1146 : vector<16xi32>, vector<16xi1> -> vector<16xi32>
    %reduce_max3A_1151 = arith.xori %reduce_max3A_1150, %reduce_max3A_1148 : vector<16xi32>
    %reduce_max3A_1152 = vector.extract %reduce_max3A_1151[15] : i32 from vector<16xi32>
    %jit3A_1153 = arith.constant 0 : i32
    %broadcast_in_dim3A_1154 = vector.broadcast %reduce_max3A_1152 : i32 to vector<16xi32>
    %broadcast_in_dim3A_1155 = vector.broadcast %jit3A_1153 : i32 to vector<16xi32>
    %select_n3A_1156 = arith.select %eq3A_1144, %broadcast_in_dim3A_1154, %broadcast_in_dim3A_1155 : vector<16xi1>, vector<16xi32>
    %add3A_1157 = arith.addi %add3A_1129, %select_n3A_1156 : vector<16xi32>
    %eq3A_1158 = arith.constant 2 : i32
    %eq3A_1159 = vector.broadcast %eq3A_1158 : i32 to vector<16xi32>
    %eq3A_1160 = arith.cmpi eq, %get3A_1097, %eq3A_1159 : vector<16xi32>
    %convert_element_type3A_1161 = arith.extui %eq3A_1160 : vector<16xi1> to vector<16xi32>
    %broadcast_in_dim3A_1162 = arith.constant true
    %broadcast_in_dim3A_1163 = vector.broadcast %broadcast_in_dim3A_1162 : i1 to vector<16xi1>
    %masked_cumsum3A_1164 = tpu.scan <sum>, %convert_element_type3A_1161 masked %broadcast_in_dim3A_1163 : vector<16xi32>, vector<16xi1> -> vector<16xi32>
    %sub3A_1165 = arith.constant 1 : i32
    %sub3A_1166 = vector.broadcast %sub3A_1165 : i32 to vector<16xi32>
    %sub3A_1167 = arith.subi %masked_cumsum3A_1164, %sub3A_1166 : vector<16xi32>
    %mul3A_1168 = arith.muli %sub3A_1167, %convert_element_type3A_1161 : vector<16xi32>
    %add3A_1169 = arith.addi %add3A_1141, %mul3A_1168 : vector<16xi32>
    %eq3A_1170 = arith.constant 2 : i32
    %eq3A_1171 = vector.broadcast %eq3A_1170 : i32 to vector<16xi32>
    %eq3A_1172 = arith.cmpi eq, %iota3A, %eq3A_1171 : vector<16xi32>
    %reduce_max3A_1173 = arith.constant true
    %reduce_max3A_1174 = vector.broadcast %reduce_max3A_1173 : i1 to vector<16xi1>
    %reduce_max3A_1175 = arith.constant -2147483648 : i32
    %reduce_max3A_1176 = vector.broadcast %reduce_max3A_1175 : i32 to vector<16xi32>
    %reduce_max3A_1177 = arith.xori %masked_cumsum3A_1164, %reduce_max3A_1176 : vector<16xi32>
    %reduce_max3A_1178 = tpu.scan <max>, %reduce_max3A_1177 masked %reduce_max3A_1174 : vector<16xi32>, vector<16xi1> -> vector<16xi32>
    %reduce_max3A_1179 = arith.xori %reduce_max3A_1178, %reduce_max3A_1176 : vector<16xi32>
    %reduce_max3A_1180 = vector.extract %reduce_max3A_1179[15] : i32 from vector<16xi32>
    %jit3A_1181 = arith.constant 0 : i32
    %broadcast_in_dim3A_1182 = vector.broadcast %reduce_max3A_1180 : i32 to vector<16xi32>
    %broadcast_in_dim3A_1183 = vector.broadcast %jit3A_1181 : i32 to vector<16xi32>
    %select_n3A_1184 = arith.select %eq3A_1172, %broadcast_in_dim3A_1182, %broadcast_in_dim3A_1183 : vector<16xi1>, vector<16xi32>
    %add3A_1185 = arith.addi %add3A_1157, %select_n3A_1184 : vector<16xi32>
    %eq3A_1186 = arith.constant 3 : i32
    %eq3A_1187 = vector.broadcast %eq3A_1186 : i32 to vector<16xi32>
    %eq3A_1188 = arith.cmpi eq, %get3A_1097, %eq3A_1187 : vector<16xi32>
    %convert_element_type3A_1189 = arith.extui %eq3A_1188 : vector<16xi1> to vector<16xi32>
    %broadcast_in_dim3A_1190 = arith.constant true
    %broadcast_in_dim3A_1191 = vector.broadcast %broadcast_in_dim3A_1190 : i1 to vector<16xi1>
    %masked_cumsum3A_1192 = tpu.scan <sum>, %convert_element_type3A_1189 masked %broadcast_in_dim3A_1191 : vector<16xi32>, vector<16xi1> -> vector<16xi32>
    %sub3A_1193 = arith.constant 1 : i32
    %sub3A_1194 = vector.broadcast %sub3A_1193 : i32 to vector<16xi32>
    %sub3A_1195 = arith.subi %masked_cumsum3A_1192, %sub3A_1194 : vector<16xi32>
    %mul3A_1196 = arith.muli %sub3A_1195, %convert_element_type3A_1189 : vector<16xi32>
    %add3A_1197 = arith.addi %add3A_1169, %mul3A_1196 : vector<16xi32>
    %eq3A_1198 = arith.constant 3 : i32
    %eq3A_1199 = vector.broadcast %eq3A_1198 : i32 to vector<16xi32>
    %eq3A_1200 = arith.cmpi eq, %iota3A, %eq3A_1199 : vector<16xi32>
    %reduce_max3A_1201 = arith.constant true
    %reduce_max3A_1202 = vector.broadcast %reduce_max3A_1201 : i1 to vector<16xi1>
    %reduce_max3A_1203 = arith.constant -2147483648 : i32
    %reduce_max3A_1204 = vector.broadcast %reduce_max3A_1203 : i32 to vector<16xi32>
    %reduce_max3A_1205 = arith.xori %masked_cumsum3A_1192, %reduce_max3A_1204 : vector<16xi32>
    %reduce_max3A_1206 = tpu.scan <max>, %reduce_max3A_1205 masked %reduce_max3A_1202 : vector<16xi32>, vector<16xi1> -> vector<16xi32>
    %reduce_max3A_1207 = arith.xori %reduce_max3A_1206, %reduce_max3A_1204 : vector<16xi32>
    %reduce_max3A_1208 = vector.extract %reduce_max3A_1207[15] : i32 from vector<16xi32>
    %jit3A_1209 = arith.constant 0 : i32
    %broadcast_in_dim3A_1210 = vector.broadcast %reduce_max3A_1208 : i32 to vector<16xi32>
    %broadcast_in_dim3A_1211 = vector.broadcast %jit3A_1209 : i32 to vector<16xi32>
    %select_n3A_1212 = arith.select %eq3A_1200, %broadcast_in_dim3A_1210, %broadcast_in_dim3A_1211 : vector<16xi1>, vector<16xi32>
    %add3A_1213 = arith.addi %add3A_1185, %select_n3A_1212 : vector<16xi32>
    %eq3A_1214 = arith.constant 4 : i32
    %eq3A_1215 = vector.broadcast %eq3A_1214 : i32 to vector<16xi32>
    %eq3A_1216 = arith.cmpi eq, %get3A_1097, %eq3A_1215 : vector<16xi32>
    %convert_element_type3A_1217 = arith.extui %eq3A_1216 : vector<16xi1> to vector<16xi32>
    %broadcast_in_dim3A_1218 = arith.constant true
    %broadcast_in_dim3A_1219 = vector.broadcast %broadcast_in_dim3A_1218 : i1 to vector<16xi1>
    %masked_cumsum3A_1220 = tpu.scan <sum>, %convert_element_type3A_1217 masked %broadcast_in_dim3A_1219 : vector<16xi32>, vector<16xi1> -> vector<16xi32>
    %sub3A_1221 = arith.constant 1 : i32
    %sub3A_1222 = vector.broadcast %sub3A_1221 : i32 to vector<16xi32>
    %sub3A_1223 = arith.subi %masked_cumsum3A_1220, %sub3A_1222 : vector<16xi32>
    %mul3A_1224 = arith.muli %sub3A_1223, %convert_element_type3A_1217 : vector<16xi32>
    %add3A_1225 = arith.addi %add3A_1197, %mul3A_1224 : vector<16xi32>
    %eq3A_1226 = arith.constant 4 : i32
    %eq3A_1227 = vector.broadcast %eq3A_1226 : i32 to vector<16xi32>
    %eq3A_1228 = arith.cmpi eq, %iota3A, %eq3A_1227 : vector<16xi32>
    %reduce_max3A_1229 = arith.constant true
    %reduce_max3A_1230 = vector.broadcast %reduce_max3A_1229 : i1 to vector<16xi1>
    %reduce_max3A_1231 = arith.constant -2147483648 : i32
    %reduce_max3A_1232 = vector.broadcast %reduce_max3A_1231 : i32 to vector<16xi32>
    %reduce_max3A_1233 = arith.xori %masked_cumsum3A_1220, %reduce_max3A_1232 : vector<16xi32>
    %reduce_max3A_1234 = tpu.scan <max>, %reduce_max3A_1233 masked %reduce_max3A_1230 : vector<16xi32>, vector<16xi1> -> vector<16xi32>
    %reduce_max3A_1235 = arith.xori %reduce_max3A_1234, %reduce_max3A_1232 : vector<16xi32>
    %reduce_max3A_1236 = vector.extract %reduce_max3A_1235[15] : i32 from vector<16xi32>
    %jit3A_1237 = arith.constant 0 : i32
    %broadcast_in_dim3A_1238 = vector.broadcast %reduce_max3A_1236 : i32 to vector<16xi32>
    %broadcast_in_dim3A_1239 = vector.broadcast %jit3A_1237 : i32 to vector<16xi32>
    %select_n3A_1240 = arith.select %eq3A_1228, %broadcast_in_dim3A_1238, %broadcast_in_dim3A_1239 : vector<16xi1>, vector<16xi32>
    %add3A_1241 = arith.addi %add3A_1213, %select_n3A_1240 : vector<16xi32>
    %eq3A_1242 = arith.constant 5 : i32
    %eq3A_1243 = vector.broadcast %eq3A_1242 : i32 to vector<16xi32>
    %eq3A_1244 = arith.cmpi eq, %get3A_1097, %eq3A_1243 : vector<16xi32>
    %convert_element_type3A_1245 = arith.extui %eq3A_1244 : vector<16xi1> to vector<16xi32>
    %broadcast_in_dim3A_1246 = arith.constant true
    %broadcast_in_dim3A_1247 = vector.broadcast %broadcast_in_dim3A_1246 : i1 to vector<16xi1>
    %masked_cumsum3A_1248 = tpu.scan <sum>, %convert_element_type3A_1245 masked %broadcast_in_dim3A_1247 : vector<16xi32>, vector<16xi1> -> vector<16xi32>
    %sub3A_1249 = arith.constant 1 : i32
    %sub3A_1250 = vector.broadcast %sub3A_1249 : i32 to vector<16xi32>
    %sub3A_1251 = arith.subi %masked_cumsum3A_1248, %sub3A_1250 : vector<16xi32>
    %mul3A_1252 = arith.muli %sub3A_1251, %convert_element_type3A_1245 : vector<16xi32>
    %add3A_1253 = arith.addi %add3A_1225, %mul3A_1252 : vector<16xi32>
    %eq3A_1254 = arith.constant 5 : i32
    %eq3A_1255 = vector.broadcast %eq3A_1254 : i32 to vector<16xi32>
    %eq3A_1256 = arith.cmpi eq, %iota3A, %eq3A_1255 : vector<16xi32>
    %reduce_max3A_1257 = arith.constant true
    %reduce_max3A_1258 = vector.broadcast %reduce_max3A_1257 : i1 to vector<16xi1>
    %reduce_max3A_1259 = arith.constant -2147483648 : i32
    %reduce_max3A_1260 = vector.broadcast %reduce_max3A_1259 : i32 to vector<16xi32>
    %reduce_max3A_1261 = arith.xori %masked_cumsum3A_1248, %reduce_max3A_1260 : vector<16xi32>
    %reduce_max3A_1262 = tpu.scan <max>, %reduce_max3A_1261 masked %reduce_max3A_1258 : vector<16xi32>, vector<16xi1> -> vector<16xi32>
    %reduce_max3A_1263 = arith.xori %reduce_max3A_1262, %reduce_max3A_1260 : vector<16xi32>
    %reduce_max3A_1264 = vector.extract %reduce_max3A_1263[15] : i32 from vector<16xi32>
    %jit3A_1265 = arith.constant 0 : i32
    %broadcast_in_dim3A_1266 = vector.broadcast %reduce_max3A_1264 : i32 to vector<16xi32>
    %broadcast_in_dim3A_1267 = vector.broadcast %jit3A_1265 : i32 to vector<16xi32>
    %select_n3A_1268 = arith.select %eq3A_1256, %broadcast_in_dim3A_1266, %broadcast_in_dim3A_1267 : vector<16xi1>, vector<16xi32>
    %add3A_1269 = arith.addi %add3A_1241, %select_n3A_1268 : vector<16xi32>
    %eq3A_1270 = arith.constant 6 : i32
    %eq3A_1271 = vector.broadcast %eq3A_1270 : i32 to vector<16xi32>
    %eq3A_1272 = arith.cmpi eq, %get3A_1097, %eq3A_1271 : vector<16xi32>
    %convert_element_type3A_1273 = arith.extui %eq3A_1272 : vector<16xi1> to vector<16xi32>
    %broadcast_in_dim3A_1274 = arith.constant true
    %broadcast_in_dim3A_1275 = vector.broadcast %broadcast_in_dim3A_1274 : i1 to vector<16xi1>
    %masked_cumsum3A_1276 = tpu.scan <sum>, %convert_element_type3A_1273 masked %broadcast_in_dim3A_1275 : vector<16xi32>, vector<16xi1> -> vector<16xi32>
    %sub3A_1277 = arith.constant 1 : i32
    %sub3A_1278 = vector.broadcast %sub3A_1277 : i32 to vector<16xi32>
    %sub3A_1279 = arith.subi %masked_cumsum3A_1276, %sub3A_1278 : vector<16xi32>
    %mul3A_1280 = arith.muli %sub3A_1279, %convert_element_type3A_1273 : vector<16xi32>
    %add3A_1281 = arith.addi %add3A_1253, %mul3A_1280 : vector<16xi32>
    %eq3A_1282 = arith.constant 6 : i32
    %eq3A_1283 = vector.broadcast %eq3A_1282 : i32 to vector<16xi32>
    %eq3A_1284 = arith.cmpi eq, %iota3A, %eq3A_1283 : vector<16xi32>
    %reduce_max3A_1285 = arith.constant true
    %reduce_max3A_1286 = vector.broadcast %reduce_max3A_1285 : i1 to vector<16xi1>
    %reduce_max3A_1287 = arith.constant -2147483648 : i32
    %reduce_max3A_1288 = vector.broadcast %reduce_max3A_1287 : i32 to vector<16xi32>
    %reduce_max3A_1289 = arith.xori %masked_cumsum3A_1276, %reduce_max3A_1288 : vector<16xi32>
    %reduce_max3A_1290 = tpu.scan <max>, %reduce_max3A_1289 masked %reduce_max3A_1286 : vector<16xi32>, vector<16xi1> -> vector<16xi32>
    %reduce_max3A_1291 = arith.xori %reduce_max3A_1290, %reduce_max3A_1288 : vector<16xi32>
    %reduce_max3A_1292 = vector.extract %reduce_max3A_1291[15] : i32 from vector<16xi32>
    %jit3A_1293 = arith.constant 0 : i32
    %broadcast_in_dim3A_1294 = vector.broadcast %reduce_max3A_1292 : i32 to vector<16xi32>
    %broadcast_in_dim3A_1295 = vector.broadcast %jit3A_1293 : i32 to vector<16xi32>
    %select_n3A_1296 = arith.select %eq3A_1284, %broadcast_in_dim3A_1294, %broadcast_in_dim3A_1295 : vector<16xi1>, vector<16xi32>
    %add3A_1297 = arith.addi %add3A_1269, %select_n3A_1296 : vector<16xi32>
    %eq3A_1298 = arith.constant 7 : i32
    %eq3A_1299 = vector.broadcast %eq3A_1298 : i32 to vector<16xi32>
    %eq3A_1300 = arith.cmpi eq, %get3A_1097, %eq3A_1299 : vector<16xi32>
    %convert_element_type3A_1301 = arith.extui %eq3A_1300 : vector<16xi1> to vector<16xi32>
    %broadcast_in_dim3A_1302 = arith.constant true
    %broadcast_in_dim3A_1303 = vector.broadcast %broadcast_in_dim3A_1302 : i1 to vector<16xi1>
    %masked_cumsum3A_1304 = tpu.scan <sum>, %convert_element_type3A_1301 masked %broadcast_in_dim3A_1303 : vector<16xi32>, vector<16xi1> -> vector<16xi32>
    %sub3A_1305 = arith.constant 1 : i32
    %sub3A_1306 = vector.broadcast %sub3A_1305 : i32 to vector<16xi32>
    %sub3A_1307 = arith.subi %masked_cumsum3A_1304, %sub3A_1306 : vector<16xi32>
    %mul3A_1308 = arith.muli %sub3A_1307, %convert_element_type3A_1301 : vector<16xi32>
    %add3A_1309 = arith.addi %add3A_1281, %mul3A_1308 : vector<16xi32>
    %eq3A_1310 = arith.constant 7 : i32
    %eq3A_1311 = vector.broadcast %eq3A_1310 : i32 to vector<16xi32>
    %eq3A_1312 = arith.cmpi eq, %iota3A, %eq3A_1311 : vector<16xi32>
    %reduce_max3A_1313 = arith.constant true
    %reduce_max3A_1314 = vector.broadcast %reduce_max3A_1313 : i1 to vector<16xi1>
    %reduce_max3A_1315 = arith.constant -2147483648 : i32
    %reduce_max3A_1316 = vector.broadcast %reduce_max3A_1315 : i32 to vector<16xi32>
    %reduce_max3A_1317 = arith.xori %masked_cumsum3A_1304, %reduce_max3A_1316 : vector<16xi32>
    %reduce_max3A_1318 = tpu.scan <max>, %reduce_max3A_1317 masked %reduce_max3A_1314 : vector<16xi32>, vector<16xi1> -> vector<16xi32>
    %reduce_max3A_1319 = arith.xori %reduce_max3A_1318, %reduce_max3A_1316 : vector<16xi32>
    %reduce_max3A_1320 = vector.extract %reduce_max3A_1319[15] : i32 from vector<16xi32>
    %jit3A_1321 = arith.constant 0 : i32
    %broadcast_in_dim3A_1322 = vector.broadcast %reduce_max3A_1320 : i32 to vector<16xi32>
    %broadcast_in_dim3A_1323 = vector.broadcast %jit3A_1321 : i32 to vector<16xi32>
    %select_n3A_1324 = arith.select %eq3A_1312, %broadcast_in_dim3A_1322, %broadcast_in_dim3A_1323 : vector<16xi1>, vector<16xi32>
    %add3A_1325 = arith.addi %add3A_1297, %select_n3A_1324 : vector<16xi32>
    %gather3A_1326 = tpu.vector_load_idx %arg9[%get3A_1097] : memref<16xi32, #tpu.memory_space<vmem>>[vector<16xi32>], vector<16xi32>,
    %add3A_1327 = arith.addi %gather3A_1326, %add3A_1309 : vector<16xi32>
    %get3A_1328 = arith.constant 0 : index
    %get3A_1329 = tpu.vector_load %arg9[%get3A_1328] {strides = array<i32>} : memref<16xi32, #tpu.memory_space<vmem>>, vector<16xi32>,
    %add3A_1330 = arith.addi %get3A_1329, %add3A_1325 : vector<16xi32>
    %swap3A_1331 = arith.constant 0 : index
    %swap3A_1332 = tpu.vector_load %arg9[%swap3A_1331] {strides = array<i32>} : memref<16xi32, #tpu.memory_space<vmem>>, vector<16xi32>,
    tpu.vector_store %arg9[%swap3A_1331], %add3A_1330 {strides = array<i32>} : memref<16xi32, #tpu.memory_space<vmem>>, vector<16xi32>,
    %lt3A_1333 = arith.constant 640 : i32
    %lt3A_1334 = vector.broadcast %lt3A_1333 : i32 to vector<16xi32>
    %lt3A_1335 = arith.cmpi slt, %add3A_1327, %lt3A_1334 : vector<16xi32>
    %convert_element_type3A_1336 = arith.extui %lt3A_1335 : vector<16xi1> to vector<16xi32>
    %mul3A_1337 = arith.constant 640 : i32
    %mul3A_1338 = vector.broadcast %mul3A_1337 : i32 to vector<16xi32>
    %mul3A_1339 = arith.muli %get3A_1097, %mul3A_1338 : vector<16xi32>
    %min3A_1340 = arith.constant 639 : i32
    %min3A_1341 = vector.broadcast %min3A_1340 : i32 to vector<16xi32>
    %min3A_1342 = arith.minsi %add3A_1327, %min3A_1341 : vector<16xi32>
    %add3A_1343 = arith.addi %mul3A_1339, %min3A_1342 : vector<16xi32>
    %swap3A_1344 = arith.constant 48 : index
    %swap3A_1345 = tpu.vector_load %arg11[%swap3A_1344] {strides = array<i32>} : memref<128xi32, #tpu.memory_space<vmem>>, vector<16xi32>,
    tpu.vector_store %arg11[%swap3A_1344], %add3A_1343 {strides = array<i32>} : memref<128xi32, #tpu.memory_space<vmem>>, vector<16xi32>,
    %swap3A_1346 = arith.constant 48 : index
    %swap3A_1347 = tpu.vector_load %arg12[%swap3A_1346] {strides = array<i32>} : memref<128xi32, #tpu.memory_space<vmem>>, vector<16xi32>,
    tpu.vector_store %arg12[%swap3A_1346], %convert_element_type3A_1336 {strides = array<i32>} : memref<128xi32, #tpu.memory_space<vmem>>, vector<16xi32>,
    %eq3A_1348 = arith.constant 1 : i32
    %eq3A_1349 = vector.broadcast %eq3A_1348 : i32 to vector<16xi32>
    %eq3A_1350 = arith.cmpi eq, %convert_element_type3A_1336, %eq3A_1349 : vector<16xi32>
    %add3A_1351 = arith.constant 5120 : i32
    %add3A_1352 = arith.addi %add3A_1351, %add3A : i32
    %broadcast_in_dim3A_1353 = vector.broadcast %add3A_1352 : i32 to vector<16xi32>
    %select_n3A_1354 = arith.select %eq3A_1350, %add3A_1343, %broadcast_in_dim3A_1353 : vector<16xi1>, vector<16xi32>
    %swap3A_1355 = arith.constant 48 : index
    %swap3A_1356 = tpu.vector_load %arg13[%swap3A_1355] {strides = array<i32>} : memref<64xi32, #tpu.memory_space<vmem>>, vector<16xi32>,
    tpu.vector_store %arg13[%swap3A_1355], %select_n3A_1354 {strides = array<i32>} : memref<64xi32, #tpu.memory_space<vmem>>, vector<16xi32>,
    %get3A_1357 = arith.constant 64 : index
    %get3A_1358 = tpu.vector_load %arg10[%get3A_1357] {strides = array<i32>} : memref<128xi32, #tpu.memory_space<vmem>>, vector<16xi32>,
    %broadcast_in_dim3A_1359 = arith.constant 0 : i32
    %broadcast_in_dim3A_1360 = vector.broadcast %broadcast_in_dim3A_1359 : i32 to vector<16xi32>
    %broadcast_in_dim3A_1361 = arith.constant 0 : i32
    %broadcast_in_dim3A_1362 = vector.broadcast %broadcast_in_dim3A_1361 : i32 to vector<16xi32>
    %eq3A_1363 = arith.constant 0 : i32
    %eq3A_1364 = vector.broadcast %eq3A_1363 : i32 to vector<16xi32>
    %eq3A_1365 = arith.cmpi eq, %get3A_1358, %eq3A_1364 : vector<16xi32>
    %convert_element_type3A_1366 = arith.extui %eq3A_1365 : vector<16xi1> to vector<16xi32>
    %broadcast_in_dim3A_1367 = arith.constant true
    %broadcast_in_dim3A_1368 = vector.broadcast %broadcast_in_dim3A_1367 : i1 to vector<16xi1>
    %masked_cumsum3A_1369 = tpu.scan <sum>, %convert_element_type3A_1366 masked %broadcast_in_dim3A_1368 : vector<16xi32>, vector<16xi1> -> vector<16xi32>
    %sub3A_1370 = arith.constant 1 : i32
    %sub3A_1371 = vector.broadcast %sub3A_1370 : i32 to vector<16xi32>
    %sub3A_1372 = arith.subi %masked_cumsum3A_1369, %sub3A_1371 : vector<16xi32>
    %mul3A_1373 = arith.muli %sub3A_1372, %convert_element_type3A_1366 : vector<16xi32>
    %add3A_1374 = arith.addi %broadcast_in_dim3A_1360, %mul3A_1373 : vector<16xi32>
    %eq3A_1375 = arith.constant 0 : i32
    %eq3A_1376 = vector.broadcast %eq3A_1375 : i32 to vector<16xi32>
    %eq3A_1377 = arith.cmpi eq, %iota3A, %eq3A_1376 : vector<16xi32>
    %reduce_max3A_1378 = arith.constant true
    %reduce_max3A_1379 = vector.broadcast %reduce_max3A_1378 : i1 to vector<16xi1>
    %reduce_max3A_1380 = arith.constant -2147483648 : i32
    %reduce_max3A_1381 = vector.broadcast %reduce_max3A_1380 : i32 to vector<16xi32>
    %reduce_max3A_1382 = arith.xori %masked_cumsum3A_1369, %reduce_max3A_1381 : vector<16xi32>
    %reduce_max3A_1383 = tpu.scan <max>, %reduce_max3A_1382 masked %reduce_max3A_1379 : vector<16xi32>, vector<16xi1> -> vector<16xi32>
    %reduce_max3A_1384 = arith.xori %reduce_max3A_1383, %reduce_max3A_1381 : vector<16xi32>
    %reduce_max3A_1385 = vector.extract %reduce_max3A_1384[15] : i32 from vector<16xi32>
    %jit3A_1386 = arith.constant 0 : i32
    %broadcast_in_dim3A_1387 = vector.broadcast %reduce_max3A_1385 : i32 to vector<16xi32>
    %broadcast_in_dim3A_1388 = vector.broadcast %jit3A_1386 : i32 to vector<16xi32>
    %select_n3A_1389 = arith.select %eq3A_1377, %broadcast_in_dim3A_1387, %broadcast_in_dim3A_1388 : vector<16xi1>, vector<16xi32>
    %add3A_1390 = arith.addi %broadcast_in_dim3A_1362, %select_n3A_1389 : vector<16xi32>
    %eq3A_1391 = arith.constant 1 : i32
    %eq3A_1392 = vector.broadcast %eq3A_1391 : i32 to vector<16xi32>
    %eq3A_1393 = arith.cmpi eq, %get3A_1358, %eq3A_1392 : vector<16xi32>
    %convert_element_type3A_1394 = arith.extui %eq3A_1393 : vector<16xi1> to vector<16xi32>
    %broadcast_in_dim3A_1395 = arith.constant true
    %broadcast_in_dim3A_1396 = vector.broadcast %broadcast_in_dim3A_1395 : i1 to vector<16xi1>
    %masked_cumsum3A_1397 = tpu.scan <sum>, %convert_element_type3A_1394 masked %broadcast_in_dim3A_1396 : vector<16xi32>, vector<16xi1> -> vector<16xi32>
    %sub3A_1398 = arith.constant 1 : i32
    %sub3A_1399 = vector.broadcast %sub3A_1398 : i32 to vector<16xi32>
    %sub3A_1400 = arith.subi %masked_cumsum3A_1397, %sub3A_1399 : vector<16xi32>
    %mul3A_1401 = arith.muli %sub3A_1400, %convert_element_type3A_1394 : vector<16xi32>
    %add3A_1402 = arith.addi %add3A_1374, %mul3A_1401 : vector<16xi32>
    %eq3A_1403 = arith.constant 1 : i32
    %eq3A_1404 = vector.broadcast %eq3A_1403 : i32 to vector<16xi32>
    %eq3A_1405 = arith.cmpi eq, %iota3A, %eq3A_1404 : vector<16xi32>
    %reduce_max3A_1406 = arith.constant true
    %reduce_max3A_1407 = vector.broadcast %reduce_max3A_1406 : i1 to vector<16xi1>
    %reduce_max3A_1408 = arith.constant -2147483648 : i32
    %reduce_max3A_1409 = vector.broadcast %reduce_max3A_1408 : i32 to vector<16xi32>
    %reduce_max3A_1410 = arith.xori %masked_cumsum3A_1397, %reduce_max3A_1409 : vector<16xi32>
    %reduce_max3A_1411 = tpu.scan <max>, %reduce_max3A_1410 masked %reduce_max3A_1407 : vector<16xi32>, vector<16xi1> -> vector<16xi32>
    %reduce_max3A_1412 = arith.xori %reduce_max3A_1411, %reduce_max3A_1409 : vector<16xi32>
    %reduce_max3A_1413 = vector.extract %reduce_max3A_1412[15] : i32 from vector<16xi32>
    %jit3A_1414 = arith.constant 0 : i32
    %broadcast_in_dim3A_1415 = vector.broadcast %reduce_max3A_1413 : i32 to vector<16xi32>
    %broadcast_in_dim3A_1416 = vector.broadcast %jit3A_1414 : i32 to vector<16xi32>
    %select_n3A_1417 = arith.select %eq3A_1405, %broadcast_in_dim3A_1415, %broadcast_in_dim3A_1416 : vector<16xi1>, vector<16xi32>
    %add3A_1418 = arith.addi %add3A_1390, %select_n3A_1417 : vector<16xi32>
    %eq3A_1419 = arith.constant 2 : i32
    %eq3A_1420 = vector.broadcast %eq3A_1419 : i32 to vector<16xi32>
    %eq3A_1421 = arith.cmpi eq, %get3A_1358, %eq3A_1420 : vector<16xi32>
    %convert_element_type3A_1422 = arith.extui %eq3A_1421 : vector<16xi1> to vector<16xi32>
    %broadcast_in_dim3A_1423 = arith.constant true
    %broadcast_in_dim3A_1424 = vector.broadcast %broadcast_in_dim3A_1423 : i1 to vector<16xi1>
    %masked_cumsum3A_1425 = tpu.scan <sum>, %convert_element_type3A_1422 masked %broadcast_in_dim3A_1424 : vector<16xi32>, vector<16xi1> -> vector<16xi32>
    %sub3A_1426 = arith.constant 1 : i32
    %sub3A_1427 = vector.broadcast %sub3A_1426 : i32 to vector<16xi32>
    %sub3A_1428 = arith.subi %masked_cumsum3A_1425, %sub3A_1427 : vector<16xi32>
    %mul3A_1429 = arith.muli %sub3A_1428, %convert_element_type3A_1422 : vector<16xi32>
    %add3A_1430 = arith.addi %add3A_1402, %mul3A_1429 : vector<16xi32>
    %eq3A_1431 = arith.constant 2 : i32
    %eq3A_1432 = vector.broadcast %eq3A_1431 : i32 to vector<16xi32>
    %eq3A_1433 = arith.cmpi eq, %iota3A, %eq3A_1432 : vector<16xi32>
    %reduce_max3A_1434 = arith.constant true
    %reduce_max3A_1435 = vector.broadcast %reduce_max3A_1434 : i1 to vector<16xi1>
    %reduce_max3A_1436 = arith.constant -2147483648 : i32
    %reduce_max3A_1437 = vector.broadcast %reduce_max3A_1436 : i32 to vector<16xi32>
    %reduce_max3A_1438 = arith.xori %masked_cumsum3A_1425, %reduce_max3A_1437 : vector<16xi32>
    %reduce_max3A_1439 = tpu.scan <max>, %reduce_max3A_1438 masked %reduce_max3A_1435 : vector<16xi32>, vector<16xi1> -> vector<16xi32>
    %reduce_max3A_1440 = arith.xori %reduce_max3A_1439, %reduce_max3A_1437 : vector<16xi32>
    %reduce_max3A_1441 = vector.extract %reduce_max3A_1440[15] : i32 from vector<16xi32>
    %jit3A_1442 = arith.constant 0 : i32
    %broadcast_in_dim3A_1443 = vector.broadcast %reduce_max3A_1441 : i32 to vector<16xi32>
    %broadcast_in_dim3A_1444 = vector.broadcast %jit3A_1442 : i32 to vector<16xi32>
    %select_n3A_1445 = arith.select %eq3A_1433, %broadcast_in_dim3A_1443, %broadcast_in_dim3A_1444 : vector<16xi1>, vector<16xi32>
    %add3A_1446 = arith.addi %add3A_1418, %select_n3A_1445 : vector<16xi32>
    %eq3A_1447 = arith.constant 3 : i32
    %eq3A_1448 = vector.broadcast %eq3A_1447 : i32 to vector<16xi32>
    %eq3A_1449 = arith.cmpi eq, %get3A_1358, %eq3A_1448 : vector<16xi32>
    %convert_element_type3A_1450 = arith.extui %eq3A_1449 : vector<16xi1> to vector<16xi32>
    %broadcast_in_dim3A_1451 = arith.constant true
    %broadcast_in_dim3A_1452 = vector.broadcast %broadcast_in_dim3A_1451 : i1 to vector<16xi1>
    %masked_cumsum3A_1453 = tpu.scan <sum>, %convert_element_type3A_1450 masked %broadcast_in_dim3A_1452 : vector<16xi32>, vector<16xi1> -> vector<16xi32>
    %sub3A_1454 = arith.constant 1 : i32
    %sub3A_1455 = vector.broadcast %sub3A_1454 : i32 to vector<16xi32>
    %sub3A_1456 = arith.subi %masked_cumsum3A_1453, %sub3A_1455 : vector<16xi32>
    %mul3A_1457 = arith.muli %sub3A_1456, %convert_element_type3A_1450 : vector<16xi32>
    %add3A_1458 = arith.addi %add3A_1430, %mul3A_1457 : vector<16xi32>
    %eq3A_1459 = arith.constant 3 : i32
    %eq3A_1460 = vector.broadcast %eq3A_1459 : i32 to vector<16xi32>
    %eq3A_1461 = arith.cmpi eq, %iota3A, %eq3A_1460 : vector<16xi32>
    %reduce_max3A_1462 = arith.constant true
    %reduce_max3A_1463 = vector.broadcast %reduce_max3A_1462 : i1 to vector<16xi1>
    %reduce_max3A_1464 = arith.constant -2147483648 : i32
    %reduce_max3A_1465 = vector.broadcast %reduce_max3A_1464 : i32 to vector<16xi32>
    %reduce_max3A_1466 = arith.xori %masked_cumsum3A_1453, %reduce_max3A_1465 : vector<16xi32>
    %reduce_max3A_1467 = tpu.scan <max>, %reduce_max3A_1466 masked %reduce_max3A_1463 : vector<16xi32>, vector<16xi1> -> vector<16xi32>
    %reduce_max3A_1468 = arith.xori %reduce_max3A_1467, %reduce_max3A_1465 : vector<16xi32>
    %reduce_max3A_1469 = vector.extract %reduce_max3A_1468[15] : i32 from vector<16xi32>
    %jit3A_1470 = arith.constant 0 : i32
    %broadcast_in_dim3A_1471 = vector.broadcast %reduce_max3A_1469 : i32 to vector<16xi32>
    %broadcast_in_dim3A_1472 = vector.broadcast %jit3A_1470 : i32 to vector<16xi32>
    %select_n3A_1473 = arith.select %eq3A_1461, %broadcast_in_dim3A_1471, %broadcast_in_dim3A_1472 : vector<16xi1>, vector<16xi32>
    %add3A_1474 = arith.addi %add3A_1446, %select_n3A_1473 : vector<16xi32>
    %eq3A_1475 = arith.constant 4 : i32
    %eq3A_1476 = vector.broadcast %eq3A_1475 : i32 to vector<16xi32>
    %eq3A_1477 = arith.cmpi eq, %get3A_1358, %eq3A_1476 : vector<16xi32>
    %convert_element_type3A_1478 = arith.extui %eq3A_1477 : vector<16xi1> to vector<16xi32>
    %broadcast_in_dim3A_1479 = arith.constant true
    %broadcast_in_dim3A_1480 = vector.broadcast %broadcast_in_dim3A_1479 : i1 to vector<16xi1>
    %masked_cumsum3A_1481 = tpu.scan <sum>, %convert_element_type3A_1478 masked %broadcast_in_dim3A_1480 : vector<16xi32>, vector<16xi1> -> vector<16xi32>
    %sub3A_1482 = arith.constant 1 : i32
    %sub3A_1483 = vector.broadcast %sub3A_1482 : i32 to vector<16xi32>
    %sub3A_1484 = arith.subi %masked_cumsum3A_1481, %sub3A_1483 : vector<16xi32>
    %mul3A_1485 = arith.muli %sub3A_1484, %convert_element_type3A_1478 : vector<16xi32>
    %add3A_1486 = arith.addi %add3A_1458, %mul3A_1485 : vector<16xi32>
    %eq3A_1487 = arith.constant 4 : i32
    %eq3A_1488 = vector.broadcast %eq3A_1487 : i32 to vector<16xi32>
    %eq3A_1489 = arith.cmpi eq, %iota3A, %eq3A_1488 : vector<16xi32>
    %reduce_max3A_1490 = arith.constant true
    %reduce_max3A_1491 = vector.broadcast %reduce_max3A_1490 : i1 to vector<16xi1>
    %reduce_max3A_1492 = arith.constant -2147483648 : i32
    %reduce_max3A_1493 = vector.broadcast %reduce_max3A_1492 : i32 to vector<16xi32>
    %reduce_max3A_1494 = arith.xori %masked_cumsum3A_1481, %reduce_max3A_1493 : vector<16xi32>
    %reduce_max3A_1495 = tpu.scan <max>, %reduce_max3A_1494 masked %reduce_max3A_1491 : vector<16xi32>, vector<16xi1> -> vector<16xi32>
    %reduce_max3A_1496 = arith.xori %reduce_max3A_1495, %reduce_max3A_1493 : vector<16xi32>
    %reduce_max3A_1497 = vector.extract %reduce_max3A_1496[15] : i32 from vector<16xi32>
    %jit3A_1498 = arith.constant 0 : i32
    %broadcast_in_dim3A_1499 = vector.broadcast %reduce_max3A_1497 : i32 to vector<16xi32>
    %broadcast_in_dim3A_1500 = vector.broadcast %jit3A_1498 : i32 to vector<16xi32>
    %select_n3A_1501 = arith.select %eq3A_1489, %broadcast_in_dim3A_1499, %broadcast_in_dim3A_1500 : vector<16xi1>, vector<16xi32>
    %add3A_1502 = arith.addi %add3A_1474, %select_n3A_1501 : vector<16xi32>
    %eq3A_1503 = arith.constant 5 : i32
    %eq3A_1504 = vector.broadcast %eq3A_1503 : i32 to vector<16xi32>
    %eq3A_1505 = arith.cmpi eq, %get3A_1358, %eq3A_1504 : vector<16xi32>
    %convert_element_type3A_1506 = arith.extui %eq3A_1505 : vector<16xi1> to vector<16xi32>
    %broadcast_in_dim3A_1507 = arith.constant true
    %broadcast_in_dim3A_1508 = vector.broadcast %broadcast_in_dim3A_1507 : i1 to vector<16xi1>
    %masked_cumsum3A_1509 = tpu.scan <sum>, %convert_element_type3A_1506 masked %broadcast_in_dim3A_1508 : vector<16xi32>, vector<16xi1> -> vector<16xi32>
    %sub3A_1510 = arith.constant 1 : i32
    %sub3A_1511 = vector.broadcast %sub3A_1510 : i32 to vector<16xi32>
    %sub3A_1512 = arith.subi %masked_cumsum3A_1509, %sub3A_1511 : vector<16xi32>
    %mul3A_1513 = arith.muli %sub3A_1512, %convert_element_type3A_1506 : vector<16xi32>
    %add3A_1514 = arith.addi %add3A_1486, %mul3A_1513 : vector<16xi32>
    %eq3A_1515 = arith.constant 5 : i32
    %eq3A_1516 = vector.broadcast %eq3A_1515 : i32 to vector<16xi32>
    %eq3A_1517 = arith.cmpi eq, %iota3A, %eq3A_1516 : vector<16xi32>
    %reduce_max3A_1518 = arith.constant true
    %reduce_max3A_1519 = vector.broadcast %reduce_max3A_1518 : i1 to vector<16xi1>
    %reduce_max3A_1520 = arith.constant -2147483648 : i32
    %reduce_max3A_1521 = vector.broadcast %reduce_max3A_1520 : i32 to vector<16xi32>
    %reduce_max3A_1522 = arith.xori %masked_cumsum3A_1509, %reduce_max3A_1521 : vector<16xi32>
    %reduce_max3A_1523 = tpu.scan <max>, %reduce_max3A_1522 masked %reduce_max3A_1519 : vector<16xi32>, vector<16xi1> -> vector<16xi32>
    %reduce_max3A_1524 = arith.xori %reduce_max3A_1523, %reduce_max3A_1521 : vector<16xi32>
    %reduce_max3A_1525 = vector.extract %reduce_max3A_1524[15] : i32 from vector<16xi32>
    %jit3A_1526 = arith.constant 0 : i32
    %broadcast_in_dim3A_1527 = vector.broadcast %reduce_max3A_1525 : i32 to vector<16xi32>
    %broadcast_in_dim3A_1528 = vector.broadcast %jit3A_1526 : i32 to vector<16xi32>
    %select_n3A_1529 = arith.select %eq3A_1517, %broadcast_in_dim3A_1527, %broadcast_in_dim3A_1528 : vector<16xi1>, vector<16xi32>
    %add3A_1530 = arith.addi %add3A_1502, %select_n3A_1529 : vector<16xi32>
    %eq3A_1531 = arith.constant 6 : i32
    %eq3A_1532 = vector.broadcast %eq3A_1531 : i32 to vector<16xi32>
    %eq3A_1533 = arith.cmpi eq, %get3A_1358, %eq3A_1532 : vector<16xi32>
    %convert_element_type3A_1534 = arith.extui %eq3A_1533 : vector<16xi1> to vector<16xi32>
    %broadcast_in_dim3A_1535 = arith.constant true
    %broadcast_in_dim3A_1536 = vector.broadcast %broadcast_in_dim3A_1535 : i1 to vector<16xi1>
    %masked_cumsum3A_1537 = tpu.scan <sum>, %convert_element_type3A_1534 masked %broadcast_in_dim3A_1536 : vector<16xi32>, vector<16xi1> -> vector<16xi32>
    %sub3A_1538 = arith.constant 1 : i32
    %sub3A_1539 = vector.broadcast %sub3A_1538 : i32 to vector<16xi32>
    %sub3A_1540 = arith.subi %masked_cumsum3A_1537, %sub3A_1539 : vector<16xi32>
    %mul3A_1541 = arith.muli %sub3A_1540, %convert_element_type3A_1534 : vector<16xi32>
    %add3A_1542 = arith.addi %add3A_1514, %mul3A_1541 : vector<16xi32>
    %eq3A_1543 = arith.constant 6 : i32
    %eq3A_1544 = vector.broadcast %eq3A_1543 : i32 to vector<16xi32>
    %eq3A_1545 = arith.cmpi eq, %iota3A, %eq3A_1544 : vector<16xi32>
    %reduce_max3A_1546 = arith.constant true
    %reduce_max3A_1547 = vector.broadcast %reduce_max3A_1546 : i1 to vector<16xi1>
    %reduce_max3A_1548 = arith.constant -2147483648 : i32
    %reduce_max3A_1549 = vector.broadcast %reduce_max3A_1548 : i32 to vector<16xi32>
    %reduce_max3A_1550 = arith.xori %masked_cumsum3A_1537, %reduce_max3A_1549 : vector<16xi32>
    %reduce_max3A_1551 = tpu.scan <max>, %reduce_max3A_1550 masked %reduce_max3A_1547 : vector<16xi32>, vector<16xi1> -> vector<16xi32>
    %reduce_max3A_1552 = arith.xori %reduce_max3A_1551, %reduce_max3A_1549 : vector<16xi32>
    %reduce_max3A_1553 = vector.extract %reduce_max3A_1552[15] : i32 from vector<16xi32>
    %jit3A_1554 = arith.constant 0 : i32
    %broadcast_in_dim3A_1555 = vector.broadcast %reduce_max3A_1553 : i32 to vector<16xi32>
    %broadcast_in_dim3A_1556 = vector.broadcast %jit3A_1554 : i32 to vector<16xi32>
    %select_n3A_1557 = arith.select %eq3A_1545, %broadcast_in_dim3A_1555, %broadcast_in_dim3A_1556 : vector<16xi1>, vector<16xi32>
    %add3A_1558 = arith.addi %add3A_1530, %select_n3A_1557 : vector<16xi32>
    %eq3A_1559 = arith.constant 7 : i32
    %eq3A_1560 = vector.broadcast %eq3A_1559 : i32 to vector<16xi32>
    %eq3A_1561 = arith.cmpi eq, %get3A_1358, %eq3A_1560 : vector<16xi32>
    %convert_element_type3A_1562 = arith.extui %eq3A_1561 : vector<16xi1> to vector<16xi32>
    %broadcast_in_dim3A_1563 = arith.constant true
    %broadcast_in_dim3A_1564 = vector.broadcast %broadcast_in_dim3A_1563 : i1 to vector<16xi1>
    %masked_cumsum3A_1565 = tpu.scan <sum>, %convert_element_type3A_1562 masked %broadcast_in_dim3A_1564 : vector<16xi32>, vector<16xi1> -> vector<16xi32>
    %sub3A_1566 = arith.constant 1 : i32
    %sub3A_1567 = vector.broadcast %sub3A_1566 : i32 to vector<16xi32>
    %sub3A_1568 = arith.subi %masked_cumsum3A_1565, %sub3A_1567 : vector<16xi32>
    %mul3A_1569 = arith.muli %sub3A_1568, %convert_element_type3A_1562 : vector<16xi32>
    %add3A_1570 = arith.addi %add3A_1542, %mul3A_1569 : vector<16xi32>
    %eq3A_1571 = arith.constant 7 : i32
    %eq3A_1572 = vector.broadcast %eq3A_1571 : i32 to vector<16xi32>
    %eq3A_1573 = arith.cmpi eq, %iota3A, %eq3A_1572 : vector<16xi32>
    %reduce_max3A_1574 = arith.constant true
    %reduce_max3A_1575 = vector.broadcast %reduce_max3A_1574 : i1 to vector<16xi1>
    %reduce_max3A_1576 = arith.constant -2147483648 : i32
    %reduce_max3A_1577 = vector.broadcast %reduce_max3A_1576 : i32 to vector<16xi32>
    %reduce_max3A_1578 = arith.xori %masked_cumsum3A_1565, %reduce_max3A_1577 : vector<16xi32>
    %reduce_max3A_1579 = tpu.scan <max>, %reduce_max3A_1578 masked %reduce_max3A_1575 : vector<16xi32>, vector<16xi1> -> vector<16xi32>
    %reduce_max3A_1580 = arith.xori %reduce_max3A_1579, %reduce_max3A_1577 : vector<16xi32>
    %reduce_max3A_1581 = vector.extract %reduce_max3A_1580[15] : i32 from vector<16xi32>
    %jit3A_1582 = arith.constant 0 : i32
    %broadcast_in_dim3A_1583 = vector.broadcast %reduce_max3A_1581 : i32 to vector<16xi32>
    %broadcast_in_dim3A_1584 = vector.broadcast %jit3A_1582 : i32 to vector<16xi32>
    %select_n3A_1585 = arith.select %eq3A_1573, %broadcast_in_dim3A_1583, %broadcast_in_dim3A_1584 : vector<16xi1>, vector<16xi32>
    %add3A_1586 = arith.addi %add3A_1558, %select_n3A_1585 : vector<16xi32>
    %gather3A_1587 = tpu.vector_load_idx %arg9[%get3A_1358] : memref<16xi32, #tpu.memory_space<vmem>>[vector<16xi32>], vector<16xi32>,
    %add3A_1588 = arith.addi %gather3A_1587, %add3A_1570 : vector<16xi32>
    %get3A_1589 = arith.constant 0 : index
    %get3A_1590 = tpu.vector_load %arg9[%get3A_1589] {strides = array<i32>} : memref<16xi32, #tpu.memory_space<vmem>>, vector<16xi32>,
    %add3A_1591 = arith.addi %get3A_1590, %add3A_1586 : vector<16xi32>
    %swap3A_1592 = arith.constant 0 : index
    %swap3A_1593 = tpu.vector_load %arg9[%swap3A_1592] {strides = array<i32>} : memref<16xi32, #tpu.memory_space<vmem>>, vector<16xi32>,
    tpu.vector_store %arg9[%swap3A_1592], %add3A_1591 {strides = array<i32>} : memref<16xi32, #tpu.memory_space<vmem>>, vector<16xi32>,
    %lt3A_1594 = arith.constant 640 : i32
    %lt3A_1595 = vector.broadcast %lt3A_1594 : i32 to vector<16xi32>
    %lt3A_1596 = arith.cmpi slt, %add3A_1588, %lt3A_1595 : vector<16xi32>
    %convert_element_type3A_1597 = arith.extui %lt3A_1596 : vector<16xi1> to vector<16xi32>
    %mul3A_1598 = arith.constant 640 : i32
    %mul3A_1599 = vector.broadcast %mul3A_1598 : i32 to vector<16xi32>
    %mul3A_1600 = arith.muli %get3A_1358, %mul3A_1599 : vector<16xi32>
    %min3A_1601 = arith.constant 639 : i32
    %min3A_1602 = vector.broadcast %min3A_1601 : i32 to vector<16xi32>
    %min3A_1603 = arith.minsi %add3A_1588, %min3A_1602 : vector<16xi32>
    %add3A_1604 = arith.addi %mul3A_1600, %min3A_1603 : vector<16xi32>
    %swap3A_1605 = arith.constant 64 : index
    %swap3A_1606 = tpu.vector_load %arg11[%swap3A_1605] {strides = array<i32>} : memref<128xi32, #tpu.memory_space<vmem>>, vector<16xi32>,
    tpu.vector_store %arg11[%swap3A_1605], %add3A_1604 {strides = array<i32>} : memref<128xi32, #tpu.memory_space<vmem>>, vector<16xi32>,
    %swap3A_1607 = arith.constant 64 : index
    %swap3A_1608 = tpu.vector_load %arg12[%swap3A_1607] {strides = array<i32>} : memref<128xi32, #tpu.memory_space<vmem>>, vector<16xi32>,
    tpu.vector_store %arg12[%swap3A_1607], %convert_element_type3A_1597 {strides = array<i32>} : memref<128xi32, #tpu.memory_space<vmem>>, vector<16xi32>,
    %eq3A_1609 = arith.constant 1 : i32
    %eq3A_1610 = vector.broadcast %eq3A_1609 : i32 to vector<16xi32>
    %eq3A_1611 = arith.cmpi eq, %convert_element_type3A_1597, %eq3A_1610 : vector<16xi32>
    %add3A_1612 = arith.constant 5120 : i32
    %add3A_1613 = arith.addi %add3A_1612, %add3A : i32
    %broadcast_in_dim3A_1614 = vector.broadcast %add3A_1613 : i32 to vector<16xi32>
    %select_n3A_1615 = arith.select %eq3A_1611, %add3A_1604, %broadcast_in_dim3A_1614 : vector<16xi1>, vector<16xi32>
    %swap3A_1616 = arith.constant 0 : index
    %swap3A_1617 = tpu.vector_load %arg14[%swap3A_1616] {strides = array<i32>} : memref<64xi32, #tpu.memory_space<vmem>>, vector<16xi32>,
    tpu.vector_store %arg14[%swap3A_1616], %select_n3A_1615 {strides = array<i32>} : memref<64xi32, #tpu.memory_space<vmem>>, vector<16xi32>,
    %get3A_1618 = arith.constant 80 : index
    %get3A_1619 = tpu.vector_load %arg10[%get3A_1618] {strides = array<i32>} : memref<128xi32, #tpu.memory_space<vmem>>, vector<16xi32>,
    %broadcast_in_dim3A_1620 = arith.constant 0 : i32
    %broadcast_in_dim3A_1621 = vector.broadcast %broadcast_in_dim3A_1620 : i32 to vector<16xi32>
    %broadcast_in_dim3A_1622 = arith.constant 0 : i32
    %broadcast_in_dim3A_1623 = vector.broadcast %broadcast_in_dim3A_1622 : i32 to vector<16xi32>
    %eq3A_1624 = arith.constant 0 : i32
    %eq3A_1625 = vector.broadcast %eq3A_1624 : i32 to vector<16xi32>
    %eq3A_1626 = arith.cmpi eq, %get3A_1619, %eq3A_1625 : vector<16xi32>
    %convert_element_type3A_1627 = arith.extui %eq3A_1626 : vector<16xi1> to vector<16xi32>
    %broadcast_in_dim3A_1628 = arith.constant true
    %broadcast_in_dim3A_1629 = vector.broadcast %broadcast_in_dim3A_1628 : i1 to vector<16xi1>
    %masked_cumsum3A_1630 = tpu.scan <sum>, %convert_element_type3A_1627 masked %broadcast_in_dim3A_1629 : vector<16xi32>, vector<16xi1> -> vector<16xi32>
    %sub3A_1631 = arith.constant 1 : i32
    %sub3A_1632 = vector.broadcast %sub3A_1631 : i32 to vector<16xi32>
    %sub3A_1633 = arith.subi %masked_cumsum3A_1630, %sub3A_1632 : vector<16xi32>
    %mul3A_1634 = arith.muli %sub3A_1633, %convert_element_type3A_1627 : vector<16xi32>
    %add3A_1635 = arith.addi %broadcast_in_dim3A_1621, %mul3A_1634 : vector<16xi32>
    %eq3A_1636 = arith.constant 0 : i32
    %eq3A_1637 = vector.broadcast %eq3A_1636 : i32 to vector<16xi32>
    %eq3A_1638 = arith.cmpi eq, %iota3A, %eq3A_1637 : vector<16xi32>
    %reduce_max3A_1639 = arith.constant true
    %reduce_max3A_1640 = vector.broadcast %reduce_max3A_1639 : i1 to vector<16xi1>
    %reduce_max3A_1641 = arith.constant -2147483648 : i32
    %reduce_max3A_1642 = vector.broadcast %reduce_max3A_1641 : i32 to vector<16xi32>
    %reduce_max3A_1643 = arith.xori %masked_cumsum3A_1630, %reduce_max3A_1642 : vector<16xi32>
    %reduce_max3A_1644 = tpu.scan <max>, %reduce_max3A_1643 masked %reduce_max3A_1640 : vector<16xi32>, vector<16xi1> -> vector<16xi32>
    %reduce_max3A_1645 = arith.xori %reduce_max3A_1644, %reduce_max3A_1642 : vector<16xi32>
    %reduce_max3A_1646 = vector.extract %reduce_max3A_1645[15] : i32 from vector<16xi32>
    %jit3A_1647 = arith.constant 0 : i32
    %broadcast_in_dim3A_1648 = vector.broadcast %reduce_max3A_1646 : i32 to vector<16xi32>
    %broadcast_in_dim3A_1649 = vector.broadcast %jit3A_1647 : i32 to vector<16xi32>
    %select_n3A_1650 = arith.select %eq3A_1638, %broadcast_in_dim3A_1648, %broadcast_in_dim3A_1649 : vector<16xi1>, vector<16xi32>
    %add3A_1651 = arith.addi %broadcast_in_dim3A_1623, %select_n3A_1650 : vector<16xi32>
    %eq3A_1652 = arith.constant 1 : i32
    %eq3A_1653 = vector.broadcast %eq3A_1652 : i32 to vector<16xi32>
    %eq3A_1654 = arith.cmpi eq, %get3A_1619, %eq3A_1653 : vector<16xi32>
    %convert_element_type3A_1655 = arith.extui %eq3A_1654 : vector<16xi1> to vector<16xi32>
    %broadcast_in_dim3A_1656 = arith.constant true
    %broadcast_in_dim3A_1657 = vector.broadcast %broadcast_in_dim3A_1656 : i1 to vector<16xi1>
    %masked_cumsum3A_1658 = tpu.scan <sum>, %convert_element_type3A_1655 masked %broadcast_in_dim3A_1657 : vector<16xi32>, vector<16xi1> -> vector<16xi32>
    %sub3A_1659 = arith.constant 1 : i32
    %sub3A_1660 = vector.broadcast %sub3A_1659 : i32 to vector<16xi32>
    %sub3A_1661 = arith.subi %masked_cumsum3A_1658, %sub3A_1660 : vector<16xi32>
    %mul3A_1662 = arith.muli %sub3A_1661, %convert_element_type3A_1655 : vector<16xi32>
    %add3A_1663 = arith.addi %add3A_1635, %mul3A_1662 : vector<16xi32>
    %eq3A_1664 = arith.constant 1 : i32
    %eq3A_1665 = vector.broadcast %eq3A_1664 : i32 to vector<16xi32>
    %eq3A_1666 = arith.cmpi eq, %iota3A, %eq3A_1665 : vector<16xi32>
    %reduce_max3A_1667 = arith.constant true
    %reduce_max3A_1668 = vector.broadcast %reduce_max3A_1667 : i1 to vector<16xi1>
    %reduce_max3A_1669 = arith.constant -2147483648 : i32
    %reduce_max3A_1670 = vector.broadcast %reduce_max3A_1669 : i32 to vector<16xi32>
    %reduce_max3A_1671 = arith.xori %masked_cumsum3A_1658, %reduce_max3A_1670 : vector<16xi32>
    %reduce_max3A_1672 = tpu.scan <max>, %reduce_max3A_1671 masked %reduce_max3A_1668 : vector<16xi32>, vector<16xi1> -> vector<16xi32>
    %reduce_max3A_1673 = arith.xori %reduce_max3A_1672, %reduce_max3A_1670 : vector<16xi32>
    %reduce_max3A_1674 = vector.extract %reduce_max3A_1673[15] : i32 from vector<16xi32>
    %jit3A_1675 = arith.constant 0 : i32
    %broadcast_in_dim3A_1676 = vector.broadcast %reduce_max3A_1674 : i32 to vector<16xi32>
    %broadcast_in_dim3A_1677 = vector.broadcast %jit3A_1675 : i32 to vector<16xi32>
    %select_n3A_1678 = arith.select %eq3A_1666, %broadcast_in_dim3A_1676, %broadcast_in_dim3A_1677 : vector<16xi1>, vector<16xi32>
    %add3A_1679 = arith.addi %add3A_1651, %select_n3A_1678 : vector<16xi32>
    %eq3A_1680 = arith.constant 2 : i32
    %eq3A_1681 = vector.broadcast %eq3A_1680 : i32 to vector<16xi32>
    %eq3A_1682 = arith.cmpi eq, %get3A_1619, %eq3A_1681 : vector<16xi32>
    %convert_element_type3A_1683 = arith.extui %eq3A_1682 : vector<16xi1> to vector<16xi32>
    %broadcast_in_dim3A_1684 = arith.constant true
    %broadcast_in_dim3A_1685 = vector.broadcast %broadcast_in_dim3A_1684 : i1 to vector<16xi1>
    %masked_cumsum3A_1686 = tpu.scan <sum>, %convert_element_type3A_1683 masked %broadcast_in_dim3A_1685 : vector<16xi32>, vector<16xi1> -> vector<16xi32>
    %sub3A_1687 = arith.constant 1 : i32
    %sub3A_1688 = vector.broadcast %sub3A_1687 : i32 to vector<16xi32>
    %sub3A_1689 = arith.subi %masked_cumsum3A_1686, %sub3A_1688 : vector<16xi32>
    %mul3A_1690 = arith.muli %sub3A_1689, %convert_element_type3A_1683 : vector<16xi32>
    %add3A_1691 = arith.addi %add3A_1663, %mul3A_1690 : vector<16xi32>
    %eq3A_1692 = arith.constant 2 : i32
    %eq3A_1693 = vector.broadcast %eq3A_1692 : i32 to vector<16xi32>
    %eq3A_1694 = arith.cmpi eq, %iota3A, %eq3A_1693 : vector<16xi32>
    %reduce_max3A_1695 = arith.constant true
    %reduce_max3A_1696 = vector.broadcast %reduce_max3A_1695 : i1 to vector<16xi1>
    %reduce_max3A_1697 = arith.constant -2147483648 : i32
    %reduce_max3A_1698 = vector.broadcast %reduce_max3A_1697 : i32 to vector<16xi32>
    %reduce_max3A_1699 = arith.xori %masked_cumsum3A_1686, %reduce_max3A_1698 : vector<16xi32>
    %reduce_max3A_1700 = tpu.scan <max>, %reduce_max3A_1699 masked %reduce_max3A_1696 : vector<16xi32>, vector<16xi1> -> vector<16xi32>
    %reduce_max3A_1701 = arith.xori %reduce_max3A_1700, %reduce_max3A_1698 : vector<16xi32>
    %reduce_max3A_1702 = vector.extract %reduce_max3A_1701[15] : i32 from vector<16xi32>
    %jit3A_1703 = arith.constant 0 : i32
    %broadcast_in_dim3A_1704 = vector.broadcast %reduce_max3A_1702 : i32 to vector<16xi32>
    %broadcast_in_dim3A_1705 = vector.broadcast %jit3A_1703 : i32 to vector<16xi32>
    %select_n3A_1706 = arith.select %eq3A_1694, %broadcast_in_dim3A_1704, %broadcast_in_dim3A_1705 : vector<16xi1>, vector<16xi32>
    %add3A_1707 = arith.addi %add3A_1679, %select_n3A_1706 : vector<16xi32>
    %eq3A_1708 = arith.constant 3 : i32
    %eq3A_1709 = vector.broadcast %eq3A_1708 : i32 to vector<16xi32>
    %eq3A_1710 = arith.cmpi eq, %get3A_1619, %eq3A_1709 : vector<16xi32>
    %convert_element_type3A_1711 = arith.extui %eq3A_1710 : vector<16xi1> to vector<16xi32>
    %broadcast_in_dim3A_1712 = arith.constant true
    %broadcast_in_dim3A_1713 = vector.broadcast %broadcast_in_dim3A_1712 : i1 to vector<16xi1>
    %masked_cumsum3A_1714 = tpu.scan <sum>, %convert_element_type3A_1711 masked %broadcast_in_dim3A_1713 : vector<16xi32>, vector<16xi1> -> vector<16xi32>
    %sub3A_1715 = arith.constant 1 : i32
    %sub3A_1716 = vector.broadcast %sub3A_1715 : i32 to vector<16xi32>
    %sub3A_1717 = arith.subi %masked_cumsum3A_1714, %sub3A_1716 : vector<16xi32>
    %mul3A_1718 = arith.muli %sub3A_1717, %convert_element_type3A_1711 : vector<16xi32>
    %add3A_1719 = arith.addi %add3A_1691, %mul3A_1718 : vector<16xi32>
    %eq3A_1720 = arith.constant 3 : i32
    %eq3A_1721 = vector.broadcast %eq3A_1720 : i32 to vector<16xi32>
    %eq3A_1722 = arith.cmpi eq, %iota3A, %eq3A_1721 : vector<16xi32>
    %reduce_max3A_1723 = arith.constant true
    %reduce_max3A_1724 = vector.broadcast %reduce_max3A_1723 : i1 to vector<16xi1>
    %reduce_max3A_1725 = arith.constant -2147483648 : i32
    %reduce_max3A_1726 = vector.broadcast %reduce_max3A_1725 : i32 to vector<16xi32>
    %reduce_max3A_1727 = arith.xori %masked_cumsum3A_1714, %reduce_max3A_1726 : vector<16xi32>
    %reduce_max3A_1728 = tpu.scan <max>, %reduce_max3A_1727 masked %reduce_max3A_1724 : vector<16xi32>, vector<16xi1> -> vector<16xi32>
    %reduce_max3A_1729 = arith.xori %reduce_max3A_1728, %reduce_max3A_1726 : vector<16xi32>
    %reduce_max3A_1730 = vector.extract %reduce_max3A_1729[15] : i32 from vector<16xi32>
    %jit3A_1731 = arith.constant 0 : i32
    %broadcast_in_dim3A_1732 = vector.broadcast %reduce_max3A_1730 : i32 to vector<16xi32>
    %broadcast_in_dim3A_1733 = vector.broadcast %jit3A_1731 : i32 to vector<16xi32>
    %select_n3A_1734 = arith.select %eq3A_1722, %broadcast_in_dim3A_1732, %broadcast_in_dim3A_1733 : vector<16xi1>, vector<16xi32>
    %add3A_1735 = arith.addi %add3A_1707, %select_n3A_1734 : vector<16xi32>
    %eq3A_1736 = arith.constant 4 : i32
    %eq3A_1737 = vector.broadcast %eq3A_1736 : i32 to vector<16xi32>
    %eq3A_1738 = arith.cmpi eq, %get3A_1619, %eq3A_1737 : vector<16xi32>
    %convert_element_type3A_1739 = arith.extui %eq3A_1738 : vector<16xi1> to vector<16xi32>
    %broadcast_in_dim3A_1740 = arith.constant true
    %broadcast_in_dim3A_1741 = vector.broadcast %broadcast_in_dim3A_1740 : i1 to vector<16xi1>
    %masked_cumsum3A_1742 = tpu.scan <sum>, %convert_element_type3A_1739 masked %broadcast_in_dim3A_1741 : vector<16xi32>, vector<16xi1> -> vector<16xi32>
    %sub3A_1743 = arith.constant 1 : i32
    %sub3A_1744 = vector.broadcast %sub3A_1743 : i32 to vector<16xi32>
    %sub3A_1745 = arith.subi %masked_cumsum3A_1742, %sub3A_1744 : vector<16xi32>
    %mul3A_1746 = arith.muli %sub3A_1745, %convert_element_type3A_1739 : vector<16xi32>
    %add3A_1747 = arith.addi %add3A_1719, %mul3A_1746 : vector<16xi32>
    %eq3A_1748 = arith.constant 4 : i32
    %eq3A_1749 = vector.broadcast %eq3A_1748 : i32 to vector<16xi32>
    %eq3A_1750 = arith.cmpi eq, %iota3A, %eq3A_1749 : vector<16xi32>
    %reduce_max3A_1751 = arith.constant true
    %reduce_max3A_1752 = vector.broadcast %reduce_max3A_1751 : i1 to vector<16xi1>
    %reduce_max3A_1753 = arith.constant -2147483648 : i32
    %reduce_max3A_1754 = vector.broadcast %reduce_max3A_1753 : i32 to vector<16xi32>
    %reduce_max3A_1755 = arith.xori %masked_cumsum3A_1742, %reduce_max3A_1754 : vector<16xi32>
    %reduce_max3A_1756 = tpu.scan <max>, %reduce_max3A_1755 masked %reduce_max3A_1752 : vector<16xi32>, vector<16xi1> -> vector<16xi32>
    %reduce_max3A_1757 = arith.xori %reduce_max3A_1756, %reduce_max3A_1754 : vector<16xi32>
    %reduce_max3A_1758 = vector.extract %reduce_max3A_1757[15] : i32 from vector<16xi32>
    %jit3A_1759 = arith.constant 0 : i32
    %broadcast_in_dim3A_1760 = vector.broadcast %reduce_max3A_1758 : i32 to vector<16xi32>
    %broadcast_in_dim3A_1761 = vector.broadcast %jit3A_1759 : i32 to vector<16xi32>
    %select_n3A_1762 = arith.select %eq3A_1750, %broadcast_in_dim3A_1760, %broadcast_in_dim3A_1761 : vector<16xi1>, vector<16xi32>
    %add3A_1763 = arith.addi %add3A_1735, %select_n3A_1762 : vector<16xi32>
    %eq3A_1764 = arith.constant 5 : i32
    %eq3A_1765 = vector.broadcast %eq3A_1764 : i32 to vector<16xi32>
    %eq3A_1766 = arith.cmpi eq, %get3A_1619, %eq3A_1765 : vector<16xi32>
    %convert_element_type3A_1767 = arith.extui %eq3A_1766 : vector<16xi1> to vector<16xi32>
    %broadcast_in_dim3A_1768 = arith.constant true
    %broadcast_in_dim3A_1769 = vector.broadcast %broadcast_in_dim3A_1768 : i1 to vector<16xi1>
    %masked_cumsum3A_1770 = tpu.scan <sum>, %convert_element_type3A_1767 masked %broadcast_in_dim3A_1769 : vector<16xi32>, vector<16xi1> -> vector<16xi32>
    %sub3A_1771 = arith.constant 1 : i32
    %sub3A_1772 = vector.broadcast %sub3A_1771 : i32 to vector<16xi32>
    %sub3A_1773 = arith.subi %masked_cumsum3A_1770, %sub3A_1772 : vector<16xi32>
    %mul3A_1774 = arith.muli %sub3A_1773, %convert_element_type3A_1767 : vector<16xi32>
    %add3A_1775 = arith.addi %add3A_1747, %mul3A_1774 : vector<16xi32>
    %eq3A_1776 = arith.constant 5 : i32
    %eq3A_1777 = vector.broadcast %eq3A_1776 : i32 to vector<16xi32>
    %eq3A_1778 = arith.cmpi eq, %iota3A, %eq3A_1777 : vector<16xi32>
    %reduce_max3A_1779 = arith.constant true
    %reduce_max3A_1780 = vector.broadcast %reduce_max3A_1779 : i1 to vector<16xi1>
    %reduce_max3A_1781 = arith.constant -2147483648 : i32
    %reduce_max3A_1782 = vector.broadcast %reduce_max3A_1781 : i32 to vector<16xi32>
    %reduce_max3A_1783 = arith.xori %masked_cumsum3A_1770, %reduce_max3A_1782 : vector<16xi32>
    %reduce_max3A_1784 = tpu.scan <max>, %reduce_max3A_1783 masked %reduce_max3A_1780 : vector<16xi32>, vector<16xi1> -> vector<16xi32>
    %reduce_max3A_1785 = arith.xori %reduce_max3A_1784, %reduce_max3A_1782 : vector<16xi32>
    %reduce_max3A_1786 = vector.extract %reduce_max3A_1785[15] : i32 from vector<16xi32>
    %jit3A_1787 = arith.constant 0 : i32
    %broadcast_in_dim3A_1788 = vector.broadcast %reduce_max3A_1786 : i32 to vector<16xi32>
    %broadcast_in_dim3A_1789 = vector.broadcast %jit3A_1787 : i32 to vector<16xi32>
    %select_n3A_1790 = arith.select %eq3A_1778, %broadcast_in_dim3A_1788, %broadcast_in_dim3A_1789 : vector<16xi1>, vector<16xi32>
    %add3A_1791 = arith.addi %add3A_1763, %select_n3A_1790 : vector<16xi32>
    %eq3A_1792 = arith.constant 6 : i32
    %eq3A_1793 = vector.broadcast %eq3A_1792 : i32 to vector<16xi32>
    %eq3A_1794 = arith.cmpi eq, %get3A_1619, %eq3A_1793 : vector<16xi32>
    %convert_element_type3A_1795 = arith.extui %eq3A_1794 : vector<16xi1> to vector<16xi32>
    %broadcast_in_dim3A_1796 = arith.constant true
    %broadcast_in_dim3A_1797 = vector.broadcast %broadcast_in_dim3A_1796 : i1 to vector<16xi1>
    %masked_cumsum3A_1798 = tpu.scan <sum>, %convert_element_type3A_1795 masked %broadcast_in_dim3A_1797 : vector<16xi32>, vector<16xi1> -> vector<16xi32>
    %sub3A_1799 = arith.constant 1 : i32
    %sub3A_1800 = vector.broadcast %sub3A_1799 : i32 to vector<16xi32>
    %sub3A_1801 = arith.subi %masked_cumsum3A_1798, %sub3A_1800 : vector<16xi32>
    %mul3A_1802 = arith.muli %sub3A_1801, %convert_element_type3A_1795 : vector<16xi32>
    %add3A_1803 = arith.addi %add3A_1775, %mul3A_1802 : vector<16xi32>
    %eq3A_1804 = arith.constant 6 : i32
    %eq3A_1805 = vector.broadcast %eq3A_1804 : i32 to vector<16xi32>
    %eq3A_1806 = arith.cmpi eq, %iota3A, %eq3A_1805 : vector<16xi32>
    %reduce_max3A_1807 = arith.constant true
    %reduce_max3A_1808 = vector.broadcast %reduce_max3A_1807 : i1 to vector<16xi1>
    %reduce_max3A_1809 = arith.constant -2147483648 : i32
    %reduce_max3A_1810 = vector.broadcast %reduce_max3A_1809 : i32 to vector<16xi32>
    %reduce_max3A_1811 = arith.xori %masked_cumsum3A_1798, %reduce_max3A_1810 : vector<16xi32>
    %reduce_max3A_1812 = tpu.scan <max>, %reduce_max3A_1811 masked %reduce_max3A_1808 : vector<16xi32>, vector<16xi1> -> vector<16xi32>
    %reduce_max3A_1813 = arith.xori %reduce_max3A_1812, %reduce_max3A_1810 : vector<16xi32>
    %reduce_max3A_1814 = vector.extract %reduce_max3A_1813[15] : i32 from vector<16xi32>
    %jit3A_1815 = arith.constant 0 : i32
    %broadcast_in_dim3A_1816 = vector.broadcast %reduce_max3A_1814 : i32 to vector<16xi32>
    %broadcast_in_dim3A_1817 = vector.broadcast %jit3A_1815 : i32 to vector<16xi32>
    %select_n3A_1818 = arith.select %eq3A_1806, %broadcast_in_dim3A_1816, %broadcast_in_dim3A_1817 : vector<16xi1>, vector<16xi32>
    %add3A_1819 = arith.addi %add3A_1791, %select_n3A_1818 : vector<16xi32>
    %eq3A_1820 = arith.constant 7 : i32
    %eq3A_1821 = vector.broadcast %eq3A_1820 : i32 to vector<16xi32>
    %eq3A_1822 = arith.cmpi eq, %get3A_1619, %eq3A_1821 : vector<16xi32>
    %convert_element_type3A_1823 = arith.extui %eq3A_1822 : vector<16xi1> to vector<16xi32>
    %broadcast_in_dim3A_1824 = arith.constant true
    %broadcast_in_dim3A_1825 = vector.broadcast %broadcast_in_dim3A_1824 : i1 to vector<16xi1>
    %masked_cumsum3A_1826 = tpu.scan <sum>, %convert_element_type3A_1823 masked %broadcast_in_dim3A_1825 : vector<16xi32>, vector<16xi1> -> vector<16xi32>
    %sub3A_1827 = arith.constant 1 : i32
    %sub3A_1828 = vector.broadcast %sub3A_1827 : i32 to vector<16xi32>
    %sub3A_1829 = arith.subi %masked_cumsum3A_1826, %sub3A_1828 : vector<16xi32>
    %mul3A_1830 = arith.muli %sub3A_1829, %convert_element_type3A_1823 : vector<16xi32>
    %add3A_1831 = arith.addi %add3A_1803, %mul3A_1830 : vector<16xi32>
    %eq3A_1832 = arith.constant 7 : i32
    %eq3A_1833 = vector.broadcast %eq3A_1832 : i32 to vector<16xi32>
    %eq3A_1834 = arith.cmpi eq, %iota3A, %eq3A_1833 : vector<16xi32>
    %reduce_max3A_1835 = arith.constant true
    %reduce_max3A_1836 = vector.broadcast %reduce_max3A_1835 : i1 to vector<16xi1>
    %reduce_max3A_1837 = arith.constant -2147483648 : i32
    %reduce_max3A_1838 = vector.broadcast %reduce_max3A_1837 : i32 to vector<16xi32>
    %reduce_max3A_1839 = arith.xori %masked_cumsum3A_1826, %reduce_max3A_1838 : vector<16xi32>
    %reduce_max3A_1840 = tpu.scan <max>, %reduce_max3A_1839 masked %reduce_max3A_1836 : vector<16xi32>, vector<16xi1> -> vector<16xi32>
    %reduce_max3A_1841 = arith.xori %reduce_max3A_1840, %reduce_max3A_1838 : vector<16xi32>
    %reduce_max3A_1842 = vector.extract %reduce_max3A_1841[15] : i32 from vector<16xi32>
    %jit3A_1843 = arith.constant 0 : i32
    %broadcast_in_dim3A_1844 = vector.broadcast %reduce_max3A_1842 : i32 to vector<16xi32>
    %broadcast_in_dim3A_1845 = vector.broadcast %jit3A_1843 : i32 to vector<16xi32>
    %select_n3A_1846 = arith.select %eq3A_1834, %broadcast_in_dim3A_1844, %broadcast_in_dim3A_1845 : vector<16xi1>, vector<16xi32>
    %add3A_1847 = arith.addi %add3A_1819, %select_n3A_1846 : vector<16xi32>
    %gather3A_1848 = tpu.vector_load_idx %arg9[%get3A_1619] : memref<16xi32, #tpu.memory_space<vmem>>[vector<16xi32>], vector<16xi32>,
    %add3A_1849 = arith.addi %gather3A_1848, %add3A_1831 : vector<16xi32>
    %get3A_1850 = arith.constant 0 : index
    %get3A_1851 = tpu.vector_load %arg9[%get3A_1850] {strides = array<i32>} : memref<16xi32, #tpu.memory_space<vmem>>, vector<16xi32>,
    %add3A_1852 = arith.addi %get3A_1851, %add3A_1847 : vector<16xi32>
    %swap3A_1853 = arith.constant 0 : index
    %swap3A_1854 = tpu.vector_load %arg9[%swap3A_1853] {strides = array<i32>} : memref<16xi32, #tpu.memory_space<vmem>>, vector<16xi32>,
    tpu.vector_store %arg9[%swap3A_1853], %add3A_1852 {strides = array<i32>} : memref<16xi32, #tpu.memory_space<vmem>>, vector<16xi32>,
    %lt3A_1855 = arith.constant 640 : i32
    %lt3A_1856 = vector.broadcast %lt3A_1855 : i32 to vector<16xi32>
    %lt3A_1857 = arith.cmpi slt, %add3A_1849, %lt3A_1856 : vector<16xi32>
    %convert_element_type3A_1858 = arith.extui %lt3A_1857 : vector<16xi1> to vector<16xi32>
    %mul3A_1859 = arith.constant 640 : i32
    %mul3A_1860 = vector.broadcast %mul3A_1859 : i32 to vector<16xi32>
    %mul3A_1861 = arith.muli %get3A_1619, %mul3A_1860 : vector<16xi32>
    %min3A_1862 = arith.constant 639 : i32
    %min3A_1863 = vector.broadcast %min3A_1862 : i32 to vector<16xi32>
    %min3A_1864 = arith.minsi %add3A_1849, %min3A_1863 : vector<16xi32>
    %add3A_1865 = arith.addi %mul3A_1861, %min3A_1864 : vector<16xi32>
    %swap3A_1866 = arith.constant 80 : index
    %swap3A_1867 = tpu.vector_load %arg11[%swap3A_1866] {strides = array<i32>} : memref<128xi32, #tpu.memory_space<vmem>>, vector<16xi32>,
    tpu.vector_store %arg11[%swap3A_1866], %add3A_1865 {strides = array<i32>} : memref<128xi32, #tpu.memory_space<vmem>>, vector<16xi32>,
    %swap3A_1868 = arith.constant 80 : index
    %swap3A_1869 = tpu.vector_load %arg12[%swap3A_1868] {strides = array<i32>} : memref<128xi32, #tpu.memory_space<vmem>>, vector<16xi32>,
    tpu.vector_store %arg12[%swap3A_1868], %convert_element_type3A_1858 {strides = array<i32>} : memref<128xi32, #tpu.memory_space<vmem>>, vector<16xi32>,
    %eq3A_1870 = arith.constant 1 : i32
    %eq3A_1871 = vector.broadcast %eq3A_1870 : i32 to vector<16xi32>
    %eq3A_1872 = arith.cmpi eq, %convert_element_type3A_1858, %eq3A_1871 : vector<16xi32>
    %add3A_1873 = arith.constant 5120 : i32
    %add3A_1874 = arith.addi %add3A_1873, %add3A : i32
    %broadcast_in_dim3A_1875 = vector.broadcast %add3A_1874 : i32 to vector<16xi32>
    %select_n3A_1876 = arith.select %eq3A_1872, %add3A_1865, %broadcast_in_dim3A_1875 : vector<16xi1>, vector<16xi32>
    %swap3A_1877 = arith.constant 16 : index
    %swap3A_1878 = tpu.vector_load %arg14[%swap3A_1877] {strides = array<i32>} : memref<64xi32, #tpu.memory_space<vmem>>, vector<16xi32>,
    tpu.vector_store %arg14[%swap3A_1877], %select_n3A_1876 {strides = array<i32>} : memref<64xi32, #tpu.memory_space<vmem>>, vector<16xi32>,
    %get3A_1879 = arith.constant 96 : index
    %get3A_1880 = tpu.vector_load %arg10[%get3A_1879] {strides = array<i32>} : memref<128xi32, #tpu.memory_space<vmem>>, vector<16xi32>,
    %broadcast_in_dim3A_1881 = arith.constant 0 : i32
    %broadcast_in_dim3A_1882 = vector.broadcast %broadcast_in_dim3A_1881 : i32 to vector<16xi32>
    %broadcast_in_dim3A_1883 = arith.constant 0 : i32
    %broadcast_in_dim3A_1884 = vector.broadcast %broadcast_in_dim3A_1883 : i32 to vector<16xi32>
    %eq3A_1885 = arith.constant 0 : i32
    %eq3A_1886 = vector.broadcast %eq3A_1885 : i32 to vector<16xi32>
    %eq3A_1887 = arith.cmpi eq, %get3A_1880, %eq3A_1886 : vector<16xi32>
    %convert_element_type3A_1888 = arith.extui %eq3A_1887 : vector<16xi1> to vector<16xi32>
    %broadcast_in_dim3A_1889 = arith.constant true
    %broadcast_in_dim3A_1890 = vector.broadcast %broadcast_in_dim3A_1889 : i1 to vector<16xi1>
    %masked_cumsum3A_1891 = tpu.scan <sum>, %convert_element_type3A_1888 masked %broadcast_in_dim3A_1890 : vector<16xi32>, vector<16xi1> -> vector<16xi32>
    %sub3A_1892 = arith.constant 1 : i32
    %sub3A_1893 = vector.broadcast %sub3A_1892 : i32 to vector<16xi32>
    %sub3A_1894 = arith.subi %masked_cumsum3A_1891, %sub3A_1893 : vector<16xi32>
    %mul3A_1895 = arith.muli %sub3A_1894, %convert_element_type3A_1888 : vector<16xi32>
    %add3A_1896 = arith.addi %broadcast_in_dim3A_1882, %mul3A_1895 : vector<16xi32>
    %eq3A_1897 = arith.constant 0 : i32
    %eq3A_1898 = vector.broadcast %eq3A_1897 : i32 to vector<16xi32>
    %eq3A_1899 = arith.cmpi eq, %iota3A, %eq3A_1898 : vector<16xi32>
    %reduce_max3A_1900 = arith.constant true
    %reduce_max3A_1901 = vector.broadcast %reduce_max3A_1900 : i1 to vector<16xi1>
    %reduce_max3A_1902 = arith.constant -2147483648 : i32
    %reduce_max3A_1903 = vector.broadcast %reduce_max3A_1902 : i32 to vector<16xi32>
    %reduce_max3A_1904 = arith.xori %masked_cumsum3A_1891, %reduce_max3A_1903 : vector<16xi32>
    %reduce_max3A_1905 = tpu.scan <max>, %reduce_max3A_1904 masked %reduce_max3A_1901 : vector<16xi32>, vector<16xi1> -> vector<16xi32>
    %reduce_max3A_1906 = arith.xori %reduce_max3A_1905, %reduce_max3A_1903 : vector<16xi32>
    %reduce_max3A_1907 = vector.extract %reduce_max3A_1906[15] : i32 from vector<16xi32>
    %jit3A_1908 = arith.constant 0 : i32
    %broadcast_in_dim3A_1909 = vector.broadcast %reduce_max3A_1907 : i32 to vector<16xi32>
    %broadcast_in_dim3A_1910 = vector.broadcast %jit3A_1908 : i32 to vector<16xi32>
    %select_n3A_1911 = arith.select %eq3A_1899, %broadcast_in_dim3A_1909, %broadcast_in_dim3A_1910 : vector<16xi1>, vector<16xi32>
    %add3A_1912 = arith.addi %broadcast_in_dim3A_1884, %select_n3A_1911 : vector<16xi32>
    %eq3A_1913 = arith.constant 1 : i32
    %eq3A_1914 = vector.broadcast %eq3A_1913 : i32 to vector<16xi32>
    %eq3A_1915 = arith.cmpi eq, %get3A_1880, %eq3A_1914 : vector<16xi32>
    %convert_element_type3A_1916 = arith.extui %eq3A_1915 : vector<16xi1> to vector<16xi32>
    %broadcast_in_dim3A_1917 = arith.constant true
    %broadcast_in_dim3A_1918 = vector.broadcast %broadcast_in_dim3A_1917 : i1 to vector<16xi1>
    %masked_cumsum3A_1919 = tpu.scan <sum>, %convert_element_type3A_1916 masked %broadcast_in_dim3A_1918 : vector<16xi32>, vector<16xi1> -> vector<16xi32>
    %sub3A_1920 = arith.constant 1 : i32
    %sub3A_1921 = vector.broadcast %sub3A_1920 : i32 to vector<16xi32>
    %sub3A_1922 = arith.subi %masked_cumsum3A_1919, %sub3A_1921 : vector<16xi32>
    %mul3A_1923 = arith.muli %sub3A_1922, %convert_element_type3A_1916 : vector<16xi32>
    %add3A_1924 = arith.addi %add3A_1896, %mul3A_1923 : vector<16xi32>
    %eq3A_1925 = arith.constant 1 : i32
    %eq3A_1926 = vector.broadcast %eq3A_1925 : i32 to vector<16xi32>
    %eq3A_1927 = arith.cmpi eq, %iota3A, %eq3A_1926 : vector<16xi32>
    %reduce_max3A_1928 = arith.constant true
    %reduce_max3A_1929 = vector.broadcast %reduce_max3A_1928 : i1 to vector<16xi1>
    %reduce_max3A_1930 = arith.constant -2147483648 : i32
    %reduce_max3A_1931 = vector.broadcast %reduce_max3A_1930 : i32 to vector<16xi32>
    %reduce_max3A_1932 = arith.xori %masked_cumsum3A_1919, %reduce_max3A_1931 : vector<16xi32>
    %reduce_max3A_1933 = tpu.scan <max>, %reduce_max3A_1932 masked %reduce_max3A_1929 : vector<16xi32>, vector<16xi1> -> vector<16xi32>
    %reduce_max3A_1934 = arith.xori %reduce_max3A_1933, %reduce_max3A_1931 : vector<16xi32>
    %reduce_max3A_1935 = vector.extract %reduce_max3A_1934[15] : i32 from vector<16xi32>
    %jit3A_1936 = arith.constant 0 : i32
    %broadcast_in_dim3A_1937 = vector.broadcast %reduce_max3A_1935 : i32 to vector<16xi32>
    %broadcast_in_dim3A_1938 = vector.broadcast %jit3A_1936 : i32 to vector<16xi32>
    %select_n3A_1939 = arith.select %eq3A_1927, %broadcast_in_dim3A_1937, %broadcast_in_dim3A_1938 : vector<16xi1>, vector<16xi32>
    %add3A_1940 = arith.addi %add3A_1912, %select_n3A_1939 : vector<16xi32>
    %eq3A_1941 = arith.constant 2 : i32
    %eq3A_1942 = vector.broadcast %eq3A_1941 : i32 to vector<16xi32>
    %eq3A_1943 = arith.cmpi eq, %get3A_1880, %eq3A_1942 : vector<16xi32>
    %convert_element_type3A_1944 = arith.extui %eq3A_1943 : vector<16xi1> to vector<16xi32>
    %broadcast_in_dim3A_1945 = arith.constant true
    %broadcast_in_dim3A_1946 = vector.broadcast %broadcast_in_dim3A_1945 : i1 to vector<16xi1>
    %masked_cumsum3A_1947 = tpu.scan <sum>, %convert_element_type3A_1944 masked %broadcast_in_dim3A_1946 : vector<16xi32>, vector<16xi1> -> vector<16xi32>
    %sub3A_1948 = arith.constant 1 : i32
    %sub3A_1949 = vector.broadcast %sub3A_1948 : i32 to vector<16xi32>
    %sub3A_1950 = arith.subi %masked_cumsum3A_1947, %sub3A_1949 : vector<16xi32>
    %mul3A_1951 = arith.muli %sub3A_1950, %convert_element_type3A_1944 : vector<16xi32>
    %add3A_1952 = arith.addi %add3A_1924, %mul3A_1951 : vector<16xi32>
    %eq3A_1953 = arith.constant 2 : i32
    %eq3A_1954 = vector.broadcast %eq3A_1953 : i32 to vector<16xi32>
    %eq3A_1955 = arith.cmpi eq, %iota3A, %eq3A_1954 : vector<16xi32>
    %reduce_max3A_1956 = arith.constant true
    %reduce_max3A_1957 = vector.broadcast %reduce_max3A_1956 : i1 to vector<16xi1>
    %reduce_max3A_1958 = arith.constant -2147483648 : i32
    %reduce_max3A_1959 = vector.broadcast %reduce_max3A_1958 : i32 to vector<16xi32>
    %reduce_max3A_1960 = arith.xori %masked_cumsum3A_1947, %reduce_max3A_1959 : vector<16xi32>
    %reduce_max3A_1961 = tpu.scan <max>, %reduce_max3A_1960 masked %reduce_max3A_1957 : vector<16xi32>, vector<16xi1> -> vector<16xi32>
    %reduce_max3A_1962 = arith.xori %reduce_max3A_1961, %reduce_max3A_1959 : vector<16xi32>
    %reduce_max3A_1963 = vector.extract %reduce_max3A_1962[15] : i32 from vector<16xi32>
    %jit3A_1964 = arith.constant 0 : i32
    %broadcast_in_dim3A_1965 = vector.broadcast %reduce_max3A_1963 : i32 to vector<16xi32>
    %broadcast_in_dim3A_1966 = vector.broadcast %jit3A_1964 : i32 to vector<16xi32>
    %select_n3A_1967 = arith.select %eq3A_1955, %broadcast_in_dim3A_1965, %broadcast_in_dim3A_1966 : vector<16xi1>, vector<16xi32>
    %add3A_1968 = arith.addi %add3A_1940, %select_n3A_1967 : vector<16xi32>
    %eq3A_1969 = arith.constant 3 : i32
    %eq3A_1970 = vector.broadcast %eq3A_1969 : i32 to vector<16xi32>
    %eq3A_1971 = arith.cmpi eq, %get3A_1880, %eq3A_1970 : vector<16xi32>
    %convert_element_type3A_1972 = arith.extui %eq3A_1971 : vector<16xi1> to vector<16xi32>
    %broadcast_in_dim3A_1973 = arith.constant true
    %broadcast_in_dim3A_1974 = vector.broadcast %broadcast_in_dim3A_1973 : i1 to vector<16xi1>
    %masked_cumsum3A_1975 = tpu.scan <sum>, %convert_element_type3A_1972 masked %broadcast_in_dim3A_1974 : vector<16xi32>, vector<16xi1> -> vector<16xi32>
    %sub3A_1976 = arith.constant 1 : i32
    %sub3A_1977 = vector.broadcast %sub3A_1976 : i32 to vector<16xi32>
    %sub3A_1978 = arith.subi %masked_cumsum3A_1975, %sub3A_1977 : vector<16xi32>
    %mul3A_1979 = arith.muli %sub3A_1978, %convert_element_type3A_1972 : vector<16xi32>
    %add3A_1980 = arith.addi %add3A_1952, %mul3A_1979 : vector<16xi32>
    %eq3A_1981 = arith.constant 3 : i32
    %eq3A_1982 = vector.broadcast %eq3A_1981 : i32 to vector<16xi32>
    %eq3A_1983 = arith.cmpi eq, %iota3A, %eq3A_1982 : vector<16xi32>
    %reduce_max3A_1984 = arith.constant true
    %reduce_max3A_1985 = vector.broadcast %reduce_max3A_1984 : i1 to vector<16xi1>
    %reduce_max3A_1986 = arith.constant -2147483648 : i32
    %reduce_max3A_1987 = vector.broadcast %reduce_max3A_1986 : i32 to vector<16xi32>
    %reduce_max3A_1988 = arith.xori %masked_cumsum3A_1975, %reduce_max3A_1987 : vector<16xi32>
    %reduce_max3A_1989 = tpu.scan <max>, %reduce_max3A_1988 masked %reduce_max3A_1985 : vector<16xi32>, vector<16xi1> -> vector<16xi32>
    %reduce_max3A_1990 = arith.xori %reduce_max3A_1989, %reduce_max3A_1987 : vector<16xi32>
    %reduce_max3A_1991 = vector.extract %reduce_max3A_1990[15] : i32 from vector<16xi32>
    %jit3A_1992 = arith.constant 0 : i32
    %broadcast_in_dim3A_1993 = vector.broadcast %reduce_max3A_1991 : i32 to vector<16xi32>
    %broadcast_in_dim3A_1994 = vector.broadcast %jit3A_1992 : i32 to vector<16xi32>
    %select_n3A_1995 = arith.select %eq3A_1983, %broadcast_in_dim3A_1993, %broadcast_in_dim3A_1994 : vector<16xi1>, vector<16xi32>
    %add3A_1996 = arith.addi %add3A_1968, %select_n3A_1995 : vector<16xi32>
    %eq3A_1997 = arith.constant 4 : i32
    %eq3A_1998 = vector.broadcast %eq3A_1997 : i32 to vector<16xi32>
    %eq3A_1999 = arith.cmpi eq, %get3A_1880, %eq3A_1998 : vector<16xi32>
    %convert_element_type3A_2000 = arith.extui %eq3A_1999 : vector<16xi1> to vector<16xi32>
    %broadcast_in_dim3A_2001 = arith.constant true
    %broadcast_in_dim3A_2002 = vector.broadcast %broadcast_in_dim3A_2001 : i1 to vector<16xi1>
    %masked_cumsum3A_2003 = tpu.scan <sum>, %convert_element_type3A_2000 masked %broadcast_in_dim3A_2002 : vector<16xi32>, vector<16xi1> -> vector<16xi32>
    %sub3A_2004 = arith.constant 1 : i32
    %sub3A_2005 = vector.broadcast %sub3A_2004 : i32 to vector<16xi32>
    %sub3A_2006 = arith.subi %masked_cumsum3A_2003, %sub3A_2005 : vector<16xi32>
    %mul3A_2007 = arith.muli %sub3A_2006, %convert_element_type3A_2000 : vector<16xi32>
    %add3A_2008 = arith.addi %add3A_1980, %mul3A_2007 : vector<16xi32>
    %eq3A_2009 = arith.constant 4 : i32
    %eq3A_2010 = vector.broadcast %eq3A_2009 : i32 to vector<16xi32>
    %eq3A_2011 = arith.cmpi eq, %iota3A, %eq3A_2010 : vector<16xi32>
    %reduce_max3A_2012 = arith.constant true
    %reduce_max3A_2013 = vector.broadcast %reduce_max3A_2012 : i1 to vector<16xi1>
    %reduce_max3A_2014 = arith.constant -2147483648 : i32
    %reduce_max3A_2015 = vector.broadcast %reduce_max3A_2014 : i32 to vector<16xi32>
    %reduce_max3A_2016 = arith.xori %masked_cumsum3A_2003, %reduce_max3A_2015 : vector<16xi32>
    %reduce_max3A_2017 = tpu.scan <max>, %reduce_max3A_2016 masked %reduce_max3A_2013 : vector<16xi32>, vector<16xi1> -> vector<16xi32>
    %reduce_max3A_2018 = arith.xori %reduce_max3A_2017, %reduce_max3A_2015 : vector<16xi32>
    %reduce_max3A_2019 = vector.extract %reduce_max3A_2018[15] : i32 from vector<16xi32>
    %jit3A_2020 = arith.constant 0 : i32
    %broadcast_in_dim3A_2021 = vector.broadcast %reduce_max3A_2019 : i32 to vector<16xi32>
    %broadcast_in_dim3A_2022 = vector.broadcast %jit3A_2020 : i32 to vector<16xi32>
    %select_n3A_2023 = arith.select %eq3A_2011, %broadcast_in_dim3A_2021, %broadcast_in_dim3A_2022 : vector<16xi1>, vector<16xi32>
    %add3A_2024 = arith.addi %add3A_1996, %select_n3A_2023 : vector<16xi32>
    %eq3A_2025 = arith.constant 5 : i32
    %eq3A_2026 = vector.broadcast %eq3A_2025 : i32 to vector<16xi32>
    %eq3A_2027 = arith.cmpi eq, %get3A_1880, %eq3A_2026 : vector<16xi32>
    %convert_element_type3A_2028 = arith.extui %eq3A_2027 : vector<16xi1> to vector<16xi32>
    %broadcast_in_dim3A_2029 = arith.constant true
    %broadcast_in_dim3A_2030 = vector.broadcast %broadcast_in_dim3A_2029 : i1 to vector<16xi1>
    %masked_cumsum3A_2031 = tpu.scan <sum>, %convert_element_type3A_2028 masked %broadcast_in_dim3A_2030 : vector<16xi32>, vector<16xi1> -> vector<16xi32>
    %sub3A_2032 = arith.constant 1 : i32
    %sub3A_2033 = vector.broadcast %sub3A_2032 : i32 to vector<16xi32>
    %sub3A_2034 = arith.subi %masked_cumsum3A_2031, %sub3A_2033 : vector<16xi32>
    %mul3A_2035 = arith.muli %sub3A_2034, %convert_element_type3A_2028 : vector<16xi32>
    %add3A_2036 = arith.addi %add3A_2008, %mul3A_2035 : vector<16xi32>
    %eq3A_2037 = arith.constant 5 : i32
    %eq3A_2038 = vector.broadcast %eq3A_2037 : i32 to vector<16xi32>
    %eq3A_2039 = arith.cmpi eq, %iota3A, %eq3A_2038 : vector<16xi32>
    %reduce_max3A_2040 = arith.constant true
    %reduce_max3A_2041 = vector.broadcast %reduce_max3A_2040 : i1 to vector<16xi1>
    %reduce_max3A_2042 = arith.constant -2147483648 : i32
    %reduce_max3A_2043 = vector.broadcast %reduce_max3A_2042 : i32 to vector<16xi32>
    %reduce_max3A_2044 = arith.xori %masked_cumsum3A_2031, %reduce_max3A_2043 : vector<16xi32>
    %reduce_max3A_2045 = tpu.scan <max>, %reduce_max3A_2044 masked %reduce_max3A_2041 : vector<16xi32>, vector<16xi1> -> vector<16xi32>
    %reduce_max3A_2046 = arith.xori %reduce_max3A_2045, %reduce_max3A_2043 : vector<16xi32>
    %reduce_max3A_2047 = vector.extract %reduce_max3A_2046[15] : i32 from vector<16xi32>
    %jit3A_2048 = arith.constant 0 : i32
    %broadcast_in_dim3A_2049 = vector.broadcast %reduce_max3A_2047 : i32 to vector<16xi32>
    %broadcast_in_dim3A_2050 = vector.broadcast %jit3A_2048 : i32 to vector<16xi32>
    %select_n3A_2051 = arith.select %eq3A_2039, %broadcast_in_dim3A_2049, %broadcast_in_dim3A_2050 : vector<16xi1>, vector<16xi32>
    %add3A_2052 = arith.addi %add3A_2024, %select_n3A_2051 : vector<16xi32>
    %eq3A_2053 = arith.constant 6 : i32
    %eq3A_2054 = vector.broadcast %eq3A_2053 : i32 to vector<16xi32>
    %eq3A_2055 = arith.cmpi eq, %get3A_1880, %eq3A_2054 : vector<16xi32>
    %convert_element_type3A_2056 = arith.extui %eq3A_2055 : vector<16xi1> to vector<16xi32>
    %broadcast_in_dim3A_2057 = arith.constant true
    %broadcast_in_dim3A_2058 = vector.broadcast %broadcast_in_dim3A_2057 : i1 to vector<16xi1>
    %masked_cumsum3A_2059 = tpu.scan <sum>, %convert_element_type3A_2056 masked %broadcast_in_dim3A_2058 : vector<16xi32>, vector<16xi1> -> vector<16xi32>
    %sub3A_2060 = arith.constant 1 : i32
    %sub3A_2061 = vector.broadcast %sub3A_2060 : i32 to vector<16xi32>
    %sub3A_2062 = arith.subi %masked_cumsum3A_2059, %sub3A_2061 : vector<16xi32>
    %mul3A_2063 = arith.muli %sub3A_2062, %convert_element_type3A_2056 : vector<16xi32>
    %add3A_2064 = arith.addi %add3A_2036, %mul3A_2063 : vector<16xi32>
    %eq3A_2065 = arith.constant 6 : i32
    %eq3A_2066 = vector.broadcast %eq3A_2065 : i32 to vector<16xi32>
    %eq3A_2067 = arith.cmpi eq, %iota3A, %eq3A_2066 : vector<16xi32>
    %reduce_max3A_2068 = arith.constant true
    %reduce_max3A_2069 = vector.broadcast %reduce_max3A_2068 : i1 to vector<16xi1>
    %reduce_max3A_2070 = arith.constant -2147483648 : i32
    %reduce_max3A_2071 = vector.broadcast %reduce_max3A_2070 : i32 to vector<16xi32>
    %reduce_max3A_2072 = arith.xori %masked_cumsum3A_2059, %reduce_max3A_2071 : vector<16xi32>
    %reduce_max3A_2073 = tpu.scan <max>, %reduce_max3A_2072 masked %reduce_max3A_2069 : vector<16xi32>, vector<16xi1> -> vector<16xi32>
    %reduce_max3A_2074 = arith.xori %reduce_max3A_2073, %reduce_max3A_2071 : vector<16xi32>
    %reduce_max3A_2075 = vector.extract %reduce_max3A_2074[15] : i32 from vector<16xi32>
    %jit3A_2076 = arith.constant 0 : i32
    %broadcast_in_dim3A_2077 = vector.broadcast %reduce_max3A_2075 : i32 to vector<16xi32>
    %broadcast_in_dim3A_2078 = vector.broadcast %jit3A_2076 : i32 to vector<16xi32>
    %select_n3A_2079 = arith.select %eq3A_2067, %broadcast_in_dim3A_2077, %broadcast_in_dim3A_2078 : vector<16xi1>, vector<16xi32>
    %add3A_2080 = arith.addi %add3A_2052, %select_n3A_2079 : vector<16xi32>
    %eq3A_2081 = arith.constant 7 : i32
    %eq3A_2082 = vector.broadcast %eq3A_2081 : i32 to vector<16xi32>
    %eq3A_2083 = arith.cmpi eq, %get3A_1880, %eq3A_2082 : vector<16xi32>
    %convert_element_type3A_2084 = arith.extui %eq3A_2083 : vector<16xi1> to vector<16xi32>
    %broadcast_in_dim3A_2085 = arith.constant true
    %broadcast_in_dim3A_2086 = vector.broadcast %broadcast_in_dim3A_2085 : i1 to vector<16xi1>
    %masked_cumsum3A_2087 = tpu.scan <sum>, %convert_element_type3A_2084 masked %broadcast_in_dim3A_2086 : vector<16xi32>, vector<16xi1> -> vector<16xi32>
    %sub3A_2088 = arith.constant 1 : i32
    %sub3A_2089 = vector.broadcast %sub3A_2088 : i32 to vector<16xi32>
    %sub3A_2090 = arith.subi %masked_cumsum3A_2087, %sub3A_2089 : vector<16xi32>
    %mul3A_2091 = arith.muli %sub3A_2090, %convert_element_type3A_2084 : vector<16xi32>
    %add3A_2092 = arith.addi %add3A_2064, %mul3A_2091 : vector<16xi32>
    %eq3A_2093 = arith.constant 7 : i32
    %eq3A_2094 = vector.broadcast %eq3A_2093 : i32 to vector<16xi32>
    %eq3A_2095 = arith.cmpi eq, %iota3A, %eq3A_2094 : vector<16xi32>
    %reduce_max3A_2096 = arith.constant true
    %reduce_max3A_2097 = vector.broadcast %reduce_max3A_2096 : i1 to vector<16xi1>
    %reduce_max3A_2098 = arith.constant -2147483648 : i32
    %reduce_max3A_2099 = vector.broadcast %reduce_max3A_2098 : i32 to vector<16xi32>
    %reduce_max3A_2100 = arith.xori %masked_cumsum3A_2087, %reduce_max3A_2099 : vector<16xi32>
    %reduce_max3A_2101 = tpu.scan <max>, %reduce_max3A_2100 masked %reduce_max3A_2097 : vector<16xi32>, vector<16xi1> -> vector<16xi32>
    %reduce_max3A_2102 = arith.xori %reduce_max3A_2101, %reduce_max3A_2099 : vector<16xi32>
    %reduce_max3A_2103 = vector.extract %reduce_max3A_2102[15] : i32 from vector<16xi32>
    %jit3A_2104 = arith.constant 0 : i32
    %broadcast_in_dim3A_2105 = vector.broadcast %reduce_max3A_2103 : i32 to vector<16xi32>
    %broadcast_in_dim3A_2106 = vector.broadcast %jit3A_2104 : i32 to vector<16xi32>
    %select_n3A_2107 = arith.select %eq3A_2095, %broadcast_in_dim3A_2105, %broadcast_in_dim3A_2106 : vector<16xi1>, vector<16xi32>
    %add3A_2108 = arith.addi %add3A_2080, %select_n3A_2107 : vector<16xi32>
    %gather3A_2109 = tpu.vector_load_idx %arg9[%get3A_1880] : memref<16xi32, #tpu.memory_space<vmem>>[vector<16xi32>], vector<16xi32>,
    %add3A_2110 = arith.addi %gather3A_2109, %add3A_2092 : vector<16xi32>
    %get3A_2111 = arith.constant 0 : index
    %get3A_2112 = tpu.vector_load %arg9[%get3A_2111] {strides = array<i32>} : memref<16xi32, #tpu.memory_space<vmem>>, vector<16xi32>,
    %add3A_2113 = arith.addi %get3A_2112, %add3A_2108 : vector<16xi32>
    %swap3A_2114 = arith.constant 0 : index
    %swap3A_2115 = tpu.vector_load %arg9[%swap3A_2114] {strides = array<i32>} : memref<16xi32, #tpu.memory_space<vmem>>, vector<16xi32>,
    tpu.vector_store %arg9[%swap3A_2114], %add3A_2113 {strides = array<i32>} : memref<16xi32, #tpu.memory_space<vmem>>, vector<16xi32>,
    %lt3A_2116 = arith.constant 640 : i32
    %lt3A_2117 = vector.broadcast %lt3A_2116 : i32 to vector<16xi32>
    %lt3A_2118 = arith.cmpi slt, %add3A_2110, %lt3A_2117 : vector<16xi32>
    %convert_element_type3A_2119 = arith.extui %lt3A_2118 : vector<16xi1> to vector<16xi32>
    %mul3A_2120 = arith.constant 640 : i32
    %mul3A_2121 = vector.broadcast %mul3A_2120 : i32 to vector<16xi32>
    %mul3A_2122 = arith.muli %get3A_1880, %mul3A_2121 : vector<16xi32>
    %min3A_2123 = arith.constant 639 : i32
    %min3A_2124 = vector.broadcast %min3A_2123 : i32 to vector<16xi32>
    %min3A_2125 = arith.minsi %add3A_2110, %min3A_2124 : vector<16xi32>
    %add3A_2126 = arith.addi %mul3A_2122, %min3A_2125 : vector<16xi32>
    %swap3A_2127 = arith.constant 96 : index
    %swap3A_2128 = tpu.vector_load %arg11[%swap3A_2127] {strides = array<i32>} : memref<128xi32, #tpu.memory_space<vmem>>, vector<16xi32>,
    tpu.vector_store %arg11[%swap3A_2127], %add3A_2126 {strides = array<i32>} : memref<128xi32, #tpu.memory_space<vmem>>, vector<16xi32>,
    %swap3A_2129 = arith.constant 96 : index
    %swap3A_2130 = tpu.vector_load %arg12[%swap3A_2129] {strides = array<i32>} : memref<128xi32, #tpu.memory_space<vmem>>, vector<16xi32>,
    tpu.vector_store %arg12[%swap3A_2129], %convert_element_type3A_2119 {strides = array<i32>} : memref<128xi32, #tpu.memory_space<vmem>>, vector<16xi32>,
    %eq3A_2131 = arith.constant 1 : i32
    %eq3A_2132 = vector.broadcast %eq3A_2131 : i32 to vector<16xi32>
    %eq3A_2133 = arith.cmpi eq, %convert_element_type3A_2119, %eq3A_2132 : vector<16xi32>
    %add3A_2134 = arith.constant 5120 : i32
    %add3A_2135 = arith.addi %add3A_2134, %add3A : i32
    %broadcast_in_dim3A_2136 = vector.broadcast %add3A_2135 : i32 to vector<16xi32>
    %select_n3A_2137 = arith.select %eq3A_2133, %add3A_2126, %broadcast_in_dim3A_2136 : vector<16xi1>, vector<16xi32>
    %swap3A_2138 = arith.constant 32 : index
    %swap3A_2139 = tpu.vector_load %arg14[%swap3A_2138] {strides = array<i32>} : memref<64xi32, #tpu.memory_space<vmem>>, vector<16xi32>,
    tpu.vector_store %arg14[%swap3A_2138], %select_n3A_2137 {strides = array<i32>} : memref<64xi32, #tpu.memory_space<vmem>>, vector<16xi32>,
    %get3A_2140 = arith.constant 112 : index
    %get3A_2141 = tpu.vector_load %arg10[%get3A_2140] {strides = array<i32>} : memref<128xi32, #tpu.memory_space<vmem>>, vector<16xi32>,
    %broadcast_in_dim3A_2142 = arith.constant 0 : i32
    %broadcast_in_dim3A_2143 = vector.broadcast %broadcast_in_dim3A_2142 : i32 to vector<16xi32>
    %broadcast_in_dim3A_2144 = arith.constant 0 : i32
    %broadcast_in_dim3A_2145 = vector.broadcast %broadcast_in_dim3A_2144 : i32 to vector<16xi32>
    %eq3A_2146 = arith.constant 0 : i32
    %eq3A_2147 = vector.broadcast %eq3A_2146 : i32 to vector<16xi32>
    %eq3A_2148 = arith.cmpi eq, %get3A_2141, %eq3A_2147 : vector<16xi32>
    %convert_element_type3A_2149 = arith.extui %eq3A_2148 : vector<16xi1> to vector<16xi32>
    %broadcast_in_dim3A_2150 = arith.constant true
    %broadcast_in_dim3A_2151 = vector.broadcast %broadcast_in_dim3A_2150 : i1 to vector<16xi1>
    %masked_cumsum3A_2152 = tpu.scan <sum>, %convert_element_type3A_2149 masked %broadcast_in_dim3A_2151 : vector<16xi32>, vector<16xi1> -> vector<16xi32>
    %sub3A_2153 = arith.constant 1 : i32
    %sub3A_2154 = vector.broadcast %sub3A_2153 : i32 to vector<16xi32>
    %sub3A_2155 = arith.subi %masked_cumsum3A_2152, %sub3A_2154 : vector<16xi32>
    %mul3A_2156 = arith.muli %sub3A_2155, %convert_element_type3A_2149 : vector<16xi32>
    %add3A_2157 = arith.addi %broadcast_in_dim3A_2143, %mul3A_2156 : vector<16xi32>
    %eq3A_2158 = arith.constant 0 : i32
    %eq3A_2159 = vector.broadcast %eq3A_2158 : i32 to vector<16xi32>
    %eq3A_2160 = arith.cmpi eq, %iota3A, %eq3A_2159 : vector<16xi32>
    %reduce_max3A_2161 = arith.constant true
    %reduce_max3A_2162 = vector.broadcast %reduce_max3A_2161 : i1 to vector<16xi1>
    %reduce_max3A_2163 = arith.constant -2147483648 : i32
    %reduce_max3A_2164 = vector.broadcast %reduce_max3A_2163 : i32 to vector<16xi32>
    %reduce_max3A_2165 = arith.xori %masked_cumsum3A_2152, %reduce_max3A_2164 : vector<16xi32>
    %reduce_max3A_2166 = tpu.scan <max>, %reduce_max3A_2165 masked %reduce_max3A_2162 : vector<16xi32>, vector<16xi1> -> vector<16xi32>
    %reduce_max3A_2167 = arith.xori %reduce_max3A_2166, %reduce_max3A_2164 : vector<16xi32>
    %reduce_max3A_2168 = vector.extract %reduce_max3A_2167[15] : i32 from vector<16xi32>
    %jit3A_2169 = arith.constant 0 : i32
    %broadcast_in_dim3A_2170 = vector.broadcast %reduce_max3A_2168 : i32 to vector<16xi32>
    %broadcast_in_dim3A_2171 = vector.broadcast %jit3A_2169 : i32 to vector<16xi32>
    %select_n3A_2172 = arith.select %eq3A_2160, %broadcast_in_dim3A_2170, %broadcast_in_dim3A_2171 : vector<16xi1>, vector<16xi32>
    %add3A_2173 = arith.addi %broadcast_in_dim3A_2145, %select_n3A_2172 : vector<16xi32>
    %eq3A_2174 = arith.constant 1 : i32
    %eq3A_2175 = vector.broadcast %eq3A_2174 : i32 to vector<16xi32>
    %eq3A_2176 = arith.cmpi eq, %get3A_2141, %eq3A_2175 : vector<16xi32>
    %convert_element_type3A_2177 = arith.extui %eq3A_2176 : vector<16xi1> to vector<16xi32>
    %broadcast_in_dim3A_2178 = arith.constant true
    %broadcast_in_dim3A_2179 = vector.broadcast %broadcast_in_dim3A_2178 : i1 to vector<16xi1>
    %masked_cumsum3A_2180 = tpu.scan <sum>, %convert_element_type3A_2177 masked %broadcast_in_dim3A_2179 : vector<16xi32>, vector<16xi1> -> vector<16xi32>
    %sub3A_2181 = arith.constant 1 : i32
    %sub3A_2182 = vector.broadcast %sub3A_2181 : i32 to vector<16xi32>
    %sub3A_2183 = arith.subi %masked_cumsum3A_2180, %sub3A_2182 : vector<16xi32>
    %mul3A_2184 = arith.muli %sub3A_2183, %convert_element_type3A_2177 : vector<16xi32>
    %add3A_2185 = arith.addi %add3A_2157, %mul3A_2184 : vector<16xi32>
    %eq3A_2186 = arith.constant 1 : i32
    %eq3A_2187 = vector.broadcast %eq3A_2186 : i32 to vector<16xi32>
    %eq3A_2188 = arith.cmpi eq, %iota3A, %eq3A_2187 : vector<16xi32>
    %reduce_max3A_2189 = arith.constant true
    %reduce_max3A_2190 = vector.broadcast %reduce_max3A_2189 : i1 to vector<16xi1>
    %reduce_max3A_2191 = arith.constant -2147483648 : i32
    %reduce_max3A_2192 = vector.broadcast %reduce_max3A_2191 : i32 to vector<16xi32>
    %reduce_max3A_2193 = arith.xori %masked_cumsum3A_2180, %reduce_max3A_2192 : vector<16xi32>
    %reduce_max3A_2194 = tpu.scan <max>, %reduce_max3A_2193 masked %reduce_max3A_2190 : vector<16xi32>, vector<16xi1> -> vector<16xi32>
    %reduce_max3A_2195 = arith.xori %reduce_max3A_2194, %reduce_max3A_2192 : vector<16xi32>
    %reduce_max3A_2196 = vector.extract %reduce_max3A_2195[15] : i32 from vector<16xi32>
    %jit3A_2197 = arith.constant 0 : i32
    %broadcast_in_dim3A_2198 = vector.broadcast %reduce_max3A_2196 : i32 to vector<16xi32>
    %broadcast_in_dim3A_2199 = vector.broadcast %jit3A_2197 : i32 to vector<16xi32>
    %select_n3A_2200 = arith.select %eq3A_2188, %broadcast_in_dim3A_2198, %broadcast_in_dim3A_2199 : vector<16xi1>, vector<16xi32>
    %add3A_2201 = arith.addi %add3A_2173, %select_n3A_2200 : vector<16xi32>
    %eq3A_2202 = arith.constant 2 : i32
    %eq3A_2203 = vector.broadcast %eq3A_2202 : i32 to vector<16xi32>
    %eq3A_2204 = arith.cmpi eq, %get3A_2141, %eq3A_2203 : vector<16xi32>
    %convert_element_type3A_2205 = arith.extui %eq3A_2204 : vector<16xi1> to vector<16xi32>
    %broadcast_in_dim3A_2206 = arith.constant true
    %broadcast_in_dim3A_2207 = vector.broadcast %broadcast_in_dim3A_2206 : i1 to vector<16xi1>
    %masked_cumsum3A_2208 = tpu.scan <sum>, %convert_element_type3A_2205 masked %broadcast_in_dim3A_2207 : vector<16xi32>, vector<16xi1> -> vector<16xi32>
    %sub3A_2209 = arith.constant 1 : i32
    %sub3A_2210 = vector.broadcast %sub3A_2209 : i32 to vector<16xi32>
    %sub3A_2211 = arith.subi %masked_cumsum3A_2208, %sub3A_2210 : vector<16xi32>
    %mul3A_2212 = arith.muli %sub3A_2211, %convert_element_type3A_2205 : vector<16xi32>
    %add3A_2213 = arith.addi %add3A_2185, %mul3A_2212 : vector<16xi32>
    %eq3A_2214 = arith.constant 2 : i32
    %eq3A_2215 = vector.broadcast %eq3A_2214 : i32 to vector<16xi32>
    %eq3A_2216 = arith.cmpi eq, %iota3A, %eq3A_2215 : vector<16xi32>
    %reduce_max3A_2217 = arith.constant true
    %reduce_max3A_2218 = vector.broadcast %reduce_max3A_2217 : i1 to vector<16xi1>
    %reduce_max3A_2219 = arith.constant -2147483648 : i32
    %reduce_max3A_2220 = vector.broadcast %reduce_max3A_2219 : i32 to vector<16xi32>
    %reduce_max3A_2221 = arith.xori %masked_cumsum3A_2208, %reduce_max3A_2220 : vector<16xi32>
    %reduce_max3A_2222 = tpu.scan <max>, %reduce_max3A_2221 masked %reduce_max3A_2218 : vector<16xi32>, vector<16xi1> -> vector<16xi32>
    %reduce_max3A_2223 = arith.xori %reduce_max3A_2222, %reduce_max3A_2220 : vector<16xi32>
    %reduce_max3A_2224 = vector.extract %reduce_max3A_2223[15] : i32 from vector<16xi32>
    %jit3A_2225 = arith.constant 0 : i32
    %broadcast_in_dim3A_2226 = vector.broadcast %reduce_max3A_2224 : i32 to vector<16xi32>
    %broadcast_in_dim3A_2227 = vector.broadcast %jit3A_2225 : i32 to vector<16xi32>
    %select_n3A_2228 = arith.select %eq3A_2216, %broadcast_in_dim3A_2226, %broadcast_in_dim3A_2227 : vector<16xi1>, vector<16xi32>
    %add3A_2229 = arith.addi %add3A_2201, %select_n3A_2228 : vector<16xi32>
    %eq3A_2230 = arith.constant 3 : i32
    %eq3A_2231 = vector.broadcast %eq3A_2230 : i32 to vector<16xi32>
    %eq3A_2232 = arith.cmpi eq, %get3A_2141, %eq3A_2231 : vector<16xi32>
    %convert_element_type3A_2233 = arith.extui %eq3A_2232 : vector<16xi1> to vector<16xi32>
    %broadcast_in_dim3A_2234 = arith.constant true
    %broadcast_in_dim3A_2235 = vector.broadcast %broadcast_in_dim3A_2234 : i1 to vector<16xi1>
    %masked_cumsum3A_2236 = tpu.scan <sum>, %convert_element_type3A_2233 masked %broadcast_in_dim3A_2235 : vector<16xi32>, vector<16xi1> -> vector<16xi32>
    %sub3A_2237 = arith.constant 1 : i32
    %sub3A_2238 = vector.broadcast %sub3A_2237 : i32 to vector<16xi32>
    %sub3A_2239 = arith.subi %masked_cumsum3A_2236, %sub3A_2238 : vector<16xi32>
    %mul3A_2240 = arith.muli %sub3A_2239, %convert_element_type3A_2233 : vector<16xi32>
    %add3A_2241 = arith.addi %add3A_2213, %mul3A_2240 : vector<16xi32>
    %eq3A_2242 = arith.constant 3 : i32
    %eq3A_2243 = vector.broadcast %eq3A_2242 : i32 to vector<16xi32>
    %eq3A_2244 = arith.cmpi eq, %iota3A, %eq3A_2243 : vector<16xi32>
    %reduce_max3A_2245 = arith.constant true
    %reduce_max3A_2246 = vector.broadcast %reduce_max3A_2245 : i1 to vector<16xi1>
    %reduce_max3A_2247 = arith.constant -2147483648 : i32
    %reduce_max3A_2248 = vector.broadcast %reduce_max3A_2247 : i32 to vector<16xi32>
    %reduce_max3A_2249 = arith.xori %masked_cumsum3A_2236, %reduce_max3A_2248 : vector<16xi32>
    %reduce_max3A_2250 = tpu.scan <max>, %reduce_max3A_2249 masked %reduce_max3A_2246 : vector<16xi32>, vector<16xi1> -> vector<16xi32>
    %reduce_max3A_2251 = arith.xori %reduce_max3A_2250, %reduce_max3A_2248 : vector<16xi32>
    %reduce_max3A_2252 = vector.extract %reduce_max3A_2251[15] : i32 from vector<16xi32>
    %jit3A_2253 = arith.constant 0 : i32
    %broadcast_in_dim3A_2254 = vector.broadcast %reduce_max3A_2252 : i32 to vector<16xi32>
    %broadcast_in_dim3A_2255 = vector.broadcast %jit3A_2253 : i32 to vector<16xi32>
    %select_n3A_2256 = arith.select %eq3A_2244, %broadcast_in_dim3A_2254, %broadcast_in_dim3A_2255 : vector<16xi1>, vector<16xi32>
    %add3A_2257 = arith.addi %add3A_2229, %select_n3A_2256 : vector<16xi32>
    %eq3A_2258 = arith.constant 4 : i32
    %eq3A_2259 = vector.broadcast %eq3A_2258 : i32 to vector<16xi32>
    %eq3A_2260 = arith.cmpi eq, %get3A_2141, %eq3A_2259 : vector<16xi32>
    %convert_element_type3A_2261 = arith.extui %eq3A_2260 : vector<16xi1> to vector<16xi32>
    %broadcast_in_dim3A_2262 = arith.constant true
    %broadcast_in_dim3A_2263 = vector.broadcast %broadcast_in_dim3A_2262 : i1 to vector<16xi1>
    %masked_cumsum3A_2264 = tpu.scan <sum>, %convert_element_type3A_2261 masked %broadcast_in_dim3A_2263 : vector<16xi32>, vector<16xi1> -> vector<16xi32>
    %sub3A_2265 = arith.constant 1 : i32
    %sub3A_2266 = vector.broadcast %sub3A_2265 : i32 to vector<16xi32>
    %sub3A_2267 = arith.subi %masked_cumsum3A_2264, %sub3A_2266 : vector<16xi32>
    %mul3A_2268 = arith.muli %sub3A_2267, %convert_element_type3A_2261 : vector<16xi32>
    %add3A_2269 = arith.addi %add3A_2241, %mul3A_2268 : vector<16xi32>
    %eq3A_2270 = arith.constant 4 : i32
    %eq3A_2271 = vector.broadcast %eq3A_2270 : i32 to vector<16xi32>
    %eq3A_2272 = arith.cmpi eq, %iota3A, %eq3A_2271 : vector<16xi32>
    %reduce_max3A_2273 = arith.constant true
    %reduce_max3A_2274 = vector.broadcast %reduce_max3A_2273 : i1 to vector<16xi1>
    %reduce_max3A_2275 = arith.constant -2147483648 : i32
    %reduce_max3A_2276 = vector.broadcast %reduce_max3A_2275 : i32 to vector<16xi32>
    %reduce_max3A_2277 = arith.xori %masked_cumsum3A_2264, %reduce_max3A_2276 : vector<16xi32>
    %reduce_max3A_2278 = tpu.scan <max>, %reduce_max3A_2277 masked %reduce_max3A_2274 : vector<16xi32>, vector<16xi1> -> vector<16xi32>
    %reduce_max3A_2279 = arith.xori %reduce_max3A_2278, %reduce_max3A_2276 : vector<16xi32>
    %reduce_max3A_2280 = vector.extract %reduce_max3A_2279[15] : i32 from vector<16xi32>
    %jit3A_2281 = arith.constant 0 : i32
    %broadcast_in_dim3A_2282 = vector.broadcast %reduce_max3A_2280 : i32 to vector<16xi32>
    %broadcast_in_dim3A_2283 = vector.broadcast %jit3A_2281 : i32 to vector<16xi32>
    %select_n3A_2284 = arith.select %eq3A_2272, %broadcast_in_dim3A_2282, %broadcast_in_dim3A_2283 : vector<16xi1>, vector<16xi32>
    %add3A_2285 = arith.addi %add3A_2257, %select_n3A_2284 : vector<16xi32>
    %eq3A_2286 = arith.constant 5 : i32
    %eq3A_2287 = vector.broadcast %eq3A_2286 : i32 to vector<16xi32>
    %eq3A_2288 = arith.cmpi eq, %get3A_2141, %eq3A_2287 : vector<16xi32>
    %convert_element_type3A_2289 = arith.extui %eq3A_2288 : vector<16xi1> to vector<16xi32>
    %broadcast_in_dim3A_2290 = arith.constant true
    %broadcast_in_dim3A_2291 = vector.broadcast %broadcast_in_dim3A_2290 : i1 to vector<16xi1>
    %masked_cumsum3A_2292 = tpu.scan <sum>, %convert_element_type3A_2289 masked %broadcast_in_dim3A_2291 : vector<16xi32>, vector<16xi1> -> vector<16xi32>
    %sub3A_2293 = arith.constant 1 : i32
    %sub3A_2294 = vector.broadcast %sub3A_2293 : i32 to vector<16xi32>
    %sub3A_2295 = arith.subi %masked_cumsum3A_2292, %sub3A_2294 : vector<16xi32>
    %mul3A_2296 = arith.muli %sub3A_2295, %convert_element_type3A_2289 : vector<16xi32>
    %add3A_2297 = arith.addi %add3A_2269, %mul3A_2296 : vector<16xi32>
    %eq3A_2298 = arith.constant 5 : i32
    %eq3A_2299 = vector.broadcast %eq3A_2298 : i32 to vector<16xi32>
    %eq3A_2300 = arith.cmpi eq, %iota3A, %eq3A_2299 : vector<16xi32>
    %reduce_max3A_2301 = arith.constant true
    %reduce_max3A_2302 = vector.broadcast %reduce_max3A_2301 : i1 to vector<16xi1>
    %reduce_max3A_2303 = arith.constant -2147483648 : i32
    %reduce_max3A_2304 = vector.broadcast %reduce_max3A_2303 : i32 to vector<16xi32>
    %reduce_max3A_2305 = arith.xori %masked_cumsum3A_2292, %reduce_max3A_2304 : vector<16xi32>
    %reduce_max3A_2306 = tpu.scan <max>, %reduce_max3A_2305 masked %reduce_max3A_2302 : vector<16xi32>, vector<16xi1> -> vector<16xi32>
    %reduce_max3A_2307 = arith.xori %reduce_max3A_2306, %reduce_max3A_2304 : vector<16xi32>
    %reduce_max3A_2308 = vector.extract %reduce_max3A_2307[15] : i32 from vector<16xi32>
    %jit3A_2309 = arith.constant 0 : i32
    %broadcast_in_dim3A_2310 = vector.broadcast %reduce_max3A_2308 : i32 to vector<16xi32>
    %broadcast_in_dim3A_2311 = vector.broadcast %jit3A_2309 : i32 to vector<16xi32>
    %select_n3A_2312 = arith.select %eq3A_2300, %broadcast_in_dim3A_2310, %broadcast_in_dim3A_2311 : vector<16xi1>, vector<16xi32>
    %add3A_2313 = arith.addi %add3A_2285, %select_n3A_2312 : vector<16xi32>
    %eq3A_2314 = arith.constant 6 : i32
    %eq3A_2315 = vector.broadcast %eq3A_2314 : i32 to vector<16xi32>
    %eq3A_2316 = arith.cmpi eq, %get3A_2141, %eq3A_2315 : vector<16xi32>
    %convert_element_type3A_2317 = arith.extui %eq3A_2316 : vector<16xi1> to vector<16xi32>
    %broadcast_in_dim3A_2318 = arith.constant true
    %broadcast_in_dim3A_2319 = vector.broadcast %broadcast_in_dim3A_2318 : i1 to vector<16xi1>
    %masked_cumsum3A_2320 = tpu.scan <sum>, %convert_element_type3A_2317 masked %broadcast_in_dim3A_2319 : vector<16xi32>, vector<16xi1> -> vector<16xi32>
    %sub3A_2321 = arith.constant 1 : i32
    %sub3A_2322 = vector.broadcast %sub3A_2321 : i32 to vector<16xi32>
    %sub3A_2323 = arith.subi %masked_cumsum3A_2320, %sub3A_2322 : vector<16xi32>
    %mul3A_2324 = arith.muli %sub3A_2323, %convert_element_type3A_2317 : vector<16xi32>
    %add3A_2325 = arith.addi %add3A_2297, %mul3A_2324 : vector<16xi32>
    %eq3A_2326 = arith.constant 6 : i32
    %eq3A_2327 = vector.broadcast %eq3A_2326 : i32 to vector<16xi32>
    %eq3A_2328 = arith.cmpi eq, %iota3A, %eq3A_2327 : vector<16xi32>
    %reduce_max3A_2329 = arith.constant true
    %reduce_max3A_2330 = vector.broadcast %reduce_max3A_2329 : i1 to vector<16xi1>
    %reduce_max3A_2331 = arith.constant -2147483648 : i32
    %reduce_max3A_2332 = vector.broadcast %reduce_max3A_2331 : i32 to vector<16xi32>
    %reduce_max3A_2333 = arith.xori %masked_cumsum3A_2320, %reduce_max3A_2332 : vector<16xi32>
    %reduce_max3A_2334 = tpu.scan <max>, %reduce_max3A_2333 masked %reduce_max3A_2330 : vector<16xi32>, vector<16xi1> -> vector<16xi32>
    %reduce_max3A_2335 = arith.xori %reduce_max3A_2334, %reduce_max3A_2332 : vector<16xi32>
    %reduce_max3A_2336 = vector.extract %reduce_max3A_2335[15] : i32 from vector<16xi32>
    %jit3A_2337 = arith.constant 0 : i32
    %broadcast_in_dim3A_2338 = vector.broadcast %reduce_max3A_2336 : i32 to vector<16xi32>
    %broadcast_in_dim3A_2339 = vector.broadcast %jit3A_2337 : i32 to vector<16xi32>
    %select_n3A_2340 = arith.select %eq3A_2328, %broadcast_in_dim3A_2338, %broadcast_in_dim3A_2339 : vector<16xi1>, vector<16xi32>
    %add3A_2341 = arith.addi %add3A_2313, %select_n3A_2340 : vector<16xi32>
    %eq3A_2342 = arith.constant 7 : i32
    %eq3A_2343 = vector.broadcast %eq3A_2342 : i32 to vector<16xi32>
    %eq3A_2344 = arith.cmpi eq, %get3A_2141, %eq3A_2343 : vector<16xi32>
    %convert_element_type3A_2345 = arith.extui %eq3A_2344 : vector<16xi1> to vector<16xi32>
    %broadcast_in_dim3A_2346 = arith.constant true
    %broadcast_in_dim3A_2347 = vector.broadcast %broadcast_in_dim3A_2346 : i1 to vector<16xi1>
    %masked_cumsum3A_2348 = tpu.scan <sum>, %convert_element_type3A_2345 masked %broadcast_in_dim3A_2347 : vector<16xi32>, vector<16xi1> -> vector<16xi32>
    %sub3A_2349 = arith.constant 1 : i32
    %sub3A_2350 = vector.broadcast %sub3A_2349 : i32 to vector<16xi32>
    %sub3A_2351 = arith.subi %masked_cumsum3A_2348, %sub3A_2350 : vector<16xi32>
    %mul3A_2352 = arith.muli %sub3A_2351, %convert_element_type3A_2345 : vector<16xi32>
    %add3A_2353 = arith.addi %add3A_2325, %mul3A_2352 : vector<16xi32>
    %eq3A_2354 = arith.constant 7 : i32
    %eq3A_2355 = vector.broadcast %eq3A_2354 : i32 to vector<16xi32>
    %eq3A_2356 = arith.cmpi eq, %iota3A, %eq3A_2355 : vector<16xi32>
    %reduce_max3A_2357 = arith.constant true
    %reduce_max3A_2358 = vector.broadcast %reduce_max3A_2357 : i1 to vector<16xi1>
    %reduce_max3A_2359 = arith.constant -2147483648 : i32
    %reduce_max3A_2360 = vector.broadcast %reduce_max3A_2359 : i32 to vector<16xi32>
    %reduce_max3A_2361 = arith.xori %masked_cumsum3A_2348, %reduce_max3A_2360 : vector<16xi32>
    %reduce_max3A_2362 = tpu.scan <max>, %reduce_max3A_2361 masked %reduce_max3A_2358 : vector<16xi32>, vector<16xi1> -> vector<16xi32>
    %reduce_max3A_2363 = arith.xori %reduce_max3A_2362, %reduce_max3A_2360 : vector<16xi32>
    %reduce_max3A_2364 = vector.extract %reduce_max3A_2363[15] : i32 from vector<16xi32>
    %jit3A_2365 = arith.constant 0 : i32
    %broadcast_in_dim3A_2366 = vector.broadcast %reduce_max3A_2364 : i32 to vector<16xi32>
    %broadcast_in_dim3A_2367 = vector.broadcast %jit3A_2365 : i32 to vector<16xi32>
    %select_n3A_2368 = arith.select %eq3A_2356, %broadcast_in_dim3A_2366, %broadcast_in_dim3A_2367 : vector<16xi1>, vector<16xi32>
    %add3A_2369 = arith.addi %add3A_2341, %select_n3A_2368 : vector<16xi32>
    %gather3A_2370 = tpu.vector_load_idx %arg9[%get3A_2141] : memref<16xi32, #tpu.memory_space<vmem>>[vector<16xi32>], vector<16xi32>,
    %add3A_2371 = arith.addi %gather3A_2370, %add3A_2353 : vector<16xi32>
    %get3A_2372 = arith.constant 0 : index
    %get3A_2373 = tpu.vector_load %arg9[%get3A_2372] {strides = array<i32>} : memref<16xi32, #tpu.memory_space<vmem>>, vector<16xi32>,
    %add3A_2374 = arith.addi %get3A_2373, %add3A_2369 : vector<16xi32>
    %swap3A_2375 = arith.constant 0 : index
    %swap3A_2376 = tpu.vector_load %arg9[%swap3A_2375] {strides = array<i32>} : memref<16xi32, #tpu.memory_space<vmem>>, vector<16xi32>,
    tpu.vector_store %arg9[%swap3A_2375], %add3A_2374 {strides = array<i32>} : memref<16xi32, #tpu.memory_space<vmem>>, vector<16xi32>,
    %lt3A_2377 = arith.constant 640 : i32
    %lt3A_2378 = vector.broadcast %lt3A_2377 : i32 to vector<16xi32>
    %lt3A_2379 = arith.cmpi slt, %add3A_2371, %lt3A_2378 : vector<16xi32>
    %convert_element_type3A_2380 = arith.extui %lt3A_2379 : vector<16xi1> to vector<16xi32>
    %mul3A_2381 = arith.constant 640 : i32
    %mul3A_2382 = vector.broadcast %mul3A_2381 : i32 to vector<16xi32>
    %mul3A_2383 = arith.muli %get3A_2141, %mul3A_2382 : vector<16xi32>
    %min3A_2384 = arith.constant 639 : i32
    %min3A_2385 = vector.broadcast %min3A_2384 : i32 to vector<16xi32>
    %min3A_2386 = arith.minsi %add3A_2371, %min3A_2385 : vector<16xi32>
    %add3A_2387 = arith.addi %mul3A_2383, %min3A_2386 : vector<16xi32>
    %swap3A_2388 = arith.constant 112 : index
    %swap3A_2389 = tpu.vector_load %arg11[%swap3A_2388] {strides = array<i32>} : memref<128xi32, #tpu.memory_space<vmem>>, vector<16xi32>,
    tpu.vector_store %arg11[%swap3A_2388], %add3A_2387 {strides = array<i32>} : memref<128xi32, #tpu.memory_space<vmem>>, vector<16xi32>,
    %swap3A_2390 = arith.constant 112 : index
    %swap3A_2391 = tpu.vector_load %arg12[%swap3A_2390] {strides = array<i32>} : memref<128xi32, #tpu.memory_space<vmem>>, vector<16xi32>,
    tpu.vector_store %arg12[%swap3A_2390], %convert_element_type3A_2380 {strides = array<i32>} : memref<128xi32, #tpu.memory_space<vmem>>, vector<16xi32>,
    %eq3A_2392 = arith.constant 1 : i32
    %eq3A_2393 = vector.broadcast %eq3A_2392 : i32 to vector<16xi32>
    %eq3A_2394 = arith.cmpi eq, %convert_element_type3A_2380, %eq3A_2393 : vector<16xi32>
    %add3A_2395 = arith.constant 5120 : i32
    %add3A_2396 = arith.addi %add3A_2395, %add3A : i32
    %broadcast_in_dim3A_2397 = vector.broadcast %add3A_2396 : i32 to vector<16xi32>
    %select_n3A_2398 = arith.select %eq3A_2394, %add3A_2387, %broadcast_in_dim3A_2397 : vector<16xi1>, vector<16xi32>
    %swap3A_2399 = arith.constant 48 : index
    %swap3A_2400 = tpu.vector_load %arg14[%swap3A_2399] {strides = array<i32>} : memref<64xi32, #tpu.memory_space<vmem>>, vector<16xi32>,
    tpu.vector_store %arg14[%swap3A_2399], %select_n3A_2398 {strides = array<i32>} : memref<64xi32, #tpu.memory_space<vmem>>, vector<16xi32>,
    "tpu.region"() ({
      %run_scoped3A = tpu.sem_alloc : memref<!tpu.dma_semaphore, #tpu.memory_space<semaphore_mem>>
      %dma_start3A_2413 = tpu.memref_slice %arg6[%mul3A_2] : memref<4096xi32, #tpu.memory_space<hbm>> -> memref<128xi32, #tpu.memory_space<hbm>>
      %dma_start3A_2414 = tpu.memref_slice %arg6[%mul3A_2] : memref<4096xi32, #tpu.memory_space<hbm>> -> memref<128xi32, #tpu.memory_space<hbm>>
      tpu.enqueue_dma source(%arg11 : memref<128xi32, #tpu.memory_space<vmem>>) target(%dma_start3A_2414 : memref<128xi32, #tpu.memory_space<hbm>>) target_semaphore(%run_scoped3A : memref<!tpu.dma_semaphore, #tpu.memory_space<semaphore_mem>>)
      %dma_wait3A_2415 = tpu.memref_slice %arg6[%mul3A_2] : memref<4096xi32, #tpu.memory_space<hbm>> -> memref<128xi32, #tpu.memory_space<hbm>>
      %dma_wait3A_2416 = tpu.memref_slice %arg6[%mul3A_2] : memref<4096xi32, #tpu.memory_space<hbm>> -> memref<128xi32, #tpu.memory_space<hbm>>
      tpu.wait_dma2 semaphore(%run_scoped3A : memref<!tpu.dma_semaphore, #tpu.memory_space<semaphore_mem>>) src(%arg11 : memref<128xi32, #tpu.memory_space<vmem>>) dst(%dma_wait3A_2416 : memref<128xi32, #tpu.memory_space<hbm>>)
      tpu.yield
    }) : () -> ()
    "tpu.region"() ({
      %run_scoped3A = tpu.sem_alloc : memref<!tpu.dma_semaphore, #tpu.memory_space<semaphore_mem>>
      %dma_start3A_2413 = tpu.memref_slice %arg7[%mul3A_2] : memref<4096xi32, #tpu.memory_space<hbm>> -> memref<128xi32, #tpu.memory_space<hbm>>
      %dma_start3A_2414 = tpu.memref_slice %arg7[%mul3A_2] : memref<4096xi32, #tpu.memory_space<hbm>> -> memref<128xi32, #tpu.memory_space<hbm>>
      tpu.enqueue_dma source(%arg12 : memref<128xi32, #tpu.memory_space<vmem>>) target(%dma_start3A_2414 : memref<128xi32, #tpu.memory_space<hbm>>) target_semaphore(%run_scoped3A : memref<!tpu.dma_semaphore, #tpu.memory_space<semaphore_mem>>)
      %dma_wait3A_2415 = tpu.memref_slice %arg7[%mul3A_2] : memref<4096xi32, #tpu.memory_space<hbm>> -> memref<128xi32, #tpu.memory_space<hbm>>
      %dma_wait3A_2416 = tpu.memref_slice %arg7[%mul3A_2] : memref<4096xi32, #tpu.memory_space<hbm>> -> memref<128xi32, #tpu.memory_space<hbm>>
      tpu.wait_dma2 semaphore(%run_scoped3A : memref<!tpu.dma_semaphore, #tpu.memory_space<semaphore_mem>>) src(%arg12 : memref<128xi32, #tpu.memory_space<vmem>>) dst(%dma_wait3A_2416 : memref<128xi32, #tpu.memory_space<hbm>>)
      tpu.yield
    }) : () -> ()
    "tpu.region"() ({
      %run_scoped3A = tpu.sem_alloc : memref<!tpu.dma_semaphore, #tpu.memory_space<semaphore_mem>>
      %dma_start3A_2413 = arith.constant 0 : i32
      %dma_start3A_2414 = tpu.memref_slice %arg2[%mul3A_2, %dma_start3A_2413] : memref<4096x1024xf32, #tpu.memory_space<hbm>> -> memref<64x1024xf32, #tpu.memory_space<hbm>>
      %dma_start3A_2415 = arith.constant 0 : i32
      %dma_start3A_2416 = tpu.memref_slice %arg2[%mul3A_2, %dma_start3A_2415] : memref<4096x1024xf32, #tpu.memory_space<hbm>> -> memref<64x1024xf32, #tpu.memory_space<hbm>>
      tpu.enqueue_dma source(%dma_start3A_2416 : memref<64x1024xf32, #tpu.memory_space<hbm>>) target(%arg15 : memref<64x1024xf32, #tpu.memory_space<vmem>>) target_semaphore(%run_scoped3A : memref<!tpu.dma_semaphore, #tpu.memory_space<semaphore_mem>>)
      %dma_wait3A_2417 = arith.constant 0 : i32
      %dma_wait3A_2418 = tpu.memref_slice %arg2[%mul3A_2, %dma_wait3A_2417] : memref<4096x1024xf32, #tpu.memory_space<hbm>> -> memref<64x1024xf32, #tpu.memory_space<hbm>>
      %dma_wait3A_2419 = arith.constant 0 : i32
      %dma_wait3A_2420 = tpu.memref_slice %arg2[%mul3A_2, %dma_wait3A_2419] : memref<4096x1024xf32, #tpu.memory_space<hbm>> -> memref<64x1024xf32, #tpu.memory_space<hbm>>
      tpu.wait_dma2 semaphore(%run_scoped3A : memref<!tpu.dma_semaphore, #tpu.memory_space<semaphore_mem>>) src(%dma_wait3A_2420 : memref<64x1024xf32, #tpu.memory_space<hbm>>) dst(%arg15 : memref<64x1024xf32, #tpu.memory_space<vmem>>)
      tpu.yield
    }) : () -> ()
    %dma_start3A = arith.constant 0 : i32
    %dma_start3A_2401 = arith.constant 0 : i32
    %dma_start3A_2402 = tpu.memref_slice %arg5[%dma_start3A, %dma_start3A_2401] : memref<5152x1024xf32, #tpu.memory_space<hbm>> -> memref<5152x1024xf32, #tpu.memory_space<hbm>>
    tpu.enqueue_indirect_dma source(%arg15 : memref<64x1024xf32, #tpu.memory_space<vmem>>) target(%dma_start3A_2402 : memref<5152x1024xf32, #tpu.memory_space<hbm>>) offsets(%arg13 : memref<64xi32, #tpu.memory_space<vmem>>) semaphore(%arg16 : memref<!tpu.dma_semaphore, #tpu.memory_space<semaphore_mem>>)
    %dma_wait3A = arith.constant 0 : i32
    %dma_wait3A_2403 = arith.constant 0 : i32
    %dma_wait3A_2404 = tpu.memref_slice %arg5[%dma_wait3A, %dma_wait3A_2403] : memref<5152x1024xf32, #tpu.memory_space<hbm>> -> memref<5152x1024xf32, #tpu.memory_space<hbm>>
    tpu.wait_indirect_dma semaphore(%arg16 : memref<!tpu.dma_semaphore, #tpu.memory_space<semaphore_mem>>) src(%arg15 : memref<64x1024xf32, #tpu.memory_space<vmem>>) dst(%dma_wait3A_2404 : memref<5152x1024xf32, #tpu.memory_space<hbm>>)
    %add3A_2405 = arith.constant 64 : i32
    %add3A_2406 = arith.addi %mul3A_2, %add3A_2405 : i32
    "tpu.region"() ({
      %run_scoped3A = tpu.sem_alloc : memref<!tpu.dma_semaphore, #tpu.memory_space<semaphore_mem>>
      %dma_start3A_2413 = arith.constant 0 : i32
      %dma_start3A_2414 = tpu.memref_slice %arg2[%add3A_2406, %dma_start3A_2413] : memref<4096x1024xf32, #tpu.memory_space<hbm>> -> memref<64x1024xf32, #tpu.memory_space<hbm>>
      %dma_start3A_2415 = arith.constant 0 : i32
      %dma_start3A_2416 = tpu.memref_slice %arg2[%add3A_2406, %dma_start3A_2415] : memref<4096x1024xf32, #tpu.memory_space<hbm>> -> memref<64x1024xf32, #tpu.memory_space<hbm>>
      tpu.enqueue_dma source(%dma_start3A_2416 : memref<64x1024xf32, #tpu.memory_space<hbm>>) target(%arg15 : memref<64x1024xf32, #tpu.memory_space<vmem>>) target_semaphore(%run_scoped3A : memref<!tpu.dma_semaphore, #tpu.memory_space<semaphore_mem>>)
      %dma_wait3A_2417 = arith.constant 0 : i32
      %dma_wait3A_2418 = tpu.memref_slice %arg2[%add3A_2406, %dma_wait3A_2417] : memref<4096x1024xf32, #tpu.memory_space<hbm>> -> memref<64x1024xf32, #tpu.memory_space<hbm>>
      %dma_wait3A_2419 = arith.constant 0 : i32
      %dma_wait3A_2420 = tpu.memref_slice %arg2[%add3A_2406, %dma_wait3A_2419] : memref<4096x1024xf32, #tpu.memory_space<hbm>> -> memref<64x1024xf32, #tpu.memory_space<hbm>>
      tpu.wait_dma2 semaphore(%run_scoped3A : memref<!tpu.dma_semaphore, #tpu.memory_space<semaphore_mem>>) src(%dma_wait3A_2420 : memref<64x1024xf32, #tpu.memory_space<hbm>>) dst(%arg15 : memref<64x1024xf32, #tpu.memory_space<vmem>>)
      tpu.yield
    }) : () -> ()
    %dma_start3A_2407 = arith.constant 0 : i32
    %dma_start3A_2408 = arith.constant 0 : i32
    %dma_start3A_2409 = tpu.memref_slice %arg5[%dma_start3A_2407, %dma_start3A_2408] : memref<5152x1024xf32, #tpu.memory_space<hbm>> -> memref<5152x1024xf32, #tpu.memory_space<hbm>>
    tpu.enqueue_indirect_dma source(%arg15 : memref<64x1024xf32, #tpu.memory_space<vmem>>) target(%dma_start3A_2409 : memref<5152x1024xf32, #tpu.memory_space<hbm>>) offsets(%arg14 : memref<64xi32, #tpu.memory_space<vmem>>) semaphore(%arg16 : memref<!tpu.dma_semaphore, #tpu.memory_space<semaphore_mem>>)
    %dma_wait3A_2410 = arith.constant 0 : i32
    %dma_wait3A_2411 = arith.constant 0 : i32
    %dma_wait3A_2412 = tpu.memref_slice %arg5[%dma_wait3A_2410, %dma_wait3A_2411] : memref<5152x1024xf32, #tpu.memory_space<hbm>> -> memref<5152x1024xf32, #tpu.memory_space<hbm>>
    tpu.wait_indirect_dma semaphore(%arg16 : memref<!tpu.dma_semaphore, #tpu.memory_space<semaphore_mem>>) src(%arg15 : memref<64x1024xf32, #tpu.memory_space<vmem>>) dst(%dma_wait3A_2412 : memref<5152x1024xf32, #tpu.memory_space<hbm>>)
    return
  }
}

#map = affine_map<(d0, d1) -> (0, 0)>
#map1 = affine_map<(d0, d1) -> (0)>
module attributes {stable_mosaic.version = 14 : i64} {
  func.func @_sc_combine(%arg0: i32, %arg1: i32, %arg2: memref<5120x1024xf32, #tpu.memory_space<hbm>>, %arg3: memref<4096xi32, #tpu.memory_space<hbm>>, %arg4: memref<4096xi32, #tpu.memory_space<hbm>>, %arg5: memref<4096x1024xf32, #tpu.memory_space<hbm>>, %arg6: memref<128xi32, #tpu.memory_space<vmem>>, %arg7: memref<64xi32, #tpu.memory_space<vmem>>, %arg8: memref<64x1024xf32, #tpu.memory_space<vmem>>, %arg9: memref<!tpu.dma_semaphore, #tpu.memory_space<semaphore_mem>>) attributes {dimension_semantics = [#tpu.dimension_semantics<core_parallel>, #tpu.dimension_semantics<subcore_parallel>], iteration_bounds = array<i64: 2, 16>, scalar_prefetch = 0 : i64, scratch_operands = 4 : i64, tpu.core_type = #tpu.core_type<sc_vector_subcore>, window_params = [{transform_indices = #map}, {transform_indices = #map1}, {transform_indices = #map1}, {transform_indices = #map}]} {
    %mul3A = arith.constant 16 : i32
    %mul3A_0 = arith.muli %arg0, %mul3A : i32
    %add3A = arith.addi %mul3A_0, %arg1 : i32
    %mul3A_1 = arith.constant 128 : i32
    %mul3A_2 = arith.muli %add3A, %mul3A_1 : i32
    "tpu.region"() ({
      %run_scoped3A = tpu.sem_alloc : memref<!tpu.dma_semaphore, #tpu.memory_space<semaphore_mem>>
      %dma_start3A_64 = tpu.memref_slice %arg4[%mul3A_2] : memref<4096xi32, #tpu.memory_space<hbm>> -> memref<128xi32, #tpu.memory_space<hbm>>
      %dma_start3A_65 = tpu.memref_slice %arg4[%mul3A_2] : memref<4096xi32, #tpu.memory_space<hbm>> -> memref<128xi32, #tpu.memory_space<hbm>>
      tpu.enqueue_dma source(%dma_start3A_65 : memref<128xi32, #tpu.memory_space<hbm>>) target(%arg6 : memref<128xi32, #tpu.memory_space<vmem>>) target_semaphore(%run_scoped3A : memref<!tpu.dma_semaphore, #tpu.memory_space<semaphore_mem>>)
      %dma_wait3A_66 = tpu.memref_slice %arg4[%mul3A_2] : memref<4096xi32, #tpu.memory_space<hbm>> -> memref<128xi32, #tpu.memory_space<hbm>>
      %dma_wait3A_67 = tpu.memref_slice %arg4[%mul3A_2] : memref<4096xi32, #tpu.memory_space<hbm>> -> memref<128xi32, #tpu.memory_space<hbm>>
      tpu.wait_dma2 semaphore(%run_scoped3A : memref<!tpu.dma_semaphore, #tpu.memory_space<semaphore_mem>>) src(%dma_wait3A_67 : memref<128xi32, #tpu.memory_space<hbm>>) dst(%arg6 : memref<128xi32, #tpu.memory_space<vmem>>)
      tpu.yield
    }) : () -> ()
    %iota3A = tpu.iota {dimensions = array<i32: 0>} : vector<16xi32>
    %broadcast_in_dim3A = arith.constant 0.000000e+00 : f32
    %broadcast_in_dim3A_3 = vector.broadcast %broadcast_in_dim3A : f32 to vector<16xf32>
    %add3A_4 = arith.constant 0 : i32
    %add3A_5 = arith.addi %mul3A_2, %add3A_4 : i32
    "tpu.region"() ({
      %run_scoped3A = tpu.sem_alloc : memref<!tpu.dma_semaphore, #tpu.memory_space<semaphore_mem>>
      %dma_start3A_64 = tpu.memref_slice %arg3[%add3A_5] : memref<4096xi32, #tpu.memory_space<hbm>> -> memref<64xi32, #tpu.memory_space<hbm>>
      %dma_start3A_65 = tpu.memref_slice %arg3[%add3A_5] : memref<4096xi32, #tpu.memory_space<hbm>> -> memref<64xi32, #tpu.memory_space<hbm>>
      tpu.enqueue_dma source(%dma_start3A_65 : memref<64xi32, #tpu.memory_space<hbm>>) target(%arg7 : memref<64xi32, #tpu.memory_space<vmem>>) target_semaphore(%run_scoped3A : memref<!tpu.dma_semaphore, #tpu.memory_space<semaphore_mem>>)
      %dma_wait3A_66 = tpu.memref_slice %arg3[%add3A_5] : memref<4096xi32, #tpu.memory_space<hbm>> -> memref<64xi32, #tpu.memory_space<hbm>>
      %dma_wait3A_67 = tpu.memref_slice %arg3[%add3A_5] : memref<4096xi32, #tpu.memory_space<hbm>> -> memref<64xi32, #tpu.memory_space<hbm>>
      tpu.wait_dma2 semaphore(%run_scoped3A : memref<!tpu.dma_semaphore, #tpu.memory_space<semaphore_mem>>) src(%dma_wait3A_67 : memref<64xi32, #tpu.memory_space<hbm>>) dst(%arg7 : memref<64xi32, #tpu.memory_space<vmem>>)
      tpu.yield
    }) : () -> ()
    %dma_start3A = arith.constant 0 : i32
    %dma_start3A_6 = arith.constant 0 : i32
    %dma_start3A_7 = tpu.memref_slice %arg2[%dma_start3A, %dma_start3A_6] : memref<5120x1024xf32, #tpu.memory_space<hbm>> -> memref<5120x1024xf32, #tpu.memory_space<hbm>>
    tpu.enqueue_indirect_dma source(%dma_start3A_7 : memref<5120x1024xf32, #tpu.memory_space<hbm>>) target(%arg8 : memref<64x1024xf32, #tpu.memory_space<vmem>>) offsets(%arg7 : memref<64xi32, #tpu.memory_space<vmem>>) semaphore(%arg9 : memref<!tpu.dma_semaphore, #tpu.memory_space<semaphore_mem>>)
    %dma_wait3A = arith.constant 0 : i32
    %dma_wait3A_8 = arith.constant 0 : i32
    %dma_wait3A_9 = tpu.memref_slice %arg2[%dma_wait3A, %dma_wait3A_8] : memref<5120x1024xf32, #tpu.memory_space<hbm>> -> memref<5120x1024xf32, #tpu.memory_space<hbm>>
    tpu.wait_indirect_dma semaphore(%arg9 : memref<!tpu.dma_semaphore, #tpu.memory_space<semaphore_mem>>) src(%dma_wait3A_9 : memref<5120x1024xf32, #tpu.memory_space<hbm>>) dst(%arg8 : memref<64x1024xf32, #tpu.memory_space<vmem>>)
    %get3A = arith.constant 0 : index
    %get3A_10 = tpu.vector_load %arg6[%get3A] {strides = array<i32>} : memref<128xi32, #tpu.memory_space<vmem>>, vector<16xi32>,
    %get3A_11 = arith.constant 16 : index
    %get3A_12 = tpu.vector_load %arg6[%get3A_11] {strides = array<i32>} : memref<128xi32, #tpu.memory_space<vmem>>, vector<16xi32>,
    %min3A = arith.minsi %get3A_10, %get3A_12 : vector<16xi32>
    %get3A_13 = arith.constant 32 : index
    %get3A_14 = tpu.vector_load %arg6[%get3A_13] {strides = array<i32>} : memref<128xi32, #tpu.memory_space<vmem>>, vector<16xi32>,
    %min3A_15 = arith.minsi %min3A, %get3A_14 : vector<16xi32>
    %get3A_16 = arith.constant 48 : index
    %get3A_17 = tpu.vector_load %arg6[%get3A_16] {strides = array<i32>} : memref<128xi32, #tpu.memory_space<vmem>>, vector<16xi32>,
    %min3A_18 = arith.minsi %min3A_15, %get3A_17 : vector<16xi32>
    %reduce_min3A = arith.constant true
    %reduce_min3A_19 = vector.broadcast %reduce_min3A : i1 to vector<16xi1>
    %reduce_min3A_20 = arith.constant -2147483648 : i32
    %reduce_min3A_21 = vector.broadcast %reduce_min3A_20 : i32 to vector<16xi32>
    %reduce_min3A_22 = arith.xori %min3A_18, %reduce_min3A_21 : vector<16xi32>
    %reduce_min3A_23 = tpu.scan <min>, %reduce_min3A_22 masked %reduce_min3A_19 : vector<16xi32>, vector<16xi1> -> vector<16xi32>
    %reduce_min3A_24 = arith.xori %reduce_min3A_23, %reduce_min3A_21 : vector<16xi32>
    %reduce_min3A_25 = vector.extract %reduce_min3A_24[15] : i32 from vector<16xi32>
    %eq3A = arith.constant 0 : i32
    %eq3A_26 = arith.cmpi eq, %reduce_min3A_25, %eq3A : i32
    %convert_element_type3A = arith.extui %eq3A_26 : i1 to i32
    %cond3A = arith.constant 0 : i32
    %cond3A_27 = arith.cmpi ne, %convert_element_type3A, %cond3A : i32
    scf.if %cond3A_27 {
      %scan3A = arith.constant 0 : i32
      %scan3A_64 = arith.constant 0 : i32
      %scan3A_65 = arith.constant 64 : i32
      %scan3A_66 = arith.addi %scan3A_64, %scan3A_65 : i32
      %scan3A_67 = arith.constant 1 : i32
      scf.for %scan3A_69 = %scan3A_64 to %scan3A_66 step %scan3A_67  : i32 {
        %jit3A = arith.constant 16 : i32
        %div3A = arith.divsi %scan3A_69, %jit3A : i32
        %sign3A = arith.constant 0 : i32
        %sign3A_70 = arith.cmpi sgt, %scan3A_69, %sign3A : i32
        %sign3A_71 = arith.extui %sign3A_70 : i1 to i32
        %sign3A_72 = arith.constant 0 : i32
        %sign3A_73 = arith.cmpi slt, %scan3A_69, %sign3A_72 : i32
        %sign3A_74 = arith.extui %sign3A_73 : i1 to i32
        %sign3A_75 = arith.subi %sign3A_71, %sign3A_74 : i32
        %sign3A_76 = arith.constant 0 : i32
        %sign3A_77 = arith.cmpi sgt, %jit3A, %sign3A_76 : i32
        %sign3A_78 = arith.extui %sign3A_77 : i1 to i32
        %sign3A_79 = arith.constant 0 : i32
        %sign3A_80 = arith.cmpi slt, %jit3A, %sign3A_79 : i32
        %sign3A_81 = arith.extui %sign3A_80 : i1 to i32
        %sign3A_82 = arith.subi %sign3A_78, %sign3A_81 : i32
        %ne3A = arith.cmpi ne, %sign3A_75, %sign3A_82 : i32
        %rem3A = arith.remsi %scan3A_69, %jit3A : i32
        %ne3A_83 = arith.constant 0 : i32
        %ne3A_84 = arith.cmpi ne, %rem3A, %ne3A_83 : i32
        %and3A = arith.andi %ne3A, %ne3A_84 : i1
        %sub3A = arith.constant 1 : i32
        %sub3A_85 = arith.subi %div3A, %sub3A : i32
        %select_n3A = arith.select %and3A, %sub3A_85, %div3A : i32
        %mul3A_86 = arith.constant 16 : i32
        %mul3A_87 = arith.muli %select_n3A, %mul3A_86 : i32
        %add3A_88 = arith.constant 0 : i32
        %add3A_89 = arith.addi %add3A_88, %mul3A_87 : i32
        %get3A_90 = arith.index_cast %add3A_89 : i32 to index
        %get3A_91 = tpu.vector_load %arg6[%get3A_90] {strides = array<i32>} : memref<128xi32, #tpu.memory_space<vmem>>, vector<16xi32>,
        %jit3A_92 = arith.constant 16 : i32
        %eq3A_93 = arith.constant 0 : i32
        %eq3A_94 = arith.cmpi eq, %jit3A_92, %eq3A_93 : i32
        %jit3A_95 = arith.constant 1 : i32
        %select_n3A_96 = arith.select %eq3A_94, %jit3A_95, %jit3A_92 : i32
        %rem3A_97 = arith.remsi %scan3A_69, %select_n3A_96 : i32
        %ne3A_98 = arith.constant 0 : i32
        %ne3A_99 = arith.cmpi ne, %rem3A_97, %ne3A_98 : i32
        %lt3A = arith.constant 0 : i32
        %lt3A_100 = arith.cmpi slt, %rem3A_97, %lt3A : i32
        %lt3A_101 = arith.constant 0 : i32
        %lt3A_102 = arith.cmpi slt, %select_n3A_96, %lt3A_101 : i32
        %ne3A_103 = arith.xori %lt3A_100, %lt3A_102 : i1
        %and3A_104 = arith.andi %ne3A_103, %ne3A_99 : i1
        %add3A_105 = arith.addi %rem3A_97, %select_n3A_96 : i32
        %select_n3A_106 = arith.select %and3A_104, %add3A_105, %rem3A_97 : i32
        %eq3A_107 = vector.broadcast %select_n3A_106 : i32 to vector<16xi32>
        %eq3A_108 = arith.cmpi eq, %iota3A, %eq3A_107 : vector<16xi32>
        %jit3A_109 = arith.constant 0 : i32
        %broadcast_in_dim3A_110 = vector.broadcast %jit3A_109 : i32 to vector<16xi32>
        %select_n3A_111 = arith.select %eq3A_108, %get3A_91, %broadcast_in_dim3A_110 : vector<16xi1>, vector<16xi32>
        %reduce_max3A = arith.constant true
        %reduce_max3A_112 = vector.broadcast %reduce_max3A : i1 to vector<16xi1>
        %reduce_max3A_113 = arith.constant -2147483648 : i32
        %reduce_max3A_114 = vector.broadcast %reduce_max3A_113 : i32 to vector<16xi32>
        %reduce_max3A_115 = arith.xori %select_n3A_111, %reduce_max3A_114 : vector<16xi32>
        %reduce_max3A_116 = tpu.scan <max>, %reduce_max3A_115 masked %reduce_max3A_112 : vector<16xi32>, vector<16xi1> -> vector<16xi32>
        %reduce_max3A_117 = arith.xori %reduce_max3A_116, %reduce_max3A_114 : vector<16xi32>
        %reduce_max3A_118 = vector.extract %reduce_max3A_117[15] : i32 from vector<16xi32>
        %eq3A_119 = arith.constant 0 : i32
        %eq3A_120 = arith.cmpi eq, %reduce_max3A_118, %eq3A_119 : i32
        %convert_element_type3A_121 = arith.extui %eq3A_120 : i1 to i32
        %cond3A_122 = arith.constant 0 : i32
        %cond3A_123 = arith.cmpi ne, %convert_element_type3A_121, %cond3A_122 : i32
        scf.if %cond3A_123 {
          %scan3A_124 = arith.constant 0 : i32
          %scan3A_125 = arith.constant 0 : i32
          %scan3A_126 = arith.constant 64 : i32
          %scan3A_127 = arith.addi %scan3A_125, %scan3A_126 : i32
          %scan3A_128 = arith.constant 1 : i32
          scf.for %scan3A_130 = %scan3A_125 to %scan3A_127 step %scan3A_128  : i32 {
            %mul3A_131 = arith.constant 16 : i32
            %mul3A_132 = arith.muli %scan3A_130, %mul3A_131 : i32
            %swap3A = arith.index_cast %scan3A_69 : i32 to index
            %swap3A_133 = arith.index_cast %mul3A_132 : i32 to index
            %swap3A_134 = tpu.vector_load %arg8[%swap3A, %swap3A_133] {strides = array<i32>} : memref<64x1024xf32, #tpu.memory_space<vmem>>, vector<16xf32>,
            tpu.vector_store %arg8[%swap3A, %swap3A_133], %broadcast_in_dim3A_3 {strides = array<i32>} : memref<64x1024xf32, #tpu.memory_space<vmem>>, vector<16xf32>,
          }
          %scan3A_129 = arith.constant 64 : i32
        } else {
        }
      }
      %scan3A_68 = arith.constant 64 : i32
    } else {
    }
    %add3A_28 = arith.constant 0 : i32
    %add3A_29 = arith.addi %mul3A_2, %add3A_28 : i32
    "tpu.region"() ({
      %run_scoped3A = tpu.sem_alloc : memref<!tpu.dma_semaphore, #tpu.memory_space<semaphore_mem>>
      %dma_start3A_64 = arith.constant 0 : i32
      %dma_start3A_65 = tpu.memref_slice %arg5[%add3A_29, %dma_start3A_64] : memref<4096x1024xf32, #tpu.memory_space<hbm>> -> memref<64x1024xf32, #tpu.memory_space<hbm>>
      %dma_start3A_66 = arith.constant 0 : i32
      %dma_start3A_67 = tpu.memref_slice %arg5[%add3A_29, %dma_start3A_66] : memref<4096x1024xf32, #tpu.memory_space<hbm>> -> memref<64x1024xf32, #tpu.memory_space<hbm>>
      tpu.enqueue_dma source(%arg8 : memref<64x1024xf32, #tpu.memory_space<vmem>>) target(%dma_start3A_67 : memref<64x1024xf32, #tpu.memory_space<hbm>>) target_semaphore(%run_scoped3A : memref<!tpu.dma_semaphore, #tpu.memory_space<semaphore_mem>>)
      %dma_wait3A_68 = arith.constant 0 : i32
      %dma_wait3A_69 = tpu.memref_slice %arg5[%add3A_29, %dma_wait3A_68] : memref<4096x1024xf32, #tpu.memory_space<hbm>> -> memref<64x1024xf32, #tpu.memory_space<hbm>>
      %dma_wait3A_70 = arith.constant 0 : i32
      %dma_wait3A_71 = tpu.memref_slice %arg5[%add3A_29, %dma_wait3A_70] : memref<4096x1024xf32, #tpu.memory_space<hbm>> -> memref<64x1024xf32, #tpu.memory_space<hbm>>
      tpu.wait_dma2 semaphore(%run_scoped3A : memref<!tpu.dma_semaphore, #tpu.memory_space<semaphore_mem>>) src(%arg8 : memref<64x1024xf32, #tpu.memory_space<vmem>>) dst(%dma_wait3A_71 : memref<64x1024xf32, #tpu.memory_space<hbm>>)
      tpu.yield
    }) : () -> ()
    %add3A_30 = arith.constant 64 : i32
    %add3A_31 = arith.addi %mul3A_2, %add3A_30 : i32
    "tpu.region"() ({
      %run_scoped3A = tpu.sem_alloc : memref<!tpu.dma_semaphore, #tpu.memory_space<semaphore_mem>>
      %dma_start3A_64 = tpu.memref_slice %arg3[%add3A_31] : memref<4096xi32, #tpu.memory_space<hbm>> -> memref<64xi32, #tpu.memory_space<hbm>>
      %dma_start3A_65 = tpu.memref_slice %arg3[%add3A_31] : memref<4096xi32, #tpu.memory_space<hbm>> -> memref<64xi32, #tpu.memory_space<hbm>>
      tpu.enqueue_dma source(%dma_start3A_65 : memref<64xi32, #tpu.memory_space<hbm>>) target(%arg7 : memref<64xi32, #tpu.memory_space<vmem>>) target_semaphore(%run_scoped3A : memref<!tpu.dma_semaphore, #tpu.memory_space<semaphore_mem>>)
      %dma_wait3A_66 = tpu.memref_slice %arg3[%add3A_31] : memref<4096xi32, #tpu.memory_space<hbm>> -> memref<64xi32, #tpu.memory_space<hbm>>
      %dma_wait3A_67 = tpu.memref_slice %arg3[%add3A_31] : memref<4096xi32, #tpu.memory_space<hbm>> -> memref<64xi32, #tpu.memory_space<hbm>>
      tpu.wait_dma2 semaphore(%run_scoped3A : memref<!tpu.dma_semaphore, #tpu.memory_space<semaphore_mem>>) src(%dma_wait3A_67 : memref<64xi32, #tpu.memory_space<hbm>>) dst(%arg7 : memref<64xi32, #tpu.memory_space<vmem>>)
      tpu.yield
    }) : () -> ()
    %dma_start3A_32 = arith.constant 0 : i32
    %dma_start3A_33 = arith.constant 0 : i32
    %dma_start3A_34 = tpu.memref_slice %arg2[%dma_start3A_32, %dma_start3A_33] : memref<5120x1024xf32, #tpu.memory_space<hbm>> -> memref<5120x1024xf32, #tpu.memory_space<hbm>>
    tpu.enqueue_indirect_dma source(%dma_start3A_34 : memref<5120x1024xf32, #tpu.memory_space<hbm>>) target(%arg8 : memref<64x1024xf32, #tpu.memory_space<vmem>>) offsets(%arg7 : memref<64xi32, #tpu.memory_space<vmem>>) semaphore(%arg9 : memref<!tpu.dma_semaphore, #tpu.memory_space<semaphore_mem>>)
    %dma_wait3A_35 = arith.constant 0 : i32
    %dma_wait3A_36 = arith.constant 0 : i32
    %dma_wait3A_37 = tpu.memref_slice %arg2[%dma_wait3A_35, %dma_wait3A_36] : memref<5120x1024xf32, #tpu.memory_space<hbm>> -> memref<5120x1024xf32, #tpu.memory_space<hbm>>
    tpu.wait_indirect_dma semaphore(%arg9 : memref<!tpu.dma_semaphore, #tpu.memory_space<semaphore_mem>>) src(%dma_wait3A_37 : memref<5120x1024xf32, #tpu.memory_space<hbm>>) dst(%arg8 : memref<64x1024xf32, #tpu.memory_space<vmem>>)
    %get3A_38 = arith.constant 64 : index
    %get3A_39 = tpu.vector_load %arg6[%get3A_38] {strides = array<i32>} : memref<128xi32, #tpu.memory_space<vmem>>, vector<16xi32>,
    %get3A_40 = arith.constant 80 : index
    %get3A_41 = tpu.vector_load %arg6[%get3A_40] {strides = array<i32>} : memref<128xi32, #tpu.memory_space<vmem>>, vector<16xi32>,
    %min3A_42 = arith.minsi %get3A_39, %get3A_41 : vector<16xi32>
    %get3A_43 = arith.constant 96 : index
    %get3A_44 = tpu.vector_load %arg6[%get3A_43] {strides = array<i32>} : memref<128xi32, #tpu.memory_space<vmem>>, vector<16xi32>,
    %min3A_45 = arith.minsi %min3A_42, %get3A_44 : vector<16xi32>
    %get3A_46 = arith.constant 112 : index
    %get3A_47 = tpu.vector_load %arg6[%get3A_46] {strides = array<i32>} : memref<128xi32, #tpu.memory_space<vmem>>, vector<16xi32>,
    %min3A_48 = arith.minsi %min3A_45, %get3A_47 : vector<16xi32>
    %reduce_min3A_49 = arith.constant true
    %reduce_min3A_50 = vector.broadcast %reduce_min3A_49 : i1 to vector<16xi1>
    %reduce_min3A_51 = arith.constant -2147483648 : i32
    %reduce_min3A_52 = vector.broadcast %reduce_min3A_51 : i32 to vector<16xi32>
    %reduce_min3A_53 = arith.xori %min3A_48, %reduce_min3A_52 : vector<16xi32>
    %reduce_min3A_54 = tpu.scan <min>, %reduce_min3A_53 masked %reduce_min3A_50 : vector<16xi32>, vector<16xi1> -> vector<16xi32>
    %reduce_min3A_55 = arith.xori %reduce_min3A_54, %reduce_min3A_52 : vector<16xi32>
    %reduce_min3A_56 = vector.extract %reduce_min3A_55[15] : i32 from vector<16xi32>
    %eq3A_57 = arith.constant 0 : i32
    %eq3A_58 = arith.cmpi eq, %reduce_min3A_56, %eq3A_57 : i32
    %convert_element_type3A_59 = arith.extui %eq3A_58 : i1 to i32
    %cond3A_60 = arith.constant 0 : i32
    %cond3A_61 = arith.cmpi ne, %convert_element_type3A_59, %cond3A_60 : i32
    scf.if %cond3A_61 {
      %scan3A = arith.constant 0 : i32
      %scan3A_64 = arith.constant 0 : i32
      %scan3A_65 = arith.constant 64 : i32
      %scan3A_66 = arith.addi %scan3A_64, %scan3A_65 : i32
      %scan3A_67 = arith.constant 1 : i32
      scf.for %scan3A_69 = %scan3A_64 to %scan3A_66 step %scan3A_67  : i32 {
        %jit3A = arith.constant 16 : i32
        %div3A = arith.divsi %scan3A_69, %jit3A : i32
        %sign3A = arith.constant 0 : i32
        %sign3A_70 = arith.cmpi sgt, %scan3A_69, %sign3A : i32
        %sign3A_71 = arith.extui %sign3A_70 : i1 to i32
        %sign3A_72 = arith.constant 0 : i32
        %sign3A_73 = arith.cmpi slt, %scan3A_69, %sign3A_72 : i32
        %sign3A_74 = arith.extui %sign3A_73 : i1 to i32
        %sign3A_75 = arith.subi %sign3A_71, %sign3A_74 : i32
        %sign3A_76 = arith.constant 0 : i32
        %sign3A_77 = arith.cmpi sgt, %jit3A, %sign3A_76 : i32
        %sign3A_78 = arith.extui %sign3A_77 : i1 to i32
        %sign3A_79 = arith.constant 0 : i32
        %sign3A_80 = arith.cmpi slt, %jit3A, %sign3A_79 : i32
        %sign3A_81 = arith.extui %sign3A_80 : i1 to i32
        %sign3A_82 = arith.subi %sign3A_78, %sign3A_81 : i32
        %ne3A = arith.cmpi ne, %sign3A_75, %sign3A_82 : i32
        %rem3A = arith.remsi %scan3A_69, %jit3A : i32
        %ne3A_83 = arith.constant 0 : i32
        %ne3A_84 = arith.cmpi ne, %rem3A, %ne3A_83 : i32
        %and3A = arith.andi %ne3A, %ne3A_84 : i1
        %sub3A = arith.constant 1 : i32
        %sub3A_85 = arith.subi %div3A, %sub3A : i32
        %select_n3A = arith.select %and3A, %sub3A_85, %div3A : i32
        %mul3A_86 = arith.constant 16 : i32
        %mul3A_87 = arith.muli %select_n3A, %mul3A_86 : i32
        %add3A_88 = arith.constant 64 : i32
        %add3A_89 = arith.addi %add3A_88, %mul3A_87 : i32
        %get3A_90 = arith.index_cast %add3A_89 : i32 to index
        %get3A_91 = tpu.vector_load %arg6[%get3A_90] {strides = array<i32>} : memref<128xi32, #tpu.memory_space<vmem>>, vector<16xi32>,
        %jit3A_92 = arith.constant 16 : i32
        %eq3A_93 = arith.constant 0 : i32
        %eq3A_94 = arith.cmpi eq, %jit3A_92, %eq3A_93 : i32
        %jit3A_95 = arith.constant 1 : i32
        %select_n3A_96 = arith.select %eq3A_94, %jit3A_95, %jit3A_92 : i32
        %rem3A_97 = arith.remsi %scan3A_69, %select_n3A_96 : i32
        %ne3A_98 = arith.constant 0 : i32
        %ne3A_99 = arith.cmpi ne, %rem3A_97, %ne3A_98 : i32
        %lt3A = arith.constant 0 : i32
        %lt3A_100 = arith.cmpi slt, %rem3A_97, %lt3A : i32
        %lt3A_101 = arith.constant 0 : i32
        %lt3A_102 = arith.cmpi slt, %select_n3A_96, %lt3A_101 : i32
        %ne3A_103 = arith.xori %lt3A_100, %lt3A_102 : i1
        %and3A_104 = arith.andi %ne3A_103, %ne3A_99 : i1
        %add3A_105 = arith.addi %rem3A_97, %select_n3A_96 : i32
        %select_n3A_106 = arith.select %and3A_104, %add3A_105, %rem3A_97 : i32
        %eq3A_107 = vector.broadcast %select_n3A_106 : i32 to vector<16xi32>
        %eq3A_108 = arith.cmpi eq, %iota3A, %eq3A_107 : vector<16xi32>
        %jit3A_109 = arith.constant 0 : i32
        %broadcast_in_dim3A_110 = vector.broadcast %jit3A_109 : i32 to vector<16xi32>
        %select_n3A_111 = arith.select %eq3A_108, %get3A_91, %broadcast_in_dim3A_110 : vector<16xi1>, vector<16xi32>
        %reduce_max3A = arith.constant true
        %reduce_max3A_112 = vector.broadcast %reduce_max3A : i1 to vector<16xi1>
        %reduce_max3A_113 = arith.constant -2147483648 : i32
        %reduce_max3A_114 = vector.broadcast %reduce_max3A_113 : i32 to vector<16xi32>
        %reduce_max3A_115 = arith.xori %select_n3A_111, %reduce_max3A_114 : vector<16xi32>
        %reduce_max3A_116 = tpu.scan <max>, %reduce_max3A_115 masked %reduce_max3A_112 : vector<16xi32>, vector<16xi1> -> vector<16xi32>
        %reduce_max3A_117 = arith.xori %reduce_max3A_116, %reduce_max3A_114 : vector<16xi32>
        %reduce_max3A_118 = vector.extract %reduce_max3A_117[15] : i32 from vector<16xi32>
        %eq3A_119 = arith.constant 0 : i32
        %eq3A_120 = arith.cmpi eq, %reduce_max3A_118, %eq3A_119 : i32
        %convert_element_type3A_121 = arith.extui %eq3A_120 : i1 to i32
        %cond3A_122 = arith.constant 0 : i32
        %cond3A_123 = arith.cmpi ne, %convert_element_type3A_121, %cond3A_122 : i32
        scf.if %cond3A_123 {
          %scan3A_124 = arith.constant 0 : i32
          %scan3A_125 = arith.constant 0 : i32
          %scan3A_126 = arith.constant 64 : i32
          %scan3A_127 = arith.addi %scan3A_125, %scan3A_126 : i32
          %scan3A_128 = arith.constant 1 : i32
          scf.for %scan3A_130 = %scan3A_125 to %scan3A_127 step %scan3A_128  : i32 {
            %mul3A_131 = arith.constant 16 : i32
            %mul3A_132 = arith.muli %scan3A_130, %mul3A_131 : i32
            %swap3A = arith.index_cast %scan3A_69 : i32 to index
            %swap3A_133 = arith.index_cast %mul3A_132 : i32 to index
            %swap3A_134 = tpu.vector_load %arg8[%swap3A, %swap3A_133] {strides = array<i32>} : memref<64x1024xf32, #tpu.memory_space<vmem>>, vector<16xf32>,
            tpu.vector_store %arg8[%swap3A, %swap3A_133], %broadcast_in_dim3A_3 {strides = array<i32>} : memref<64x1024xf32, #tpu.memory_space<vmem>>, vector<16xf32>,
          }
          %scan3A_129 = arith.constant 64 : i32
        } else {
        }
      }
      %scan3A_68 = arith.constant 64 : i32
    } else {
    }
    %add3A_62 = arith.constant 64 : i32
    %add3A_63 = arith.addi %mul3A_2, %add3A_62 : i32
    "tpu.region"() ({
      %run_scoped3A = tpu.sem_alloc : memref<!tpu.dma_semaphore, #tpu.memory_space<semaphore_mem>>
      %dma_start3A_64 = arith.constant 0 : i32
      %dma_start3A_65 = tpu.memref_slice %arg5[%add3A_63, %dma_start3A_64] : memref<4096x1024xf32, #tpu.memory_space<hbm>> -> memref<64x1024xf32, #tpu.memory_space<hbm>>
      %dma_start3A_66 = arith.constant 0 : i32
      %dma_start3A_67 = tpu.memref_slice %arg5[%add3A_63, %dma_start3A_66] : memref<4096x1024xf32, #tpu.memory_space<hbm>> -> memref<64x1024xf32, #tpu.memory_space<hbm>>
      tpu.enqueue_dma source(%arg8 : memref<64x1024xf32, #tpu.memory_space<vmem>>) target(%dma_start3A_67 : memref<64x1024xf32, #tpu.memory_space<hbm>>) target_semaphore(%run_scoped3A : memref<!tpu.dma_semaphore, #tpu.memory_space<semaphore_mem>>)
      %dma_wait3A_68 = arith.constant 0 : i32
      %dma_wait3A_69 = tpu.memref_slice %arg5[%add3A_63, %dma_wait3A_68] : memref<4096x1024xf32, #tpu.memory_space<hbm>> -> memref<64x1024xf32, #tpu.memory_space<hbm>>
      %dma_wait3A_70 = arith.constant 0 : i32
      %dma_wait3A_71 = tpu.memref_slice %arg5[%add3A_63, %dma_wait3A_70] : memref<4096x1024xf32, #tpu.memory_space<hbm>> -> memref<64x1024xf32, #tpu.memory_space<hbm>>
      tpu.wait_dma2 semaphore(%run_scoped3A : memref<!tpu.dma_semaphore, #tpu.memory_space<semaphore_mem>>) src(%arg8 : memref<64x1024xf32, #tpu.memory_space<vmem>>) dst(%dma_wait3A_71 : memref<64x1024xf32, #tpu.memory_space<hbm>>)
      tpu.yield
    }) : () -> ()
    return
  }
}

module attributes {stable_mosaic.version = 14 : i64} {
  func.func @_ffn_body(%arg0: i32, %arg1: i32, %arg2: memref<640x1024xf32, #tpu.memory_space<vmem>>, %arg3: memref<1x2x256x1024xf32, #tpu.memory_space<vmem>>, %arg4: memref<1x1024x256xf32, #tpu.memory_space<vmem>>, %arg5: memref<640x1024xf32, #tpu.memory_space<vmem>>, %arg6: memref<640x1024xbf16, #tpu.memory_space<vmem>>) attributes {dimension_semantics = [#tpu.dimension_semantics<arbitrary>, #tpu.dimension_semantics<arbitrary>], iteration_bounds = array<i64: 8, 11>, scalar_prefetch = 0 : i64, scratch_operands = 1 : i64, tpu.core_type = #tpu.core_type<tc>, window_params = [{transform_indices = @transform_0, window_bounds = array<i64: 640, 1024>}, {transform_indices = @transform_1, window_bounds = array<i64: 1, 2, 256, 1024>}, {transform_indices = @transform_2, window_bounds = array<i64: 1, 1024, 256>}, {transform_indices = @transform_3, window_bounds = array<i64: 640, 1024>}]} {
    %eq3A = arith.constant 0 : i32
    %eq3A_0 = arith.cmpi eq, %arg1, %eq3A : i32
    %convert_element_type3A = arith.extui %eq3A_0 : i1 to i32
    %cond3A = arith.constant 0 : i32
    %cond3A_1 = arith.cmpi ne, %convert_element_type3A, %cond3A : i32
    scf.if %cond3A_1 {
      %get3A_45 = arith.constant 0 : index
      %get3A_46 = arith.constant 0 : index
      %get3A_47 = vector.load %arg2[%get3A_45, %get3A_46] : memref<640x1024xf32, #tpu.memory_space<vmem>>, vector<640x1024xf32>
      %convert_element_type3A_48 = arith.truncf %get3A_47 : vector<640x1024xf32> to vector<640x1024xbf16>
      %swap3A = arith.constant 0 : index
      %swap3A_49 = arith.constant 0 : index
      %swap3A_50 = vector.load %arg6[%swap3A, %swap3A_49] : memref<640x1024xbf16, #tpu.memory_space<vmem>>, vector<640x1024xbf16>
      tpu.vector_store %arg6[%swap3A, %swap3A_49], %convert_element_type3A_48 {strides = array<i32>} : memref<640x1024xbf16, #tpu.memory_space<vmem>>, vector<640x1024xbf16>,
    } else {
    }
    %get3A = arith.constant 0 : index
    %get3A_2 = arith.constant 0 : index
    %get3A_3 = vector.load %arg6[%get3A, %get3A_2] : memref<640x1024xbf16, #tpu.memory_space<vmem>>, vector<640x1024xbf16>
    %get3A_4 = arith.constant 0 : index
    %get3A_5 = arith.constant 0 : index
    %get3A_6 = arith.constant 0 : index
    %get3A_7 = arith.constant 0 : index
    %get3A_8 = vector.load %arg3[%get3A_4, %get3A_5, %get3A_6, %get3A_7] : memref<1x2x256x1024xf32, #tpu.memory_space<vmem>>, vector<1x1x256x1024xf32>
    %get3A_9 = vector.shape_cast %get3A_8 : vector<1x1x256x1024xf32> to vector<256x1024xf32>
    %convert_element_type3A_10 = arith.truncf %get3A_9 : vector<256x1024xf32> to vector<256x1024xbf16>
    %get3A_11 = arith.constant 0 : index
    %get3A_12 = arith.constant 1 : index
    %get3A_13 = arith.constant 0 : index
    %get3A_14 = arith.constant 0 : index
    %get3A_15 = vector.load %arg3[%get3A_11, %get3A_12, %get3A_13, %get3A_14] : memref<1x2x256x1024xf32, #tpu.memory_space<vmem>>, vector<1x1x256x1024xf32>
    %get3A_16 = vector.shape_cast %get3A_15 : vector<1x1x256x1024xf32> to vector<256x1024xf32>
    %convert_element_type3A_17 = arith.truncf %get3A_16 : vector<256x1024xf32> to vector<256x1024xbf16>
    %dot_general3A = arith.constant dense<0.000000e+00> : vector<640x256xf32>
    %dot_general3A_18 = tpu.matmul %get3A_3, %convert_element_type3A_10, %dot_general3A {dimension_numbers = #tpu.dot_dimension_numbers<[1], [1], [0], [0], [0, 0, 1, 0], [], []>, transpose_lhs_hint = false} : vector<640x1024xbf16>, vector<256x1024xbf16>, vector<640x256xf32> -> vector<640x256xf32>
    %dot_general3A_19 = arith.constant dense<0.000000e+00> : vector<640x256xf32>
    %dot_general3A_20 = tpu.matmul %get3A_3, %convert_element_type3A_17, %dot_general3A_19 {dimension_numbers = #tpu.dot_dimension_numbers<[1], [1], [0], [0], [0, 0, 1, 0], [], []>, transpose_lhs_hint = false} : vector<640x1024xbf16>, vector<256x1024xbf16>, vector<640x256xf32> -> vector<640x256xf32>
    %logistic3A = arith.negf %dot_general3A_18 : vector<640x256xf32>
    %logistic3A_21 = math.exp %logistic3A : vector<640x256xf32>
    %logistic3A_22 = arith.constant 1.000000e+00 : f32
    %logistic3A_23 = vector.broadcast %logistic3A_22 : f32 to vector<640x256xf32>
    %logistic3A_24 = arith.addf %logistic3A_23, %logistic3A_21 : vector<640x256xf32>
    %logistic3A_25 = arith.divf %logistic3A_23, %logistic3A_24 : vector<640x256xf32>
    %mul3A = arith.mulf %dot_general3A_18, %logistic3A_25 : vector<640x256xf32>
    %mul3A_26 = arith.mulf %mul3A, %dot_general3A_20 : vector<640x256xf32>
    %convert_element_type3A_27 = arith.truncf %mul3A_26 : vector<640x256xf32> to vector<640x256xbf16>
    %get3A_28 = arith.constant 0 : index
    %get3A_29 = arith.constant 0 : index
    %get3A_30 = arith.constant 0 : index
    %get3A_31 = vector.load %arg4[%get3A_28, %get3A_29, %get3A_30] : memref<1x1024x256xf32, #tpu.memory_space<vmem>>, vector<1x1024x256xf32>
    %get3A_32 = vector.shape_cast %get3A_31 : vector<1x1024x256xf32> to vector<1024x256xf32>
    %convert_element_type3A_33 = arith.truncf %get3A_32 : vector<1024x256xf32> to vector<1024x256xbf16>
    %dot_general3A_34 = arith.constant dense<0.000000e+00> : vector<640x1024xf32>
    %dot_general3A_35 = tpu.matmul %convert_element_type3A_27, %convert_element_type3A_33, %dot_general3A_34 {dimension_numbers = #tpu.dot_dimension_numbers<[1], [1], [0], [0], [0, 0, 1, 0], [], []>, transpose_lhs_hint = false} : vector<640x256xbf16>, vector<1024x256xbf16>, vector<640x1024xf32> -> vector<640x1024xf32>
    %eq3A_36 = arith.constant 0 : i32
    %eq3A_37 = arith.cmpi eq, %arg1, %eq3A_36 : i32
    %convert_element_type3A_38 = arith.extui %eq3A_37 : i1 to i32
    %cond3A_39 = arith.constant 0 : i32
    %cond3A_40 = arith.cmpi ne, %convert_element_type3A_38, %cond3A_39 : i32
    scf.if %cond3A_40 {
      %swap3A = arith.constant 0 : index
      %swap3A_45 = arith.constant 0 : index
      %swap3A_46 = vector.load %arg5[%swap3A, %swap3A_45] : memref<640x1024xf32, #tpu.memory_space<vmem>>, vector<640x1024xf32>
      tpu.vector_store %arg5[%swap3A, %swap3A_45], %dot_general3A_35 {strides = array<i32>} : memref<640x1024xf32, #tpu.memory_space<vmem>>, vector<640x1024xf32>,
    } else {
    }
    %ne3A = arith.constant 0 : i32
    %ne3A_41 = arith.cmpi ne, %arg1, %ne3A : i32
    %convert_element_type3A_42 = arith.extui %ne3A_41 : i1 to i32
    %cond3A_43 = arith.constant 0 : i32
    %cond3A_44 = arith.cmpi ne, %convert_element_type3A_42, %cond3A_43 : i32
    scf.if %cond3A_44 {
      %get3A_45 = arith.constant 0 : index
      %get3A_46 = arith.constant 0 : index
      %get3A_47 = vector.load %arg5[%get3A_45, %get3A_46] : memref<640x1024xf32, #tpu.memory_space<vmem>>, vector<640x1024xf32>
      %add3A = arith.addf %get3A_47, %dot_general3A_35 : vector<640x1024xf32>
      %swap3A = arith.constant 0 : index
      %swap3A_48 = arith.constant 0 : index
      %swap3A_49 = vector.load %arg5[%swap3A, %swap3A_48] : memref<640x1024xf32, #tpu.memory_space<vmem>>, vector<640x1024xf32>
      tpu.vector_store %arg5[%swap3A, %swap3A_48], %add3A {strides = array<i32>} : memref<640x1024xf32, #tpu.memory_space<vmem>>, vector<640x1024xf32>,
    } else {
    }
    return
  }
  func.func @transform_0(%arg0: i32, %arg1: i32) -> (i32, i32) {
    %c0_i32 = arith.constant 0 : i32
    %c0_i32_0 = arith.constant 0 : i32
    return %arg0, %c0_i32 : i32, i32
  }
  func.func @transform_1(%arg0: i32, %arg1: i32) -> (i32, i32, i32, i32) {
    %c0_i32 = arith.constant 0 : i32
    %c0_i32_0 = arith.constant 0 : i32
    %c0_i32_1 = arith.constant 0 : i32
    return %arg0, %c0_i32, %arg1, %c0_i32_0 : i32, i32, i32, i32
  }
  func.func @transform_2(%arg0: i32, %arg1: i32) -> (i32, i32, i32) {
    %c0_i32 = arith.constant 0 : i32
    %c0_i32_0 = arith.constant 0 : i32
    return %arg0, %c0_i32, %arg1 : i32, i32, i32
  }
  func.func @transform_3(%arg0: i32, %arg1: i32) -> (i32, i32) {
    %c0_i32 = arith.constant 0 : i32
    %c0_i32_0 = arith.constant 0 : i32
    return %arg0, %c0_i32 : i32, i32
  }
}

module attributes {stable_mosaic.version = 14 : i64} {
  func.func @_router_body(%arg0: i32, %arg1: memref<1024x1024xf32, #tpu.memory_space<vmem>>, %arg2: memref<128x1024xf32, #tpu.memory_space<vmem>>, %arg3: memref<1024x1xi32, #tpu.memory_space<vmem>>, %arg4: memref<8x128xi32, #tpu.memory_space<vmem>>, %arg5: memref<1x1xf32, #tpu.memory_space<smem>>, %arg6: memref<1x128xf32, #tpu.memory_space<vmem>>, %arg7: memref<1x128xf32, #tpu.memory_space<vmem>>, %arg8: memref<1xf32, #tpu.memory_space<smem>>) attributes {dimension_semantics = [#tpu.dimension_semantics<arbitrary>], iteration_bounds = array<i64: 4>, scalar_prefetch = 0 : i64, scratch_operands = 3 : i64, tpu.core_type = #tpu.core_type<tc>, window_params = [{transform_indices = @transform_0, window_bounds = array<i64: 1024, 1024>}, {pipeline_mode = #tpu.pipeline_mode<synchronous>, transform_indices = @transform_1, window_bounds = array<i64: 128, 1024>}, {transform_indices = @transform_2, window_bounds = array<i64: 1024, 1>}, {transform_indices = @transform_3, window_bounds = array<i64: 8, 128>}, {transform_indices = @transform_4, window_bounds = array<i64: 1, 1>}]} {
    %get3A = arith.constant 0 : index
    %get3A_0 = arith.constant 0 : index
    %get3A_1 = vector.load %arg1[%get3A, %get3A_0] : memref<1024x1024xf32, #tpu.memory_space<vmem>>, vector<1024x1024xf32>
    %get3A_2 = arith.constant 0 : index
    %get3A_3 = arith.constant 0 : index
    %get3A_4 = vector.load %arg2[%get3A_2, %get3A_3] : memref<128x1024xf32, #tpu.memory_space<vmem>>, vector<128x1024xf32>
    %convert_element_type3A = arith.truncf %get3A_1 : vector<1024x1024xf32> to vector<1024x1024xbf16>
    %convert_element_type3A_5 = arith.truncf %get3A_4 : vector<128x1024xf32> to vector<128x1024xbf16>
    %dot_general3A = arith.constant dense<0.000000e+00> : vector<1024x128xf32>
    %dot_general3A_6 = tpu.matmul %convert_element_type3A, %convert_element_type3A_5, %dot_general3A {dimension_numbers = #tpu.dot_dimension_numbers<[1], [1], [0], [0], [0, 0, 1, 0], [], []>, transpose_lhs_hint = false} : vector<1024x1024xbf16>, vector<128x1024xbf16>, vector<1024x128xf32> -> vector<1024x128xf32>
    %iota3A = tpu.iota {dimensions = array<i32: 1>} : vector<1024x128xi32>
    %lt3A = arith.constant 8 : i32
    %lt3A_7 = vector.broadcast %lt3A : i32 to vector<1024x128xi32>
    %lt3A_8 = arith.cmpi slt, %iota3A, %lt3A_7 : vector<1024x128xi32>
    %jit3A = arith.constant -1.000000e+30 : f32
    %broadcast_in_dim3A = vector.broadcast %jit3A : f32 to vector<1024x128xf32>
    %select_n3A = arith.select %lt3A_8, %dot_general3A_6, %broadcast_in_dim3A : vector<1024x128xi1>, vector<1024x128xf32>
    %reduce_max3A = arith.constant dense<0xFF800000> : vector<1024xf32>
    %reduce_max3A_9 = vector.multi_reduction <maximumf>, %select_n3A, %reduce_max3A [1] : vector<1024x128xf32> to vector<1024xf32>
    %broadcast_in_dim3A_10 = vector.shape_cast %reduce_max3A_9 : vector<1024xf32> to vector<1024x1xf32>
    %eq3A = vector.broadcast %broadcast_in_dim3A_10 : vector<1024x1xf32> to vector<1024x128xf32>
    %eq3A_11 = arith.cmpf oeq, %select_n3A, %eq3A : vector<1024x128xf32>
    %jit3A_12 = arith.constant 128 : i32
    %broadcast_in_dim3A_13 = vector.broadcast %jit3A_12 : i32 to vector<1024x128xi32>
    %select_n3A_14 = arith.select %eq3A_11, %iota3A, %broadcast_in_dim3A_13 : vector<1024x128xi1>, vector<1024x128xi32>
    %reduce_min3A = arith.constant dense<2147483647> : vector<1024xi32>
    %reduce_min3A_15 = vector.multi_reduction <minsi>, %select_n3A_14, %reduce_min3A [1] : vector<1024x128xi32> to vector<1024xi32>
    %broadcast_in_dim3A_16 = vector.shape_cast %reduce_min3A_15 : vector<1024xi32> to vector<1024x1xi32>
    %sub3A = vector.broadcast %broadcast_in_dim3A_10 : vector<1024x1xf32> to vector<1024x128xf32>
    %sub3A_17 = arith.subf %select_n3A, %sub3A : vector<1024x128xf32>
    %exp3A = math.exp %sub3A_17 : vector<1024x128xf32>
    %jit3A_18 = arith.constant 0.000000e+00 : f32
    %broadcast_in_dim3A_19 = vector.broadcast %jit3A_18 : f32 to vector<1024x128xf32>
    %select_n3A_20 = arith.select %lt3A_8, %exp3A, %broadcast_in_dim3A_19 : vector<1024x128xi1>, vector<1024x128xf32>
    %reduce_sum3A = arith.constant dense<0.000000e+00> : vector<1024xf32>
    %reduce_sum3A_21 = vector.multi_reduction <add>, %select_n3A_20, %reduce_sum3A [1] : vector<1024x128xf32> to vector<1024xf32>
    %broadcast_in_dim3A_22 = vector.shape_cast %reduce_sum3A_21 : vector<1024xf32> to vector<1024x1xf32>
    %log3A = math.log %broadcast_in_dim3A_22 : vector<1024x1xf32>
    %add3A = arith.addf %broadcast_in_dim3A_10, %log3A : vector<1024x1xf32>
    %mul3A = arith.mulf %add3A, %add3A : vector<1024x1xf32>
    %reduce_sum3A_23 = vector.shape_cast %mul3A : vector<1024x1xf32> to vector<1x1024x1xf32>
    %reduce_sum3A_24 = arith.constant dense<0.000000e+00> : vector<1xf32>
    %reduce_sum3A_25 = vector.multi_reduction <add>, %reduce_sum3A_23, %reduce_sum3A_24 [1, 2] : vector<1x1024x1xf32> to vector<1xf32>
    %reduce_sum3A_26 = vector.shape_cast %reduce_sum3A_25 : vector<1xf32> to vector<1x1x1xf32>
    %reduce_sum3A_27 = vector.extract %reduce_sum3A_26[0, 0, 0] : f32 from vector<1x1x1xf32>
    %div3A = vector.broadcast %broadcast_in_dim3A_22 : vector<1024x1xf32> to vector<1024x128xf32>
    %div3A_28 = arith.divf %select_n3A_20, %div3A : vector<1024x128xf32>
    %reduce_sum3A_29 = arith.constant dense<0.000000e+00> : vector<128xf32>
    %reduce_sum3A_30 = vector.multi_reduction <add>, %div3A_28, %reduce_sum3A_29 [0] : vector<1024x128xf32> to vector<128xf32>
    %broadcast_in_dim3A_31 = vector.shape_cast %reduce_sum3A_30 : vector<128xf32> to vector<1x128xf32>
    %eq3A_32 = vector.broadcast %broadcast_in_dim3A_16 : vector<1024x1xi32> to vector<1024x128xi32>
    %eq3A_33 = arith.cmpi eq, %iota3A, %eq3A_32 : vector<1024x128xi32>
    %convert_element_type3A_34 = arith.extui %eq3A_33 : vector<1024x128xi1> to vector<1024x128xi32>
    %convert_element_type3A_35 = arith.sitofp %convert_element_type3A_34 : vector<1024x128xi32> to vector<1024x128xf32>
    %reduce_sum3A_36 = arith.constant dense<0.000000e+00> : vector<128xf32>
    %reduce_sum3A_37 = vector.multi_reduction <add>, %convert_element_type3A_35, %reduce_sum3A_36 [0] : vector<1024x128xf32> to vector<128xf32>
    %broadcast_in_dim3A_38 = vector.shape_cast %reduce_sum3A_37 : vector<128xf32> to vector<1x128xf32>
    %swap3A = arith.constant 0 : index
    %swap3A_39 = arith.constant 0 : index
    %swap3A_40 = vector.load %arg3[%swap3A, %swap3A_39] : memref<1024x1xi32, #tpu.memory_space<vmem>>, vector<1024x1xi32>
    tpu.vector_store %arg3[%swap3A, %swap3A_39], %broadcast_in_dim3A_16 {strides = array<i32>} : memref<1024x1xi32, #tpu.memory_space<vmem>>, vector<1024x1xi32>,
    %slice3A = vector.extract_strided_slice %convert_element_type3A_35 {offsets = [0, 0], sizes = [128, 128], strides = [1, 1]} : vector<1024x128xf32> to vector<128x128xf32>
    %reduce_sum3A_41 = arith.constant dense<0.000000e+00> : vector<128xf32>
    %reduce_sum3A_42 = vector.multi_reduction <add>, %slice3A, %reduce_sum3A_41 [0] : vector<128x128xf32> to vector<128xf32>
    %broadcast_in_dim3A_43 = vector.shape_cast %reduce_sum3A_42 : vector<128xf32> to vector<1x128xf32>
    %slice3A_44 = vector.extract_strided_slice %convert_element_type3A_35 {offsets = [128, 0], sizes = [128, 128], strides = [1, 1]} : vector<1024x128xf32> to vector<128x128xf32>
    %reduce_sum3A_45 = arith.constant dense<0.000000e+00> : vector<128xf32>
    %reduce_sum3A_46 = vector.multi_reduction <add>, %slice3A_44, %reduce_sum3A_45 [0] : vector<128x128xf32> to vector<128xf32>
    %broadcast_in_dim3A_47 = vector.shape_cast %reduce_sum3A_46 : vector<128xf32> to vector<1x128xf32>
    %slice3A_48 = vector.extract_strided_slice %convert_element_type3A_35 {offsets = [256, 0], sizes = [128, 128], strides = [1, 1]} : vector<1024x128xf32> to vector<128x128xf32>
    %reduce_sum3A_49 = arith.constant dense<0.000000e+00> : vector<128xf32>
    %reduce_sum3A_50 = vector.multi_reduction <add>, %slice3A_48, %reduce_sum3A_49 [0] : vector<128x128xf32> to vector<128xf32>
    %broadcast_in_dim3A_51 = vector.shape_cast %reduce_sum3A_50 : vector<128xf32> to vector<1x128xf32>
    %slice3A_52 = vector.extract_strided_slice %convert_element_type3A_35 {offsets = [384, 0], sizes = [128, 128], strides = [1, 1]} : vector<1024x128xf32> to vector<128x128xf32>
    %reduce_sum3A_53 = arith.constant dense<0.000000e+00> : vector<128xf32>
    %reduce_sum3A_54 = vector.multi_reduction <add>, %slice3A_52, %reduce_sum3A_53 [0] : vector<128x128xf32> to vector<128xf32>
    %broadcast_in_dim3A_55 = vector.shape_cast %reduce_sum3A_54 : vector<128xf32> to vector<1x128xf32>
    %slice3A_56 = vector.extract_strided_slice %convert_element_type3A_35 {offsets = [512, 0], sizes = [128, 128], strides = [1, 1]} : vector<1024x128xf32> to vector<128x128xf32>
    %reduce_sum3A_57 = arith.constant dense<0.000000e+00> : vector<128xf32>
    %reduce_sum3A_58 = vector.multi_reduction <add>, %slice3A_56, %reduce_sum3A_57 [0] : vector<128x128xf32> to vector<128xf32>
    %broadcast_in_dim3A_59 = vector.shape_cast %reduce_sum3A_58 : vector<128xf32> to vector<1x128xf32>
    %slice3A_60 = vector.extract_strided_slice %convert_element_type3A_35 {offsets = [640, 0], sizes = [128, 128], strides = [1, 1]} : vector<1024x128xf32> to vector<128x128xf32>
    %reduce_sum3A_61 = arith.constant dense<0.000000e+00> : vector<128xf32>
    %reduce_sum3A_62 = vector.multi_reduction <add>, %slice3A_60, %reduce_sum3A_61 [0] : vector<128x128xf32> to vector<128xf32>
    %broadcast_in_dim3A_63 = vector.shape_cast %reduce_sum3A_62 : vector<128xf32> to vector<1x128xf32>
    %slice3A_64 = vector.extract_strided_slice %convert_element_type3A_35 {offsets = [768, 0], sizes = [128, 128], strides = [1, 1]} : vector<1024x128xf32> to vector<128x128xf32>
    %reduce_sum3A_65 = arith.constant dense<0.000000e+00> : vector<128xf32>
    %reduce_sum3A_66 = vector.multi_reduction <add>, %slice3A_64, %reduce_sum3A_65 [0] : vector<128x128xf32> to vector<128xf32>
    %broadcast_in_dim3A_67 = vector.shape_cast %reduce_sum3A_66 : vector<128xf32> to vector<1x128xf32>
    %slice3A_68 = vector.extract_strided_slice %convert_element_type3A_35 {offsets = [896, 0], sizes = [128, 128], strides = [1, 1]} : vector<1024x128xf32> to vector<128x128xf32>
    %reduce_sum3A_69 = arith.constant dense<0.000000e+00> : vector<128xf32>
    %reduce_sum3A_70 = vector.multi_reduction <add>, %slice3A_68, %reduce_sum3A_69 [0] : vector<128x128xf32> to vector<128xf32>
    %broadcast_in_dim3A_71 = vector.shape_cast %reduce_sum3A_70 : vector<128xf32> to vector<1x128xf32>
    %concatenate3A = tpu.concatenate %broadcast_in_dim3A_43, %broadcast_in_dim3A_47, %broadcast_in_dim3A_51, %broadcast_in_dim3A_55, %broadcast_in_dim3A_59, %broadcast_in_dim3A_63, %broadcast_in_dim3A_67, %broadcast_in_dim3A_71 in 0 : vector<1x128xf32>, vector<1x128xf32>, vector<1x128xf32>, vector<1x128xf32>, vector<1x128xf32>, vector<1x128xf32>, vector<1x128xf32>, vector<1x128xf32> -> vector<8x128xf32>
    %convert_element_type3A_72 = arith.fptosi %concatenate3A : vector<8x128xf32> to vector<8x128xi32>
    %swap3A_73 = arith.constant 0 : index
    %swap3A_74 = arith.constant 0 : index
    %swap3A_75 = vector.load %arg4[%swap3A_73, %swap3A_74] : memref<8x128xi32, #tpu.memory_space<vmem>>, vector<8x128xi32>
    tpu.vector_store %arg4[%swap3A_73, %swap3A_74], %convert_element_type3A_72 {strides = array<i32>} : memref<8x128xi32, #tpu.memory_space<vmem>>, vector<8x128xi32>,
    %eq3A_76 = arith.constant 0 : i32
    %eq3A_77 = arith.cmpi eq, %arg0, %eq3A_76 : i32
    %convert_element_type3A_78 = arith.extui %eq3A_77 : i1 to i32
    %cond3A = arith.constant 0 : i32
    %cond3A_79 = arith.cmpi ne, %convert_element_type3A_78, %cond3A : i32
    scf.if %cond3A_79 {
      %broadcast_in_dim3A_104 = arith.constant 0.000000e+00 : f32
      %broadcast_in_dim3A_105 = vector.broadcast %broadcast_in_dim3A_104 : f32 to vector<1x128xf32>
      %swap3A_106 = arith.constant 0 : index
      %swap3A_107 = arith.constant 0 : index
      %swap3A_108 = vector.load %arg6[%swap3A_106, %swap3A_107] : memref<1x128xf32, #tpu.memory_space<vmem>>, vector<1x128xf32>
      tpu.vector_store %arg6[%swap3A_106, %swap3A_107], %broadcast_in_dim3A_105 {strides = array<i32>} : memref<1x128xf32, #tpu.memory_space<vmem>>, vector<1x128xf32>,
      %broadcast_in_dim3A_109 = arith.constant 0.000000e+00 : f32
      %broadcast_in_dim3A_110 = vector.broadcast %broadcast_in_dim3A_109 : f32 to vector<1x128xf32>
      %swap3A_111 = arith.constant 0 : index
      %swap3A_112 = arith.constant 0 : index
      %swap3A_113 = vector.load %arg7[%swap3A_111, %swap3A_112] : memref<1x128xf32, #tpu.memory_space<vmem>>, vector<1x128xf32>
      tpu.vector_store %arg7[%swap3A_111, %swap3A_112], %broadcast_in_dim3A_110 {strides = array<i32>} : memref<1x128xf32, #tpu.memory_space<vmem>>, vector<1x128xf32>,
      %swap3A_114 = arith.constant 0.000000e+00 : f32
      %swap3A_115 = arith.constant 0 : index
      %swap3A_116 = memref.load %arg8[%swap3A_115] : memref<1xf32, #tpu.memory_space<smem>>
      memref.store %swap3A_114, %arg8[%swap3A_115] : memref<1xf32, #tpu.memory_space<smem>>
    } else {
    }
    %get3A_80 = arith.constant 0 : index
    %get3A_81 = arith.constant 0 : index
    %get3A_82 = vector.load %arg6[%get3A_80, %get3A_81] : memref<1x128xf32, #tpu.memory_space<vmem>>, vector<1x128xf32>
    %add3A_83 = arith.addf %get3A_82, %broadcast_in_dim3A_31 : vector<1x128xf32>
    %swap3A_84 = arith.constant 0 : index
    %swap3A_85 = arith.constant 0 : index
    %swap3A_86 = vector.load %arg6[%swap3A_84, %swap3A_85] : memref<1x128xf32, #tpu.memory_space<vmem>>, vector<1x128xf32>
    tpu.vector_store %arg6[%swap3A_84, %swap3A_85], %add3A_83 {strides = array<i32>} : memref<1x128xf32, #tpu.memory_space<vmem>>, vector<1x128xf32>,
    %get3A_87 = arith.constant 0 : index
    %get3A_88 = arith.constant 0 : index
    %get3A_89 = vector.load %arg7[%get3A_87, %get3A_88] : memref<1x128xf32, #tpu.memory_space<vmem>>, vector<1x128xf32>
    %add3A_90 = arith.addf %get3A_89, %broadcast_in_dim3A_38 : vector<1x128xf32>
    %swap3A_91 = arith.constant 0 : index
    %swap3A_92 = arith.constant 0 : index
    %swap3A_93 = vector.load %arg7[%swap3A_91, %swap3A_92] : memref<1x128xf32, #tpu.memory_space<vmem>>, vector<1x128xf32>
    tpu.vector_store %arg7[%swap3A_91, %swap3A_92], %add3A_90 {strides = array<i32>} : memref<1x128xf32, #tpu.memory_space<vmem>>, vector<1x128xf32>,
    %get3A_94 = arith.constant 0 : index
    %get3A_95 = memref.load %arg8[%get3A_94] : memref<1xf32, #tpu.memory_space<smem>>
    %add3A_96 = arith.addf %get3A_95, %reduce_sum3A_27 : f32
    %swap3A_97 = arith.constant 0 : index
    %swap3A_98 = memref.load %arg8[%swap3A_97] : memref<1xf32, #tpu.memory_space<smem>>
    memref.store %add3A_96, %arg8[%swap3A_97] : memref<1xf32, #tpu.memory_space<smem>>
    %eq3A_99 = arith.constant 3 : i32
    %eq3A_100 = arith.cmpi eq, %arg0, %eq3A_99 : i32
    %convert_element_type3A_101 = arith.extui %eq3A_100 : i1 to i32
    %cond3A_102 = arith.constant 0 : i32
    %cond3A_103 = arith.cmpi ne, %convert_element_type3A_101, %cond3A_102 : i32
    scf.if %cond3A_103 {
      %get3A_104 = arith.constant 0 : index
      %get3A_105 = arith.constant 0 : index
      %get3A_106 = vector.load %arg6[%get3A_104, %get3A_105] : memref<1x128xf32, #tpu.memory_space<vmem>>, vector<1x128xf32>
      %get3A_107 = arith.constant 0 : index
      %get3A_108 = arith.constant 0 : index
      %get3A_109 = vector.load %arg7[%get3A_107, %get3A_108] : memref<1x128xf32, #tpu.memory_space<vmem>>, vector<1x128xf32>
      %mul3A_110 = arith.mulf %get3A_106, %get3A_109 : vector<1x128xf32>
      %reduce_sum3A_111 = vector.shape_cast %mul3A_110 : vector<1x128xf32> to vector<1x1x128xf32>
      %reduce_sum3A_112 = arith.constant dense<0.000000e+00> : vector<1xf32>
      %reduce_sum3A_113 = vector.multi_reduction <add>, %reduce_sum3A_111, %reduce_sum3A_112 [1, 2] : vector<1x1x128xf32> to vector<1xf32>
      %reduce_sum3A_114 = vector.shape_cast %reduce_sum3A_113 : vector<1xf32> to vector<1x1x1xf32>
      %reduce_sum3A_115 = vector.extract %reduce_sum3A_114[0, 0, 0] : f32 from vector<1x1x1xf32>
      %mul3A_116 = arith.constant 4.76837148E-9 : f32
      %mul3A_117 = arith.mulf %reduce_sum3A_115, %mul3A_116 : f32
      %get3A_118 = arith.constant 0 : index
      %get3A_119 = memref.load %arg8[%get3A_118] : memref<1xf32, #tpu.memory_space<smem>>
      %mul3A_120 = arith.constant 2.44140637E-7 : f32
      %mul3A_121 = arith.mulf %get3A_119, %mul3A_120 : f32
      %add3A_122 = arith.addf %mul3A_117, %mul3A_121 : f32
      %swap3A_123 = arith.constant 0 : index
      %swap3A_124 = arith.constant 0 : index
      %swap3A_125 = memref.load %arg5[%swap3A_123, %swap3A_124] : memref<1x1xf32, #tpu.memory_space<smem>>
      memref.store %add3A_122, %arg5[%swap3A_123, %swap3A_124] : memref<1x1xf32, #tpu.memory_space<smem>>
    } else {
    }
    return
  }
  func.func @transform_0(%arg0: i32) -> (i32, i32) {
    %c0_i32 = arith.constant 0 : i32
    %c0_i32_0 = arith.constant 0 : i32
    return %arg0, %c0_i32 : i32, i32
  }
  func.func @transform_1(%arg0: i32) -> (i32, i32) {
    %c0_i32 = arith.constant 0 : i32
    %c0_i32_0 = arith.constant 0 : i32
    %c0_i32_1 = arith.constant 0 : i32
    return %c0_i32, %c0_i32_0 : i32, i32
  }
  func.func @transform_2(%arg0: i32) -> (i32, i32) {
    %c0_i32 = arith.constant 0 : i32
    %c0_i32_0 = arith.constant 0 : i32
    return %arg0, %c0_i32 : i32, i32
  }
  func.func @transform_3(%arg0: i32) -> (i32, i32) {
    %c0_i32 = arith.constant 0 : i32
    %c0_i32_0 = arith.constant 0 : i32
    return %arg0, %c0_i32 : i32, i32
  }
  func.func @transform_4(%arg0: i32) -> (i32, i32) {
    %c0_i32 = arith.constant 0 : i32
    %c0_i32_0 = arith.constant 0 : i32
    %c0_i32_1 = arith.constant 0 : i32
    return %c0_i32, %c0_i32_0 : i32, i32
  }
}

</mosaic_0001>

<sc_bundles>
// kernel: kernel.6.cloned.1.call-start
scs
__scs_entry_jumppad:
0x0: {  	(pc) =	sbr.rel $0x88, $3  }
0x1: {  	(tag) =	ssettag $0x0;
	lr =	simm.s32 $0x1  }
0x2: {  	[smem:$0x3F9D] =	sst lr;
	_ =	strace $0xD0000000  }
0x3: {  	_ = 	snop  }
0x4: {  	_ = 	snop  }
0x5: {  	_ = 	snop  }
0x6: {  	_ = 	snop  }
0x7: {  	_ = 	snop  }
__scs_overlays_trampoline_lowered:
0x8: {  	[smem:$0x3FAC] =	sst s0  }
0x9: {  	[smem:$0x3FAD] =	sst s1  }
0xa: {  	[smem:$0x3FAE] =	sst s2  }
0xb: {  	[smem:$0x3FAF] =	sst s3  }
0xc: {  	[smem:$0x3FB0] =	sst s4  }
0xd: {  	[smem:$0x3FB1] =	sst s5  }
0xe: {  	[smem:$0x3FB2] =	sst s6  }
0xf: {  	[smem:$0x3FB3] =	sst s7  }
0x10: {  	[smem:$0x3FB4] =	sst s8  }
0x11: {  	[smem:$0x3FB5] =	sst s9;
	s0 =	simm.s32 @!p0 $0x0  }
0x12: {  	s1 =	sld [smem:$0x3F9B];
	s0 =	simm.s32 @p0 $0x1  }
0x13: {  	[smem:$0x3FB6] =	sst s0;
	s0 =	simm.s32 @!p1 $0x0  }
0x14: {  	s2 =	sld [smem:$0x3F9A];
	s0 =	simm.s32 @p1 $0x1  }
0x15: {  	[smem:$0x3FB7] =	sst s0;
	s0 =	simm.s32 @!p2 $0x0  }
0x16: {  	s3 =	sld [smem:$0x3FDB];
	s0 =	simm.s32 @p2 $0x1  }
0x17: {  	s4 =	simm.s32 $0x1BF5;
	[smem:$0x3FB9] =	sst s0  }
0x18: {  	s0 =	sld [smem:$0x3F9C];
	_ =	swait.ge [sflag:s4], $0x0  }
0x19: {  	s7 =	sld [smem:$0x3F9D]  }
0x1a: {  	s8 =	sadd.s32 $0xFFFFE003, lr  }
0x1b: {  	s9 =	sadd.s32 $0xFFFFFEF7, lr;
	s5 =	simm.s32 $0xFFFFFFFF;
	p2 =	slt.u32 s8, $0xFFFFF086  }
0x1c: {  	p1 =	slt.u32 s9, $0xF7A;
	s5 =	simm.s32 @!p2 $0x0  }
0x1d: {  	s5 =	simm.s32 @p1 $0x1;
	p0 =	seq.s32 s7, s2  }
0x1e: {  	s7 =	smul.u32 @!p0 $0xF7A, s2;
	p2 =	seq.s32 @!p0 s5, $0x0  }
0x1f: {  	s9 =	smul.u32 $0xF7A, s1;
	s8 =	simm.s32 @!p0 $0x1BF5;
	p2 =	por !p2, p0  }
0x20: {  	[sflag:s8] =	ssyncset.s32 @!p0 $0xFFFFF086;
	s6 =	sadd.s32 @!p0 s3, s7;
	s7 =	simm.s32 @!p0 $0x108  }
0x21: {  	s3 =	sadd.s32 s3, s9;
	s6 =	sadd.s32 @!p0 $0x88, s6;
	s7 =	simm.s32 @p2 $0x1082  }
0x22: {  	[simem:s7], [sflag:s8] =	dma.local @!p0 [hbm:s6], $0xF7A  }
0x23: {  	s9 =	sor.u32 $0xD0000000, s2;
	s6 =	simm.s32 $0x108;
	_ =	swait.ge @!p0 [sflag:s8], $0x0  }
0x24: {  	s3 =	sadd.s32 $0x88, s3;
	s6 =	simm.s32 @!p1 $0x1082;
	[sflag:s4] =	ssyncset.s32 $0xFFFFF086  }
0x25: {  	[simem:s6], [sflag:s4] =	dma.local [hbm:s3], $0xF7A  }
0x26: {  	[smem:$0x3F9D] =	sst s1;
	(tag) =	ssettag s2;
	_ =	strace s9  }
0x27: {  	s1 =	sld [smem:$0x3FAD]  }
0x28: {  	s2 =	sld [smem:$0x3FAE]  }
0x29: {  	s4 =	sld [smem:$0x3FB0]  }
0x2a: {  	p0 =	seq.s32 s5, $0x0;
	s5 =	sld [smem:$0x3FB1]  }
0x2b: {  	s6 =	sld [smem:$0x3FB2]  }
0x2c: {  	s7 =	sld [smem:$0x3FB3]  }
0x2d: {  	s3 =	simm.s32 $0x108;
	s8 =	sld [smem:$0x3FB4]  }
0x2e: {  	s3 =	simm.s32 @!p0 $0x1082;
	s9 =	sld [smem:$0x3FB5]  }
0x2f: {  	lr =	sadd.s32 s0, s3;
	s0 =	sld [smem:$0x3FAC]  }
0x30: {  	s3 =	sld [smem:$0x3FAF]  }
0x31: {  	[smem:$0x3FB8] =	sst s10  }
0x32: {  	s10 =	sld [smem:$0x3FB6];
	_ =	sdelay $0x3  }
0x33: {  	p0 =	seq.s32 s10, $0x1;
	s10 =	sld [smem:$0x3FB8];
	_ =	sdelay $0x3  }
0x34: {  	[smem:$0x3FB8] =	sst s10  }
0x35: {  	s10 =	sld [smem:$0x3FB7];
	_ =	sdelay $0x3  }
0x36: {  	p1 =	seq.s32 s10, $0x1;
	s10 =	sld [smem:$0x3FB8];
	_ =	sdelay $0x3  }
0x37: {  	[smem:$0x3FB8] =	sst s10  }
0x38: {  	s10 =	sld [smem:$0x3FB9]  }
0x39: {  	_ = 	snop;
	(pc) =	sbr.ind lr, $3  }
0x3a: {  	_ = 	snop  }
0x3b: {  	_ = 	snop  }
0x3c: {  	p2 =	seq.s32 s10, $0x1;
	s10 =	sld [smem:$0x3FB8]  }
0x3d: {  	_ =	shalt  }
0x3e: {  	_ =	shalt  }
0x3f: {  	_ =	shalt  }
0x40: {  	_ =	shalt  }
0x41: {  	_ =	shalt  }
0x42: {  	_ =	shalt  }
0x43: {  	_ =	shalt  }
0x44: {  	_ =	shalt  }
0x45: {  	_ =	shalt  }
0x46: {  	_ =	shalt  }
0x47: {  	_ =	shalt  }
0x48: {  	_ =	shalt  }
0x49: {  	_ =	shalt  }
0x4a: {  	_ =	shalt  }
0x4b: {  	_ =	shalt  }
0x4c: {  	_ =	shalt  }
0x4d: {  	_ =	shalt  }
0x4e: {  	_ =	shalt  }
0x4f: {  	_ =	shalt  }
0x50: {  	_ =	shalt  }
0x51: {  	_ =	shalt  }
0x52: {  	_ =	shalt  }
0x53: {  	_ =	shalt  }
0x54: {  	_ =	shalt  }
0x55: {  	_ =	shalt  }
0x56: {  	_ =	shalt  }
0x57: {  	_ =	shalt  }
0x58: {  	_ =	shalt  }
0x59: {  	_ =	shalt  }
0x5a: {  	_ =	shalt  }
0x5b: {  	_ =	shalt  }
0x5c: {  	_ =	shalt  }
0x5d: {  	_ =	shalt  }
0x5e: {  	_ =	shalt  }
0x5f: {  	_ =	shalt  }
0x60: {  	_ =	shalt  }
0x61: {  	_ =	shalt  }
0x62: {  	_ =	shalt  }
0x63: {  	_ =	shalt  }
0x64: {  	_ =	shalt  }
0x65: {  	_ =	shalt  }
0x66: {  	_ =	shalt  }
0x67: {  	_ =	shalt  }
0x68: {  	_ =	shalt  }
0x69: {  	_ =	shalt  }
0x6a: {  	_ =	shalt  }
0x6b: {  	_ =	shalt  }
0x6c: {  	_ =	shalt  }
0x6d: {  	_ =	shalt  }
0x6e: {  	_ =	shalt  }
0x6f: {  	_ =	shalt  }
0x70: {  	_ =	shalt  }
0x71: {  	_ =	shalt  }
0x72: {  	_ =	shalt  }
0x73: {  	_ =	shalt  }
0x74: {  	_ =	shalt  }
0x75: {  	_ =	shalt  }
0x76: {  	_ =	shalt  }
0x77: {  	_ =	shalt  }
0x78: {  	_ =	shalt  }
0x79: {  	_ =	shalt  }
0x7a: {  	_ =	shalt  }
0x7b: {  	_ =	shalt  }
0x7c: {  	_ =	shalt  }
0x7d: {  	_ =	shalt  }
0x7e: {  	_ =	shalt  }
0x7f: {  	_ =	shalt  }
0x80: {  	_ =	shalt  }
0x81: {  	_ =	shalt  }
0x82: {  	_ =	shalt  }
0x83: {  	_ =	shalt  }
0x84: {  	_ =	shalt  }
0x85: {  	_ =	shalt  }
0x86: {  	_ =	shalt  }
0x87: {  	_ =	shalt  }
.Lfunc_end0:
.L_simem_size_0:
called_computation_lowered:
.L_overlay_start_0:
0x88: {  	s2 =	sld [smem:$0x3FD9]  }
0x89: {  	s3 =	sld [smem:$0x3FFE];
	_ =	sdelay $0x1  }
0x8a: {  	s1 =	srdreg.scid  }
0x8b: {  	s0 =	sand.u32 $0x1, s1  }
0x8c: {  	s14 =	sshll.u32 s0, $0xA;
	s2 =	sadd.s32 s3, s2  }
0x8d: {  	s2 =	sadd.s32 s2, s14  }
0x8e: {  	[smem:$0x3FC4] =	sst s2  }
0x8f: {  	_ = 	snop  }
0x90: {  	s2 =	sld [smem:$0x3FD0];
	_ =	sdelay $0x2  }
0x91: {  	s4 =	simm.s32 $0xA;
	s5 =	simm.s32 $0x10;
	s15 =	sld [smem:$0x3FC9]  }
0x92: {  	[smem:s5], [sflag:s4] =	dma.local [hbm:s2], $0x1  }
0x93: {  	_ =	swait.eq [sflag:s4], $0x1  }
0x94: {  	[sflag:s4] =	ssyncset.done $0x0  }
0x95: {  	s16 =	sld [smem:$0x10];
	[sflag:s4] =	ssyncadd.s32 $0xFFFFFFFF  }
0x96: {  	s17 =	sld [smem:$0x12];
	(tm) =	ssettm $0x1  }
0x97: {  	s18 =	sld [smem:$0x3FFB];
	_ =	sdelay $0x3  }
0x98: {  	_ =	strace s18  }
0x99: {  	s5 =	sld [smem:$0x3FFC];
	_ =	sdelay $0x3  }
0x9a: {  	_ =	strace s5  }
0x9b: {  	s5 =	sld [smem:$0x3FFD];
	_ =	sdelay $0x3  }
0x9c: {  	_ =	strace s5  }
0x9d: {  	_ =	strace $0x8FFFFFFF  }
0x9e: {  	s19 =	sld [smem:$0x3FDB];
	_ =	sdelay $0x1  }
0x9f: {  	s6 =	simm.s32 $_scs_section_size  }
0xa0: {  	s7 =	simm.s32 $_size__tile_overlayer_lowered;
	s8 =	simm.s32 $_tile_overlayer_lowered  }
0xa1: {  	s22 =	simm.s32 $0x1BFF;
	s21 =	sshll.u32 s8, $0x1;
	s5 =	sadd.s32 s6, s19  }
0xa2: {  	s9 =	simm.s32 $0x0;
	s20 =	sshll.u32 s7, $0x1;
	s7 =	sadd.s32 s21, s5  }
0xa3: {  	[timem:s9], [sflag:s22] =	dma.local [hbm:s7], s20  }
0xa4: {  	_ =	swait.ge [sflag:s22], s20  }
0xa5: {  	s6 =	ssub.s32 $0x0, s20;
	[sflag:s22] =	ssyncset.done $0x0  }
0xa6: {  	[sflag:s22] =	ssyncadd.s32 s6;
	_ =	sdelay $0x1  }
0xa7: {  	s23 =	simm.s32 $0x1B8B  }
0xa8: {  	_ =	swait.ge [sflag:s23], $0x1  }
0xa9: {  	[sflag:s23] =	ssyncset.done $0x0  }
0xaa: {  	s25 =	simm.s32 $0x1B8E;
	s24 =	sld [smem:$0x3FFE];
	[sflag:s23] =	ssyncadd.s32 $0xFFFFFFFF  }
0xab: {  	s26 =	simm.s32 $execute0_lowered;
	[smem:$0x3FD2] =	sst s25  }
0xac: {  	s7 =	sshll.u32 s26, $0x1;
	_ =	strace $0x80000046;
	[dreg:$0x1] =	wrdreg $0xFFFFFFFF  }
0xad: {  	s28 =	simm.s32 $_size_execute0_lowered;
	s5 =	sadd.s32 s5, s7;
	[dreg:$0x0] =	wrdreg $0x0  }
0xae: {  	s7 =	sshll.u32 s28, $0x1;
	[dreg:$0x2] =	wrdreg s5  }
0xaf: {  	[dreg:$0x3] =	wrdreg s7  }
0xb0: {  	[dreg:$0x4] =	wrdreg $0xC0  }
0xb1: {  	_ =	task [dreg:s9], $0x5FFFF  }
0xb2: {  	[dreg:$0x1] =	wrdreg $0xFFFFFFFF  }
0xb3: {  	[dreg:$0x0] =	wrdreg $0x60  }
0xb4: {  	[dreg:$0x2] =	wrdreg s15  }
0xb5: {  	[dreg:$0x3] =	wrdreg s17  }
0xb6: {  	[dreg:$0x4] =	wrdreg s16  }
0xb7: {  	[dreg:$0x5] =	wrdreg s24  }
0xb8: {  	[dreg:$0x6] =	wrdreg $0x9  }
0xb9: {  	_ =	task.clear_ibuf [dreg:s9], $0x7FFFF;
	_ =	strace $0x90000046  }
0xba: {  	s29 =	simm.s32 $0x9;
	_ =	strace $0x80000048  }
0xbb: {  	_ =	swait.ge [sflag:s29], $0x1  }
0xbc: {  	[sflag:s29] =	ssyncadd.s32 $0xFFFFFFFF  }
0xbd: {  	_ =	strace $0x90000048  }
0xbe: {  	_ =	sfence  }
0xbf: {  	s30 =	sld [smem:$0x0];
	_ =	sdelay $0x2  }
0xc0: {  	s31 =	sshll.u32 s1, $0xD;
	s1 =	sshrl.u32 s1, $0x2  }
0xc1: {  	s3 =	sand.u32 $0x4000, s31;
	s1 =	sadd.s32 s1, s30  }
0xc2: {  	s0 =	sor.u32 s3, s0;
	s1 =	sshll.u32 s1, $0x11  }
0xc3: {  	s0 =	sor.u32 s1, s0  }
0xc4: {  	s0 =	sadd.s32 $0x8F2B, s0  }
0xc5: {  	[sflag:s0] =	ssyncadd.remote.s32 $0x1  }
0xc6: {  	_ =	sfence.sel $0xFFFF  }
0xc7: {  	[dreg:$0x0] =	wrdreg $0xFFFFFFFF;
	(pc) =	sbr.abs _section_cstart, $3  }
0xc8: {  	[dreg:$0x1] =	wrdreg $0xFFFFFFFF  }
0xc9: {  	_ =	task.clear_ibuf [dreg:s9], $0x2FFFF;
	_ =	strace $0x9FFFFFFF  }
0xca: {  	(tm) =	ssettm $0x7FFFFFFF  }
0xcb: {  	_ =	shalt  }
tec
execute0_lowered:
.L_overlay_start_1:
0x0: {  	(tag) =	ssettag $0x1  }
0x1: {  	s4 =	rddreg [dreg:$0x0]  }
0x2: {  	s1 =	rddreg [dreg:$0x1]  }
0x3: {  	s0 =	rddreg [dreg:$0x2];
	s16 =	srdreg.scid  }
0x4: {  	s7 =	rddreg [dreg:$0x3];
	s9 =	sand.u32 $0x1, s16  }
0x5: {  	s3 =	stileid.u32;
	[dreg:$0x5] =	wrdreg s0;
	s0 =	sshll.u32 s9, $0x4  }
0x6: {  	s2 =	simm.s32 $0x0;
	s26 =	simm.s32 $0x1080;
	s0 =	sor.u32 s3, s0  }
0x7: {  	s28 =	simm.s32 $0x1100;
	s11 =	simm.s32 $0x1180;
	p0 =	seq.s32 s0, $0x1F  }
0x8: {  	s29 =	simm.s32 $0x3B00;
	s30 =	simm.s32 $0x4B00;
	s3 =	simm.s32 @!p0 $0x0  }
0x9: {  	[smem:$0x7FF] =	sst s2;
	s3 =	simm.s32 @p0 $0x1;
	p0 =	sgt.u32 s0, $0x1D  }
0xa: {  	_ =	strace $0x80000047;
	[smem:$0x7E5] =	sst s3;
	s3 =	simm.s32 @!p0 $0x0  }
0xb: {  	s31 =	simm.s32 $0x5300;
	s3 =	simm.s32 @p0 $0x1;
	p0 =	sgt.u32 s0, $0x1C  }
0xc: {  	s12 =	simm.s32 $0x6B00;
	[smem:$0x7E6] =	sst s3;
	s3 =	simm.s32 @!p0 $0x0  }
0xd: {  	s13 =	simm.s32 $0x7300;
	s3 =	simm.s32 @p0 $0x1;
	p0 =	sgt.u32 s0, $0x1B  }
0xe: {  	s17 =	sadd.s32 $0x1400, s7;
	[smem:$0x7E7] =	sst s3;
	s3 =	simm.s32 @!p0 $0x0  }
0xf: {  	[dreg:$0xe] =	wrdreg s17;
	s3 =	simm.s32 @p0 $0x1;
	p0 =	sgt.u32 s0, $0x1A  }
0x10: {  	s22 =	sadd.s32 $0x1500, s7;
	[smem:$0x7E8] =	sst s3;
	s3 =	simm.s32 @!p0 $0x0  }
0x11: {  	[dreg:$0xf] =	wrdreg s22;
	s3 =	simm.s32 @p0 $0x1;
	p0 =	sgt.u32 s0, $0x19  }
0x12: {  	s23 =	sadd.s32 $0x1600, s7;
	[smem:$0x7E9] =	sst s3;
	s3 =	simm.s32 @!p0 $0x0  }
0x13: {  	[dreg:$0x10] =	wrdreg s23;
	s3 =	simm.s32 @p0 $0x1;
	p0 =	seq.s32 s9, $0x0  }
0x14: {  	s25 =	sadd.s32 $0x1700, s7;
	[smem:$0x7EA] =	sst s3;
	s3 =	simm.s32 @!p0 $0x0  }
0x15: {  	[dreg:$0x11] =	wrdreg s25;
	s3 =	simm.s32 @p0 $0x1;
	p0 =	sgt.u32 s0, $0x18  }
0x16: {  	s14 =	simm.s32 $0x7B00;
	[smem:$0x7EB] =	sst s3;
	s3 =	simm.s32 @!p0 $0x0  }
0x17: {  	[dreg:$0xa] =	wrdreg s26;
	s3 =	simm.s32 @p0 $0x1;
	p0 =	sgt.u32 s0, $0x17  }
0x18: {  	s15 =	simm.s32 $0x8300;
	[smem:$0x7EC] =	sst s3;
	s3 =	simm.s32 @!p0 $0x0  }
0x19: {  	[dreg:$0xb] =	wrdreg s28;
	s3 =	simm.s32 @p0 $0x1;
	p0 =	sgt.u32 s0, $0x16  }
0x1a: {  	s16 =	simm.s32 $0x8B00;
	[smem:$0x7ED] =	sst s3;
	s3 =	simm.s32 @!p0 $0x0  }
0x1b: {  	[dreg:$0xc] =	wrdreg s11;
	s3 =	simm.s32 @p0 $0x1;
	p0 =	sgt.u32 s0, $0x15  }
0x1c: {  	s6 =	ssub.s32 $0x2, s9;
	[smem:$0x7EE] =	sst s3;
	s3 =	simm.s32 @!p0 $0x0  }
0x1d: {  	s22 =	simm.s32 $0x1300;
	s3 =	simm.s32 @p0 $0x1;
	p0 =	sgt.u32 s0, $0x14  }
0x1e: {  	s17 =	simm.s32 $0x9300;
	[smem:$0x7EF] =	sst s3;
	s3 =	simm.s32 @!p0 $0x0  }
0x1f: {  	s11 =	simm.s32 $0xBB00;
	s3 =	simm.s32 @p0 $0x1;
	p0 =	sgt.u32 s0, $0x13  }
0x20: {  	s10 =	sshrl.u32 s6, $0x1;
	[smem:$0x7F0] =	sst s3;
	s3 =	simm.s32 @!p0 $0x0  }
0x21: {  	s5 =	sshll.u32 s0, $0x4;
	s3 =	simm.s32 @p0 $0x1;
	p0 =	sgt.u32 s0, $0x12  }
0x22: {  	s10 =	ssub.s32 s6, s10;
	[smem:$0x7F1] =	sst s3;
	s3 =	simm.s32 @!p0 $0x0  }
0x23: {  	s20 =	sshll.u32 s0, $0xE;
	s3 =	simm.s32 @p0 $0x1;
	p0 =	sgt.u32 s0, $0x11  }
0x24: {  	s21 =	sor.u32 $0x1400, s0;
	[smem:$0x7F2] =	sst s3;
	s3 =	simm.s32 @!p0 $0x0  }
0x25: {  	p4 =	sgt.u32 s0, $0x5;
	s3 =	simm.s32 @p0 $0x1;
	p0 =	sgt.u32 s0, $0x10  }
0x26: {  	p5 =	sgt.u32 s0, $0x4;
	[smem:$0x7F3] =	sst s3;
	s3 =	simm.s32 @!p0 $0x0  }
0x27: {  	p6 =	sgt.u32 s0, $0x3;
	s3 =	simm.s32 @p0 $0x1;
	p0 =	sgt.u32 s0, $0xE  }
0x28: {  	p1 =	sgt.u32 s0, $0x1;
	[smem:$0x7F4] =	sst s3;
	s3 =	simm.s32 @!p0 $0x0  }
0x29: {  	p2 =	seq.s32 s0, $0x0;
	s3 =	simm.s32 @p0 $0x1;
	p0 =	sgt.u32 s0, $0xD  }
0x2a: {  	s8 =	sadd.s32 s5, s7;
	[smem:$0x7F5] =	sst s3;
	s3 =	simm.s32 @!p0 $0x0  }
0x2b: {  	s1 =	sadd.s32 s1, s5;
	s3 =	simm.s32 @p0 $0x1;
	p0 =	sgt.u32 s0, $0xC  }
0x2c: {  	s4 =	sadd.s32 s4, s20;
	[smem:$0x7F6] =	sst s3;
	s3 =	simm.s32 @!p0 $0x0  }
0x2d: {  	s20 =	simm.s32 $0xAB00;
	s3 =	simm.s32 @p0 $0x1;
	p0 =	sgt.u32 s0, $0xB  }
0x2e: {  	v0 =	vmov s21;
	s21 =	simm.s32 $0xB300;
	[smem:$0x7F7] =	sst s3;
	s3 =	simm.s32 @!p0 $0x0  }
0x2f: {  	[dreg:$0x6] =	wrdreg s1;
	s3 =	simm.s32 @p0 $0x1;
	p0 =	sgt.u32 s0, $0xA  }
0x30: {  	s18 =	sadd.s32 $0xA2400, s8;
	[smem:$0x7F8] =	sst s3;
	s3 =	simm.s32 @!p0 $0x0  }
0x31: {  	[dreg:$0xd] =	wrdreg s4;
	s3 =	simm.s32 @p0 $0x1;
	p0 =	sgt.u32 s0, $0x9  }
0x32: {  	s19 =	sadd.s32 $0xA2600, s8;
	[smem:$0x7F9] =	sst s3;
	s3 =	simm.s32 @!p0 $0x0  }
0x33: {  	s24 =	sadd.s32 $0x2000, s4;
	s3 =	simm.s32 @p0 $0x1;
	p0 =	sgt.u32 s0, $0x8  }
0x34: {  	s4 =	smax.u32 s10, $0x1;
	[smem:$0x7FA] =	sst s3;
	s3 =	simm.s32 @!p0 $0x0  }
0x35: {  	[dreg:$0x7] =	wrdreg s18;
	s3 =	simm.s32 @p0 $0x1;
	p0 =	sgt.u32 s0, $0x7  }
0x36: {  	s10 =	simm.s32 $0xC300;
	[smem:$0x7FB] =	sst s3;
	s3 =	simm.s32 @!p0 $0x0  }
0x37: {  	[tilespmem:$0x1FFD0] =	vst v0;
	v0 =	vlaneseq.u32;
	[dreg:$0x8] =	wrdreg s19;
	s3 =	simm.s32 @p0 $0x1;
	p0 =	sgt.u32 s0, $0x6  }
0x38: {  	s8 =	simm.s32 $0xCB00;
	v3 =	vand.u32 $0x7, v0;
	[smem:$0x7FC] =	sst s3;
	s3 =	simm.s32 @!p0 $0x0  }
0x39: {  	[dreg:$0x9] =	wrdreg s24;
	v2 =	vshrl.u32 v0, $0x3;
	v0 =	vor.u32 $0x8, v0;
	s18 =	simm.s32 $0x9B00;
	[tilespmem:$0x1FFE0] =	vst v3;
	s3 =	simm.s32 @p0 $0x1  }
0x3a: {  	v1 =	vimm.s32 $0x0;
	vm4 =	vmmov $0xffff;
	s19 =	simm.s32 $0xA300;
	v3 =	vmul.u32 $0x8, v2;
	[tilespmem:$0x1FFF0] =	vst v0;
	p0 =	sgt.u32 s0, $0x2;
	[smem:$0x7FD] =	sst s3  }
.LBB2_1:
0x3b: {  	s23 =	rddreg [dreg:$0x6]  }
0x3c: {  	s24 =	rddreg [dreg:$0xa];
	s0 =	simm.s32 $0x2  }
0x3d: {  	[tilespmem:s24], [sflag:$0x2] =	stream.linear.gather [hbm4b:s23+s2], $0x80, $0x38;
	[tilespmem:$0x11300] =	vst v63  }
0x3e: {  	_ =	swait.ge [sflag:s0], $0x80  }
0x3f: {  	[sflag:s0] =	ssyncset.done $0x0  }
0x40: {  	s9 =	rddreg [dreg:$0x5];
	[sflag:s0] =	ssyncadd.s32 $0xFFFFFF80  }
0x41: {  	[tilespmem:s2], [sflag:$0x2] =	stream.linear.gather [hbm4b:s9+s2], $0x1000, $0x38;
	[tilespmem:$0x11300] =	vst v63  }
0x42: {  	_ =	swait.ge [sflag:s0], $0x1000  }
0x43: {  	[sflag:s0] =	ssyncset.done $0x0  }
0x44: {  	[sflag:s0] =	ssyncadd.s32 $0xFFFFF000  }
0x45: {  	v6 =	vld [tilespmem:$0x1080];
	_ =	sdelay $0x4  }
0x46: {  	v0 =	vimm.s32 $0x0;
	vm0 =	veq.s32 v6, $0x0  }
0x47: {  	v0 =	vsel vm0, $0xFFFFFFFF, v0  }
0x48: {  	[tilespmem:$0x1FAE0] =	vst v0;
	v0 =	vsel vm0, $0x1, v1  }
0x49: {  	(xrf0) =	vadd.scan.msk.s32 $0xffff, v0;
	_ =	sdelay $0x5  }
0x4a: {  	v18, _, _ =	vpop (xrf0)  }
0x4b: {  	vm11 =	veq.s32 v6, $0x1;
	v0 =	vxor.u32 $0x80000000, v18  }
0x4c: {  	(xrf0) =	vmax.scan.msk.u32 $0xffff, v0;
	v0 =	vsel vm11, $0x1, v1  }
0x4d: {  	(xrf0) =	vadd.scan.msk.s32 $0xffff, v0;
	_ =	sdelay $0x4  }
0x4e: {  	v2 =	vimm.s32 $0x0;
	v0, _, _ =	vpop (xrf0)  }
0x4f: {  	v2 =	vsel vm11, $0xFFFFFFFF, v2;
	v14, _, _ =	vpop (xrf0)  }
0x50: {  	vm12 =	veq.s32 v6, $0x2;
	[tilespmem:$0x1FAF0] =	vst v2;
	v2 =	vxor.u32 $0x80000000, v14  }
0x51: {  	(xrf0) =	vmax.scan.msk.u32 $0xffff, v2;
	v2 =	vsel vm12, $0x1, v1  }
0x52: {  	(xrf0) =	vadd.scan.msk.s32 $0xffff, v2;
	_ =	sdelay $0x4  }
0x53: {  	v2, _, _ =	vpop (xrf0)  }
0x54: {  	v20, _, _ =	vpop (xrf0)  }
0x55: {  	vm13 =	veq.s32 v6, $0x3;
	v5 =	vxor.u32 $0x80000000, v20  }
0x56: {  	v7 =	vld [tilespmem:$0x80];
	(xrf0) =	vmax.scan.msk.u32 $0xffff, v5;
	v5 =	vsel vm13, $0x1, v1  }
0x57: {  	(xrf0) =	vadd.scan.msk.s32 $0xffff, v5;
	v5 =	vld [tilespmem:$0x0]  }
0x58: {  	v8 =	vld [tilespmem:$0x100]  }
0x59: {  	v9 =	vld [tilespmem:$0x180]  }
0x5a: {  	v11 =	vld [tilespmem:$0x200]  }
0x5b: {  	v12 =	vld [tilespmem:$0x280]  }
0x5c: {  	v16 =	vld [tilespmem:$0x300];
	v7 =	vpsel !p1, $0x0, v7;
	v5 =	vpsel p2, $0x0, v5  }
0x5d: {  	s23 =	sld [smem:$0x7FD];
	v35 =	vld [tilespmem:$0x380];
	v34 =	vpsel !p0, $0x0, v8;
	v5 =	vadd.s32 v5, v7  }
0x5e: {  	s24 =	sld [smem:$0x7FC];
	v37 =	vld [tilespmem:$0x400];
	v36 =	vpsel !p6, $0x0, v9;
	v5 =	vadd.s32 v34, v5  }
0x5f: {  	s25 =	sld [smem:$0x7FB];
	v39 =	vld [tilespmem:$0x480];
	v38 =	vpsel !p5, $0x0, v11;
	v5 =	vadd.s32 v36, v5  }
0x60: {  	s26 =	sld [smem:$0x7FA];
	v41 =	vld [tilespmem:$0x500];
	p3 =	seq.s32 s23, $0x1;
	v40 =	vpsel !p4, $0x0, v12;
	v5 =	vadd.s32 v38, v5  }
0x61: {  	s28 =	sld [smem:$0x7F9];
	v43 =	vld [tilespmem:$0x580];
	v42 =	vpsel !p3, $0x0, v16;
	p3 =	seq.s32 s24, $0x1;
	v10, _, _ =	vpop (xrf0);
	v5 =	vadd.s32 v40, v5  }
0x62: {  	s1 =	sld [smem:$0x7F8];
	v45 =	vld [tilespmem:$0x600];
	vm14 =	veq.s32 v6, $0x4;
	v44 =	vpsel !p3, $0x0, v35;
	p3 =	seq.s32 s25, $0x1;
	v26, _, _ =	vpop (xrf0);
	v5 =	vadd.s32 v42, v5  }
0x63: {  	s3 =	sld [smem:$0x7F7];
	v48 =	vld [tilespmem:$0x680];
	v47 =	vpsel !p3, $0x0, v37;
	p3 =	seq.s32 s26, $0x1;
	v15 =	vxor.u32 $0x80000000, v26;
	v5 =	vadd.s32 v44, v5  }
0x64: {  	s5 =	sld [smem:$0x7F6];
	v50 =	vld [tilespmem:$0x700];
	v33 =	vsel vm14, $0x1, v1;
	v49 =	vpsel !p3, $0x0, v39;
	p3 =	seq.s32 s28, $0x1;
	(xrf0) =	vmax.scan.msk.u32 $0xffff, v15;
	v5 =	vadd.s32 v47, v5  }
0x65: {  	s6 =	sld [smem:$0x7F5];
	v52 =	vld [tilespmem:$0x780];
	v51 =	vpsel !p3, $0x0, v41;
	p3 =	seq.s32 s1, $0x1;
	(xrf0) =	vadd.scan.msk.s32 $0xffff, v33;
	v5 =	vadd.s32 v49, v5  }
0x66: {  	s7 =	sld [smem:$0x7EB];
	v54 =	vld [tilespmem:$0x800];
	v53 =	vpsel !p3, $0x0, v43;
	p3 =	seq.s32 s3, $0x1;
	v5 =	vadd.s32 v51, v5  }
0x67: {  	s9 =	sld [smem:$0x7F4];
	v56 =	vld [tilespmem:$0x880];
	v55 =	vpsel !p3, $0x0, v45;
	p3 =	seq.s32 s5, $0x1;
	v5 =	vadd.s32 v53, v5  }
0x68: {  	v58 =	vld [tilespmem:$0x900];
	s23 =	sld [smem:$0x7F3];
	v57 =	vpsel !p3, $0x0, v48;
	p3 =	seq.s32 s6, $0x1;
	v5 =	vadd.s32 v55, v5  }
0x69: {  	v59 =	vld [tilespmem:$0x980];
	s24 =	sld [smem:$0x7F2];
	(v2sf) =	vpush v0, $0xF;
	v0 =	vadd.s32 v57, v5;
	v5 =	vpsel !p3, $0x0, v50;
	p3 =	seq.s32 s7, $0x1  }
0x6a: {  	s25 =	sld [smem:$0x7F1];
	(v2sf) =	vpush v2, $0xF;
	v46, _, _ =	vpop (xrf0);
	v0 =	vadd.s32 v5, v0;
	v2 =	vpsel p3, $0x0, v52;
	v5 =	vld [tilespmem:$0xA00];
	p3 =	seq.s32 s9, $0x1  }
0x6b: {  	v60 =	vld [tilespmem:$0xA80];
	s26 =	sld [smem:$0x7F0];
	v29, _, _ =	vpop (xrf0);
	v0 =	vadd.s32 v2, v0;
	v2 =	vpsel !p3, $0x0, v54;
	p3 =	seq.s32 s23, $0x1  }
0x6c: {  	v62 =	vld [tilespmem:$0xB00];
	s28 =	sld [smem:$0x7EF];
	v17 =	vxor.u32 $0x80000000, v29;
	v0 =	vadd.s32 v2, v0;
	v2 =	vpsel !p3, $0x0, v56;
	p3 =	seq.s32 s24, $0x1  }
0x6d: {  	v63 =	vld [tilespmem:$0xB80];
	s1 =	sld [smem:$0x7EE];
	(xrf0) =	vmax.scan.msk.u32 $0xffff, v17;
	v0 =	vadd.s32 v2, v0;
	v2 =	vpsel !p3, $0x0, v58;
	p3 =	seq.s32 s25, $0x1  }
0x6e: {  	v12 =	vld [tilespmem:$0xC00];
	s3 =	sld [smem:$0x7ED];
	v0 =	vadd.s32 v2, v0;
	v2 =	vpsel !p3, $0x0, v59;
	p3 =	seq.s32 s26, $0x1  }
0x6f: {  	s5 =	sld [smem:$0x7EC];
	v0 =	vadd.s32 v2, v0;
	v2 =	vpsel !p3, $0x0, v5;
	v5 =	vld [tilespmem:$0xC80];
	p3 =	seq.s32 s28, $0x1  }
0x70: {  	v13 =	vld [tilespmem:$0xD00];
	s6 =	sld [smem:$0x7EA];
	v0 =	vadd.s32 v2, v0;
	v2 =	vpsel !p3, $0x0, v60;
	p3 =	seq.s32 s1, $0x1  }
0x71: {  	vm3 =	veq.s32 v6, $0x5;
	v15 =	vld [tilespmem:$0xD80];
	s7 =	sld [smem:$0x7E9];
	v0 =	vadd.s32 v2, v0;
	v2 =	vpsel !p3, $0x0, v62;
	p3 =	seq.s32 s3, $0x1  }
0x72: {  	v16 =	vld [tilespmem:$0xE00];
	v19 =	vsel vm3, $0x1, v1;
	s9 =	sld [smem:$0x7E8];
	v0 =	vadd.s32 v2, v0;
	v2 =	vpsel !p3, $0x0, v63;
	p3 =	seq.s32 s5, $0x1  }
0x73: {  	v17 =	vld [tilespmem:$0xE80];
	s23 =	sld [smem:$0x7E7];
	v61, _, _ =	vpop (xrf0);
	(xrf0) =	vadd.scan.msk.s32 $0xffff, v19;
	v0 =	vadd.s32 v2, v0;
	v2 =	vpsel !p3, $0x0, v12;
	p3 =	seq.s32 s6, $0x1  }
0x74: {  	s24 =	sld [smem:$0x7E6];
	v0 =	vadd.s32 v2, v0;
	v2 =	vpsel !p3, $0x0, v5;
	v5 =	vld [tilespmem:$0xF00];
	p3 =	seq.s32 s7, $0x1  }
0x75: {  	s25 =	sld [smem:$0x7E5];
	v0 =	vadd.s32 v2, v0;
	v2 =	vpsel !p3, $0x0, v13;
	p3 =	seq.s32 s9, $0x1  }
0x76: {  	v0 =	vadd.s32 v2, v0;
	v2 =	vpsel !p3, $0x0, v15;
	p3 =	seq.s32 s23, $0x1  }
0x77: {  	v0 =	vadd.s32 v2, v0;
	v2 =	vpsel !p3, $0x0, v16;
	p3 =	seq.s32 s24, $0x1  }
0x78: {  	v0 =	vadd.s32 v2, v0;
	v2 =	vpsel !p3, $0x0, v17;
	p3 =	seq.s32 s25, $0x1  }
0x79: {  	v33, _, _ =	vpop (xrf0);
	v0 =	vadd.s32 v2, v0;
	v2 =	vpsel !p3, $0x0, v5  }
0x7a: {  	vm2 =	veq.s32 v6, $0x6;
	v57 =	vadd.s32 v2, v0;
	v0 =	vxor.u32 $0x80000000, v33  }
0x7b: {  	(xrf0) =	vmax.scan.msk.u32 $0xffff, v0;
	v0 =	vsel vm2, $0x1, v1  }
0x7c: {  	(xrf0) =	vadd.scan.msk.s32 $0xffff, v0;
	_ =	sdelay $0x4  }
0x7d: {  	v11, _, _ =	vpop (xrf0)  }
0x7e: {  	v34, _, _ =	vpop (xrf0)  }
0x7f: {  	vm1 =	veq.s32 v6, $0x7;
	v0 =	vxor.u32 $0x80000000, v34  }
0x80: {  	(xrf0) =	vmax.scan.msk.u32 $0xffff, v0;
	v0 =	vsel vm1, $0x1, v1  }
0x81: {  	(xrf0) =	vadd.scan.msk.s32 $0xffff, v0;
	_ =	sdelay $0x1  }
0x82: {  	v40 =	vld [tilespmem:$0x1090];
	_ =	sdelay $0x2  }
0x83: {  	v12, _, _ =	vpop (xrf0)  }
0x84: {  	v32, _, _ =	vpop (xrf0)  }
0x85: {  	vm15 =	veq.s32 v40, $0x0;
	v0 =	vxor.u32 $0x80000000, v32  }
0x86: {  	(xrf0) =	vmax.scan.msk.u32 $0xffff, v0;
	v0 =	vsel vm15, $0x1, v1  }
0x87: {  	(xrf0) =	vadd.scan.msk.s32 $0xffff, v0  }
0x88: {  	v2 =	vimm.s32 $0x0  }
0x89: {  	v2 =	vsel vm15, $0xFFFFFFFF, v2;
	_ =	sdelay $0x2  }
0x8a: {  	[tilespmem:$0x1FB30] =	vst v2;
	v2, _, _ =	vpop (xrf0)  }
0x8b: {  	v36, _, _ =	vpop (xrf0)  }
0x8c: {  	vm8 =	veq.s32 v40, $0x1;
	v0 =	vxor.u32 $0x80000000, v36  }
0x8d: {  	(xrf0) =	vmax.scan.msk.u32 $0xffff, v0;
	v0 =	vsel vm8, $0x1, v1  }
0x8e: {  	(xrf0) =	vadd.scan.msk.s32 $0xffff, v0;
	_ =	sdelay $0x4  }
0x8f: {  	v58, _, _ =	vpop (xrf0)  }
0x90: {  	v52, _, _ =	vpop (xrf0)  }
0x91: {  	vm15 =	veq.s32 v40, $0x2;
	v0 =	vxor.u32 $0x80000000, v52  }
0x92: {  	(xrf0) =	vmax.scan.msk.u32 $0xffff, v0;
	v0 =	vsel vm15, $0x1, v1  }
0x93: {  	(xrf0) =	vadd.scan.msk.s32 $0xffff, v0;
	_ =	sdelay $0x4  }
0x94: {  	v39, _, _ =	vpop (xrf0)  }
0x95: {  	v31, _, _ =	vpop (xrf0)  }
0x96: {  	vm9 =	veq.s32 v40, $0x3;
	v0 =	vxor.u32 $0x80000000, v31  }
0x97: {  	(xrf0) =	vmax.scan.msk.u32 $0xffff, v0;
	v0 =	vsel vm9, $0x1, v1  }
0x98: {  	(xrf0) =	vadd.scan.msk.s32 $0xffff, v0;
	_ =	sdelay $0x1  }
0x99: {  	v4 =	vimm.s32 $0x0  }
0x9a: {  	v4 =	vsel vm12, $0xFFFFFFFF, v4  }
0x9b: {  	[tilespmem:$0x1FB00] =	vst v4;
	v4 =	vimm.s32 $0x0  }
0x9c: {  	v4 =	vsel vm13, $0xFFFFFFFF, v4;
	v56, _, _ =	vpop (xrf0)  }
0x9d: {  	[tilespmem:$0x1FB10] =	vst v4;
	v4 =	vimm.s32 $0x0;
	v42, _, _ =	vpop (xrf0)  }
0x9e: {  	v4 =	vsel vm14, $0xFFFFFFFF, v4;
	vm14 =	veq.s32 v40, $0x4;
	v0 =	vxor.u32 $0x80000000, v42  }
0x9f: {  	(xrf0) =	vmax.scan.msk.u32 $0xffff, v0;
	v0 =	vsel vm14, $0x1, v1  }
0xa0: {  	(xrf0) =	vadd.scan.msk.s32 $0xffff, v0;
	_ =	sdelay $0x4  }
0xa1: {  	(v2sf) =	vpush v10, $0xF;
	v60, _, _ =	vpop (xrf0)  }
0xa2: {  	(v2sf) =	vpush v46, $0xF;
	v46, _, _ =	vpop (xrf0)  }
0xa3: {  	vm11 =	veq.s32 v40, $0x5;
	v0 =	vxor.u32 $0x80000000, v46  }
0xa4: {  	(xrf0) =	vmax.scan.msk.u32 $0xffff, v0;
	v0 =	vsel vm11, $0x1, v1  }
0xa5: {  	(xrf0) =	vadd.scan.msk.s32 $0xffff, v0;
	_ =	sdelay $0x3  }
0xa6: {  	[tilespmem:$0x1FB20] =	vst v4;
	v4 =	vimm.s32 $0x0  }
0xa7: {  	v4 =	vsel vm8, $0xFFFFFFFF, v4;
	v62, _, _ =	vpop (xrf0)  }
0xa8: {  	[tilespmem:$0x1FB40] =	vst v4;
	v4 =	vimm.s32 $0x0;
	v51, _, _ =	vpop (xrf0)  }
0xa9: {  	v4 =	vsel vm9, $0xFFFFFFFF, v4;
	vm9 =	veq.s32 v40, $0x6;
	v0 =	vxor.u32 $0x80000000, v51  }
0xaa: {  	(xrf0) =	vmax.scan.msk.u32 $0xffff, v0;
	v0 =	vsel vm9, $0x1, v1  }
0xab: {  	(xrf0) =	vadd.scan.msk.s32 $0xffff, v0;
	_ =	sdelay $0x4  }
0xac: {  	v37, _, _ =	vpop (xrf0)  }
0xad: {  	v55, _, _ =	vpop (xrf0)  }
0xae: {  	vm12 =	veq.s32 v40, $0x7;
	v0 =	vxor.u32 $0x80000000, v55  }
0xaf: {  	(xrf0) =	vmax.scan.msk.u32 $0xffff, v0;
	v0 =	vsel vm12, $0x1, v1  }
0xb0: {  	(xrf0) =	vadd.scan.msk.s32 $0xffff, v0;
	_ =	sdelay $0x1  }
0xb1: {  	v21 =	vld [tilespmem:$0x10A0];
	_ =	sdelay $0x2  }
0xb2: {  	v35, _, _ =	vpop (xrf0)  }
0xb3: {  	v54, _, _ =	vpop (xrf0)  }
0xb4: {  	vm10 =	veq.s32 v21, $0x0;
	v0 =	vxor.u32 $0x80000000, v54  }
0xb5: {  	(xrf0) =	vmax.scan.msk.u32 $0xffff, v0;
	v0 =	vsel vm10, $0x1, v1  }
0xb6: {  	(xrf0) =	vadd.scan.msk.s32 $0xffff, v0;
	_ =	sdelay $0x4  }
0xb7: {  	v53, _, _ =	vpop (xrf0)  }
0xb8: {  	v59, _, _ =	vpop (xrf0)  }
0xb9: {  	vm13 =	veq.s32 v21, $0x1;
	v0 =	vxor.u32 $0x80000000, v59  }
0xba: {  	(xrf0) =	vmax.scan.msk.u32 $0xffff, v0;
	v0 =	vsel vm13, $0x1, v1  }
0xbb: {  	(xrf0) =	vadd.scan.msk.s32 $0xffff, v0;
	_ =	sdelay $0x4  }
0xbc: {  	v0, _, _ =	vpop (xrf0)  }
0xbd: {  	(v2sf) =	vpush v61, $0xF;
	v61, _, _ =	vpop (xrf0)  }
0xbe: {  	vm8 =	veq.s32 v21, $0x2;
	[tilespmem:$0x1FB60] =	vst v0;
	v0 =	vxor.u32 $0x80000000, v61  }
0xbf: {  	(xrf0) =	vmax.scan.msk.u32 $0xffff, v0;
	v0 =	vsel vm8, $0x1, v1  }
0xc0: {  	(xrf0) =	vadd.scan.msk.s32 $0xffff, v0;
	_ =	sdelay $0x4  }
0xc1: {  	v44, _, _ =	vpop (xrf0)  }
0xc2: {  	[tilespmem:$0x1FB50] =	vst v4;
	v4 =	vimm.s32 $0x0;
	v63, _, _ =	vpop (xrf0)  }
0xc3: {  	v4 =	vsel vm10, $0xFFFFFFFF, v4;
	vm10 =	veq.s32 v21, $0x3;
	v0 =	vxor.u32 $0x80000000, v63  }
0xc4: {  	(xrf0) =	vmax.scan.msk.u32 $0xffff, v0;
	v0 =	vsel vm10, $0x1, v1  }
0xc5: {  	(xrf0) =	vadd.scan.msk.s32 $0xffff, v0;
	_ =	sdelay $0x4  }
0xc6: {  	v0, _, _ =	vpop (xrf0)  }
0xc7: {  	[tilespmem:$0x1FBB0] =	vst v4;
	v4 =	vimm.s32 $0x0;
	v13, _, _ =	vpop (xrf0)  }
0xc8: {  	v4 =	vsel vm13, $0xFFFFFFFF, v4;
	vm13 =	veq.s32 v21, $0x4;
	v5 =	vxor.u32 $0x80000000, v13  }
0xc9: {  	(xrf0) =	vmax.scan.msk.u32 $0xffff, v5;
	v5 =	vsel vm13, $0x1, v1  }
0xca: {  	(xrf0) =	vadd.scan.msk.s32 $0xffff, v5  }
0xcb: {  	[tilespmem:$0x1FB70] =	vst v0;
	v0 =	vimm.s32 $0x0  }
0xcc: {  	v0 =	vsel vm13, $0xFFFFFFFF, v0;
	_ =	sdelay $0x2  }
0xcd: {  	[tilespmem:$0x1FBF0] =	vst v0;
	v0, _, _ =	vpop (xrf0)  }
0xce: {  	[tilespmem:$0x1FBC0] =	vst v4;
	v4 =	vimm.s32 $0x0;
	v15, _, _ =	vpop (xrf0)  }
0xcf: {  	v4 =	vsel vm8, $0xFFFFFFFF, v4;
	vm8 =	veq.s32 v21, $0x5;
	v5 =	vxor.u32 $0x80000000, v15  }
0xd0: {  	(xrf0) =	vmax.scan.msk.u32 $0xffff, v5;
	v5 =	vsel vm8, $0x1, v1  }
0xd1: {  	(xrf0) =	vadd.scan.msk.s32 $0xffff, v5  }
0xd2: {  	[tilespmem:$0x1FB80] =	vst v0;
	v0 =	vimm.s32 $0x0  }
0xd3: {  	v0 =	vsel vm8, $0xFFFFFFFF, v0;
	_ =	sdelay $0x2  }
0xd4: {  	[tilespmem:$0x1FC00] =	vst v0;
	v0, _, _ =	vpop (xrf0)  }
0xd5: {  	[tilespmem:$0x1FBD0] =	vst v4;
	v4 =	vimm.s32 $0x0;
	v16, _, _ =	vpop (xrf0)  }
0xd6: {  	v4 =	vsel vm10, $0xFFFFFFFF, v4;
	vm10 =	veq.s32 v21, $0x6;
	v5 =	vxor.u32 $0x80000000, v16  }
0xd7: {  	(xrf0) =	vmax.scan.msk.u32 $0xffff, v5;
	v5 =	vsel vm10, $0x1, v1  }
0xd8: {  	(xrf0) =	vadd.scan.msk.s32 $0xffff, v5  }
0xd9: {  	[tilespmem:$0x1FB90] =	vst v0;
	v0 =	vimm.s32 $0x0  }
0xda: {  	v0 =	vsel vm10, $0xFFFFFFFF, v0;
	_ =	sdelay $0x2  }
0xdb: {  	[tilespmem:$0x1FC10] =	vst v0;
	v0, _, _ =	vpop (xrf0)  }
0xdc: {  	v22, _, _ =	vpop (xrf0)  }
0xdd: {  	vm13 =	veq.s32 v21, $0x7;
	v5 =	vxor.u32 $0x80000000, v22  }
0xde: {  	(xrf0) =	vmax.scan.msk.u32 $0xffff, v5;
	v5 =	vsel vm13, $0x1, v1  }
0xdf: {  	(xrf0) =	vadd.scan.msk.s32 $0xffff, v5;
	_ =	sdelay $0x1  }
0xe0: {  	v9 =	vld [tilespmem:$0x10B0];
	_ =	sdelay $0x2  }
0xe1: {  	v10, _, _ =	vpop (xrf0)  }
0xe2: {  	v17, _, _ =	vpop (xrf0)  }
0xe3: {  	vm8 =	veq.s32 v9, $0x0;
	v5 =	vxor.u32 $0x80000000, v17  }
0xe4: {  	(xrf0) =	vmax.scan.msk.u32 $0xffff, v5;
	v5 =	vsel vm8, $0x1, v1  }
0xe5: {  	(xrf0) =	vadd.scan.msk.s32 $0xffff, v5;
	_ =	sdelay $0x4  }
0xe6: {  	v8, _, _ =	vpop (xrf0)  }
0xe7: {  	[tilespmem:$0x1FBA0] =	vst v0;
	v0 =	vimm.s32 $0x0;
	v38, _, _ =	vpop (xrf0)  }
0xe8: {  	vm10 =	veq.s32 v9, $0x1;
	v0 =	vsel vm13, $0xFFFFFFFF, v0;
	v5 =	vxor.u32 $0x80000000, v38  }
0xe9: {  	[tilespmem:$0x1FC20] =	vst v0;
	v0 =	vimm.s32 $0x0;
	(xrf0) =	vmax.scan.msk.u32 $0xffff, v5;
	v5 =	vsel vm10, $0x1, v1  }
0xea: {  	v0 =	vsel vm8, $0xFFFFFFFF, v0;
	(xrf0) =	vadd.scan.msk.s32 $0xffff, v5  }
0xeb: {  	[tilespmem:$0x1FCB0] =	vst v0;
	v0 =	vimm.s32 $0x0  }
0xec: {  	v0 =	vsel vm10, $0xFFFFFFFF, v0;
	_ =	sdelay $0x2  }
0xed: {  	[tilespmem:$0x1FCC0] =	vst v0;
	v0, _, _ =	vpop (xrf0)  }
0xee: {  	v41, _, _ =	vpop (xrf0)  }
0xef: {  	vm13 =	veq.s32 v9, $0x2;
	v5 =	vxor.u32 $0x80000000, v41  }
0xf0: {  	(xrf0) =	vmax.scan.msk.u32 $0xffff, v5;
	v5 =	vsel vm13, $0x1, v1  }
0xf1: {  	(xrf0) =	vadd.scan.msk.s32 $0xffff, v5  }
0xf2: {  	[tilespmem:$0x1FC30] =	vst v0;
	v0 =	vimm.s32 $0x0  }
0xf3: {  	v0 =	vsel vm13, $0xFFFFFFFF, v0;
	_ =	sdelay $0x2  }
0xf4: {  	[tilespmem:$0x1FCD0] =	vst v0;
	v0, _, _ =	vpop (xrf0)  }
0xf5: {  	v43, _, _ =	vpop (xrf0)  }
0xf6: {  	vm8 =	veq.s32 v9, $0x3;
	v5 =	vxor.u32 $0x80000000, v43  }
0xf7: {  	(xrf0) =	vmax.scan.msk.u32 $0xffff, v5;
	v5 =	vsel vm8, $0x1, v1  }
0xf8: {  	(xrf0) =	vadd.scan.msk.s32 $0xffff, v5  }
0xf9: {  	[tilespmem:$0x1FC40] =	vst v0;
	v0 =	vimm.s32 $0x0  }
0xfa: {  	v0 =	vsel vm8, $0xFFFFFFFF, v0;
	_ =	sdelay $0x2  }
0xfb: {  	[tilespmem:$0x1FCE0] =	vst v0;
	v0, _, _ =	vpop (xrf0)  }
0xfc: {  	v45, _, _ =	vpop (xrf0)  }
0xfd: {  	vm10 =	veq.s32 v9, $0x4;
	v5 =	vxor.u32 $0x80000000, v45  }
0xfe: {  	(xrf0) =	vmax.scan.msk.u32 $0xffff, v5;
	v5 =	vsel vm10, $0x1, v1  }
0xff: {  	(xrf0) =	vadd.scan.msk.s32 $0xffff, v5  }
0x100: {  	[tilespmem:$0x1FC50] =	vst v0;
	v0 =	vimm.s32 $0x0  }
0x101: {  	v0 =	vsel vm10, $0xFFFFFFFF, v0;
	_ =	sdelay $0x2  }
0x102: {  	[tilespmem:$0x1FCF0] =	vst v0;
	v0, _, _ =	vpop (xrf0)  }
0x103: {  	v48, _, _ =	vpop (xrf0)  }
0x104: {  	vm13 =	veq.s32 v9, $0x5;
	v5 =	vxor.u32 $0x80000000, v48  }
0x105: {  	(xrf0) =	vmax.scan.msk.u32 $0xffff, v5;
	v5 =	vsel vm13, $0x1, v1  }
0x106: {  	(xrf0) =	vadd.scan.msk.s32 $0xffff, v5  }
0x107: {  	[tilespmem:$0x1FC60] =	vst v0;
	v0 =	vimm.s32 $0x0  }
0x108: {  	v0 =	vsel vm13, $0xFFFFFFFF, v0;
	_ =	sdelay $0x2  }
0x109: {  	[tilespmem:$0x1FD00] =	vst v0;
	v0, _, _ =	vpop (xrf0)  }
0x10a: {  	v47, _, _ =	vpop (xrf0)  }
0x10b: {  	vm8 =	veq.s32 v9, $0x6;
	v5 =	vxor.u32 $0x80000000, v47  }
0x10c: {  	(xrf0) =	vmax.scan.msk.u32 $0xffff, v5;
	v5 =	vsel vm8, $0x1, v1  }
0x10d: {  	(xrf0) =	vadd.scan.msk.s32 $0xffff, v5  }
0x10e: {  	[tilespmem:$0x1FC70] =	vst v0;
	v0 =	vimm.s32 $0x0  }
0x10f: {  	v0 =	vsel vm8, $0xFFFFFFFF, v0;
	_ =	sdelay $0x2  }
0x110: {  	[tilespmem:$0x1FD10] =	vst v0;
	v0, _, _ =	vpop (xrf0)  }
0x111: {  	v50, _, _ =	vpop (xrf0)  }
0x112: {  	vm10 =	veq.s32 v9, $0x7;
	v5 =	vxor.u32 $0x80000000, v50  }
0x113: {  	(xrf0) =	vmax.scan.msk.u32 $0xffff, v5;
	v5 =	vsel vm10, $0x1, v1  }
0x114: {  	(xrf0) =	vadd.scan.msk.s32 $0xffff, v5  }
0x115: {  	[tilespmem:$0x1FC80] =	vst v0;
	v0 =	vimm.s32 $0x0  }
0x116: {  	v7 =	vld [tilespmem:$0x10C0];
	v0 =	vsel vm10, $0xFFFFFFFF, v0;
	_ =	sdelay $0x2  }
0x117: {  	[tilespmem:$0x1FD20] =	vst v0;
	v0, _, _ =	vpop (xrf0)  }
0x118: {  	v49, _, _ =	vpop (xrf0)  }
0x119: {  	vm13 =	veq.s32 v7, $0x0;
	v5 =	vxor.u32 $0x80000000, v49  }
0x11a: {  	(xrf0) =	vmax.scan.msk.u32 $0xffff, v5;
	v5 =	vsel vm13, $0x1, v1  }
0x11b: {  	(xrf0) =	vadd.scan.msk.s32 $0xffff, v5  }
0x11c: {  	[tilespmem:$0x1FC90] =	vst v0;
	v0 =	vimm.s32 $0x0  }
0x11d: {  	v0 =	vsel vm13, $0xFFFFFFFF, v0;
	_ =	sdelay $0x2  }
0x11e: {  	[tilespmem:$0x1FDC0] =	vst v0;
	v0, _, _ =	vpop (xrf0)  }
0x11f: {  	[tilespmem:$0x1FCA0] =	vst v0;
	v0, _, _ =	vpop (xrf0)  }
0x120: {  	vm8 =	veq.s32 v7, $0x1;
	v5 =	vxor.u32 $0x80000000, v0  }
0x121: {  	(xrf0) =	vmax.scan.msk.u32 $0xffff, v5;
	v5 =	vsel vm8, $0x1, v1  }
0x122: {  	(xrf0) =	vadd.scan.msk.s32 $0xffff, v5  }
0x123: {  	[tilespmem:$0x1FDA0] =	vst v0;
	v0 =	vimm.s32 $0x0  }
0x124: {  	v0 =	vsel vm8, $0xFFFFFFFF, v0;
	_ =	sdelay $0x2  }
0x125: {  	[tilespmem:$0x1FDD0] =	vst v0;
	v0, _, _ =	vpop (xrf0)  }
0x126: {  	v19, _, _ =	vpop (xrf0)  }
0x127: {  	vm10 =	veq.s32 v7, $0x2;
	v5 =	vxor.u32 $0x80000000, v19  }
0x128: {  	(xrf0) =	vmax.scan.msk.u32 $0xffff, v5;
	v5 =	vsel vm10, $0x1, v1  }
0x129: {  	(xrf0) =	vadd.scan.msk.s32 $0xffff, v5  }
0x12a: {  	[tilespmem:$0x1FD30] =	vst v0;
	v0 =	vimm.s32 $0x0  }
0x12b: {  	v0 =	vsel vm10, $0xFFFFFFFF, v0;
	_ =	sdelay $0x1  }
0x12c: {  	s26 =	spop (v2sf);
	[tilespmem:$0x1000] =	vst v57  }
0x12d: {  	s28 =	spop (v2sf);
	[tilespmem:$0x1FDE0] =	vst v0;
	v0, _, _ =	vpop (xrf0)  }
0x12e: {  	s1 =	spop (v2sf);
	vm13 =	veq.s32 v7, $0x3;
	[tilespmem:$0x1FD40] =	vst v0;
	v23, _, _ =	vpop (xrf0);
	v0 =	vimm.s32 $0x0  }
0x12f: {  	s25 =	spop (v2sf);
	[tilespmem:$0x1FBE0] =	vst v4;
	v5 =	vxor.u32 $0x80000000, v23;
	v0 =	vsel vm13, $0xFFFFFFFF, v0  }
0x130: {  	s3 =	spop (v2sf);
	[tilespmem:$0x1FDF0] =	vst v0;
	(xrf0) =	vmax.scan.msk.u32 $0xffff, v5;
	v5 =	vsel vm13, $0x1, v1  }
0x131: {  	(xrf0) =	vadd.scan.msk.s32 $0xffff, v5;
	_ =	sdelay $0x4  }
0x132: {  	v0, _, _ =	vpop (xrf0)  }
0x133: {  	v24, _, _ =	vpop (xrf0)  }
0x134: {  	vm8 =	veq.s32 v7, $0x4;
	v5 =	vxor.u32 $0x80000000, v24  }
0x135: {  	(xrf0) =	vmax.scan.msk.u32 $0xffff, v5;
	v5 =	vsel vm8, $0x1, v1  }
0x136: {  	(xrf0) =	vadd.scan.msk.s32 $0xffff, v5  }
0x137: {  	[tilespmem:$0x1FD50] =	vst v0;
	v0 =	vimm.s32 $0x0  }
0x138: {  	v0 =	vsel vm8, $0xFFFFFFFF, v0;
	_ =	sdelay $0x2  }
0x139: {  	[tilespmem:$0x1FE00] =	vst v0;
	v0, _, _ =	vpop (xrf0)  }
0x13a: {  	v25, _, _ =	vpop (xrf0)  }
0x13b: {  	vm10 =	veq.s32 v7, $0x5;
	v5 =	vxor.u32 $0x80000000, v25  }
0x13c: {  	(xrf0) =	vmax.scan.msk.u32 $0xffff, v5;
	v5 =	vsel vm10, $0x1, v1  }
0x13d: {  	(xrf0) =	vadd.scan.msk.s32 $0xffff, v5  }
0x13e: {  	[tilespmem:$0x1FD60] =	vst v0;
	v0 =	vimm.s32 $0x0  }
0x13f: {  	v0 =	vsel vm10, $0xFFFFFFFF, v0;
	_ =	sdelay $0x2  }
0x140: {  	[tilespmem:$0x1FE10] =	vst v0;
	v0, _, _ =	vpop (xrf0)  }
0x141: {  	v28, _, _ =	vpop (xrf0)  }
0x142: {  	vm13 =	veq.s32 v7, $0x6;
	v5 =	vxor.u32 $0x80000000, v28  }
0x143: {  	(xrf0) =	vmax.scan.msk.u32 $0xffff, v5;
	v5 =	vsel vm13, $0x1, v1  }
0x144: {  	(xrf0) =	vadd.scan.msk.s32 $0xffff, v5  }
0x145: {  	[tilespmem:$0x1FD70] =	vst v0;
	v0 =	vimm.s32 $0x0  }
0x146: {  	v0 =	vsel vm13, $0xFFFFFFFF, v0;
	_ =	sdelay $0x2  }
0x147: {  	[tilespmem:$0x1FE20] =	vst v0;
	v0, _, _ =	vpop (xrf0)  }
0x148: {  	v27, _, _ =	vpop (xrf0)  }
0x149: {  	vm8 =	veq.s32 v7, $0x7;
	v5 =	vxor.u32 $0x80000000, v27  }
0x14a: {  	(xrf0) =	vmax.scan.msk.u32 $0xffff, v5;
	v5 =	vsel vm8, $0x1, v1  }
0x14b: {  	(xrf0) =	vadd.scan.msk.s32 $0xffff, v5  }
0x14c: {  	[tilespmem:$0x1FD80] =	vst v0;
	v0 =	vimm.s32 $0x0  }
0x14d: {  	v0 =	vsel vm8, $0xFFFFFFFF, v0;
	v5 =	vld [tilespmem:$0x10D0];
	_ =	sdelay $0x2  }
0x14e: {  	[tilespmem:$0x1FE30] =	vst v0;
	v0, _, _ =	vpop (xrf0)  }
0x14f: {  	v30, _, _ =	vpop (xrf0)  }
0x150: {  	vm10 =	veq.s32 v5, $0x0;
	v4 =	vxor.u32 $0x80000000, v30  }
0x151: {  	(xrf0) =	vmax.scan.msk.u32 $0xffff, v4;
	v4 =	vsel vm10, $0x1, v1  }
0x152: {  	(xrf0) =	vadd.scan.msk.s32 $0xffff, v4  }
0x153: {  	[tilespmem:$0x1FD90] =	vst v0;
	v0 =	vimm.s32 $0x0  }
0x154: {  	v0 =	vsel vm10, $0xFFFFFFFF, v0;
	_ =	sdelay $0x2  }
0x155: {  	[tilespmem:$0x1FEA0] =	vst v0;
	v0, _, _ =	vpop (xrf0)  }
0x156: {  	[tilespmem:$0x1FDB0] =	vst v0;
	v0, _, _ =	vpop (xrf0)  }
0x157: {  	vm13 =	veq.s32 v5, $0x1;
	v4 =	vxor.u32 $0x80000000, v0  }
0x158: {  	(xrf0) =	vmax.scan.msk.u32 $0xffff, v4;
	v4 =	vsel vm13, $0x1, v1  }
0x159: {  	(xrf0) =	vadd.scan.msk.s32 $0xffff, v4  }
0x15a: {  	[tilespmem:$0x1FE80] =	vst v0;
	v0 =	vimm.s32 $0x0  }
0x15b: {  	v0 =	vsel vm13, $0xFFFFFFFF, v0;
	_ =	sdelay $0x2  }
0x15c: {  	[tilespmem:$0x1FEB0] =	vst v0;
	v0, _, _ =	vpop (xrf0)  }
0x15d: {  	[tilespmem:$0x1FE40] =	vst v0;
	v0, _, _ =	vpop (xrf0)  }
0x15e: {  	vm8 =	veq.s32 v5, $0x2;
	v4 =	vxor.u32 $0x80000000, v0  }
0x15f: {  	(xrf0) =	vmax.scan.msk.u32 $0xffff, v4;
	v4 =	vsel vm8, $0x1, v1  }
0x160: {  	(xrf0) =	vadd.scan.msk.s32 $0xffff, v4  }
0x161: {  	[tilespmem:$0x1FE90] =	vst v0;
	v0 =	vimm.s32 $0x0  }
0x162: {  	v0 =	vsel vm8, $0xFFFFFFFF, v0;
	_ =	sdelay $0x2  }
0x163: {  	[tilespmem:$0x1FED0] =	vst v0;
	v0, _, _ =	vpop (xrf0)  }
0x164: {  	[tilespmem:$0x1FE50] =	vst v0;
	v0, _, _ =	vpop (xrf0)  }
0x165: {  	vm10 =	veq.s32 v5, $0x3;
	v4 =	vxor.u32 $0x80000000, v0  }
0x166: {  	(xrf0) =	vmax.scan.msk.u32 $0xffff, v4;
	v4 =	vsel vm10, $0x1, v1  }
0x167: {  	(xrf0) =	vadd.scan.msk.s32 $0xffff, v4  }
0x168: {  	[tilespmem:$0x1FEC0] =	vst v0;
	v0 =	vimm.s32 $0x0  }
0x169: {  	v0 =	vsel vm10, $0xFFFFFFFF, v0;
	_ =	sdelay $0x2  }
0x16a: {  	[tilespmem:$0x1FEF0] =	vst v0;
	v0, _, _ =	vpop (xrf0)  }
0x16b: {  	[tilespmem:$0x1FE60] =	vst v0;
	v0, _, _ =	vpop (xrf0)  }
0x16c: {  	vm13 =	veq.s32 v5, $0x4;
	[tilespmem:$0x1FEE0] =	vst v0;
	v4 =	vxor.u32 $0x80000000, v0;
	v0 =	vimm.s32 $0x0  }
0x16d: {  	v0 =	vsel vm13, $0xFFFFFFFF, v0;
	(xrf0) =	vmax.scan.msk.u32 $0xffff, v4  }
0x16e: {  	[tilespmem:$0x1FF10] =	vst v0;
	v0 =	vld [tilespmem:$0x1FAE0];
	_ =	sdelay $0x4  }
0x16f: {  	vm8 =	vnez.u8 v0;
	v0, _, _ =	vpop (xrf0)  }
0x170: {  	(v2sf) =	vpush v11, $0xF;
	[tilespmem:$0x1FE70] =	vst v0;
	v0 =	vld [tilespmem:$0x1FAF0]  }
0x171: {  	(v2sf) =	vpush v12, $0xF  }
0x172: {  	(v2sf) =	vpush v2, $0xF  }
0x173: {  	v2 =	vadd.s32 $0xFFFFFFFF, v14;
	v14 =	vadd.s32 $0xFFFFFFFF, v26;
	v26 =	vld [tilespmem:$0x1FB10];
	v4 =	vsel vm13, $0x1, v1  }
0x174: {  	vm5 =	vcmask $0xB08;
	(xrf0) =	vadd.scan.msk.s32 $0xffff, v4  }
0x175: {  	vm6 =	vcmask $0xF0C;
	vm7 =	vcmask $0x1F1C;
	s0 =	simm.s32 $0x1000;
	vm10 =	vnez.u8 v0;
	v0 =	vld [tilespmem:$0x1FB00]  }
0x176: {  	v20 =	vadd.s32 $0xFFFFFFFF, v20;
	v34 =	vadd.s32 $0xFFFFFFFF, v34;
	v11 =	vld.idx.msk [tilespmem:v6+s0+$0x0], $0xffff;
	(v2sf) =	vpush v58, $0xF  }
0x177: {  	v6 =	vmul.u32 $0x280, v6;
	(v2sf) =	vpush v39, $0xF;
	v4 =	vadd.s32 $0xFFFFFFFF, v18  }
0x178: {  	(v2sf) =	vpush v56, $0xF;
	v4 =	vnsel vm8, $0x0, v4;
	vm8 =	vnez.u8 v26  }
0x179: {  	vm0 =	veq.s32 v5, $0x7;
	v18 =	vadd.s32 $0xFFFFFFFF, v32;
	v14 =	vnsel vm8, $0x0, v14  }
0x17a: {  	v2 =	vnsel vm10, $0x0, v2;
	vm10 =	veq.s32 v5, $0x5;
	vm13 =	vnez.u8 v0;
	v0, _, _ =	vpop (xrf0)  }
0x17b: {  	v2 =	vadd.s32 v11, v2;
	[tilespmem:$0x1FF00] =	vst v0;
	v26 =	vxor.u32 $0x80000000, v0;
	v0 =	vimm.s32 $0x0  }
0x17c: {  	s25 =	sxor.u32 $0x80000000, s25;
	v2 =	vadd.s32 v4, v2;
	v4 =	vadd.s32 $0xFFFFFFFF, v33;
	v0 =	vsel vm10, $0xFFFFFFFF, v0  }
0x17d: {  	s28 =	sxor.u32 $0x80000000, s28;
	vm8 =	veq.s32 v5, $0x6;
	v33 =	vmov s25;
	v4 =	vnsel vm3, $0x0, v4;
	[tilespmem:$0x1FF20] =	vst v0;
	v0 =	vld [tilespmem:$0x1FB20]  }
0x17e: {  	vm3 =	vcmask $0x1310;
	v12 =	vnsel vm13, $0x0, v20;
	v20 =	vmov s28  }
0x17f: {  	s5 =	spop (v2sf);
	(xrf0) =	vmax.scan.msk.u32 $0xffff, v26;
	v26 =	vadd.s32 $0xFFFFFFFF, v29;
	v29 =	vsel vm10, $0x1, v1;
	v2 =	vadd.s32 v12, v2  }
0x180: {  	s6 =	spop (v2sf);
	v12 =	vnsel vm2, $0x0, v34;
	vm10 =	vcmask $0x704;
	v34 =	vsel vm8, $0x1, v1  }
0x181: {  	s24 =	sxor.u32 $0x80000000, s1;
	s7 =	sxor.u32 $0x80000000, s6;
	vm2 =	vcmask $0x1714;
	v2 =	vadd.s32 v14, v2;
	v14 =	vnsel vm1, $0x0, v18  }
0x182: {  	s26 =	sxor.u32 $0x80000000, s26;
	(xrf0) =	vadd.scan.msk.s32 $0xffff, v29;
	v29 =	vmov s24;
	v18 =	vmov s7;
	vm13 =	vnez.u8 v0  }
0x183: {  	v0 =	vimm.s32 $0x0;
	v11 =	vnsel vm13, $0x0, v26;
	v26 =	vmov s26  }
0x184: {  	vm13 =	vcmask $0x300;
	v0 =	vsel vm8, $0xFFFFFFFF, v0;
	vm8 =	vcmask $0x1B18  }
0x185: {  	v2 =	vadd.s32 v11, v2;
	v11 =	vnsel vm13, $0x0, v26;
	v26 =	vnsel vm6, $0x0, v33  }
0x186: {  	[tilespmem:$0x1FF30] =	vst v0;
	v0 =	vimm.s32 $0x0;
	v2 =	vadd.s32 v4, v2;
	v4 =	vnsel vm10, $0x0, v20  }
0x187: {  	v0 =	vsel vm0, $0xFFFFFFFF, v0;
	v2 =	vadd.s32 v12, v2;
	v4 =	vadd.s32 v57, v4;
	v57, _, _ =	vpop (xrf0)  }
0x188: {  	s23 =	sxor.u32 $0x80000000, s3;
	v2 =	vadd.s32 v14, v2;
	v4 =	vadd.s32 v11, v4;
	v14, _, _ =	vpop (xrf0);
	v11 =	vnsel vm5, $0x0, v29  }
0x189: {  	s24 =	sxor.u32 $0x80000000, s5;
	[tilespmem:$0x1FF40] =	vst v0;
	v0 =	vld [tilespmem:$0x1FB30];
	v29 =	vmov s23;
	v32 =	vxor.u32 $0x80000000, v14;
	v4 =	vadd.s32 v11, v4  }
0x18a: {  	s9 =	spop (v2sf);
	v33 =	vmov s24;
	(xrf0) =	vmax.scan.msk.u32 $0xffff, v32;
	v4 =	vadd.s32 v26, v4;
	v32 =	vnsel vm3, $0x0, v29  }
0x18b: {  	s25 =	sxor.u32 $0x80000000, s9;
	v20 =	vnsel vm8, $0x0, v18;
	(xrf0) =	vadd.scan.msk.s32 $0xffff, v34;
	v4 =	vadd.s32 v32, v4;
	v34 =	vnsel vm2, $0x0, v33  }
0x18c: {  	v39 =	vld [tilespmem:$0x1FFD0];
	vm1 =	vlt.s32 v2, $0x27F;
	v26 =	vmov s25;
	v4 =	vadd.s32 v34, v4  }
0x18d: {  	v29 =	vnsel vm1, $0x27F, v2;
	v11 =	vnsel vm7, $0x0, v26;
	v4 =	vadd.s32 v20, v4  }
0x18e: {  	v33 =	vsel vm0, $0x1, v1;
	vm0 =	vnez.u8 v0;
	v0 =	vld [tilespmem:$0x1FB40];
	v4 =	vadd.s32 v11, v4  }
0x18f: {  	(v2sf) =	vpush v60, $0xF;
	[tilespmem:$0x1000] =	vst v4;
	v4 =	vadd.s32 v6, v29;
	v6 =	vld [tilespmem:$0x10E0]  }
0x190: {  	(v2sf) =	vpush v62, $0xF;
	vm1 =	vlt.s32 v2, $0x280  }
0x191: {  	(v2sf) =	vpush v37, $0xF;
	[tilespmem:$0x1100] =	vst v4;
	v4 =	vsel vm1, v4, v39  }
0x192: {  	(v2sf) =	vpush v35, $0xF;
	v35 =	vadd.s32 $0xFFFFFFFF, v31;
	[tilespmem:$0x1200] =	vst v4;
	v4 =	vadd.s32 $0xFFFFFFFF, v36  }
0x193: {  	v12 =	vnsel vm15, $0x0, v35;
	v2 =	vsel vm1, $0x1, v1;
	v4 =	vnsel vm0, $0x0, v4  }
0x194: {  	[tilespmem:$0x1180] =	vst v2;
	vm0 =	vnez.u8 v0;
	v0 =	vimm.s32 $0x0;
	vm15 =	veq.s32 v6, $0x0  }
0x195: {  	v2 =	vld.idx.msk [tilespmem:v40+s0+$0x0], $0xffff;
	v0 =	vsel vm15, $0xFFFFFFFF, v0  }
0x196: {  	[tilespmem:$0x1FF50] =	vst v0;
	v0 =	vld [tilespmem:$0x1FB50];
	_ =	sdelay $0x1  }
0x197: {  	v34 =	vadd.s32 $0xFFFFFFFF, v52  }
0x198: {  	v11 =	vnsel vm0, $0x0, v34  }
0x199: {  	v56 =	vadd.s32 $0xFFFFFFFF, v55;
	v37 =	vadd.s32 $0xFFFFFFFF, v42;
	v2 =	vadd.s32 v2, v11  }
0x19a: {  	v42 =	vsel vm15, $0x1, v1;
	v2 =	vadd.s32 v4, v2;
	vm15 =	vnez.u8 v0  }
0x19b: {  	v2 =	vadd.s32 v12, v2;
	v0 =	vimm.s32 $0x0;
	v11 =	vnsel vm15, $0x0, v37  }
0x19c: {  	v2 =	vadd.s32 v11, v2;
	v11 =	vnsel vm9, $0x0, v56;
	vm9 =	veq.s32 v6, $0x1  }
0x19d: {  	v0 =	vsel vm9, $0xFFFFFFFF, v0  }
0x19e: {  	[tilespmem:$0x1FF60] =	vst v0;
	v0 =	vld [tilespmem:$0x1FB60];
	_ =	sdelay $0x2  }
0x19f: {  	v62 =	vadd.s32 $0xFFFFFFFF, v54  }
0x1a0: {  	(v2sf) =	vpush v53, $0xF;
	v18 =	vnsel vm12, $0x0, v62  }
0x1a1: {  	s26 =	spop (v2sf);
	v58, _, _ =	vpop (xrf0);
	vm12 =	veq.s32 v6, $0x2;
	(v2sf) =	vpush v0, $0xF;
	v0 =	vimm.s32 $0x0  }
0x1a2: {  	v20, _, _ =	vpop (xrf0);
	v0 =	vsel vm12, $0xFFFFFFFF, v0  }
0x1a3: {  	v32 =	vxor.u32 $0x80000000, v20;
	[tilespmem:$0x1FF70] =	vst v0;
	v0 =	vld [tilespmem:$0x1FB70]  }
0x1a4: {  	(xrf0) =	vmax.scan.msk.u32 $0xffff, v32  }
0x1a5: {  	(xrf0) =	vadd.scan.msk.s32 $0xffff, v33;
	_ =	sdelay $0x1  }
0x1a6: {  	s28 =	spop (v2sf);
	(v2sf) =	vpush v44, $0xF  }
0x1a7: {  	s1 =	spop (v2sf);
	(v2sf) =	vpush v0, $0xF;
	v0 =	vld [tilespmem:$0x1FB80];
	_ =	sdelay $0x1  }
0x1a8: {  	v52, _, _ =	vpop (xrf0)  }
0x1a9: {  	v26, _, _ =	vpop (xrf0)  }
0x1aa: {  	s3 =	spop (v2sf);
	v36 =	vxor.u32 $0x80000000, v26  }
0x1ab: {  	s5 =	spop (v2sf);
	(xrf0) =	vmax.scan.msk.u32 $0xffff, v36;
	(v2sf) =	vpush v0, $0xF;
	v0 =	vld [tilespmem:$0x1FB90]  }
0x1ac: {  	s7 =	spop (v2sf);
	(xrf0) =	vadd.scan.msk.s32 $0xffff, v42  }
0x1ad: {  	s23 =	sxor.u32 $0x80000000, s26;
	s9 =	sxor.u32 $0x80000000, s7  }
0x1ae: {  	v53 =	vadd.s32 $0xFFFFFFFF, v51;
	v60 =	vmov s23;
	s6 =	sxor.u32 $0x80000000, s5;
	v54 =	vmov s9  }
0x1af: {  	s23 =	sxor.u32 $0x80000000, s1;
	v51 =	vmov s6;
	s25 =	spop (v2sf);
	v55 =	vnsel vm2, $0x0, v54;
	v4 =	vadd.s32 $0xFFFFFFFF, v46;
	v46 =	vld [tilespmem:$0x1000]  }
0x1b0: {  	v34 =	vmov s23;
	s23 =	sxor.u32 $0x80000000, s25;
	v4 =	vnsel vm14, $0x0, v4;
	(v2sf) =	vpush v0, $0xF;
	v0 =	vld [tilespmem:$0x1FBA0]  }
0x1b1: {  	s24 =	sxor.u32 $0x80000000, s28;
	v12 =	vnsel vm11, $0x0, v53;
	v53 =	vnsel vm3, $0x0, v51;
	v56 =	vmov s23;
	v36, _, _ =	vpop (xrf0)  }
0x1b2: {  	v2 =	vadd.s32 v4, v2;
	v4 =	vmov s24;
	v42 =	vsel vm9, $0x1, v1;
	v29, _, _ =	vpop (xrf0)  }
0x1b3: {  	s24 =	sxor.u32 $0x80000000, s3;
	vm9 =	vmmov vm6;
	v2 =	vadd.s32 v12, v2;
	v35 =	vxor.u32 $0x80000000, v29  }
0x1b4: {  	v4 =	vnsel vm10, $0x0, v4;
	v12 =	vnsel vm13, $0x0, v60;
	v37 =	vmov s24;
	(xrf0) =	vmax.scan.msk.u32 $0xffff, v35  }
0x1b5: {  	s26 =	spop (v2sf);
	v4 =	vadd.s32 v46, v4;
	v2 =	vadd.s32 v11, v2;
	(xrf0) =	vadd.scan.msk.s32 $0xffff, v42;
	(v2sf) =	vpush v0, $0xF;
	v0 =	vld [tilespmem:$0x1FBB0]  }
0x1b6: {  	s24 =	sxor.u32 $0x80000000, s26;
	v11 =	vnsel vm5, $0x0, v34;
	v46 =	vnsel vm6, $0x0, v37;
	v4 =	vadd.s32 v12, v4  }
0x1b7: {  	v60 =	vmov s24;
	v37 =	vmul.u32 $0x280, v40;
	v4 =	vadd.s32 v11, v4  }
0x1b8: {  	v2 =	vadd.s32 v18, v2;
	v62 =	vnsel vm7, $0x0, v60;
	v4 =	vadd.s32 v46, v4  }
0x1b9: {  	v11 =	vnsel vm8, $0x0, v56;
	vm11 =	vlt.s32 v2, $0x27F;
	v4 =	vadd.s32 v53, v4  }
0x1ba: {  	vm14 =	vlt.s32 v2, $0x280;
	v4 =	vadd.s32 v55, v4;
	v31, _, _ =	vpop (xrf0);
	vm15 =	vnez.u8 v0;
	v0 =	vld [tilespmem:$0x1FBC0]  }
0x1bb: {  	v18 =	vnsel vm11, $0x27F, v2;
	v2 =	vsel vm14, $0x1, v1;
	v4 =	vadd.s32 v11, v4;
	v44, _, _ =	vpop (xrf0)  }
0x1bc: {  	vm6 =	vmmov vm8;
	[tilespmem:$0x1190] =	vst v2;
	v4 =	vadd.s32 v62, v4;
	v40 =	vxor.u32 $0x80000000, v44  }
0x1bd: {  	v11 =	vadd.s32 v37, v18;
	[tilespmem:$0x1000] =	vst v4;
	v4 =	vsel vm12, $0x1, v1;
	(xrf0) =	vmax.scan.msk.u32 $0xffff, v40  }
0x1be: {  	vm11 =	veq.s32 v6, $0x3;
	[tilespmem:$0x1110] =	vst v11;
	(xrf0) =	vadd.scan.msk.s32 $0xffff, v4;
	v4 =	vsel vm14, v11, v39  }
0x1bf: {  	v54 =	vld [tilespmem:$0x1FBE0];
	[tilespmem:$0x1210] =	vst v4;
	(v2sf) =	vpush v10, $0xF;
	vm8 =	vnez.u8 v0;
	v0 =	vimm.s32 $0x0  }
0x1c0: {  	v2 =	vld.idx.msk [tilespmem:v21+s0+$0x0], $0xffff;
	v0 =	vsel vm11, $0xFFFFFFFF, v0  }
0x1c1: {  	[tilespmem:$0x1FF80] =	vst v0;
	v0 =	vld [tilespmem:$0x1FBD0]  }
0x1c2: {  	vm0 =	vmmov vm3  }
0x1c3: {  	v60 =	vld [tilespmem:$0x1FBF0];
	v46 =	vadd.s32 $0xFFFFFFFF, v63;
	v53 =	vsel vm11, $0x1, v1;
	v4 =	vadd.s32 $0xFFFFFFFF, v59;
	v59, _, _ =	vpop (xrf0)  }
0x1c4: {  	v55 =	vadd.s32 $0xFFFFFFFF, v15;
	v42 =	vadd.s32 $0xFFFFFFFF, v61;
	v40, _, _ =	vpop (xrf0);
	(v2sf) =	vpush v8, $0xF  }
0x1c5: {  	v63 =	vld [tilespmem:$0x1FC10];
	vm14 =	vnez.u8 v54;
	v51 =	vxor.u32 $0x80000000, v40;
	v8 =	vnsel vm8, $0x0, v42  }
0x1c6: {  	v61 =	vld [tilespmem:$0x1FC00];
	s28 =	spop (v2sf);
	(xrf0) =	vmax.scan.msk.u32 $0xffff, v51;
	v4 =	vnsel vm15, $0x0, v4;
	v2 =	vadd.s32 v2, v8;
	vm12 =	vnez.u8 v0  }
0x1c7: {  	s1 =	spop (v2sf);
	(xrf0) =	vadd.scan.msk.s32 $0xffff, v53;
	v2 =	vadd.s32 v4, v2;
	v0 =	vadd.s32 $0xFFFFFFFF, v13;
	v10 =	vnsel vm12, $0x0, v46  }
0x1c8: {  	s3 =	spop (v2sf);
	vm15 =	vnez.u8 v60;
	v0 =	vnsel vm14, $0x0, v0;
	v2 =	vadd.s32 v10, v2  }
0x1c9: {  	vm3 =	vmmov vm2;
	s5 =	spop (v2sf);
	v8 =	vnsel vm15, $0x0, v55;
	v0 =	vadd.s32 v0, v2  }
0x1ca: {  	v18 =	vadd.s32 $0xFFFFFFFF, v17;
	v62 =	vadd.s32 $0xFFFFFFFF, v22;
	s6 =	spop (v2sf);
	v0 =	vadd.s32 v8, v0  }
0x1cb: {  	v56 =	vld [tilespmem:$0x1000];
	s23 =	sxor.u32 $0x80000000, s28;
	vm8 =	vnez.u8 v61;
	vm11 =	vnez.u8 v63;
	v4 =	vadd.s32 $0xFFFFFFFF, v16;
	s9 =	spop (v2sf)  }
0x1cc: {  	v15, _, _ =	vpop (xrf0);
	v63 =	vmul.u32 $0x280, v21;
	v16 =	vmov s23;
	s23 =	sxor.u32 $0x80000000, s3;
	v4 =	vnsel vm8, $0x0, v4;
	s25 =	sxor.u32 $0x80000000, s9  }
0x1cd: {  	s24 =	sxor.u32 $0x80000000, s1;
	v32 =	vmov s23;
	v53 =	vmov s25;
	v4 =	vadd.s32 v4, v0;
	v0, _, _ =	vpop (xrf0)  }
0x1ce: {  	s7 =	sxor.u32 $0x80000000, s6;
	s26 =	spop (v2sf);
	vm14 =	veq.s32 v6, $0x4;
	v2 =	vmov s24;
	v33 =	vxor.u32 $0x80000000, v0  }
0x1cf: {  	s23 =	sxor.u32 $0x80000000, s26;
	v46 =	vmov s7;
	v37 =	vsel vm14, $0x1, v1;
	v2 =	vnsel vm10, $0x0, v2;
	(xrf0) =	vmax.scan.msk.u32 $0xffff, v33  }
0x1d0: {  	v55 =	vmov s23;
	s24 =	sxor.u32 $0x80000000, s5;
	v8 =	vnsel vm13, $0x0, v16;
	v2 =	vadd.s32 v56, v2;
	(xrf0) =	vadd.scan.msk.s32 $0xffff, v37  }
0x1d1: {  	v22 =	vld [tilespmem:$0x1FC20];
	v35 =	vmov s24;
	v2 =	vadd.s32 v8, v2;
	v8 =	vnsel vm5, $0x0, v32  }
0x1d2: {  	v10 =	vnsel vm11, $0x0, v62;
	v42 =	vnsel vm9, $0x0, v35;
	v2 =	vadd.s32 v8, v2  }
0x1d3: {  	s28 =	spop (v2sf);
	v51 =	vnsel vm0, $0x0, v46;
	v8 =	vnsel vm6, $0x0, v55;
	v2 =	vadd.s32 v42, v2  }
0x1d4: {  	vm15 =	veq.s32 v6, $0x5;
	v54 =	vnsel vm3, $0x0, v53;
	s1 =	sxor.u32 $0x80000000, s28;
	v2 =	vadd.s32 v51, v2  }
0x1d5: {  	v60 =	vmov s1;
	v56 =	vld [tilespmem:$0x1FC30];
	v4 =	vadd.s32 v10, v4;
	v2 =	vadd.s32 v54, v2;
	v10, _, _ =	vpop (xrf0)  }
0x1d6: {  	vm12 =	vnez.u8 v22;
	v62 =	vld [tilespmem:$0x1FC40];
	v61 =	vnsel vm7, $0x0, v60;
	v2 =	vadd.s32 v8, v2;
	v8, _, _ =	vpop (xrf0)  }
0x1d7: {  	v11 =	vnsel vm12, $0x0, v18;
	v18 =	vld [tilespmem:$0x1FC50];
	v2 =	vadd.s32 v61, v2;
	v21 =	vxor.u32 $0x80000000, v8  }
0x1d8: {  	v33 =	vld [tilespmem:$0x1FC60];
	[tilespmem:$0x1000] =	vst v2;
	v2 =	vsel vm15, $0x1, v1;
	(xrf0) =	vmax.scan.msk.u32 $0xffff, v21  }
0x1d9: {  	(xrf0) =	vadd.scan.msk.s32 $0xffff, v2;
	v2 =	vld [tilespmem:$0x1FC70]  }
0x1da: {  	vm8 =	vmmov vm5;
	(v2sf) =	vpush v56, $0xF  }
0x1db: {  	vm5 =	vmmov vm3;
	v4 =	vadd.s32 v11, v4;
	(v2sf) =	vpush v62, $0xF  }
0x1dc: {  	vm3 =	vmmov vm6;
	vm6 =	vlt.s32 v4, $0x27F;
	(v2sf) =	vpush v18, $0xF  }
0x1dd: {  	v32 =	vnsel vm6, $0x27F, v4;
	vm6 =	vlt.s32 v4, $0x280;
	(v2sf) =	vpush v33, $0xF  }
0x1de: {  	(v2sf) =	vpush v2, $0xF;
	v2 =	vsel vm6, $0x1, v1  }
0x1df: {  	[tilespmem:$0x11A0] =	vst v2;
	v2 =	vld [tilespmem:$0x1FC80];
	_ =	sdelay $0x1  }
0x1e0: {  	v60 =	vld [tilespmem:$0x1FD00]  }
0x1e1: {  	v55 =	vld [tilespmem:$0x1FCF0]  }
0x1e2: {  	v42 =	vld [tilespmem:$0x1FCD0]  }
0x1e3: {  	v34 =	vimm.s32 $0x0;
	(v2sf) =	vpush v2, $0xF;
	v2 =	vld [tilespmem:$0x1FC90]  }
0x1e4: {  	v13 =	vsel vm14, $0xFFFFFFFF, v34;
	v11 =	vadd.s32 v63, v32;
	v37 =	vld [tilespmem:$0x1FCB0]  }
0x1e5: {  	vm1 =	vmmov vm9;
	v22 =	vimm.s32 $0x0;
	[tilespmem:$0x1FF90] =	vst v13;
	v54 =	vld [tilespmem:$0x1FCE0];
	v4 =	vsel vm6, v11, v39  }
0x1e6: {  	vm11 =	vmmov vm10;
	v34 =	vadd.s32 $0xFFFFFFFF, v41;
	[tilespmem:$0x1220] =	vst v4;
	v4 =	vadd.s32 $0xFFFFFFFF, v38;
	v38 =	vld [tilespmem:$0x1FCC0]  }
0x1e7: {  	v41 =	vadd.s32 $0xFFFFFFFF, v43;
	v46 =	vadd.s32 $0xFFFFFFFF, v45;
	v13 =	vsel vm15, $0xFFFFFFFF, v22;
	[tilespmem:$0x1120] =	vst v11;
	v61 =	vld [tilespmem:$0x1FD10]  }
0x1e8: {  	vm9 =	vmmov vm0;
	vm12 =	vnez.u8 v60;
	(v2sf) =	vpush v2, $0xF;
	v2 =	vld.idx.msk [tilespmem:v9+s0+$0x0], $0xffff  }
0x1e9: {  	v35 =	vld [tilespmem:$0x1FCA0];
	v51 =	vadd.s32 $0xFFFFFFFF, v48;
	v56 =	vadd.s32 $0xFFFFFFFF, v50;
	vm2 =	vnez.u8 v55  }
0x1ea: {  	v18 =	vadd.s32 $0xFFFFFFFF, v49;
	v32 =	vnsel vm2, $0x0, v51;
	vm6 =	vnez.u8 v37  }
0x1eb: {  	vm0 =	vnez.u8 v54;
	v4 =	vnsel vm6, $0x0, v4;
	vm6 =	vnez.u8 v38  }
0x1ec: {  	v22 =	vnsel vm0, $0x0, v46;
	s3 =	spop (v2sf);
	v11 =	vnsel vm6, $0x0, v34;
	vm6 =	vnez.u8 v42  }
0x1ed: {  	v62 =	vld [tilespmem:$0x1000];
	vm14 =	vnez.u8 v61;
	s23 =	sxor.u32 $0x80000000, s3;
	s5 =	spop (v2sf);
	v12 =	vnsel vm6, $0x0, v41;
	v2 =	vadd.s32 v2, v11  }
0x1ee: {  	v63 =	vmov s23;
	s6 =	spop (v2sf);
	s24 =	sxor.u32 $0x80000000, s5;
	(v2sf) =	vpush v35, $0xF;
	v35 =	vld [tilespmem:$0x1FD20];
	v2 =	vadd.s32 v4, v2  }
0x1ef: {  	v21 =	vnsel vm13, $0x0, v63;
	s23 =	sxor.u32 $0x80000000, s6;
	v37 =	vmov s24;
	v2 =	vadd.s32 v12, v2  }
0x1f0: {  	v38 =	vmov s23;
	s7 =	spop (v2sf);
	v4 =	vadd.s32 $0xFFFFFFFF, v47;
	v2 =	vadd.s32 v22, v2  }
0x1f1: {  	v34 =	vnsel vm8, $0x0, v38;
	s23 =	sxor.u32 $0x80000000, s7;
	v4 =	vnsel vm12, $0x0, v4;
	v2 =	vadd.s32 v32, v2  }
0x1f2: {  	v42 =	vmov s23;
	s9 =	spop (v2sf);
	v2 =	vadd.s32 v4, v2;
	v4 =	vnsel vm11, $0x0, v37  }
0x1f3: {  	v11 =	vnsel vm14, $0x0, v56;
	s25 =	sxor.u32 $0x80000000, s9;
	vm15 =	vnez.u8 v35;
	v4 =	vadd.s32 v62, v4  }
0x1f4: {  	v45 =	vmov s25;
	v33 =	vnsel vm15, $0x0, v18;
	s26 =	spop (v2sf);
	v4 =	vadd.s32 v21, v4  }
0x1f5: {  	v12 =	vnsel vm1, $0x0, v42;
	v2 =	vadd.s32 v11, v2;
	s28 =	sxor.u32 $0x80000000, s26;
	v4 =	vadd.s32 v34, v4  }
0x1f6: {  	v17, _, _ =	vpop (xrf0);
	v11 =	vnsel vm9, $0x0, v45;
	v46 =	vmov s28;
	v4 =	vadd.s32 v12, v4  }
0x1f7: {  	v16, _, _ =	vpop (xrf0);
	v33 =	vadd.s32 v33, v2;
	v2 =	vnsel vm5, $0x0, v46;
	v4 =	vadd.s32 v11, v4  }
0x1f8: {  	v43 =	vxor.u32 $0x80000000, v16;
	vm6 =	veq.s32 v6, $0x6;
	v2 =	vadd.s32 v2, v4;
	v4 =	vld [tilespmem:$0x1FD30]  }
0x1f9: {  	(xrf0) =	vmax.scan.msk.u32 $0xffff, v43;
	v53 =	vsel vm6, $0x1, v1  }
0x1fa: {  	(xrf0) =	vadd.scan.msk.s32 $0xffff, v53  }
0x1fb: {  	s1 =	spop (v2sf)  }
0x1fc: {  	s23 =	sxor.u32 $0x80000000, s1  }
0x1fd: {  	(v2sf) =	vpush v4, $0xF;
	v4 =	vmov s23  }
0x1fe: {  	v47 =	vld [tilespmem:$0x1FD40];
	v4 =	vnsel vm3, $0x0, v4  }
0x1ff: {  	v32, _, _ =	vpop (xrf0);
	v2 =	vadd.s32 v4, v2;
	v4 =	vld [tilespmem:$0x1FD50]  }
0x200: {  	v22, _, _ =	vpop (xrf0);
	s3 =	spop (v2sf)  }
0x201: {  	vm15 =	vmmov vm8;
	vm8 =	veq.s32 v6, $0x7;
	v41 =	vxor.u32 $0x80000000, v22;
	s5 =	sxor.u32 $0x80000000, s3  }
0x202: {  	v43 =	vsel vm8, $0x1, v1;
	(xrf0) =	vmax.scan.msk.u32 $0xffff, v41;
	v48 =	vmov s5  }
0x203: {  	(xrf0) =	vadd.scan.msk.s32 $0xffff, v43;
	v11 =	vnsel vm7, $0x0, v48;
	(v2sf) =	vpush v47, $0xF  }
0x204: {  	(v2sf) =	vpush v4, $0xF;
	v4 =	vadd.s32 v11, v2;
	v2 =	vld [tilespmem:$0x1FD60]  }
0x205: {  	v21 =	vld [tilespmem:$0x10F0];
	_ =	sdelay $0x2  }
0x206: {  	v12, _, _ =	vpop (xrf0)  }
0x207: {  	(v2sf) =	vpush v2, $0xF;
	v2, _, _ =	vpop (xrf0)  }
0x208: {  	vm0 =	veq.s32 v21, $0x0;
	v49 =	vxor.u32 $0x80000000, v2  }
0x209: {  	v53 =	vld [tilespmem:$0x1FD70];
	[tilespmem:$0x1000] =	vst v4;
	v4 =	vsel vm0, $0x1, v1;
	(xrf0) =	vmax.scan.msk.u32 $0xffff, v49  }
0x20a: {  	(xrf0) =	vadd.scan.msk.s32 $0xffff, v4;
	v4 =	vld [tilespmem:$0x1FD80];
	_ =	sdelay $0x1  }
0x20b: {  	v24 =	vadd.s32 $0xFFFFFFFF, v24  }
0x20c: {  	v25 =	vadd.s32 $0xFFFFFFFF, v25;
	v28 =	vadd.s32 $0xFFFFFFFF, v28;
	v50 =	vimm.s32 $0x0  }
0x20d: {  	[tilespmem:$0x1FFA0] =	vst v13;
	v13 =	vsel vm0, $0xFFFFFFFF, v50;
	vm0 =	vlt.s32 v33, $0x280;
	(v2sf) =	vpush v53, $0xF  }
0x20e: {  	v14 =	vadd.s32 $0xFFFFFFFF, v14;
	(v2sf) =	vpush v4, $0xF;
	v4 =	vsel vm0, $0x1, v1  }
0x20f: {  	v20 =	vadd.s32 $0xFFFFFFFF, v20;
	v26 =	vadd.s32 $0xFFFFFFFF, v26;
	vm10 =	vmmov vm1;
	[tilespmem:$0x11B0] =	vst v4;
	v4 =	vld [tilespmem:$0x1FD90]  }
0x210: {  	v60 =	vadd.s32 $0xFFFFFFFF, v19;
	v0 =	vadd.s32 $0xFFFFFFFF, v0;
	vm2 =	vmmov vm7  }
0x211: {  	v54 =	vld [tilespmem:$0x1FDB0];
	v9 =	vmul.u32 $0x280, v9;
	vm14 =	vmmov vm9;
	vm9 =	vlt.s32 v33, $0x27F  }
0x212: {  	v61 =	vadd.s32 $0xFFFFFFFF, v23;
	v38 =	vimm.s32 $0x0;
	v56 =	vld [tilespmem:$0x1FDC0];
	v51 =	vnsel vm9, $0x27F, v33  }
0x213: {  	v35 =	vld [tilespmem:$0x1FDF0];
	vm12 =	vmmov vm13;
	vm13 =	vmmov vm5;
	v9 =	vadd.s32 v9, v51  }
0x214: {  	vm1 =	vmmov vm3;
	v45 =	vadd.s32 $0xFFFFFFFF, v27;
	[tilespmem:$0x1130] =	vst v9;
	(v2sf) =	vpush v4, $0xF;
	v4 =	vld [tilespmem:$0x1FDA0]  }
0x215: {  	v62 =	vld [tilespmem:$0x1FDD0];
	v46 =	vadd.s32 $0xFFFFFFFF, v30;
	vm9 =	veq.s32 v21, $0x1;
	[tilespmem:$0x1FFB0] =	vst v13;
	v9 =	vsel vm0, v9, v39;
	s6 =	spop (v2sf)  }
0x216: {  	v34 =	vld [tilespmem:$0x1FDE0];
	vm5 =	vmmov vm12;
	v41 =	vsel vm9, $0x1, v1;
	v13 =	vsel vm9, $0xFFFFFFFF, v38;
	[tilespmem:$0x1230] =	vst v9;
	s7 =	spop (v2sf)  }
0x217: {  	vm9 =	veq.s32 v21, $0x2;
	vm7 =	vmmov vm14;
	vm3 =	vnez.u8 v56;
	s23 =	sxor.u32 $0x80000000, s6;
	s24 =	sxor.u32 $0x80000000, s7;
	v18, _, _ =	vpop (xrf0);
	v55 =	vld.idx.msk [tilespmem:v7+s0+$0x0], $0xffff  }
0x218: {  	v42 =	vld [tilespmem:$0x1FE00];
	v2 =	vadd.s32 $0xFFFFFFFF, v2;
	v51 =	vmov s23;
	v53 =	vmov s24;
	v9, _, _ =	vpop (xrf0);
	s9 =	spop (v2sf)  }
0x219: {  	v37 =	vxor.u32 $0x80000000, v9;
	(v2sf) =	vpush v54, $0xF;
	s26 =	spop (v2sf);
	v4 =	vadd.s32 $0xFFFFFFFF, v4  }
0x21a: {  	v47 =	vld [tilespmem:$0x1000];
	v54 =	vnsel vm11, $0x0, v53;
	s23 =	sxor.u32 $0x80000000, s26;
	v4 =	vnsel vm3, $0x0, v4;
	vm3 =	vnez.u8 v62  }
0x21b: {  	v56 =	vmov s23;
	v63 =	vnsel vm3, $0x0, v60;
	vm3 =	vnez.u8 v34  }
0x21c: {  	v19 =	vnsel vm3, $0x0, v61;
	vm3 =	vnez.u8 v35;
	v11 =	vadd.s32 v55, v63  }
0x21d: {  	v43 =	vld [tilespmem:$0x1FE10];
	(xrf0) =	vmax.scan.msk.u32 $0xffff, v37;
	s28 =	sxor.u32 $0x80000000, s9;
	v24 =	vnsel vm3, $0x0, v24;
	vm3 =	vnez.u8 v42;
	v4 =	vadd.s32 v4, v11  }
0x21e: {  	v48 =	vld [tilespmem:$0x1FE20];
	(xrf0) =	vadd.scan.msk.s32 $0xffff, v41;
	v55 =	vmov s28;
	v25 =	vnsel vm3, $0x0, v25;
	v4 =	vadd.s32 v19, v4  }
0x21f: {  	s1 =	spop (v2sf);
	v19 =	vnsel vm12, $0x0, v51;
	v4 =	vadd.s32 v24, v4;
	v24 =	vadd.s32 v47, v54  }
0x220: {  	v50 =	vld [tilespmem:$0x1FE30];
	s23 =	sxor.u32 $0x80000000, s1;
	v4 =	vadd.s32 v25, v4;
	v25 =	vnsel vm15, $0x0, v55;
	v19 =	vadd.s32 v19, v24  }
0x221: {  	v62 =	vmov s23;
	v60 =	vnsel vm10, $0x0, v56;
	v19 =	vadd.s32 v25, v19  }
0x222: {  	s3 =	spop (v2sf);
	vm3 =	vnez.u8 v43;
	v25 =	vnsel vm14, $0x0, v62;
	v19 =	vadd.s32 v60, v19  }
0x223: {  	v23, _, _ =	vpop (xrf0);
	s5 =	sxor.u32 $0x80000000, s3;
	v28 =	vnsel vm3, $0x0, v28;
	vm3 =	vnez.u8 v48;
	v19 =	vadd.s32 v25, v19;
	v25 =	vld [tilespmem:$0x1FE40]  }
0x224: {  	v30 =	vld [tilespmem:$0x1FE50];
	[tilespmem:$0x1FFC0] =	vst v13;
	v63 =	vsel vm9, $0x1, v1;
	v11, _, _ =	vpop (xrf0);
	v13 =	vmov s5;
	v49 =	vnsel vm3, $0x0, v45  }
0x225: {  	v34 =	vld [tilespmem:$0x1FE60];
	vm3 =	vnez.u8 v50;
	v61 =	vxor.u32 $0x80000000, v11;
	v4 =	vadd.s32 v28, v4  }
0x226: {  	v38 =	vld [tilespmem:$0x1FE70];
	v24 =	vnsel vm13, $0x0, v13;
	v27 =	vnsel vm3, $0x0, v46;
	(xrf0) =	vmax.scan.msk.u32 $0xffff, v61;
	v4 =	vadd.s32 v49, v4;
	s6 =	spop (v2sf)  }
0x227: {  	v37 =	vmul.u32 $0x280, v7;
	v56 =	vld [tilespmem:$0x1FEE0];
	(xrf0) =	vadd.scan.msk.s32 $0xffff, v63;
	v4 =	vadd.s32 v27, v4;
	s23 =	sxor.u32 $0x80000000, s6;
	v19 =	vadd.s32 v24, v19  }
0x228: {  	v51 =	vld [tilespmem:$0x1FEB0];
	s7 =	spop (v2sf);
	vm14 =	vlt.s32 v4, $0x27F;
	v28 =	vmov s23;
	(v2sf) =	vpush v25, $0xF  }
0x229: {  	v47 =	vld [tilespmem:$0x1FE90];
	vm12 =	vlt.s32 v4, $0x280;
	s9 =	sxor.u32 $0x80000000, s7;
	v24 =	vnsel vm1, $0x0, v28;
	(v2sf) =	vpush v30, $0xF  }
0x22a: {  	v54 =	vld [tilespmem:$0x1FED0];
	v27 =	vnsel vm14, $0x27F, v4;
	v33 =	vmov s9;
	(v2sf) =	vpush v34, $0xF  }
0x22b: {  	v45 =	vld [tilespmem:$0x1FE80];
	v4 =	vsel vm12, $0x1, v1;
	v19 =	vadd.s32 v24, v19;
	v35 =	vnsel vm2, $0x0, v33  }
0x22c: {  	v8 =	vadd.s32 $0xFFFFFFFF, v8;
	v2 =	vnsel vm8, $0x0, v2;
	v61 =	vld [tilespmem:$0x1FEF0];
	[tilespmem:$0x11C0] =	vst v4;
	v19 =	vadd.s32 v35, v19;
	v24, _, _ =	vpop (xrf0)  }
0x22d: {  	vm3 =	vmmov vm11;
	vm11 =	veq.s32 v21, $0x3;
	v49 =	vld [tilespmem:$0x1FEA0];
	v25 =	vadd.s32 v37, v27;
	[tilespmem:$0x1000] =	vst v19;
	v7, _, _ =	vpop (xrf0)  }
0x22e: {  	v62 =	vld [tilespmem:$0x1FF00];
	[tilespmem:$0x1140] =	vst v25;
	v43 =	vsel vm12, v25, v39;
	(v2sf) =	vpush v38, $0xF;
	v41 =	vxor.u32 $0x80000000, v7  }
0x22f: {  	v42 =	vsel vm11, $0x1, v1;
	v63 =	vld [tilespmem:$0x1FF10];
	[tilespmem:$0x1280] =	vst v43;
	(xrf0) =	vmax.scan.msk.u32 $0xffff, v41;
	(v2sf) =	vpush v57, $0xF  }
0x230: {  	vm8 =	vcmask $0xF0C;
	vm0 =	vmmov vm13;
	v4 =	vld.idx.msk [tilespmem:v5+s0+$0x0], $0xffff;
	(xrf0) =	vadd.scan.msk.s32 $0xffff, v42;
	(v2sf) =	vpush v58, $0xF  }
0x231: {  	v48 =	vadd.s32 $0xFFFFFFFF, v47;
	v46 =	vadd.s32 $0xFFFFFFFF, v45;
	(v2sf) =	vpush v52, $0xF;
	v52 =	vld [tilespmem:$0x1FEC0]  }
0x232: {  	vm14 =	veq.s32 v21, $0x6;
	vm13 =	vnez.u8 v61;
	vm12 =	vnez.u8 v49  }
0x233: {  	v13 =	vadd.s32 $0xFFFFFFFF, v62;
	v37 =	vld [tilespmem:$0x1FF20];
	v50 =	vnsel vm12, $0x0, v46;
	vm12 =	vnez.u8 v51  }
0x234: {  	v27 =	vnsel vm12, $0x0, v48;
	v57 =	vadd.s32 $0xFFFFFFFF, v56;
	(v2sf) =	vpush v36, $0xF  }
0x235: {  	vm12 =	vnez.u8 v54;
	v34 =	vnsel vm13, $0x0, v57;
	vm13 =	vnez.u8 v63;
	v25, _, _ =	vpop (xrf0)  }
0x236: {  	v13 =	vnsel vm13, $0x0, v13;
	v4 =	vadd.s32 v4, v27;
	v53 =	vadd.s32 $0xFFFFFFFF, v52;
	v19, _, _ =	vpop (xrf0)  }
0x237: {  	v30 =	vnsel vm12, $0x0, v53;
	v55 =	vxor.u32 $0x80000000, v19;
	vm12 =	veq.s32 v21, $0x4;
	s24 =	spop (v2sf)  }
0x238: {  	v58 =	vld [tilespmem:$0x1000];
	vm13 =	vnez.u8 v37;
	v4 =	vadd.s32 v50, v4;
	(xrf0) =	vmax.scan.msk.u32 $0xffff, v55;
	v60 =	vsel vm12, $0x1, v1;
	s25 =	spop (v2sf)  }
0x239: {  	v14 =	vnsel vm13, $0x0, v14;
	vm13 =	veq.s32 v21, $0x5;
	v4 =	vadd.s32 v30, v4;
	(xrf0) =	vadd.scan.msk.s32 $0xffff, v60;
	s28 =	spop (v2sf)  }
0x23a: {  	v45 =	vsel vm13, $0x1, v1;
	v53 =	vmul.u32 $0x280, v5;
	v4 =	vadd.s32 v34, v4;
	s26 =	sxor.u32 $0x80000000, s25;
	s1 =	sxor.u32 $0x80000000, s28  }
0x23b: {  	v4 =	vadd.s32 v13, v4;
	s23 =	sxor.u32 $0x80000000, s24;
	v34 =	vmov s26;
	v35 =	vmov s1  }
0x23c: {  	v46 =	vld [tilespmem:$0x1FF30];
	v33 =	vmov s23;
	v30 =	vnsel vm3, $0x0, v34;
	v13 =	vnsel vm15, $0x0, v35  }
0x23d: {  	v55 =	vsel vm14, $0x1, v1;
	v28 =	vnsel vm5, $0x0, v33;
	v27 =	vadd.s32 v58, v30  }
0x23e: {  	(v2sf) =	vpush v31, $0xF;
	v31 =	vadd.s32 $0xFFFFFFFF, v16;
	s3 =	spop (v2sf);
	v38, _, _ =	vpop (xrf0);
	v27 =	vadd.s32 v28, v27  }
0x23f: {  	v4 =	vadd.s32 v14, v4;
	vm5 =	vmmov vm2;
	s23 =	sxor.u32 $0x80000000, s3;
	v41 =	vadd.s32 v13, v27;
	v13, _, _ =	vpop (xrf0)  }
0x240: {  	v33 =	vadd.s32 $0xFFFFFFFF, v22;
	s5 =	spop (v2sf);
	v36 =	vmov s23;
	v42 =	vxor.u32 $0x80000000, v13  }
0x241: {  	v51 =	vld [tilespmem:$0x1FF40];
	s23 =	sxor.u32 $0x80000000, s5;
	s6 =	spop (v2sf);
	v58 =	vadd.s32 $0xFFFFFFFF, v44;
	v30 =	vnsel vm10, $0x0, v36;
	vm10 =	vnez.u8 v46;
	(xrf0) =	vmax.scan.msk.u32 $0xffff, v42  }
0x242: {  	v43 =	vmov s23;
	s7 =	sxor.u32 $0x80000000, s6;
	s9 =	spop (v2sf);
	v20 =	vnsel vm10, $0x0, v20;
	vm10 =	vmmov vm7;
	(xrf0) =	vadd.scan.msk.s32 $0xffff, v45  }
0x243: {  	v47 =	vmov s7;
	s24 =	sxor.u32 $0x80000000, s9;
	s25 =	spop (v2sf);
	(v2sf) =	vpush v59, $0xF;
	v14 =	vadd.s32 v30, v41  }
0x244: {  	v30 =	vnsel vm7, $0x0, v43;
	v27 =	vnsel vm0, $0x0, v47;
	v48 =	vmov s24  }
0x245: {  	v4 =	vadd.s32 v20, v4;
	s23 =	sxor.u32 $0x80000000, s25;
	(v2sf) =	vpush v15, $0xF;
	v14 =	vadd.s32 v30, v14  }
0x246: {  	v49 =	vnsel vm1, $0x0, v48;
	v50 =	vmov s23;
	vm1 =	vnez.u8 v51  }
0x247: {  	(v2sf) =	vpush v10, $0xF;
	v14 =	vadd.s32 v27, v14;
	v26 =	vnsel vm1, $0x0, v26;
	v52, _, _ =	vpop (xrf0)  }
0x248: {  	v61 =	vld [tilespmem:$0x1FF60];
	v20 =	vnsel vm2, $0x0, v50;
	(v2sf) =	vpush v17, $0xF;
	v14 =	vadd.s32 v49, v14;
	v5, _, _ =	vpop (xrf0)  }
0x249: {  	v62 =	vld [tilespmem:$0x1FF70];
	v4 =	vadd.s32 v26, v4;
	(v2sf) =	vpush v32, $0xF;
	v54 =	vxor.u32 $0x80000000, v5  }
0x24a: {  	v57 =	vld [tilespmem:$0x1FF50];
	v14 =	vadd.s32 v20, v14;
	vm2 =	vlt.s32 v4, $0x280;
	vm1 =	vlt.s32 v4, $0x27F;
	(xrf0) =	vmax.scan.msk.u32 $0xffff, v54  }
0x24b: {  	v26 =	vld [tilespmem:$0x1FF80];
	[tilespmem:$0x1000] =	vst v14;
	v4 =	vnsel vm1, $0x27F, v4;
	v56 =	vsel vm2, $0x1, v1;
	(xrf0) =	vadd.scan.msk.s32 $0xffff, v55  }
0x24c: {  	v59 =	vadd.s32 $0xFFFFFFFF, v40;
	v30 =	vld [tilespmem:$0x1FF90];
	(v2sf) =	vpush v12, $0xF;
	v4 =	vadd.s32 v53, v4;
	[tilespmem:$0x11D0] =	vst v56  }
0x24d: {  	(v2sf) =	vpush v18, $0xF;
	vm1 =	vnez.u8 v61;
	[tilespmem:$0x1150] =	vst v4;
	v4 =	vsel vm2, v4, v39  }
0x24e: {  	vm7 =	vmmov vm3;
	v32 =	vld [tilespmem:$0x1FFA0];
	v12 =	vnsel vm1, $0x0, v58;
	(v2sf) =	vpush v23, $0xF;
	[tilespmem:$0x1290] =	vst v4  }
0x24f: {  	vm2 =	vnez.u8 v57;
	s26 =	spop (v2sf);
	(v2sf) =	vpush v24, $0xF;
	v4 =	vadd.s32 $0xFFFFFFFF, v29;
	v10 =	vld.idx.msk [tilespmem:v6+s0+$0x0], $0xffff  }
0x250: {  	vm15 =	vnez.u8 v26;
	s23 =	sxor.u32 $0x80000000, s26;
	v4 =	vnsel vm2, $0x0, v4;
	vm2 =	vnez.u8 v62;
	v60, _, _ =	vpop (xrf0)  }
0x251: {  	v0 =	vnsel vm15, $0x0, v0;
	vm15 =	vnez.u8 v30;
	v36 =	vmov s23;
	v63, _, _ =	vpop (xrf0)  }
0x252: {  	v14 =	vnsel vm2, $0x0, v59;
	vm2 =	veq.s32 v21, $0x7;
	v27 =	vxor.u32 $0x80000000, v63  }
0x253: {  	v6 =	vmul.u32 $0x280, v6;
	v8 =	vnsel vm15, $0x0, v8;
	v29 =	vsel vm2, $0x1, v1;
	(xrf0) =	vmax.scan.msk.u32 $0xffff, v27  }
0x254: {  	vm15 =	vnez.u8 v32;
	v10 =	vadd.s32 v10, v12;
	v12 =	vnsel vm6, $0x0, v33;
	(xrf0) =	vadd.scan.msk.s32 $0xffff, v29  }
0x255: {  	s28 =	spop (v2sf);
	(v2sf) =	vpush v25, $0xF;
	vm6 =	vcmask $0xB08;
	v4 =	vadd.s32 v4, v10  }
0x256: {  	v34 =	vld [tilespmem:$0x1000];
	v10 =	vnsel vm15, $0x0, v31;
	s1 =	spop (v2sf);
	(v2sf) =	vpush v38, $0xF;
	v4 =	vadd.s32 v14, v4  }
0x257: {  	s24 =	sxor.u32 $0x80000000, s28;
	vm15 =	vcmask $0x1B18;
	s23 =	sxor.u32 $0x80000000, s1;
	s3 =	spop (v2sf);
	(v2sf) =	vpush v52, $0xF;
	v0 =	vadd.s32 v0, v4  }
0x258: {  	v4 =	vmov s24;
	v38 =	vmov s23;
	v0 =	vadd.s32 v8, v0  }
0x259: {  	s5 =	sxor.u32 $0x80000000, s3;
	v4 =	vnsel vm3, $0x0, v4;
	vm3 =	vcmask $0x300;
	v41 =	vnsel vm6, $0x0, v38;
	v35, _, _ =	vpop (xrf0)  }
0x25a: {  	s6 =	spop (v2sf);
	v42 =	vmov s5;
	(v2sf) =	vpush v60, $0xF;
	v0 =	vadd.s32 v10, v0;
	v37, _, _ =	vpop (xrf0)  }
0x25b: {  	s7 =	spop (v2sf);
	s24 =	sxor.u32 $0x80000000, s6;
	v10 =	vnsel vm3, $0x0, v36;
	v4 =	vadd.s32 v34, v4;
	v40 =	vxor.u32 $0x80000000, v37  }
0x25c: {  	v43 =	vnsel vm8, $0x0, v42;
	v44 =	vmov s24;
	s23 =	sxor.u32 $0x80000000, s7;
	v4 =	vadd.s32 v10, v4;
	(xrf0) =	vmax.scan.msk.u32 $0xffff, v40  }
0x25d: {  	s9 =	spop (v2sf);
	v0 =	vadd.s32 v12, v0;
	v45 =	vmov s23;
	v4 =	vadd.s32 v41, v4  }
0x25e: {  	v10 =	vnsel vm10, $0x0, v44;
	s25 =	sxor.u32 $0x80000000, s9;
	s26 =	spop (v2sf);
	v8 =	vnsel vm0, $0x0, v45;
	v4 =	vadd.s32 v43, v4  }
0x25f: {  	v46 =	vmov s25;
	s28 =	sxor.u32 $0x80000000, s26;
	v0 =	vadd.s32 v2, v0;
	v4 =	vadd.s32 v10, v4  }
0x260: {  	v47 =	vmov s28;
	v10 =	vnsel vm15, $0x0, v46;
	v4 =	vadd.s32 v8, v4  }
0x261: {  	vm1 =	vlt.s32 v0, $0x27F;
	v2 =	vnsel vm5, $0x0, v47;
	v4 =	vadd.s32 v10, v4  }
0x262: {  	v2 =	vadd.s32 v2, v4;
	v4 =	vnsel vm1, $0x27F, v0;
	(v2sf) =	vpush v35, $0xF;
	v48, _, _ =	vpop (xrf0)  }
0x263: {  	v50 =	vld [tilespmem:$0x1FFB0];
	vm1 =	vlt.s32 v0, $0x280;
	[tilespmem:$0x1000] =	vst v2;
	v0 =	vadd.s32 v6, v4;
	(v2sf) =	vpush v48, $0xF  }
0x264: {  	v51 =	vld [tilespmem:$0x1FFC0];
	v49 =	vadd.s32 $0xFFFFFFFF, v11;
	s1 =	spop (v2sf);
	v2 =	vsel vm1, $0x1, v1;
	[tilespmem:$0x1160] =	vst v0  }
0x265: {  	v56 =	vadd.s32 $0xFFFFFFFF, v13;
	v5 =	vadd.s32 $0xFFFFFFFF, v5;
	s3 =	spop (v2sf);
	v0 =	vsel vm1, v0, v39;
	[tilespmem:$0x11E0] =	vst v2  }
0x266: {  	v11 =	vnsel vm12, $0x0, v56;
	v5 =	vnsel vm13, $0x0, v5;
	v17 =	vadd.s32 $0xFFFFFFFF, v63;
	s24 =	sxor.u32 $0x80000000, s3;
	[tilespmem:$0x12A0] =	vst v0  }
0x267: {  	v52 =	vadd.s32 $0xFFFFFFFF, v19;
	v62 =	vnsel vm14, $0x0, v17;
	v53 =	vmov s24;
	v54 =	vld.idx.msk [tilespmem:v21+s0+$0x0], $0xffff  }
0x268: {  	s23 =	sxor.u32 $0x80000000, s1;
	v8 =	vnsel vm7, $0x0, v53;
	v4 =	vadd.s32 $0xFFFFFFFF, v9;
	vm1 =	vnez.u8 v50  }
0x269: {  	v2 =	vmov s23;
	v58 =	vld [tilespmem:$0x1000];
	v4 =	vnsel vm1, $0x0, v4;
	vm1 =	vnez.u8 v51;
	s5 =	spop (v2sf)  }
0x26a: {  	v0 =	vadd.s32 $0xFFFFFFFF, v7;
	v7 =	vnsel vm11, $0x0, v52;
	v2 =	vnsel vm3, $0x0, v2;
	s6 =	spop (v2sf);
	s23 =	sxor.u32 $0x80000000, s5  }
0x26b: {  	v6 =	vnsel vm1, $0x0, v49;
	v0 =	vnsel vm9, $0x0, v0;
	v55 =	vmov s23;
	s7 =	spop (v2sf);
	s24 =	sxor.u32 $0x80000000, s6  }
0x26c: {  	v57 =	vmov s24;
	s23 =	sxor.u32 $0x80000000, s7;
	v10 =	vnsel vm6, $0x0, v55;
	v6 =	vadd.s32 v54, v6  }
0x26d: {  	s9 =	spop (v2sf);
	v59 =	vmov s23;
	v12 =	vnsel vm8, $0x0, v57;
	v4 =	vadd.s32 v4, v6  }
0x26e: {  	v15 =	vnsel vm10, $0x0, v59;
	s24 =	sxor.u32 $0x80000000, s9;
	v0 =	vadd.s32 v0, v4;
	v4 =	vadd.s32 v58, v8  }
0x26f: {  	v60 =	vmov s24;
	v0 =	vadd.s32 v7, v0;
	v2 =	vadd.s32 v2, v4  }
0x270: {  	v61 =	vnsel vm0, $0x0, v60;
	v0 =	vadd.s32 v11, v0;
	v2 =	vadd.s32 v10, v2  }
0x271: {  	v4 =	vadd.s32 $0xFFFFFFFF, v37;
	v0 =	vadd.s32 v5, v0;
	v2 =	vadd.s32 v12, v2;
	s25 =	spop (v2sf)  }
0x272: {  	v4 =	vnsel vm2, $0x0, v4;
	v0 =	vadd.s32 v62, v0;
	v2 =	vadd.s32 v15, v2;
	s26 =	sxor.u32 $0x80000000, s25;
	s28 =	spop (v2sf)  }
0x273: {  	v0 =	vadd.s32 v4, v0;
	v2 =	vadd.s32 v61, v2;
	v63 =	vmov s26;
	s23 =	sxor.u32 $0x80000000, s28  }
0x274: {  	v4 =	vmul.u32 $0x280, v21;
	v6 =	vnsel vm15, $0x0, v63;
	v5 =	vmov s23  }
0x275: {  	vm14 =	vlt.s32 v0, $0x27F;
	v2 =	vadd.s32 v6, v2;
	v5 =	vnsel vm5, $0x0, v5  }
0x276: {  	v2 =	vadd.s32 v5, v2;
	v5 =	vnsel vm14, $0x27F, v0  }
0x277: {  	vm15 =	vlt.s32 v0, $0x280;
	[tilespmem:$0x1000] =	vst v2;
	v0 =	vadd.s32 v4, v5  }
0x278: {  	v2 =	vsel vm15, $0x1, v1;
	[tilespmem:$0x1170] =	vst v0  }
0x279: {  	s1 =	rddreg [dreg:$0xb];
	[tilespmem:$0x11F0] =	vst v2;
	v0 =	vsel vm15, v0, v39  }
0x27a: {  	s3 =	simm.s32 $0x2;
	s0 =	rddreg [dreg:$0x7];
	[tilespmem:$0x12B0] =	vst v0  }
0x27b: {  	[hbm4b:s0+s2] =	stream.linear.scatter [tilespmem:s1], [sflag:$0x2], $0x80, $0x38;
	[tilespmem:$0x11300] =	vst v63  }
0x27c: {  	_ =	swait.ge [sflag:s3], $0x80  }
0x27d: {  	s5 =	rddreg [dreg:$0x8];
	[sflag:s3] =	ssyncset.done $0x0  }
0x27e: {  	s6 =	rddreg [dreg:$0xc];
	[sflag:s3] =	ssyncadd.s32 $0xFFFFFF80  }
0x27f: {  	[hbm4b:s5+s2] =	stream.linear.scatter [tilespmem:s6], [sflag:$0x2], $0x80, $0x38;
	[tilespmem:$0x11300] =	vst v63  }
0x280: {  	_ =	swait.ge [sflag:s3], $0x80  }
0x281: {  	[sflag:s3] =	ssyncset.done $0x0  }
0x282: {  	s7 =	rddreg [dreg:$0xd];
	[sflag:s3] =	ssyncadd.s32 $0xFFFFFF80  }
0x283: {  	[tilespmem:s22], [sflag:$0x2] =	stream.linear.gather [hbm4b:s7+s2], $0x10000, $0x38;
	[tilespmem:$0x11300] =	vst v63  }
0x284: {  	_ =	swait.ge [sflag:s3], $0x10000  }
0x285: {  	[sflag:s3] =	ssyncset.done $0x0  }
0x286: {  	[sflag:s3] =	ssyncadd.s32 $0xFFFF0000  }
0x287: {  	v0 =	vld [tilespmem:$0x1200];
	_ =	sdelay $0x2  }
0x288: {  	v4 =	vld [tilespmem:$0x1FFE0];
	_ =	sdelay $0x1  }
0x289: {  	v2 =	vshll.u32 v0, $0x3  }
0x28a: {  	v0 =	vand.u32 $0x7, v0;
	v2 =	vand.u32 $0xFFFFFFC0, v2  }
0x28b: {  	v0 =	vor.u32 v0, v2  }
0x28c: {  	v2 =	vperm.xlane v0, v4;
	_ =	sdelay $0x1  }
0x28d: {  	v2 =	vadd.s32 v3, v2  }
0x28e: {  	v5 =	vld [tilespmem:$0x1FFF0];
	_ =	sdelay $0x2  }
0x28f: {  	s5 =	rddreg [dreg:$0xe]  }
0x290: {  	[hbm4b:s5+s2] =	stream.indirect_vreg.scatter [tilespmem:s22], [sflag:$0x1], $0x80, v2, vm4, $0xb8;
	[tilespmem:$0x11300] =	vst v63  }
0x291: {  	s24 =	simm.s32 $0x1B00;
	s6 =	rddreg [dreg:$0xf];
	v0 =	vperm.xlane v0, v5  }
0x292: {  	[hbm4b:s6+s2] =	stream.indirect_vreg.scatter [tilespmem:s24], [sflag:$0x1], $0x80, v2, vm4, $0xb8;
	[tilespmem:$0x11300] =	vst v63  }
0x293: {  	s25 =	simm.s32 $0x2300;
	s7 =	rddreg [dreg:$0x10];
	v0 =	vadd.s32 v3, v0  }
0x294: {  	[hbm4b:s7+s2] =	stream.indirect_vreg.scatter [tilespmem:s25], [sflag:$0x1], $0x80, v2, vm4, $0xb8;
	[tilespmem:$0x11300] =	vst v63  }
0x295: {  	s26 =	simm.s32 $0x2B00;
	s0 =	rddreg [dreg:$0x11]  }
0x296: {  	[hbm4b:s0+s2] =	stream.indirect_vreg.scatter [tilespmem:s26], [sflag:$0x1], $0x80, v2, vm4, $0xb8;
	[tilespmem:$0x11300] =	vst v63  }
0x297: {  	s28 =	simm.s32 $0x3300  }
0x298: {  	[hbm4b:s5+s2] =	stream.indirect_vreg.scatter [tilespmem:s28], [sflag:$0x1], $0x80, v0, vm4, $0xb8;
	[tilespmem:$0x11300] =	vst v63  }
0x299: {  	_ = 	snop  }
0x29a: {  	[hbm4b:s6+s2] =	stream.indirect_vreg.scatter [tilespmem:s29], [sflag:$0x1], $0x80, v0, vm4, $0xb8;
	[tilespmem:$0x11300] =	vst v63  }
0x29b: {  	s9 =	smov.u32 s4;
	s4 =	simm.s32 $0x4300  }
0x29c: {  	[hbm4b:s7+s2] =	stream.indirect_vreg.scatter [tilespmem:s4], [sflag:$0x1], $0x80, v0, vm4, $0xb8;
	[tilespmem:$0x11300] =	vst v63  }
0x29d: {  	_ = 	snop  }
0x29e: {  	[hbm4b:s0+s2] =	stream.indirect_vreg.scatter [tilespmem:s30], [sflag:$0x1], $0x80, v0, vm4, $0xb8;
	[tilespmem:$0x11300] =	vst v63  }
0x29f: {  	v0 =	vld [tilespmem:$0x1210];
	_ =	sdelay $0x4  }
0x2a0: {  	v2 =	vshll.u32 v0, $0x3  }
0x2a1: {  	v0 =	vand.u32 $0x7, v0;
	v2 =	vand.u32 $0xFFFFFFC0, v2  }
0x2a2: {  	v0 =	vor.u32 v0, v2  }
0x2a3: {  	v2 =	vperm.xlane v0, v4;
	_ =	sdelay $0x1  }
0x2a4: {  	v2 =	vadd.s32 v3, v2;
	_ =	sdelay $0x4  }
0x2a5: {  	[hbm4b:s5+s2] =	stream.indirect_vreg.scatter [tilespmem:s31], [sflag:$0x1], $0x80, v2, vm4, $0xb8;
	[tilespmem:$0x11300] =	vst v63  }
0x2a6: {  	s1 =	simm.s32 $0x5B00;
	v0 =	vperm.xlane v0, v5  }
0x2a7: {  	[hbm4b:s6+s2] =	stream.indirect_vreg.scatter [tilespmem:s1], [sflag:$0x1], $0x80, v2, vm4, $0xb8;
	[tilespmem:$0x11300] =	vst v63  }
0x2a8: {  	s23 =	simm.s32 $0x6300;
	v0 =	vadd.s32 v3, v0  }
0x2a9: {  	[hbm4b:s7+s2] =	stream.indirect_vreg.scatter [tilespmem:s23], [sflag:$0x1], $0x80, v2, vm4, $0xb8;
	[tilespmem:$0x11300] =	vst v63  }
0x2aa: {  	_ = 	snop  }
0x2ab: {  	[hbm4b:s0+s2] =	stream.indirect_vreg.scatter [tilespmem:s12], [sflag:$0x1], $0x80, v2, vm4, $0xb8;
	[tilespmem:$0x11300] =	vst v63  }
0x2ac: {  	_ = 	snop  }
0x2ad: {  	[hbm4b:s5+s2] =	stream.indirect_vreg.scatter [tilespmem:s13], [sflag:$0x1], $0x80, v0, vm4, $0xb8;
	[tilespmem:$0x11300] =	vst v63  }
0x2ae: {  	_ = 	snop  }
0x2af: {  	[hbm4b:s6+s2] =	stream.indirect_vreg.scatter [tilespmem:s14], [sflag:$0x1], $0x80, v0, vm4, $0xb8;
	[tilespmem:$0x11300] =	vst v63  }
0x2b0: {  	_ = 	snop  }
0x2b1: {  	[hbm4b:s7+s2] =	stream.indirect_vreg.scatter [tilespmem:s15], [sflag:$0x1], $0x80, v0, vm4, $0xb8;
	[tilespmem:$0x11300] =	vst v63  }
0x2b2: {  	_ = 	snop  }
0x2b3: {  	[hbm4b:s0+s2] =	stream.indirect_vreg.scatter [tilespmem:s16], [sflag:$0x1], $0x80, v0, vm4, $0xb8;
	[tilespmem:$0x11300] =	vst v63  }
0x2b4: {  	v0 =	vld [tilespmem:$0x1220];
	_ =	sdelay $0x4  }
0x2b5: {  	v2 =	vshll.u32 v0, $0x3  }
0x2b6: {  	v0 =	vand.u32 $0x7, v0;
	v2 =	vand.u32 $0xFFFFFFC0, v2  }
0x2b7: {  	v0 =	vor.u32 v0, v2  }
0x2b8: {  	v2 =	vperm.xlane v0, v4;
	_ =	sdelay $0x1  }
0x2b9: {  	v2 =	vadd.s32 v3, v2;
	_ =	sdelay $0x4  }
0x2ba: {  	[hbm4b:s5+s2] =	stream.indirect_vreg.scatter [tilespmem:s17], [sflag:$0x1], $0x80, v2, vm4, $0xb8;
	[tilespmem:$0x11300] =	vst v63  }
0x2bb: {  	v0 =	vperm.xlane v0, v5  }
0x2bc: {  	[hbm4b:s6+s2] =	stream.indirect_vreg.scatter [tilespmem:s18], [sflag:$0x1], $0x80, v2, vm4, $0xb8;
	[tilespmem:$0x11300] =	vst v63  }
0x2bd: {  	v0 =	vadd.s32 v3, v0  }
0x2be: {  	[hbm4b:s7+s2] =	stream.indirect_vreg.scatter [tilespmem:s19], [sflag:$0x1], $0x80, v2, vm4, $0xb8;
	[tilespmem:$0x11300] =	vst v63  }
0x2bf: {  	_ = 	snop  }
0x2c0: {  	[hbm4b:s0+s2] =	stream.indirect_vreg.scatter [tilespmem:s20], [sflag:$0x1], $0x80, v2, vm4, $0xb8;
	[tilespmem:$0x11300] =	vst v63  }
0x2c1: {  	_ = 	snop  }
0x2c2: {  	[hbm4b:s5+s2] =	stream.indirect_vreg.scatter [tilespmem:s21], [sflag:$0x1], $0x80, v0, vm4, $0xb8;
	[tilespmem:$0x11300] =	vst v63  }
0x2c3: {  	_ = 	snop  }
0x2c4: {  	[hbm4b:s6+s2] =	stream.indirect_vreg.scatter [tilespmem:s11], [sflag:$0x1], $0x80, v0, vm4, $0xb8;
	[tilespmem:$0x11300] =	vst v63  }
0x2c5: {  	_ = 	snop  }
0x2c6: {  	[hbm4b:s7+s2] =	stream.indirect_vreg.scatter [tilespmem:s10], [sflag:$0x1], $0x80, v0, vm4, $0xb8;
	[tilespmem:$0x11300] =	vst v63  }
0x2c7: {  	_ = 	snop  }
0x2c8: {  	[hbm4b:s0+s2] =	stream.indirect_vreg.scatter [tilespmem:s8], [sflag:$0x1], $0x80, v0, vm4, $0xb8;
	[tilespmem:$0x11300] =	vst v63  }
0x2c9: {  	v0 =	vld [tilespmem:$0x1230];
	_ =	sdelay $0x4  }
0x2ca: {  	v2 =	vshll.u32 v0, $0x3  }
0x2cb: {  	v0 =	vand.u32 $0x7, v0;
	v2 =	vand.u32 $0xFFFFFFC0, v2  }
0x2cc: {  	v0 =	vor.u32 v0, v2  }
0x2cd: {  	v2 =	vperm.xlane v0, v4;
	_ =	sdelay $0x1  }
0x2ce: {  	v2 =	vadd.s32 v3, v2;
	_ =	sdelay $0x3  }
0x2cf: {  	s23 =	simm.s32 $0xD300  }
0x2d0: {  	[hbm4b:s5+s2] =	stream.indirect_vreg.scatter [tilespmem:s23], [sflag:$0x1], $0x80, v2, vm4, $0xb8;
	[tilespmem:$0x11300] =	vst v63  }
0x2d1: {  	v0 =	vperm.xlane v0, v5;
	s23 =	simm.s32 $0xDB00  }
0x2d2: {  	[hbm4b:s6+s2] =	stream.indirect_vreg.scatter [tilespmem:s23], [sflag:$0x1], $0x80, v2, vm4, $0xb8;
	[tilespmem:$0x11300] =	vst v63  }
0x2d3: {  	v0 =	vadd.s32 v3, v0;
	s23 =	simm.s32 $0xE300  }
0x2d4: {  	[hbm4b:s7+s2] =	stream.indirect_vreg.scatter [tilespmem:s23], [sflag:$0x1], $0x80, v2, vm4, $0xb8;
	[tilespmem:$0x11300] =	vst v63  }
0x2d5: {  	s23 =	simm.s32 $0xEB00  }
0x2d6: {  	[hbm4b:s0+s2] =	stream.indirect_vreg.scatter [tilespmem:s23], [sflag:$0x1], $0x80, v2, vm4, $0xb8;
	[tilespmem:$0x11300] =	vst v63  }
0x2d7: {  	s23 =	simm.s32 $0xF300  }
0x2d8: {  	[hbm4b:s5+s2] =	stream.indirect_vreg.scatter [tilespmem:s23], [sflag:$0x1], $0x80, v0, vm4, $0xb8;
	[tilespmem:$0x11300] =	vst v63  }
0x2d9: {  	s23 =	simm.s32 $0xFB00  }
0x2da: {  	[hbm4b:s6+s2] =	stream.indirect_vreg.scatter [tilespmem:s23], [sflag:$0x1], $0x80, v0, vm4, $0xb8;
	[tilespmem:$0x11300] =	vst v63  }
0x2db: {  	s23 =	simm.s32 $0x10300  }
0x2dc: {  	[hbm4b:s7+s2] =	stream.indirect_vreg.scatter [tilespmem:s23], [sflag:$0x1], $0x80, v0, vm4, $0xb8;
	[tilespmem:$0x11300] =	vst v63  }
0x2dd: {  	s1 =	simm.s32 $0x1;
	s23 =	simm.s32 $0x10B00  }
0x2de: {  	[hbm4b:s0+s2] =	stream.indirect_vreg.scatter [tilespmem:s23], [sflag:$0x1], $0x80, v0, vm4, $0xb8;
	[tilespmem:$0x11300] =	vst v63  }
0x2df: {  	_ =	swait.ge [sflag:s1], $0x10000  }
0x2e0: {  	[sflag:s1] =	ssyncset.done $0x0  }
0x2e1: {  	s3 =	simm.s32 $0x2;
	s23 =	rddreg [dreg:$0x9];
	[sflag:s1] =	ssyncadd.s32 $0xFFFF0000  }
0x2e2: {  	[tilespmem:s22], [sflag:$0x2] =	stream.linear.gather [hbm4b:s23+s2], $0x10000, $0x38;
	[tilespmem:$0x11300] =	vst v63  }
0x2e3: {  	_ =	swait.ge [sflag:s3], $0x10000  }
0x2e4: {  	[sflag:s3] =	ssyncset.done $0x0  }
0x2e5: {  	[sflag:s3] =	ssyncadd.s32 $0xFFFF0000  }
0x2e6: {  	v0 =	vld [tilespmem:$0x1280];
	_ =	sdelay $0x4  }
0x2e7: {  	v2 =	vshll.u32 v0, $0x3  }
0x2e8: {  	v0 =	vand.u32 $0x7, v0;
	v2 =	vand.u32 $0xFFFFFFC0, v2  }
0x2e9: {  	v0 =	vor.u32 v0, v2  }
0x2ea: {  	v2 =	vperm.xlane v0, v4;
	_ =	sdelay $0x1  }
0x2eb: {  	v2 =	vadd.s32 v3, v2;
	_ =	sdelay $0x4  }
0x2ec: {  	[hbm4b:s5+s2] =	stream.indirect_vreg.scatter [tilespmem:s22], [sflag:$0x1], $0x80, v2, vm4, $0xb8;
	[tilespmem:$0x11300] =	vst v63  }
0x2ed: {  	v0 =	vperm.xlane v0, v5  }
0x2ee: {  	[hbm4b:s6+s2] =	stream.indirect_vreg.scatter [tilespmem:s24], [sflag:$0x1], $0x80, v2, vm4, $0xb8;
	[tilespmem:$0x11300] =	vst v63  }
0x2ef: {  	v0 =	vadd.s32 v3, v0  }
0x2f0: {  	[hbm4b:s7+s2] =	stream.indirect_vreg.scatter [tilespmem:s25], [sflag:$0x1], $0x80, v2, vm4, $0xb8;
	[tilespmem:$0x11300] =	vst v63  }
0x2f1: {  	_ = 	snop  }
0x2f2: {  	[hbm4b:s0+s2] =	stream.indirect_vreg.scatter [tilespmem:s26], [sflag:$0x1], $0x80, v2, vm4, $0xb8;
	[tilespmem:$0x11300] =	vst v63  }
0x2f3: {  	_ = 	snop  }
0x2f4: {  	[hbm4b:s5+s2] =	stream.indirect_vreg.scatter [tilespmem:s28], [sflag:$0x1], $0x80, v0, vm4, $0xb8;
	[tilespmem:$0x11300] =	vst v63  }
0x2f5: {  	_ = 	snop  }
0x2f6: {  	[hbm4b:s6+s2] =	stream.indirect_vreg.scatter [tilespmem:s29], [sflag:$0x1], $0x80, v0, vm4, $0xb8;
	[tilespmem:$0x11300] =	vst v63  }
0x2f7: {  	_ = 	snop  }
0x2f8: {  	[hbm4b:s7+s2] =	stream.indirect_vreg.scatter [tilespmem:s4], [sflag:$0x1], $0x80, v0, vm4, $0xb8;
	[tilespmem:$0x11300] =	vst v63  }
0x2f9: {  	_ = 	snop  }
0x2fa: {  	[hbm4b:s0+s2] =	stream.indirect_vreg.scatter [tilespmem:s30], [sflag:$0x1], $0x80, v0, vm4, $0xb8;
	[tilespmem:$0x11300] =	vst v63  }
0x2fb: {  	v0 =	vld [tilespmem:$0x1290];
	_ =	sdelay $0x4  }
0x2fc: {  	v2 =	vshll.u32 v0, $0x3  }
0x2fd: {  	v0 =	vand.u32 $0x7, v0;
	v2 =	vand.u32 $0xFFFFFFC0, v2  }
0x2fe: {  	v0 =	vor.u32 v0, v2  }
0x2ff: {  	v2 =	vperm.xlane v0, v4;
	_ =	sdelay $0x1  }
0x300: {  	v2 =	vadd.s32 v3, v2;
	_ =	sdelay $0x4  }
0x301: {  	[hbm4b:s5+s2] =	stream.indirect_vreg.scatter [tilespmem:s31], [sflag:$0x1], $0x80, v2, vm4, $0xb8;
	[tilespmem:$0x11300] =	vst v63  }
0x302: {  	s24 =	simm.s32 $0x5B00;
	v0 =	vperm.xlane v0, v5  }
0x303: {  	[hbm4b:s6+s2] =	stream.indirect_vreg.scatter [tilespmem:s24], [sflag:$0x1], $0x80, v2, vm4, $0xb8;
	[tilespmem:$0x11300] =	vst v63  }
0x304: {  	s25 =	simm.s32 $0x6300;
	v0 =	vadd.s32 v3, v0  }
0x305: {  	[hbm4b:s7+s2] =	stream.indirect_vreg.scatter [tilespmem:s25], [sflag:$0x1], $0x80, v2, vm4, $0xb8;
	[tilespmem:$0x11300] =	vst v63  }
0x306: {  	_ = 	snop  }
0x307: {  	[hbm4b:s0+s2] =	stream.indirect_vreg.scatter [tilespmem:s12], [sflag:$0x1], $0x80, v2, vm4, $0xb8;
	[tilespmem:$0x11300] =	vst v63  }
0x308: {  	_ = 	snop  }
0x309: {  	[hbm4b:s5+s2] =	stream.indirect_vreg.scatter [tilespmem:s13], [sflag:$0x1], $0x80, v0, vm4, $0xb8;
	[tilespmem:$0x11300] =	vst v63  }
0x30a: {  	_ = 	snop  }
0x30b: {  	[hbm4b:s6+s2] =	stream.indirect_vreg.scatter [tilespmem:s14], [sflag:$0x1], $0x80, v0, vm4, $0xb8;
	[tilespmem:$0x11300] =	vst v63  }
0x30c: {  	_ = 	snop  }
0x30d: {  	[hbm4b:s7+s2] =	stream.indirect_vreg.scatter [tilespmem:s15], [sflag:$0x1], $0x80, v0, vm4, $0xb8;
	[tilespmem:$0x11300] =	vst v63  }
0x30e: {  	_ = 	snop  }
0x30f: {  	[hbm4b:s0+s2] =	stream.indirect_vreg.scatter [tilespmem:s16], [sflag:$0x1], $0x80, v0, vm4, $0xb8;
	[tilespmem:$0x11300] =	vst v63  }
0x310: {  	v0 =	vld [tilespmem:$0x12A0];
	_ =	sdelay $0x4  }
0x311: {  	v2 =	vshll.u32 v0, $0x3  }
0x312: {  	v0 =	vand.u32 $0x7, v0;
	v2 =	vand.u32 $0xFFFFFFC0, v2  }
0x313: {  	v0 =	vor.u32 v0, v2  }
0x314: {  	v2 =	vperm.xlane v0, v4;
	_ =	sdelay $0x1  }
0x315: {  	v2 =	vadd.s32 v3, v2;
	_ =	sdelay $0x4  }
0x316: {  	[hbm4b:s5+s2] =	stream.indirect_vreg.scatter [tilespmem:s17], [sflag:$0x1], $0x80, v2, vm4, $0xb8;
	[tilespmem:$0x11300] =	vst v63  }
0x317: {  	v0 =	vperm.xlane v0, v5  }
0x318: {  	[hbm4b:s6+s2] =	stream.indirect_vreg.scatter [tilespmem:s18], [sflag:$0x1], $0x80, v2, vm4, $0xb8;
	[tilespmem:$0x11300] =	vst v63  }
0x319: {  	v0 =	vadd.s32 v3, v0  }
0x31a: {  	[hbm4b:s7+s2] =	stream.indirect_vreg.scatter [tilespmem:s19], [sflag:$0x1], $0x80, v2, vm4, $0xb8;
	[tilespmem:$0x11300] =	vst v63  }
0x31b: {  	_ = 	snop  }
0x31c: {  	[hbm4b:s0+s2] =	stream.indirect_vreg.scatter [tilespmem:s20], [sflag:$0x1], $0x80, v2, vm4, $0xb8;
	[tilespmem:$0x11300] =	vst v63  }
0x31d: {  	_ = 	snop  }
0x31e: {  	[hbm4b:s5+s2] =	stream.indirect_vreg.scatter [tilespmem:s21], [sflag:$0x1], $0x80, v0, vm4, $0xb8;
	[tilespmem:$0x11300] =	vst v63  }
0x31f: {  	_ = 	snop  }
0x320: {  	[hbm4b:s6+s2] =	stream.indirect_vreg.scatter [tilespmem:s11], [sflag:$0x1], $0x80, v0, vm4, $0xb8;
	[tilespmem:$0x11300] =	vst v63  }
0x321: {  	_ = 	snop  }
0x322: {  	[hbm4b:s7+s2] =	stream.indirect_vreg.scatter [tilespmem:s10], [sflag:$0x1], $0x80, v0, vm4, $0xb8;
	[tilespmem:$0x11300] =	vst v63  }
0x323: {  	_ = 	snop  }
0x324: {  	[hbm4b:s0+s2] =	stream.indirect_vreg.scatter [tilespmem:s8], [sflag:$0x1], $0x80, v0, vm4, $0xb8;
	[tilespmem:$0x11300] =	vst v63  }
0x325: {  	v0 =	vld [tilespmem:$0x12B0];
	_ =	sdelay $0x4  }
0x326: {  	v2 =	vshll.u32 v0, $0x3  }
0x327: {  	v0 =	vand.u32 $0x7, v0;
	v2 =	vand.u32 $0xFFFFFFC0, v2  }
0x328: {  	v0 =	vor.u32 v0, v2  }
0x329: {  	v2 =	vperm.xlane v0, v4;
	_ =	sdelay $0x1  }
0x32a: {  	v2 =	vadd.s32 v3, v2;
	_ =	sdelay $0x3  }
0x32b: {  	s26 =	simm.s32 $0xD300  }
0x32c: {  	[hbm4b:s5+s2] =	stream.indirect_vreg.scatter [tilespmem:s26], [sflag:$0x1], $0x80, v2, vm4, $0xb8;
	[tilespmem:$0x11300] =	vst v63  }
0x32d: {  	s28 =	simm.s32 $0xDB00;
	v0 =	vperm.xlane v0, v5  }
0x32e: {  	[hbm4b:s6+s2] =	stream.indirect_vreg.scatter [tilespmem:s28], [sflag:$0x1], $0x80, v2, vm4, $0xb8;
	[tilespmem:$0x11300] =	vst v63  }
0x32f: {  	s4 =	simm.s32 $0xE300;
	v0 =	vadd.s32 v3, v0  }
0x330: {  	[hbm4b:s7+s2] =	stream.indirect_vreg.scatter [tilespmem:s4], [sflag:$0x1], $0x80, v2, vm4, $0xb8;
	[tilespmem:$0x11300] =	vst v63  }
0x331: {  	s23 =	simm.s32 $0xEB00  }
0x332: {  	[hbm4b:s0+s2] =	stream.indirect_vreg.scatter [tilespmem:s23], [sflag:$0x1], $0x80, v2, vm4, $0xb8;
	[tilespmem:$0x11300] =	vst v63  }
0x333: {  	s24 =	simm.s32 $0xF300  }
0x334: {  	[hbm4b:s5+s2] =	stream.indirect_vreg.scatter [tilespmem:s24], [sflag:$0x1], $0x80, v0, vm4, $0xb8;
	[tilespmem:$0x11300] =	vst v63  }
0x335: {  	s25 =	simm.s32 $0xFB00  }
0x336: {  	[hbm4b:s6+s2] =	stream.indirect_vreg.scatter [tilespmem:s25], [sflag:$0x1], $0x80, v0, vm4, $0xb8;
	[tilespmem:$0x11300] =	vst v63  }
0x337: {  	p3 =	sne.s32 s9, $0x1;
	s26 =	simm.s32 $0x10300  }
0x338: {  	[hbm4b:s7+s2] =	stream.indirect_vreg.scatter [tilespmem:s26], [sflag:$0x1], $0x80, v0, vm4, $0xb8;
	[tilespmem:$0x11300] =	vst v63  }
.Ltmp0:
0x339: {  	s28 =	simm.s32 $0x10B00;
	(pc) =	sbr.rel @p3 .LBB2_1-.Ltmp0, $4  }
0x33a: {  	[hbm4b:s0+s2] =	stream.indirect_vreg.scatter [tilespmem:s28], [sflag:$0x1], $0x80, v0, vm4, $0xb8;
	[tilespmem:$0x11300] =	vst v63  }
0x33b: {  	_ =	swait.ge [sflag:s1], $0x10000  }
0x33c: {  	[sflag:s1] =	ssyncset.done $0x0  }
0x33d: {  	s4 =	sadd.s32 $0xFFFFFFFF, s9;
	[sflag:s1] =	ssyncadd.s32 $0xFFFF0000  }
0x33e: {  	_ =	sfence.sel $0x180000  }
0x33f: {  	[bflag:$0x0] =	sbarrier.arrive $0xFFFF  }
0x340: {  	_ =	strace $0x90000047  }
0x341: {  	s0 =	stileid.u32;
	[bflag:$0x2] =	sbarrier.arrive $0xFFFF  }
0x342: {  	p0 =	sne.s32 s0, $0x0;
	s0 =	rddreg [dreg:$0x4]  }
0x343: {  	s0 =	sadd.s32 @!p0 $0x100000, s0  }
0x344: {  	[sflag:s0] =	ssyncadd.tile.s32 @!p0 $0x1;
	_ =	shalt  }
.Lfunc_end2:
_tile_overlayer_lowered:
.L_overlay_start_2:
0x345: {  	(tag) =	ssettag $0x2  }
0x346: {  	s0 =	rddreg [dreg:$0x0];
	s2 =	stileid.u32  }
0x347: {  	s1 =	rddreg [dreg:$0x1];
	p0 =	sne.s32 s2, $0x0  }
0x348: {  	s3 =	rddreg [dreg:$0x2];
	[bflag:$0x3] =	sbarrier.arrive $0xFFFF;
	s2 =	simm.s32 @!p0 $0x1C02  }
0x349: {  	[timem:s3], [sflag:s2] =	dma.local @!p0 [hbm:s0], s1  }
0x34a: {  	s0 =	simm.s32 @!p0 $0x2  }
0x34b: {  	_ =	swait.ge @!p0 [sflag:s0], s1  }
0x34c: {  	s1 =	ssub.s32 @!p0 $0x0, s1;
	[sflag:s0] =	ssyncset.done @!p0 $0x0  }
0x34d: {  	[sflag:s0] =	ssyncadd.s32 @!p0 s1  }
0x34e: {  	[bflag:$0x3] =	sbarrier.arrive $0xFFFF  }
0x34f: {  	_ =	shalt  }

// kernel: kernel.9.cloned.1.call-start
scs
__scs_entry_jumppad:
0x0: {  	(pc) =	sbr.rel $0x88, $3  }
0x1: {  	(tag) =	ssettag $0x0;
	lr =	simm.s32 $0x1  }
0x2: {  	[smem:$0x3F9D] =	sst lr;
	_ =	strace $0xD0000000  }
0x3: {  	_ = 	snop  }
0x4: {  	_ = 	snop  }
0x5: {  	_ = 	snop  }
0x6: {  	_ = 	snop  }
0x7: {  	_ = 	snop  }
__scs_overlays_trampoline_lowered:
0x8: {  	[smem:$0x3FAC] =	sst s0  }
0x9: {  	[smem:$0x3FAD] =	sst s1  }
0xa: {  	[smem:$0x3FAE] =	sst s2  }
0xb: {  	[smem:$0x3FAF] =	sst s3  }
0xc: {  	[smem:$0x3FB0] =	sst s4  }
0xd: {  	[smem:$0x3FB1] =	sst s5  }
0xe: {  	[smem:$0x3FB2] =	sst s6  }
0xf: {  	[smem:$0x3FB3] =	sst s7  }
0x10: {  	[smem:$0x3FB4] =	sst s8  }
0x11: {  	[smem:$0x3FB5] =	sst s9;
	s0 =	simm.s32 @!p0 $0x0  }
0x12: {  	s1 =	sld [smem:$0x3F9B];
	s0 =	simm.s32 @p0 $0x1  }
0x13: {  	[smem:$0x3FB6] =	sst s0;
	s0 =	simm.s32 @!p1 $0x0  }
0x14: {  	s2 =	sld [smem:$0x3F9A];
	s0 =	simm.s32 @p1 $0x1  }
0x15: {  	[smem:$0x3FB7] =	sst s0;
	s0 =	simm.s32 @!p2 $0x0  }
0x16: {  	s3 =	sld [smem:$0x3FDB];
	s0 =	simm.s32 @p2 $0x1  }
0x17: {  	s4 =	simm.s32 $0x1BF5;
	[smem:$0x3FB9] =	sst s0  }
0x18: {  	s0 =	sld [smem:$0x3F9C];
	_ =	swait.ge [sflag:s4], $0x0  }
0x19: {  	s7 =	sld [smem:$0x3F9D]  }
0x1a: {  	s8 =	sadd.s32 $0xFFFFE003, lr  }
0x1b: {  	s9 =	sadd.s32 $0xFFFFFEF7, lr;
	s5 =	simm.s32 $0xFFFFFFFF;
	p2 =	slt.u32 s8, $0xFFFFF086  }
0x1c: {  	p1 =	slt.u32 s9, $0xF7A;
	s5 =	simm.s32 @!p2 $0x0  }
0x1d: {  	s5 =	simm.s32 @p1 $0x1;
	p0 =	seq.s32 s7, s2  }
0x1e: {  	s7 =	smul.u32 @!p0 $0xF7A, s2;
	p2 =	seq.s32 @!p0 s5, $0x0  }
0x1f: {  	s9 =	smul.u32 $0xF7A, s1;
	s8 =	simm.s32 @!p0 $0x1BF5;
	p2 =	por !p2, p0  }
0x20: {  	[sflag:s8] =	ssyncset.s32 @!p0 $0xFFFFF086;
	s6 =	sadd.s32 @!p0 s3, s7;
	s7 =	simm.s32 @!p0 $0x108  }
0x21: {  	s3 =	sadd.s32 s3, s9;
	s6 =	sadd.s32 @!p0 $0x88, s6;
	s7 =	simm.s32 @p2 $0x1082  }
0x22: {  	[simem:s7], [sflag:s8] =	dma.local @!p0 [hbm:s6], $0xF7A  }
0x23: {  	s9 =	sor.u32 $0xD0000000, s2;
	s6 =	simm.s32 $0x108;
	_ =	swait.ge @!p0 [sflag:s8], $0x0  }
0x24: {  	s3 =	sadd.s32 $0x88, s3;
	s6 =	simm.s32 @!p1 $0x1082;
	[sflag:s4] =	ssyncset.s32 $0xFFFFF086  }
0x25: {  	[simem:s6], [sflag:s4] =	dma.local [hbm:s3], $0xF7A  }
0x26: {  	[smem:$0x3F9D] =	sst s1;
	(tag) =	ssettag s2;
	_ =	strace s9  }
0x27: {  	s1 =	sld [smem:$0x3FAD]  }
0x28: {  	s2 =	sld [smem:$0x3FAE]  }
0x29: {  	s4 =	sld [smem:$0x3FB0]  }
0x2a: {  	p0 =	seq.s32 s5, $0x0;
	s5 =	sld [smem:$0x3FB1]  }
0x2b: {  	s6 =	sld [smem:$0x3FB2]  }
0x2c: {  	s7 =	sld [smem:$0x3FB3]  }
0x2d: {  	s3 =	simm.s32 $0x108;
	s8 =	sld [smem:$0x3FB4]  }
0x2e: {  	s3 =	simm.s32 @!p0 $0x1082;
	s9 =	sld [smem:$0x3FB5]  }
0x2f: {  	lr =	sadd.s32 s0, s3;
	s0 =	sld [smem:$0x3FAC]  }
0x30: {  	s3 =	sld [smem:$0x3FAF]  }
0x31: {  	[smem:$0x3FB8] =	sst s10  }
0x32: {  	s10 =	sld [smem:$0x3FB6];
	_ =	sdelay $0x3  }
0x33: {  	p0 =	seq.s32 s10, $0x1;
	s10 =	sld [smem:$0x3FB8];
	_ =	sdelay $0x3  }
0x34: {  	[smem:$0x3FB8] =	sst s10  }
0x35: {  	s10 =	sld [smem:$0x3FB7];
	_ =	sdelay $0x3  }
0x36: {  	p1 =	seq.s32 s10, $0x1;
	s10 =	sld [smem:$0x3FB8];
	_ =	sdelay $0x3  }
0x37: {  	[smem:$0x3FB8] =	sst s10  }
0x38: {  	s10 =	sld [smem:$0x3FB9]  }
0x39: {  	_ = 	snop;
	(pc) =	sbr.ind lr, $3  }
0x3a: {  	_ = 	snop  }
0x3b: {  	_ = 	snop  }
0x3c: {  	p2 =	seq.s32 s10, $0x1;
	s10 =	sld [smem:$0x3FB8]  }
0x3d: {  	_ =	shalt  }
0x3e: {  	_ =	shalt  }
0x3f: {  	_ =	shalt  }
0x40: {  	_ =	shalt  }
0x41: {  	_ =	shalt  }
0x42: {  	_ =	shalt  }
0x43: {  	_ =	shalt  }
0x44: {  	_ =	shalt  }
0x45: {  	_ =	shalt  }
0x46: {  	_ =	shalt  }
0x47: {  	_ =	shalt  }
0x48: {  	_ =	shalt  }
0x49: {  	_ =	shalt  }
0x4a: {  	_ =	shalt  }
0x4b: {  	_ =	shalt  }
0x4c: {  	_ =	shalt  }
0x4d: {  	_ =	shalt  }
0x4e: {  	_ =	shalt  }
0x4f: {  	_ =	shalt  }
0x50: {  	_ =	shalt  }
0x51: {  	_ =	shalt  }
0x52: {  	_ =	shalt  }
0x53: {  	_ =	shalt  }
0x54: {  	_ =	shalt  }
0x55: {  	_ =	shalt  }
0x56: {  	_ =	shalt  }
0x57: {  	_ =	shalt  }
0x58: {  	_ =	shalt  }
0x59: {  	_ =	shalt  }
0x5a: {  	_ =	shalt  }
0x5b: {  	_ =	shalt  }
0x5c: {  	_ =	shalt  }
0x5d: {  	_ =	shalt  }
0x5e: {  	_ =	shalt  }
0x5f: {  	_ =	shalt  }
0x60: {  	_ =	shalt  }
0x61: {  	_ =	shalt  }
0x62: {  	_ =	shalt  }
0x63: {  	_ =	shalt  }
0x64: {  	_ =	shalt  }
0x65: {  	_ =	shalt  }
0x66: {  	_ =	shalt  }
0x67: {  	_ =	shalt  }
0x68: {  	_ =	shalt  }
0x69: {  	_ =	shalt  }
0x6a: {  	_ =	shalt  }
0x6b: {  	_ =	shalt  }
0x6c: {  	_ =	shalt  }
0x6d: {  	_ =	shalt  }
0x6e: {  	_ =	shalt  }
0x6f: {  	_ =	shalt  }
0x70: {  	_ =	shalt  }
0x71: {  	_ =	shalt  }
0x72: {  	_ =	shalt  }
0x73: {  	_ =	shalt  }
0x74: {  	_ =	shalt  }
0x75: {  	_ =	shalt  }
0x76: {  	_ =	shalt  }
0x77: {  	_ =	shalt  }
0x78: {  	_ =	shalt  }
0x79: {  	_ =	shalt  }
0x7a: {  	_ =	shalt  }
0x7b: {  	_ =	shalt  }
0x7c: {  	_ =	shalt  }
0x7d: {  	_ =	shalt  }
0x7e: {  	_ =	shalt  }
0x7f: {  	_ =	shalt  }
0x80: {  	_ =	shalt  }
0x81: {  	_ =	shalt  }
0x82: {  	_ =	shalt  }
0x83: {  	_ =	shalt  }
0x84: {  	_ =	shalt  }
0x85: {  	_ =	shalt  }
0x86: {  	_ =	shalt  }
0x87: {  	_ =	shalt  }
.Lfunc_end0:
.L_simem_size_0:
called_computation.1_lowered:
.L_overlay_start_0:
0x88: {  	s2 =	sld [smem:$0x3FD9]  }
0x89: {  	s3 =	sld [smem:$0x3FFE];
	_ =	sdelay $0x1  }
0x8a: {  	s1 =	srdreg.scid  }
0x8b: {  	s0 =	sand.u32 $0x1, s1  }
0x8c: {  	s14 =	sshll.u32 s0, $0xA;
	s2 =	sadd.s32 s3, s2  }
0x8d: {  	s2 =	sadd.s32 s2, s14  }
0x8e: {  	[smem:$0x3FC4] =	sst s2  }
0x8f: {  	_ = 	snop  }
0x90: {  	s2 =	sld [smem:$0x3FD0];
	_ =	sdelay $0x2  }
0x91: {  	s15 =	simm.s32 $0xA;
	s4 =	simm.s32 $0x10  }
0x92: {  	[smem:s4], [sflag:s15] =	dma.local [hbm:s2], $0x1  }
0x93: {  	_ =	swait.eq [sflag:s15], $0x1  }
0x94: {  	[sflag:s15] =	ssyncset.done $0x0  }
0x95: {  	[sflag:s15] =	ssyncadd.s32 $0xFFFFFFFF  }
0x96: {  	s16 =	sld [smem:$0x10];
	(tm) =	ssettm $0x1  }
0x97: {  	s17 =	sld [smem:$0x3FFB];
	_ =	sdelay $0x3  }
0x98: {  	_ =	strace s17  }
0x99: {  	s3 =	sld [smem:$0x3FFC];
	_ =	sdelay $0x3  }
0x9a: {  	_ =	strace s3  }
0x9b: {  	s3 =	sld [smem:$0x3FFD];
	_ =	sdelay $0x3  }
0x9c: {  	_ =	strace s3  }
0x9d: {  	_ =	strace $0x8FFFFFFF  }
0x9e: {  	s18 =	sld [smem:$0x3FDB];
	_ =	sdelay $0x1  }
0x9f: {  	s19 =	simm.s32 $_scs_section_size  }
0xa0: {  	s5 =	simm.s32 $_size__tile_overlayer_lowered;
	s6 =	simm.s32 $_tile_overlayer_lowered  }
0xa1: {  	s22 =	simm.s32 $0x1BFF;
	s21 =	sshll.u32 s6, $0x1;
	s3 =	sadd.s32 s19, s18  }
0xa2: {  	s7 =	simm.s32 $0x0;
	s20 =	sshll.u32 s5, $0x1;
	s5 =	sadd.s32 s21, s3  }
0xa3: {  	[timem:s7], [sflag:s22] =	dma.local [hbm:s5], s20  }
0xa4: {  	_ =	swait.ge [sflag:s22], s20  }
0xa5: {  	s4 =	ssub.s32 $0x0, s20;
	[sflag:s22] =	ssyncset.done $0x0  }
0xa6: {  	[sflag:s22] =	ssyncadd.s32 s4;
	_ =	sdelay $0x1  }
0xa7: {  	s23 =	simm.s32 $0x1B8B  }
0xa8: {  	_ =	swait.ge [sflag:s23], $0x1  }
0xa9: {  	[sflag:s23] =	ssyncset.done $0x0  }
0xaa: {  	s25 =	simm.s32 $0x1B8E;
	s24 =	sld [smem:$0x3FFE];
	[sflag:s23] =	ssyncadd.s32 $0xFFFFFFFF  }
0xab: {  	s26 =	simm.s32 $execute0_lowered;
	[smem:$0x3FD2] =	sst s25  }
0xac: {  	s5 =	sshll.u32 s26, $0x1;
	_ =	strace $0x80000049;
	[dreg:$0x1] =	wrdreg $0xFFFFFFFF  }
0xad: {  	s28 =	simm.s32 $_size_execute0_lowered;
	s3 =	sadd.s32 s3, s5;
	[dreg:$0x0] =	wrdreg $0x0  }
0xae: {  	s5 =	sshll.u32 s28, $0x1;
	[dreg:$0x2] =	wrdreg s3  }
0xaf: {  	[dreg:$0x3] =	wrdreg s5  }
0xb0: {  	[dreg:$0x4] =	wrdreg $0xC0  }
0xb1: {  	_ =	task [dreg:s7], $0x5FFFF  }
0xb2: {  	[dreg:$0x1] =	wrdreg $0xFFFFFFFF  }
0xb3: {  	[dreg:$0x0] =	wrdreg $0x60  }
0xb4: {  	[dreg:$0x2] =	wrdreg s24  }
0xb5: {  	[dreg:$0x3] =	wrdreg s16  }
0xb6: {  	[dreg:$0x4] =	wrdreg $0x9  }
0xb7: {  	_ =	task.clear_ibuf [dreg:s7], $0x5FFFF;
	_ =	strace $0x90000049  }
0xb8: {  	s29 =	simm.s32 $0x9;
	_ =	strace $0x8000004B  }
0xb9: {  	_ =	swait.ge [sflag:s29], $0x1  }
0xba: {  	[sflag:s29] =	ssyncadd.s32 $0xFFFFFFFF  }
0xbb: {  	_ =	strace $0x9000004B  }
0xbc: {  	_ =	sfence  }
0xbd: {  	s30 =	sld [smem:$0x0];
	_ =	sdelay $0x2  }
0xbe: {  	s31 =	sshll.u32 s1, $0xD;
	s1 =	sshrl.u32 s1, $0x2  }
0xbf: {  	s3 =	sand.u32 $0x4000, s31;
	s1 =	sadd.s32 s1, s30  }
0xc0: {  	s0 =	sor.u32 s3, s0;
	s1 =	sshll.u32 s1, $0x11  }
0xc1: {  	s0 =	sor.u32 s1, s0  }
0xc2: {  	s0 =	sadd.s32 $0x8F2B, s0  }
0xc3: {  	[sflag:s0] =	ssyncadd.remote.s32 $0x1  }
0xc4: {  	_ =	sfence.sel $0xFFFF  }
0xc5: {  	[dreg:$0x0] =	wrdreg $0xFFFFFFFF;
	(pc) =	sbr.abs _section_cstart, $3  }
0xc6: {  	[dreg:$0x1] =	wrdreg $0xFFFFFFFF  }
0xc7: {  	_ =	task.clear_ibuf [dreg:s7], $0x2FFFF;
	_ =	strace $0x9FFFFFFF  }
0xc8: {  	(tm) =	ssettm $0x7FFFFFFF  }
0xc9: {  	_ =	shalt  }
tec
execute0_lowered:
.L_overlay_start_1:
0x0: {  	(tag) =	ssettag $0x1  }
0x1: {  	s0 =	rddreg [dreg:$0x0]  }
0x2: {  	s1 =	rddreg [dreg:$0x1]  }
0x3: {  	s2 =	srdreg.scid;
	s5 =	stileid.u32  }
0x4: {  	s13 =	simm.s32 $0x2;
	s15 =	simm.s32 $0x100;
	s14 =	simm.s32 $0xA900  }
0x5: {  	s16 =	simm.s32 $0xB900;
	s11 =	simm.s32 $0xC100;
	s17 =	simm.s32 $0xC900  }
0x6: {  	s12 =	simm.s32 $0xD100;
	s18 =	simm.s32 $0xD900;
	s19 =	simm.s32 $0xE100  }
0x7: {  	s20 =	simm.s32 $0xE900;
	s21 =	simm.s32 $0xF100;
	s22 =	simm.s32 $0xF900  }
0x8: {  	s23 =	simm.s32 $0x1;
	s24 =	simm.s32 $0x0;
	s3 =	sand.u32 $0x1, s2  }
0x9: {  	s2 =	simm.s32 $0x0;
	s5 =	sshll.u32 s5, $0x7;
	s9 =	sadd.s32 $0xA2400, s0  }
0xa: {  	s4 =	sshll.u32 s3, $0xB;
	[smem:$0x7FF] =	sst s2;
	s6 =	ssub.s32 $0x2, s3  }
0xb: {  	s3 =	sadd.s32 $0x1400, s0;
	s4 =	sor.u32 s5, s4;
	s8 =	sshrl.u32 s6, $0x1  }
0xc: {  	_ =	strace $0x8000004A;
	s5 =	sshrl.u32 s4, $0x3;
	s10 =	ssub.s32 s6, s8  }
0xd: {  	s6 =	sadd.s32 $0x1500, s0;
	s8 =	sadd.s32 $0x1700, s0;
	s28 =	sshll.u32 s4, $0x7  }
0xe: {  	s4 =	sor.u32 $0x40, s4;
	s7 =	sadd.s32 s5, s0;
	s5 =	sadd.s32 s9, s5  }
0xf: {  	s29 =	sshrl.u32 s4, $0x3;
	s4 =	sshll.u32 s4, $0x7;
	s31 =	smax.u32 s10, $0x1  }
0x10: {  	s10 =	simm.s32 $0xB100;
	s26 =	sadd.s32 $0xA2600, s7;
	[dreg:$0x4] =	wrdreg s5  }
.Ltmp0:
0x11: {  	s7 =	sadd.s32 $0x1600, s0;
	[dreg:$0x8] =	wrdreg s31;
	(pc) =	sbr.rel .LBB2_1-.Ltmp0, $4  }
0x12: {  	s0 =	sadd.s32 s1, s28;
	s30 =	sadd.s32 s1, s4;
	[dreg:$0x3] =	wrdreg s26  }
0x13: {  	v0 =	vlaneseq.u32;
	s1 =	simm.s32 $0x8900;
	s4 =	simm.s32 $0x9100;
	[dreg:$0x5] =	wrdreg s0  }
0x14: {  	vm0 =	vmmov $0xffff;
	v4 =	vimm.f32 $0.0e+00;
	v2 =	vshrl.u32 v0, $0x3;
	s5 =	simm.s32 $0x9900;
	s0 =	sadd.s32 s9, s29;
	[dreg:$0x7] =	wrdreg s30  }
0x15: {  	v1 =	vand.u32 $0x7, v0;
	v3 =	vor.u32 $0x8, v0;
	v2 =	vmul.u32 $0x8, v2;
	s9 =	simm.s32 $0xA100;
	[dreg:$0x6] =	wrdreg s0;
	s0 =	simm.s32 $0x8100  }
.LBB2_13:
0x16: {  	s25 =	rddreg [dreg:$0x7]  }
0x17: {  	[hbm4b:s25+s2] =	stream.linear.scatter [tilespmem:s15], [sflag:$0x2], $0x10000, $0x38;
	[tilespmem:$0x10100] =	vst v63  }
0x18: {  	_ =	swait.ge [sflag:s13], $0x10000  }
0x19: {  	s24 =	sadd.s32 $0x1, s24;
	s31 =	rddreg [dreg:$0x8]  }
0x1a: {  	p0 =	sne.s32 s24, s31  }
.Ltmp1:
0x1b: {  	_ = 	snop;
	(pc) =	sbr.rel @!p0 .LBB2_14-.Ltmp1, $3  }
0x1c: {  	_ =	sdelay $0x1  }
0x1d: {  	[sflag:s13] =	ssyncset.done $0x0  }
0x1e: {  	[sflag:s13] =	ssyncadd.s32 $0xFFFF0000  }
.LBB2_1:
0x1f: {  	s25 =	rddreg [dreg:$0x3]  }
0x20: {  	[tilespmem:s2], [sflag:$0x2] =	stream.linear.gather [hbm4b:s25+s2], $0x80, $0x38;
	[tilespmem:$0x10100] =	vst v63  }
0x21: {  	_ =	swait.ge [sflag:s13], $0x80  }
0x22: {  	[sflag:s13] =	ssyncset.done $0x0  }
0x23: {  	s26 =	simm.s32 $0x80;
	s30 =	rddreg [dreg:$0x4];
	[sflag:s13] =	ssyncadd.s32 $0xFFFFFF80  }
0x24: {  	[tilespmem:s26], [sflag:$0x2] =	stream.linear.gather [hbm4b:s30+s2], $0x40, $0x38;
	[tilespmem:$0x10100] =	vst v63  }
0x25: {  	_ =	swait.ge [sflag:s13], $0x40  }
0x26: {  	[sflag:s13] =	ssyncset.done $0x0  }
0x27: {  	[sflag:s13] =	ssyncadd.s32 $0xFFFFFFC0  }
0x28: {  	v5 =	vld [tilespmem:$0x80];
	_ =	sdelay $0x4  }
0x29: {  	v6 =	vshll.u32 v5, $0x3  }
0x2a: {  	v5 =	vand.u32 $0x7, v5;
	v6 =	vand.u32 $0xFFFFFFC0, v6  }
0x2b: {  	v5 =	vor.u32 v5, v6  }
0x2c: {  	v6 =	vperm.xlane v5, v1;
	_ =	sdelay $0x1  }
0x2d: {  	v6 =	vadd.s32 v2, v6;
	_ =	sdelay $0x4  }
0x2e: {  	[tilespmem:s15], [sflag:$0x1] =	stream.indirect_vreg.gather [hbm4b:s3+s2], $0x80, v6, vm0, $0xb8;
	[tilespmem:$0x10100] =	vst v63  }
0x2f: {  	s31 =	simm.s32 $0x900;
	v5 =	vperm.xlane v5, v3  }
0x30: {  	[tilespmem:s31], [sflag:$0x1] =	stream.indirect_vreg.gather [hbm4b:s6+s2], $0x80, v6, vm0, $0xb8;
	[tilespmem:$0x10100] =	vst v63  }
0x31: {  	s26 =	simm.s32 $0x1100;
	v5 =	vadd.s32 v2, v5  }
0x32: {  	[tilespmem:s26], [sflag:$0x1] =	stream.indirect_vreg.gather [hbm4b:s7+s2], $0x80, v6, vm0, $0xb8;
	[tilespmem:$0x10100] =	vst v63  }
0x33: {  	s28 =	simm.s32 $0x1900  }
0x34: {  	[tilespmem:s28], [sflag:$0x1] =	stream.indirect_vreg.gather [hbm4b:s8+s2], $0x80, v6, vm0, $0xb8;
	[tilespmem:$0x10100] =	vst v63  }
0x35: {  	s29 =	simm.s32 $0x2100  }
0x36: {  	[tilespmem:s29], [sflag:$0x1] =	stream.indirect_vreg.gather [hbm4b:s3+s2], $0x80, v5, vm0, $0xb8;
	[tilespmem:$0x10100] =	vst v63  }
0x37: {  	s30 =	simm.s32 $0x2900  }
0x38: {  	[tilespmem:s30], [sflag:$0x1] =	stream.indirect_vreg.gather [hbm4b:s6+s2], $0x80, v5, vm0, $0xb8;
	[tilespmem:$0x10100] =	vst v63  }
0x39: {  	s31 =	simm.s32 $0x3100  }
0x3a: {  	[tilespmem:s31], [sflag:$0x1] =	stream.indirect_vreg.gather [hbm4b:s7+s2], $0x80, v5, vm0, $0xb8;
	[tilespmem:$0x10100] =	vst v63  }
0x3b: {  	s26 =	simm.s32 $0x3900  }
0x3c: {  	[tilespmem:s26], [sflag:$0x1] =	stream.indirect_vreg.gather [hbm4b:s8+s2], $0x80, v5, vm0, $0xb8;
	[tilespmem:$0x10100] =	vst v63  }
0x3d: {  	v5 =	vld [tilespmem:$0x90];
	_ =	sdelay $0x4  }
0x3e: {  	v6 =	vshll.u32 v5, $0x3  }
0x3f: {  	v5 =	vand.u32 $0x7, v5;
	v6 =	vand.u32 $0xFFFFFFC0, v6  }
0x40: {  	v5 =	vor.u32 v5, v6  }
0x41: {  	v6 =	vperm.xlane v5, v1;
	_ =	sdelay $0x1  }
0x42: {  	v6 =	vadd.s32 v2, v6;
	_ =	sdelay $0x3  }
0x43: {  	s28 =	simm.s32 $0x4100  }
0x44: {  	[tilespmem:s28], [sflag:$0x1] =	stream.indirect_vreg.gather [hbm4b:s3+s2], $0x80, v6, vm0, $0xb8;
	[tilespmem:$0x10100] =	vst v63  }
0x45: {  	s29 =	simm.s32 $0x4900;
	v5 =	vperm.xlane v5, v3  }
0x46: {  	[tilespmem:s29], [sflag:$0x1] =	stream.indirect_vreg.gather [hbm4b:s6+s2], $0x80, v6, vm0, $0xb8;
	[tilespmem:$0x10100] =	vst v63  }
0x47: {  	s30 =	simm.s32 $0x5100;
	v5 =	vadd.s32 v2, v5  }
0x48: {  	[tilespmem:s30], [sflag:$0x1] =	stream.indirect_vreg.gather [hbm4b:s7+s2], $0x80, v6, vm0, $0xb8;
	[tilespmem:$0x10100] =	vst v63  }
0x49: {  	s31 =	simm.s32 $0x5900  }
0x4a: {  	[tilespmem:s31], [sflag:$0x1] =	stream.indirect_vreg.gather [hbm4b:s8+s2], $0x80, v6, vm0, $0xb8;
	[tilespmem:$0x10100] =	vst v63  }
0x4b: {  	s26 =	simm.s32 $0x6100  }
0x4c: {  	[tilespmem:s26], [sflag:$0x1] =	stream.indirect_vreg.gather [hbm4b:s3+s2], $0x80, v5, vm0, $0xb8;
	[tilespmem:$0x10100] =	vst v63  }
0x4d: {  	s28 =	simm.s32 $0x6900  }
0x4e: {  	[tilespmem:s28], [sflag:$0x1] =	stream.indirect_vreg.gather [hbm4b:s6+s2], $0x80, v5, vm0, $0xb8;
	[tilespmem:$0x10100] =	vst v63  }
0x4f: {  	s29 =	simm.s32 $0x7100  }
0x50: {  	[tilespmem:s29], [sflag:$0x1] =	stream.indirect_vreg.gather [hbm4b:s7+s2], $0x80, v5, vm0, $0xb8;
	[tilespmem:$0x10100] =	vst v63  }
0x51: {  	s30 =	simm.s32 $0x7900  }
0x52: {  	[tilespmem:s30], [sflag:$0x1] =	stream.indirect_vreg.gather [hbm4b:s8+s2], $0x80, v5, vm0, $0xb8;
	[tilespmem:$0x10100] =	vst v63  }
0x53: {  	v5 =	vld [tilespmem:$0xA0];
	_ =	sdelay $0x4  }
0x54: {  	v6 =	vshll.u32 v5, $0x3  }
0x55: {  	v5 =	vand.u32 $0x7, v5;
	v6 =	vand.u32 $0xFFFFFFC0, v6  }
0x56: {  	v5 =	vor.u32 v5, v6  }
0x57: {  	v6 =	vperm.xlane v5, v1;
	_ =	sdelay $0x1  }
0x58: {  	v6 =	vadd.s32 v2, v6;
	_ =	sdelay $0x4  }
0x59: {  	[tilespmem:s0], [sflag:$0x1] =	stream.indirect_vreg.gather [hbm4b:s3+s2], $0x80, v6, vm0, $0xb8;
	[tilespmem:$0x10100] =	vst v63  }
0x5a: {  	v5 =	vperm.xlane v5, v3  }
0x5b: {  	[tilespmem:s1], [sflag:$0x1] =	stream.indirect_vreg.gather [hbm4b:s6+s2], $0x80, v6, vm0, $0xb8;
	[tilespmem:$0x10100] =	vst v63  }
0x5c: {  	v5 =	vadd.s32 v2, v5  }
0x5d: {  	[tilespmem:s4], [sflag:$0x1] =	stream.indirect_vreg.gather [hbm4b:s7+s2], $0x80, v6, vm0, $0xb8;
	[tilespmem:$0x10100] =	vst v63  }
0x5e: {  	_ = 	snop  }
0x5f: {  	[tilespmem:s5], [sflag:$0x1] =	stream.indirect_vreg.gather [hbm4b:s8+s2], $0x80, v6, vm0, $0xb8;
	[tilespmem:$0x10100] =	vst v63  }
0x60: {  	_ = 	snop  }
0x61: {  	[tilespmem:s9], [sflag:$0x1] =	stream.indirect_vreg.gather [hbm4b:s3+s2], $0x80, v5, vm0, $0xb8;
	[tilespmem:$0x10100] =	vst v63  }
0x62: {  	_ = 	snop  }
0x63: {  	[tilespmem:s14], [sflag:$0x1] =	stream.indirect_vreg.gather [hbm4b:s6+s2], $0x80, v5, vm0, $0xb8;
	[tilespmem:$0x10100] =	vst v63  }
0x64: {  	_ = 	snop  }
0x65: {  	[tilespmem:s10], [sflag:$0x1] =	stream.indirect_vreg.gather [hbm4b:s7+s2], $0x80, v5, vm0, $0xb8;
	[tilespmem:$0x10100] =	vst v63  }
0x66: {  	_ = 	snop  }
0x67: {  	[tilespmem:s16], [sflag:$0x1] =	stream.indirect_vreg.gather [hbm4b:s8+s2], $0x80, v5, vm0, $0xb8;
	[tilespmem:$0x10100] =	vst v63  }
0x68: {  	v5 =	vld [tilespmem:$0xB0];
	_ =	sdelay $0x4  }
0x69: {  	v6 =	vshll.u32 v5, $0x3  }
0x6a: {  	v5 =	vand.u32 $0x7, v5;
	v6 =	vand.u32 $0xFFFFFFC0, v6  }
0x6b: {  	v5 =	vor.u32 v5, v6  }
0x6c: {  	v6 =	vperm.xlane v5, v1;
	_ =	sdelay $0x1  }
0x6d: {  	v6 =	vadd.s32 v2, v6;
	_ =	sdelay $0x4  }
0x6e: {  	[tilespmem:s11], [sflag:$0x1] =	stream.indirect_vreg.gather [hbm4b:s3+s2], $0x80, v6, vm0, $0xb8;
	[tilespmem:$0x10100] =	vst v63  }
0x6f: {  	v5 =	vperm.xlane v5, v3  }
0x70: {  	[tilespmem:s17], [sflag:$0x1] =	stream.indirect_vreg.gather [hbm4b:s6+s2], $0x80, v6, vm0, $0xb8;
	[tilespmem:$0x10100] =	vst v63  }
0x71: {  	v5 =	vadd.s32 v2, v5  }
0x72: {  	[tilespmem:s12], [sflag:$0x1] =	stream.indirect_vreg.gather [hbm4b:s7+s2], $0x80, v6, vm0, $0xb8;
	[tilespmem:$0x10100] =	vst v63  }
0x73: {  	_ = 	snop  }
0x74: {  	[tilespmem:s18], [sflag:$0x1] =	stream.indirect_vreg.gather [hbm4b:s8+s2], $0x80, v6, vm0, $0xb8;
	[tilespmem:$0x10100] =	vst v63  }
0x75: {  	_ = 	snop  }
0x76: {  	[tilespmem:s19], [sflag:$0x1] =	stream.indirect_vreg.gather [hbm4b:s3+s2], $0x80, v5, vm0, $0xb8;
	[tilespmem:$0x10100] =	vst v63  }
0x77: {  	_ = 	snop  }
0x78: {  	[tilespmem:s20], [sflag:$0x1] =	stream.indirect_vreg.gather [hbm4b:s6+s2], $0x80, v5, vm0, $0xb8;
	[tilespmem:$0x10100] =	vst v63  }
0x79: {  	_ = 	snop  }
0x7a: {  	[tilespmem:s21], [sflag:$0x1] =	stream.indirect_vreg.gather [hbm4b:s7+s2], $0x80, v5, vm0, $0xb8;
	[tilespmem:$0x10100] =	vst v63  }
0x7b: {  	_ = 	snop  }
0x7c: {  	[tilespmem:s22], [sflag:$0x1] =	stream.indirect_vreg.gather [hbm4b:s8+s2], $0x80, v5, vm0, $0xb8;
	[tilespmem:$0x10100] =	vst v63  }
0x7d: {  	_ =	swait.ge [sflag:s23], $0x10000  }
0x7e: {  	[sflag:s23] =	ssyncset.done $0x0  }
0x7f: {  	[sflag:s23] =	ssyncadd.s32 $0xFFFF0000  }
0x80: {  	v5 =	vld [tilespmem:$0x0]  }
0x81: {  	v6 =	vld [tilespmem:$0x10];
	_ =	sdelay $0x1  }
0x82: {  	v7 =	vld [tilespmem:$0x20];
	_ =	sdelay $0x1  }
0x83: {  	v8 =	vld [tilespmem:$0x30]  }
0x84: {  	vm1 =	vlt.s32 v5, v6  }
0x85: {  	v5 =	vsel vm1, v5, v6  }
0x86: {  	vm1 =	vlt.s32 v5, v7  }
0x87: {  	v5 =	vsel vm1, v5, v7  }
0x88: {  	vm1 =	vlt.s32 v5, v8  }
0x89: {  	v5 =	vsel vm1, v5, v8  }
0x8a: {  	v5 =	vxor.u32 $0x80000000, v5  }
0x8b: {  	(xrf0) =	vmin.scan.msk.u32 $0xffff, v5;
	_ =	sdelay $0x5  }
0x8c: {  	v5, _, _ =	vpop (xrf0)  }
0x8d: {  	(v2sf) =	vpush v5, $0xF;
	_ =	sdelay $0xe  }
0x8e: {  	s31 =	spop (v2sf)  }
0x8f: {  	p0 =	sne.s32 s31, $0x80000000  }
.Ltmp2:
0x90: {  	_ = 	snop;
	(pc) =	sbr.rel @!p0 .LBB2_2-.Ltmp2, $2  }
0x91: {  	_ =	sdelay $0x2  }
0x92: {  	s25 =	simm.s32 $0x0  }
.LBB2_7:
0x93: {  	s25 =	simm.s32 $0x0;
	s26 =	rddreg [dreg:$0x5]  }
0x94: {  	[hbm4b:s26+s25] =	stream.linear.scatter [tilespmem:s15], [sflag:$0x2], $0x10000, $0x38;
	[tilespmem:$0x10100] =	vst v63  }
0x95: {  	_ =	swait.ge [sflag:s13], $0x10000  }
0x96: {  	[sflag:s13] =	ssyncset.done $0x0  }
0x97: {  	s28 =	simm.s32 $0x80;
	s31 =	rddreg [dreg:$0x6];
	[sflag:s13] =	ssyncadd.s32 $0xFFFF0000  }
0x98: {  	[tilespmem:s28], [sflag:$0x2] =	stream.linear.gather [hbm4b:s31+s25], $0x40, $0x38;
	[tilespmem:$0x10100] =	vst v63  }
0x99: {  	_ =	swait.ge [sflag:s13], $0x40  }
0x9a: {  	[sflag:s13] =	ssyncset.done $0x0  }
0x9b: {  	[sflag:s13] =	ssyncadd.s32 $0xFFFFFFC0  }
0x9c: {  	v5 =	vld [tilespmem:$0x80];
	_ =	sdelay $0x4  }
0x9d: {  	v6 =	vshll.u32 v5, $0x3  }
0x9e: {  	v5 =	vand.u32 $0x7, v5;
	v6 =	vand.u32 $0xFFFFFFC0, v6  }
0x9f: {  	v5 =	vor.u32 v5, v6  }
0xa0: {  	v6 =	vperm.xlane v5, v1;
	_ =	sdelay $0x1  }
0xa1: {  	v6 =	vadd.s32 v2, v6;
	_ =	sdelay $0x4  }
0xa2: {  	[tilespmem:s15], [sflag:$0x1] =	stream.indirect_vreg.gather [hbm4b:s3+s25], $0x80, v6, vm0, $0xb8;
	[tilespmem:$0x10100] =	vst v63  }
0xa3: {  	s28 =	simm.s32 $0x900;
	v5 =	vperm.xlane v5, v3  }
0xa4: {  	[tilespmem:s28], [sflag:$0x1] =	stream.indirect_vreg.gather [hbm4b:s6+s25], $0x80, v6, vm0, $0xb8;
	[tilespmem:$0x10100] =	vst v63  }
0xa5: {  	s29 =	simm.s32 $0x1100;
	v5 =	vadd.s32 v2, v5  }
0xa6: {  	[tilespmem:s29], [sflag:$0x1] =	stream.indirect_vreg.gather [hbm4b:s7+s25], $0x80, v6, vm0, $0xb8;
	[tilespmem:$0x10100] =	vst v63  }
0xa7: {  	s30 =	simm.s32 $0x1900  }
0xa8: {  	[tilespmem:s30], [sflag:$0x1] =	stream.indirect_vreg.gather [hbm4b:s8+s25], $0x80, v6, vm0, $0xb8;
	[tilespmem:$0x10100] =	vst v63  }
0xa9: {  	s31 =	simm.s32 $0x2100  }
0xaa: {  	[tilespmem:s31], [sflag:$0x1] =	stream.indirect_vreg.gather [hbm4b:s3+s25], $0x80, v5, vm0, $0xb8;
	[tilespmem:$0x10100] =	vst v63  }
0xab: {  	s28 =	simm.s32 $0x2900  }
0xac: {  	[tilespmem:s28], [sflag:$0x1] =	stream.indirect_vreg.gather [hbm4b:s6+s25], $0x80, v5, vm0, $0xb8;
	[tilespmem:$0x10100] =	vst v63  }
0xad: {  	s29 =	simm.s32 $0x3100  }
0xae: {  	[tilespmem:s29], [sflag:$0x1] =	stream.indirect_vreg.gather [hbm4b:s7+s25], $0x80, v5, vm0, $0xb8;
	[tilespmem:$0x10100] =	vst v63  }
0xaf: {  	s30 =	simm.s32 $0x3900  }
0xb0: {  	[tilespmem:s30], [sflag:$0x1] =	stream.indirect_vreg.gather [hbm4b:s8+s25], $0x80, v5, vm0, $0xb8;
	[tilespmem:$0x10100] =	vst v63  }
0xb1: {  	v5 =	vld [tilespmem:$0x90];
	_ =	sdelay $0x4  }
0xb2: {  	v6 =	vshll.u32 v5, $0x3  }
0xb3: {  	v5 =	vand.u32 $0x7, v5;
	v6 =	vand.u32 $0xFFFFFFC0, v6  }
0xb4: {  	v5 =	vor.u32 v5, v6  }
0xb5: {  	v6 =	vperm.xlane v5, v1;
	_ =	sdelay $0x1  }
0xb6: {  	v6 =	vadd.s32 v2, v6;
	_ =	sdelay $0x3  }
0xb7: {  	s31 =	simm.s32 $0x4100  }
0xb8: {  	[tilespmem:s31], [sflag:$0x1] =	stream.indirect_vreg.gather [hbm4b:s3+s25], $0x80, v6, vm0, $0xb8;
	[tilespmem:$0x10100] =	vst v63  }
0xb9: {  	s28 =	simm.s32 $0x4900;
	v5 =	vperm.xlane v5, v3  }
0xba: {  	[tilespmem:s28], [sflag:$0x1] =	stream.indirect_vreg.gather [hbm4b:s6+s25], $0x80, v6, vm0, $0xb8;
	[tilespmem:$0x10100] =	vst v63  }
0xbb: {  	s29 =	simm.s32 $0x5100;
	v5 =	vadd.s32 v2, v5  }
0xbc: {  	[tilespmem:s29], [sflag:$0x1] =	stream.indirect_vreg.gather [hbm4b:s7+s25], $0x80, v6, vm0, $0xb8;
	[tilespmem:$0x10100] =	vst v63  }
0xbd: {  	s30 =	simm.s32 $0x5900  }
0xbe: {  	[tilespmem:s30], [sflag:$0x1] =	stream.indirect_vreg.gather [hbm4b:s8+s25], $0x80, v6, vm0, $0xb8;
	[tilespmem:$0x10100] =	vst v63  }
0xbf: {  	s31 =	simm.s32 $0x6100  }
0xc0: {  	[tilespmem:s31], [sflag:$0x1] =	stream.indirect_vreg.gather [hbm4b:s3+s25], $0x80, v5, vm0, $0xb8;
	[tilespmem:$0x10100] =	vst v63  }
0xc1: {  	s28 =	simm.s32 $0x6900  }
0xc2: {  	[tilespmem:s28], [sflag:$0x1] =	stream.indirect_vreg.gather [hbm4b:s6+s25], $0x80, v5, vm0, $0xb8;
	[tilespmem:$0x10100] =	vst v63  }
0xc3: {  	s29 =	simm.s32 $0x7100  }
0xc4: {  	[tilespmem:s29], [sflag:$0x1] =	stream.indirect_vreg.gather [hbm4b:s7+s25], $0x80, v5, vm0, $0xb8;
	[tilespmem:$0x10100] =	vst v63  }
0xc5: {  	s30 =	simm.s32 $0x7900  }
0xc6: {  	[tilespmem:s30], [sflag:$0x1] =	stream.indirect_vreg.gather [hbm4b:s8+s25], $0x80, v5, vm0, $0xb8;
	[tilespmem:$0x10100] =	vst v63  }
0xc7: {  	v5 =	vld [tilespmem:$0xA0];
	_ =	sdelay $0x4  }
0xc8: {  	v6 =	vshll.u32 v5, $0x3  }
0xc9: {  	v5 =	vand.u32 $0x7, v5;
	v6 =	vand.u32 $0xFFFFFFC0, v6  }
0xca: {  	v5 =	vor.u32 v5, v6  }
0xcb: {  	v6 =	vperm.xlane v5, v1;
	_ =	sdelay $0x1  }
0xcc: {  	v6 =	vadd.s32 v2, v6;
	_ =	sdelay $0x4  }
0xcd: {  	[tilespmem:s0], [sflag:$0x1] =	stream.indirect_vreg.gather [hbm4b:s3+s25], $0x80, v6, vm0, $0xb8;
	[tilespmem:$0x10100] =	vst v63  }
0xce: {  	v5 =	vperm.xlane v5, v3  }
0xcf: {  	[tilespmem:s1], [sflag:$0x1] =	stream.indirect_vreg.gather [hbm4b:s6+s25], $0x80, v6, vm0, $0xb8;
	[tilespmem:$0x10100] =	vst v63  }
0xd0: {  	v5 =	vadd.s32 v2, v5  }
0xd1: {  	[tilespmem:s4], [sflag:$0x1] =	stream.indirect_vreg.gather [hbm4b:s7+s25], $0x80, v6, vm0, $0xb8;
	[tilespmem:$0x10100] =	vst v63  }
0xd2: {  	_ = 	snop  }
0xd3: {  	[tilespmem:s5], [sflag:$0x1] =	stream.indirect_vreg.gather [hbm4b:s8+s25], $0x80, v6, vm0, $0xb8;
	[tilespmem:$0x10100] =	vst v63  }
0xd4: {  	_ = 	snop  }
0xd5: {  	[tilespmem:s9], [sflag:$0x1] =	stream.indirect_vreg.gather [hbm4b:s3+s25], $0x80, v5, vm0, $0xb8;
	[tilespmem:$0x10100] =	vst v63  }
0xd6: {  	_ = 	snop  }
0xd7: {  	[tilespmem:s14], [sflag:$0x1] =	stream.indirect_vreg.gather [hbm4b:s6+s25], $0x80, v5, vm0, $0xb8;
	[tilespmem:$0x10100] =	vst v63  }
0xd8: {  	_ = 	snop  }
0xd9: {  	[tilespmem:s10], [sflag:$0x1] =	stream.indirect_vreg.gather [hbm4b:s7+s25], $0x80, v5, vm0, $0xb8;
	[tilespmem:$0x10100] =	vst v63  }
0xda: {  	_ = 	snop  }
0xdb: {  	[tilespmem:s16], [sflag:$0x1] =	stream.indirect_vreg.gather [hbm4b:s8+s25], $0x80, v5, vm0, $0xb8;
	[tilespmem:$0x10100] =	vst v63  }
0xdc: {  	v5 =	vld [tilespmem:$0xB0];
	_ =	sdelay $0x4  }
0xdd: {  	v6 =	vshll.u32 v5, $0x3  }
0xde: {  	v5 =	vand.u32 $0x7, v5;
	v6 =	vand.u32 $0xFFFFFFC0, v6  }
0xdf: {  	v5 =	vor.u32 v5, v6  }
0xe0: {  	v6 =	vperm.xlane v5, v1;
	_ =	sdelay $0x1  }
0xe1: {  	v6 =	vadd.s32 v2, v6;
	_ =	sdelay $0x4  }
0xe2: {  	[tilespmem:s11], [sflag:$0x1] =	stream.indirect_vreg.gather [hbm4b:s3+s25], $0x80, v6, vm0, $0xb8;
	[tilespmem:$0x10100] =	vst v63  }
0xe3: {  	v5 =	vperm.xlane v5, v3  }
0xe4: {  	[tilespmem:s17], [sflag:$0x1] =	stream.indirect_vreg.gather [hbm4b:s6+s25], $0x80, v6, vm0, $0xb8;
	[tilespmem:$0x10100] =	vst v63  }
0xe5: {  	v5 =	vadd.s32 v2, v5  }
0xe6: {  	[tilespmem:s12], [sflag:$0x1] =	stream.indirect_vreg.gather [hbm4b:s7+s25], $0x80, v6, vm0, $0xb8;
	[tilespmem:$0x10100] =	vst v63  }
0xe7: {  	_ = 	snop  }
0xe8: {  	[tilespmem:s18], [sflag:$0x1] =	stream.indirect_vreg.gather [hbm4b:s8+s25], $0x80, v6, vm0, $0xb8;
	[tilespmem:$0x10100] =	vst v63  }
0xe9: {  	_ = 	snop  }
0xea: {  	[tilespmem:s19], [sflag:$0x1] =	stream.indirect_vreg.gather [hbm4b:s3+s25], $0x80, v5, vm0, $0xb8;
	[tilespmem:$0x10100] =	vst v63  }
0xeb: {  	_ = 	snop  }
0xec: {  	[tilespmem:s20], [sflag:$0x1] =	stream.indirect_vreg.gather [hbm4b:s6+s25], $0x80, v5, vm0, $0xb8;
	[tilespmem:$0x10100] =	vst v63  }
0xed: {  	_ = 	snop  }
0xee: {  	[tilespmem:s21], [sflag:$0x1] =	stream.indirect_vreg.gather [hbm4b:s7+s25], $0x80, v5, vm0, $0xb8;
	[tilespmem:$0x10100] =	vst v63  }
0xef: {  	_ = 	snop  }
0xf0: {  	[tilespmem:s22], [sflag:$0x1] =	stream.indirect_vreg.gather [hbm4b:s8+s25], $0x80, v5, vm0, $0xb8;
	[tilespmem:$0x10100] =	vst v63  }
0xf1: {  	_ =	swait.ge [sflag:s23], $0x10000  }
0xf2: {  	[sflag:s23] =	ssyncset.done $0x0  }
0xf3: {  	[sflag:s23] =	ssyncadd.s32 $0xFFFF0000  }
0xf4: {  	v5 =	vld [tilespmem:$0x40]  }
0xf5: {  	v6 =	vld [tilespmem:$0x50];
	_ =	sdelay $0x1  }
0xf6: {  	v7 =	vld [tilespmem:$0x60];
	_ =	sdelay $0x1  }
0xf7: {  	v8 =	vld [tilespmem:$0x70]  }
0xf8: {  	vm1 =	vlt.s32 v5, v6  }
0xf9: {  	v5 =	vsel vm1, v5, v6  }
0xfa: {  	vm1 =	vlt.s32 v5, v7  }
0xfb: {  	v5 =	vsel vm1, v5, v7  }
0xfc: {  	vm1 =	vlt.s32 v5, v8  }
0xfd: {  	v5 =	vsel vm1, v5, v8  }
0xfe: {  	v5 =	vxor.u32 $0x80000000, v5  }
0xff: {  	(xrf0) =	vmin.scan.msk.u32 $0xffff, v5;
	_ =	sdelay $0x5  }
0x100: {  	v5, _, _ =	vpop (xrf0)  }
0x101: {  	(v2sf) =	vpush v5, $0xF;
	_ =	sdelay $0xe  }
0x102: {  	s31 =	spop (v2sf)  }
0x103: {  	p0 =	sne.s32 s31, $0x80000000  }
.Ltmp3:
0x104: {  	_ = 	snop;
	(pc) =	sbr.rel @p0 .LBB2_13-.Ltmp3, $4  }
.Ltmp4:
0x105: {  	_ = 	snop;
	(pc) =	sbr.rel @!p0 .LBB2_8-.Ltmp4, $4  }
0x106: {  	_ = 	snop  }
0x107: {  	_ = 	snop  }
0x108: {  	_ = 	snop  }
0x109: {  	_ = 	snop  }
.LBB2_6:
0x10a: {  	s25 =	sadd.s32 $0x1, s25  }
0x10b: {  	p0 =	sne.s32 s25, $0x40  }
.Ltmp5:
0x10c: {  	_ = 	snop;
	(pc) =	sbr.rel @!p0 .LBB2_7-.Ltmp5, $1  }
0x10d: {  	_ =	sdelay $0x3  }
.LBB2_2:
0x10e: {  	s26 =	sand.u32 $0x30, s25  }
0x10f: {  	v5 =	vld [tilespmem:s26+$0x0];
	_ =	sdelay $0x2  }
0x110: {  	s30 =	sand.u32 $0xF, s25  }
0x111: {  	v6 =	vmov s30  }
0x112: {  	vm1 =	veq.s32 v6, v0;
	v5 =	vxor.u32 $0x80000000, v5  }
0x113: {  	v5 =	vnsel vm1, $0x80000000, v5  }
0x114: {  	(xrf0) =	vmax.scan.msk.u32 $0xffff, v5;
	_ =	sdelay $0x5  }
0x115: {  	v5, _, _ =	vpop (xrf0)  }
0x116: {  	(v2sf) =	vpush v5, $0xF;
	_ =	sdelay $0xe  }
0x117: {  	s31 =	spop (v2sf)  }
0x118: {  	p0 =	sne.s32 s31, $0x80000000  }
.Ltmp6:
0x119: {  	_ = 	snop;
	(pc) =	sbr.rel @p0 .LBB2_6-.Ltmp6, $1  }
0x11a: {  	_ =	sdelay $0x3  }
0x11b: {  	s26 =	sshll.u32 s25, $0xA;
	s28 =	sshll.u32 s25, $0x7  }
0x11c: {  	s26 =	sand.u32 $0xE000, s26;
	s28 =	sand.u32 $0x380, s28  }
0x11d: {  	s28 =	sor.u32 s28, s26;
	s26 =	simm.s32 $0x0  }
0x11e: {  	s28 =	sadd.s32 $0x100, s28;
	s29 =	sand.u32 $0x1C00, s26  }
0x11f: {  	s30 =	sand.u32 $0x70, s26;
	s31 =	sadd.s32 s29, s28  }
0x120: {  	s29 =	simm.s32 $0x10;
	s30 =	sadd.s32 s30, s31  }
.LBB2_4:
0x121: {  	p0 =	sne.s32 s29, $0x3F0  }
0x122: {  	[tilespmem:s30+$0x0] =	vst v4;
	s26 =	sadd.s32 $0x80, s26;
	s30 =	smov.u32 s29;
	s29 =	sadd.s32 $0x10, s29  }
.Ltmp7:
0x123: {  	(pc) =	sbr.rel @p0 .LBB2_4-.Ltmp7, $4  }
0x124: {  	_ = 	snop  }
0x125: {  	s31 =	sand.u32 $0x1C00, s26  }
0x126: {  	s30 =	sand.u32 $0x70, s30;
	s31 =	sadd.s32 s31, s28  }
0x127: {  	s30 =	sadd.s32 s30, s31  }
.Ltmp8:
0x128: {  	(pc) =	sbr.rel .LBB2_6-.Ltmp8, $2  }
0x129: {  	_ =	sdelay $0x2  }
0x12a: {  	[tilespmem:s30+$0x0] =	vst v4  }
.LBB2_12:
0x12b: {  	s25 =	sadd.s32 $0x1, s25  }
0x12c: {  	p0 =	sne.s32 s25, $0x40  }
.Ltmp9:
0x12d: {  	_ = 	snop;
	(pc) =	sbr.rel @!p0 .LBB2_13-.Ltmp9, $1  }
0x12e: {  	_ =	sdelay $0x3  }
.LBB2_8:
0x12f: {  	s26 =	sand.u32 $0x30, s25  }
0x130: {  	v5 =	vld [tilespmem:s26+$0x40];
	_ =	sdelay $0x2  }
0x131: {  	s30 =	sand.u32 $0xF, s25  }
0x132: {  	v6 =	vmov s30  }
0x133: {  	vm1 =	veq.s32 v6, v0;
	v5 =	vxor.u32 $0x80000000, v5  }
0x134: {  	v5 =	vnsel vm1, $0x80000000, v5  }
0x135: {  	(xrf0) =	vmax.scan.msk.u32 $0xffff, v5;
	_ =	sdelay $0x5  }
0x136: {  	v5, _, _ =	vpop (xrf0)  }
0x137: {  	(v2sf) =	vpush v5, $0xF;
	_ =	sdelay $0xe  }
0x138: {  	s31 =	spop (v2sf)  }
0x139: {  	p0 =	sne.s32 s31, $0x80000000  }
.Ltmp10:
0x13a: {  	_ = 	snop;
	(pc) =	sbr.rel @p0 .LBB2_12-.Ltmp10, $1  }
0x13b: {  	_ =	sdelay $0x3  }
0x13c: {  	s26 =	sshll.u32 s25, $0xA;
	s28 =	sshll.u32 s25, $0x7  }
0x13d: {  	s26 =	sand.u32 $0xE000, s26;
	s28 =	sand.u32 $0x380, s28  }
0x13e: {  	s28 =	sor.u32 s28, s26;
	s26 =	simm.s32 $0x0  }
0x13f: {  	s28 =	sadd.s32 $0x100, s28;
	s29 =	sand.u32 $0x1C00, s26  }
0x140: {  	s30 =	sand.u32 $0x70, s26;
	s31 =	sadd.s32 s29, s28  }
0x141: {  	s29 =	simm.s32 $0x10;
	s30 =	sadd.s32 s30, s31  }
.LBB2_10:
0x142: {  	p0 =	sne.s32 s29, $0x3F0  }
0x143: {  	[tilespmem:s30+$0x0] =	vst v4;
	s26 =	sadd.s32 $0x80, s26;
	s30 =	smov.u32 s29;
	s29 =	sadd.s32 $0x10, s29  }
.Ltmp11:
0x144: {  	(pc) =	sbr.rel @p0 .LBB2_10-.Ltmp11, $4  }
0x145: {  	_ = 	snop  }
0x146: {  	s31 =	sand.u32 $0x1C00, s26  }
0x147: {  	s30 =	sand.u32 $0x70, s30;
	s31 =	sadd.s32 s31, s28  }
0x148: {  	s30 =	sadd.s32 s30, s31  }
.Ltmp12:
0x149: {  	(pc) =	sbr.rel .LBB2_12-.Ltmp12, $2  }
0x14a: {  	_ =	sdelay $0x2  }
0x14b: {  	[tilespmem:s30+$0x0] =	vst v4  }
.LBB2_14:
0x14c: {  	_ =	sfence.sel $0x180000  }
0x14d: {  	[bflag:$0x0] =	sbarrier.arrive $0xFFFF  }
0x14e: {  	_ =	strace $0x9000004A  }
0x14f: {  	s0 =	stileid.u32;
	[bflag:$0x2] =	sbarrier.arrive $0xFFFF  }
0x150: {  	p0 =	sne.s32 s0, $0x0;
	s0 =	rddreg [dreg:$0x2]  }
0x151: {  	s0 =	sadd.s32 @!p0 $0x100000, s0  }
0x152: {  	[sflag:s0] =	ssyncadd.tile.s32 @!p0 $0x1;
	_ =	shalt  }
.Lfunc_end2:
_tile_overlayer_lowered:
.L_overlay_start_2:
0x153: {  	(tag) =	ssettag $0x2  }
0x154: {  	s0 =	rddreg [dreg:$0x0];
	s2 =	stileid.u32  }
0x155: {  	s1 =	rddreg [dreg:$0x1];
	p0 =	sne.s32 s2, $0x0  }
0x156: {  	s3 =	rddreg [dreg:$0x2];
	[bflag:$0x3] =	sbarrier.arrive $0xFFFF;
	s2 =	simm.s32 @!p0 $0x1C02  }
0x157: {  	[timem:s3], [sflag:s2] =	dma.local @!p0 [hbm:s0], s1  }
0x158: {  	s0 =	simm.s32 @!p0 $0x2  }
0x159: {  	_ =	swait.ge @!p0 [sflag:s0], s1  }
0x15a: {  	s1 =	ssub.s32 @!p0 $0x0, s1;
	[sflag:s0] =	ssyncset.done @!p0 $0x0  }
0x15b: {  	[sflag:s0] =	ssyncadd.s32 @!p0 s1  }
0x15c: {  	[bflag:$0x3] =	sbarrier.arrive $0xFFFF  }
0x15d: {  	_ =	shalt  }

</sc_bundles>
